<compile_context>
chip_gen: v7x
topology: tpu7x:2x2x1
jax: 0.10.2.dev20260603
libtpu: 0.0.44.dev20260713+nightly
codegen_flags: <defaults>
</compile_context>

<pallas_src>
import functools

import jax
import jax.numpy as jnp
from jax import lax
from jax.experimental import pallas as pl
from jax.experimental.pallas import tpu as pltpu
from jax.experimental.pallas import tpu_sc as plsc

_U = (0.25, 0.5, 1.0, 2.0)
_K = (32, 64, 64, 128)
_N = 8192
_P = 128
_B = 4
_NGRP = _N // 64


def _sc_select_gather(point_cloud, sample_pc):
    mesh = plsc.VectorSubcoreMesh(
        core_axis_name="c", subcore_axis_name="s", num_cores=2,
        num_subcores=16)

    out_type = (
        [jax.ShapeDtypeStruct((_B * 3 * _P * _K[m],), jnp.float32)
         for m in range(4)],
        jax.ShapeDtypeStruct((4 * _B * _P,), jnp.float32),
    )

    scratch = [
        pltpu.VMEM((3 * _N,), jnp.float32),
        pltpu.VMEM((48,), jnp.float32),
        pltpu.VMEM((144,), jnp.int32),
        pltpu.VMEM((144,), jnp.int32),
        pltpu.VMEM((3 * 16 * _K[3],), jnp.float32),
        pltpu.VMEM((16,), jnp.float32),
    ]

    @functools.partial(
        pl.kernel, out_type=out_type, mesh=mesh, scratch_types=scratch,
        compiler_params=pltpu.CompilerParams(needs_layout_passes=False))
    def body(pc_hbm, spc_hbm, g_hbm, fl_hbm, pcv, zql, vbuf,
             ibuf, sbuf, fbuf):
        wid = lax.axis_index("s") * 2 + lax.axis_index("c")
        b = wid // 8
        p0 = (wid % 8) * 16
        iota = lax.iota(jnp.int32, 16)
        lane0 = iota == 0

        pltpu.sync_copy(pc_hbm.at[pl.ds(b * 3 * _N, 3 * _N)], pcv)

        for m in range(4):
            k = _K[m]
            dist = _U[m]
            for c in range(3):
                off = m * (_B * 3 * _P) + c * _P
                pltpu.sync_copy(
                    spc_hbm.at[pl.ds(off + b * 3 * _P + p0, 16)],
                    zql.at[pl.ds(16 * c, 16)])

            def q_body(q, carry, k=k, dist=dist):
                qv = jnp.broadcast_to(q, (16,))
                cx = plsc.load_gather(zql, [qv])
                cy = plsc.load_gather(zql, [qv + 16])
                cz = plsc.load_gather(zql, [qv + 32])

                def cond(st):
                    ci, nv = st
                    return jnp.logical_and(ci < _NGRP, nv < k)

                def scan_body(st):
                    ci, nv = st
                    base = ci * 64
                    poss = []
                    msks = []
                    for u in range(4):
                        zc = pcv[pl.ds(2 * _N + base + u * 16, 16)]
                        msk = jnp.abs(zc - cz) < dist
                        msks.append(msk)
                        poss.append(plsc.cumsum(jnp.where(msk, 1, 0)))
                    off = nv
                    for u in range(4):
                        idxv = iota + (base + u * 16)
                        slot = poss[u] + (off - 1)
                        plsc.store_scatter(
                            vbuf, [slot], idxv,
                            mask=jnp.logical_and(msks[u], slot < k))
                        off = off + lax.squeeze(
                            lax.slice(poss[u], (15,), (16,)), (0,))
                    return (ci + 1, off)

                _, nv = lax.while_loop(cond, scan_body, (0, 0))
                nvc = jnp.minimum(nv, k)

                def fill_cond(st):
                    ci, ni = st
                    return jnp.logical_and(ci < _N // 16, ni < k)

                def fill_body(st):
                    ci, ni = st
                    zc = pcv[pl.ds(2 * _N + ci * 16, 16)]
                    idxv = iota + ci * 16
                    imsk = jnp.abs(zc - cz) >= dist
                    ipos = plsc.cumsum(jnp.where(imsk, 1, 0))
                    islot = ipos + (ni - 1)
                    plsc.store_scatter(
                        ibuf, [islot], idxv,
                        mask=jnp.logical_and(imsk, islot < k))
                    icnt = lax.squeeze(lax.slice(ipos, (15,), (16,)), (0,))
                    return (ci + 1, ni + icnt)

                @pl.when(nv < k)
                def _do_fill():
                    lax.while_loop(fill_cond, fill_body, (0, 0))

                for j in range(k // 16):
                    sidx = iota + j * 16
                    vvals = vbuf[pl.ds(j * 16, 16)]
                    ivals = plsc.load_gather(
                        ibuf, [jnp.maximum(sidx - nvc, 0)])
                    sel = jnp.where(sidx < nvc, vvals, ivals)
                    base = q * k + j * 16
                    sbuf[pl.ds(base, 16)] = \
                        plsc.load_gather(pcv, [sel]) - cx
                    sbuf[pl.ds(16 * k + base, 16)] = \
                        plsc.load_gather(pcv, [sel + _N]) - cy
                    sbuf[pl.ds(32 * k + base, 16)] = \
                        plsc.load_gather(pcv, [sel + 2 * _N]) - cz

                flag = jnp.where(nv > 0, 1.0, 0.0)
                plsc.store_scatter(
                    fbuf, [qv], jnp.broadcast_to(flag, (16,)), mask=lane0)
                return carry

            lax.fori_loop(0, 16, q_body, 0)
            for c in range(3):
                off = ((b * 3 + c) * _P + p0) * k
                pltpu.sync_copy(sbuf.at[pl.ds(c * 16 * k, 16 * k)],
                                g_hbm[m].at[pl.ds(off, 16 * k)])
            pltpu.sync_copy(
                fbuf, fl_hbm.at[pl.ds(m * _B * _P + b * _P + p0, 16)])

    return body(point_cloud.reshape(-1), sample_pc.reshape(-1))


_TCOLS = (4096, 4096, 4096, 4096)


def _mlp_pool_all(xs, flags, all_layers):
    c_outs = [layers[-1][0].shape[1] for layers in all_layers]

    def body(*refs):
        x_refs = refs[:4]
        flag_ref = refs[4]
        wrefs = refs[5:-4]
        out_refs = refs[-4:]
        wi = 0
        for m in range(4):
            k = _K[m]
            tcols = _TCOLS[m]
            ntile = _P * k // tcols
            pt = tcols // k
            nw = len(all_layers[m])
            for j in range(ntile):
                X = x_refs[m][0, :, j * tcols:(j + 1) * tcols]
                F = None
                for t in range(nw):
                    Wt = wrefs[wi + 2 * t][...]
                    bb = wrefs[wi + 2 * t + 1][...]
                    if t == 0:
                        F = jax.lax.dot_general(
                            X, Wt, (((0,), (0,)), ((), ())),
                            preferred_element_type=jnp.float32,
                            precision=jax.lax.Precision.DEFAULT)
                    else:
                        F = jax.lax.dot_general(
                            F, Wt, (((1,), (0,)), ((), ())),
                            preferred_element_type=jnp.float32,
                            precision=jax.lax.Precision.DEFAULT)
                    F = jnp.maximum(F + bb, 0.0)
                c_out = c_outs[m]
                Fp = jnp.max(F.reshape(pt, k, c_out), axis=1)
                fl = flag_ref[m, 0, j * pt:(j + 1) * pt, :]
                out_refs[m][0, j * pt:(j + 1) * pt, :] = Fp * fl
            wi += 2 * nw

    in_specs = [pl.BlockSpec((1, 3, _P * _K[m]), lambda b: (b, 0, 0))
                for m in range(4)]
    in_specs.append(pl.BlockSpec((4, 1, _P, 1), lambda b: (0, b, 0, 0)))
    flat = []
    for layers in all_layers:
        for (Wt, bias) in layers:
            in_specs.append(pl.BlockSpec(Wt.shape, lambda b: (0, 0)))
            in_specs.append(pl.BlockSpec(bias.shape, lambda b: (0, 0)))
            flat.extend([Wt, bias])

    return pl.pallas_call(
        body,
        grid=(_B,),
        in_specs=in_specs,
        out_specs=[pl.BlockSpec((1, _P, c), lambda b: (b, 0, 0))
                   for c in c_outs],
        out_shape=[jax.ShapeDtypeStruct((_B, _P, c), jnp.float32)
                   for c in c_outs],
    )(*xs, flags, *flat)


def kernel(point_cloud, sample_pc, pn1_W1, pn1_b1, pn1_W2, pn1_b2, pn1_W3, pn1_b3, pn2_W1, pn2_b1, pn2_W2, pn2_b2, pn2_W3, pn2_b3, pn3_W1, pn3_b1, pn3_W2, pn3_b2, pn3_W3, pn3_b3, pn4_W1, pn4_b1, pn4_W2, pn4_b2, pn4_W3, pn4_b3, xconv1_W, xconv1_b, xconv2_W, xconv2_b, xconv3_W, xconv3_b):
    Ws = [
        [(pn1_W1, pn1_b1), (pn1_W2, pn1_b2), (pn1_W3, pn1_b3), (xconv1_W, xconv1_b)],
        [(pn2_W1, pn2_b1), (pn2_W2, pn2_b2), (pn2_W3, pn2_b3), (xconv2_W, xconv2_b)],
        [(pn3_W1, pn3_b1), (pn3_W2, pn3_b2), (pn3_W3, pn3_b3), (xconv3_W, xconv3_b)],
        [(pn4_W1, pn4_b1), (pn4_W2, pn4_b2), (pn4_W3, pn4_b3)],
    ]
    g, flags = _sc_select_gather(point_cloud, sample_pc)
    all_layers = [[(W.T, b.reshape(1, -1)) for (W, b) in Ws[m]]
                  for m in range(4)]
    xs = [g[m].reshape(_B, 3, _P * _K[m]) for m in range(4)]
    outs = _mlp_pool_all(xs, flags.reshape(4, _B, _P, 1), all_layers)
    return tuple(jnp.swapaxes(o, 1, 2) for o in outs)

# --- scband reference (transcript-rebuilt; emitter-appended) ---
"""Pipeline reference for scband-point-net-feat-18889266168254 (READ-ONLY COPY).

The authoritative reference and input builder live on the scoring server;
editing this copy changes nothing except your own understanding.
"""

import jax, jax.numpy as jnp
import numpy as np

U = [0.25, 0.5, 1.0, 2.0]
NSAMPLE = [32, 64, 64, 128]
MLPS = [[64, 64, 128], [64, 64, 128], [128, 128, 256], [256, 256, 512]]
XCONV_C = [128, 128, 256]


def _kaiming(key, out_c, in_c):
    return jax.random.normal(key, (out_c, in_c), jnp.float32) * np.sqrt(2.0 / in_c)


def setup_inputs(seed: int = 0) -> dict:
    key = jax.random.key(seed)
    ks = jax.random.split(key, 64)
    inp = {}
    inp["point_cloud"] = jax.random.normal(ks[0], (4, 3, 8192), jnp.float32)
    inp["sample_pc"] = jax.random.normal(ks[1], (4, 4, 3, 128), jnp.float32)
    ki = 2
    for i, mlp in enumerate(MLPS):
        in_c = 3
        for j, out_c in enumerate(mlp):
            inp[f"pn{i+1}_W{j+1}"] = _kaiming(ks[ki], out_c, in_c); ki += 1
            inp[f"pn{i+1}_b{j+1}"] = jnp.zeros((out_c,), jnp.float32)
            in_c = out_c
    for i, c in enumerate(XCONV_C):
        inp[f"xconv{i+1}_W"] = _kaiming(ks[ki], c, c); ki += 1
        inp[f"xconv{i+1}_b"] = jnp.zeros((c,), jnp.float32)
    return inp


def _query_depth_point(pc, new_pc, dist, k):
    # QueryDepthPoint: select up to k points whose depth (z coord) lies within
    # `dist` of each query center's depth (F-ConvNet semantics).
    N = pc.shape[2]
    z = pc[:, 2, :]                      # [B, N]
    zq = new_pc[:, 2, :]                 # [B, P]
    mask = jnp.abs(zq[:, :, None] - z[:, None, :]) < dist   # [B, P, N]
    num = mask.sum(-1)                   # [B, P]
    ar = jnp.arange(N)
    keys = jnp.where(mask, ar[None, None, :], N + ar[None, None, :])
    order = jnp.argsort(keys, axis=-1)   # valid points first, original order
    indices = order[..., :k]             # [B, P, k]
    return indices, num


def _gather(pc, idx):
    # pc [B, C, N], idx [B, P, k] -> [B, C, P, k]
    return jax.vmap(lambda p, i: p[:, i])(pc, idx)


def _conv(x, W, b):
    # 1x1 Conv2d + BN(identity at init) + ReLU
    return jax.nn.relu(jnp.einsum('bipk,oi->bopk', x, W) + b[None, :, None, None])


def _pointnet_module(pc, new_pc, dist, k, W1, b1, W2, b2, W3, b3):
    idx, num = _query_depth_point(pc, new_pc, dist, k)
    grouped_pc = _gather(pc, idx) - new_pc[:, :, :, None]   # use_xyz, Infea=0
    f = _conv(grouped_pc, W1, b1)
    f = _conv(f, W2, b2)
    f = _conv(f, W3, b3)
    valid = (num > 0)[:, None, :, None].astype(f.dtype)
    return f * valid


def _xconv(f, W, b):
    # XConv with with_X_transformation=False, depth_multiplier=1 ->
    # pointwise channel conv + ReLU (pc argument unused without X-transform)
    return jax.nn.relu(jnp.einsum('bcpk,oc->bopk', f, W) + b[None, :, None, None])


def _forward(point_cloud, sample_pc, p):
    outs = []
    for i in range(4):
        f = _pointnet_module(point_cloud, sample_pc[i], U[i], NSAMPLE[i],
                             p[f"pn{i+1}_W1"], p[f"pn{i+1}_b1"],
                             p[f"pn{i+1}_W2"], p[f"pn{i+1}_b2"],
                             p[f"pn{i+1}_W3"], p[f"pn{i+1}_b3"])
        if i < 3:
            f = _xconv(f, p[f"xconv{i+1}_W"], p[f"xconv{i+1}_b"])
        f = jnp.max(f, axis=-1)
        outs.append(f)
    return tuple(outs)


def reference(point_cloud, sample_pc,
              pn1_W1, pn1_b1, pn1_W2, pn1_b2, pn1_W3, pn1_b3,
              pn2_W1, pn2_b1, pn2_W2, pn2_b2, pn2_W3, pn2_b3,
              pn3_W1, pn3_b1, pn3_W2, pn3_b2, pn3_W3, pn3_b3,
              pn4_W1, pn4_b1, pn4_W2, pn4_b2, pn4_W3, pn4_b3,
              xconv1_W, xconv1_b, xconv2_W, xconv2_b, xconv3_W, xconv3_b):
    p = {
        "pn1_W1": pn1_W1, "pn1_b1": pn1_b1, "pn1_W2": pn1_W2, "pn1_b2": pn1_b2,
        "pn1_W3": pn1_W3, "pn1_b3": pn1_b3,
        "pn2_W1": pn2_W1, "pn2_b1": pn2_b1, "pn2_W2": pn2_W2, "pn2_b2": pn2_b2,
        "pn2_W3": pn2_W3, "pn2_b3": pn2_b3,
        "pn3_W1": pn3_W1, "pn3_b1": pn3_b1, "pn3_W2": pn3_W2, "pn3_b2": pn3_b2,
        "pn3_W3": pn3_W3, "pn3_b3": pn3_b3,
        "pn4_W1": pn4_W1, "pn4_b1": pn4_b1, "pn4_W2": pn4_W2, "pn4_b2": pn4_b2,
        "pn4_W3": pn4_W3, "pn4_b3": pn4_b3,
        "xconv1_W": xconv1_W, "xconv1_b": xconv1_b,
        "xconv2_W": xconv2_W, "xconv2_b": xconv2_b,
        "xconv3_W": xconv3_W, "xconv3_b": xconv3_b,
    }
    return _forward(point_cloud, sample_pc, p)

if __name__ == "__main__":
    import jax
    _d = setup_inputs()
    print(jax.jit(kernel)(*tuple(_d.values())))

</pallas_src>

<mosaic_0001>
#map = affine_map<(d0, d1) -> (0)>
module attributes {stable_mosaic.version = 14 : i64} {
  func.func @body(%arg0: i32, %arg1: i32, %arg2: memref<98304xf32, #tpu.memory_space<hbm>>, %arg3: memref<6144xf32, #tpu.memory_space<hbm>>, %arg4: memref<49152xf32, #tpu.memory_space<hbm>>, %arg5: memref<98304xf32, #tpu.memory_space<hbm>>, %arg6: memref<98304xf32, #tpu.memory_space<hbm>>, %arg7: memref<196608xf32, #tpu.memory_space<hbm>>, %arg8: memref<2048xf32, #tpu.memory_space<hbm>>, %arg9: memref<24576xf32, #tpu.memory_space<vmem>>, %arg10: memref<48xf32, #tpu.memory_space<vmem>>, %arg11: memref<144xi32, #tpu.memory_space<vmem>>, %arg12: memref<144xi32, #tpu.memory_space<vmem>>, %arg13: memref<6144xf32, #tpu.memory_space<vmem>>, %arg14: memref<16xf32, #tpu.memory_space<vmem>>) attributes {dimension_semantics = [#tpu.dimension_semantics<core_parallel>, #tpu.dimension_semantics<subcore_parallel>], iteration_bounds = array<i64: 2, 16>, scalar_prefetch = 0 : i64, scratch_operands = 6 : i64, tpu.core_type = #tpu.core_type<sc_vector_subcore>, window_params = [{transform_indices = #map}, {transform_indices = #map}, {transform_indices = #map}, {transform_indices = #map}, {transform_indices = #map}, {transform_indices = #map}, {transform_indices = #map}]} {
    %mul3A = arith.constant 2 : i32
    %mul3A_0 = arith.muli %arg1, %mul3A : i32
    %add3A = arith.addi %mul3A_0, %arg0 : i32
    %jit3A = arith.constant 8 : i32
    %div3A = arith.divsi %add3A, %jit3A : i32
    %sign3A = arith.constant 0 : i32
    %sign3A_1 = arith.cmpi sgt, %add3A, %sign3A : i32
    %sign3A_2 = arith.extui %sign3A_1 : i1 to i32
    %sign3A_3 = arith.constant 0 : i32
    %sign3A_4 = arith.cmpi slt, %add3A, %sign3A_3 : i32
    %sign3A_5 = arith.extui %sign3A_4 : i1 to i32
    %sign3A_6 = arith.subi %sign3A_2, %sign3A_5 : i32
    %sign3A_7 = arith.constant 0 : i32
    %sign3A_8 = arith.cmpi sgt, %jit3A, %sign3A_7 : i32
    %sign3A_9 = arith.extui %sign3A_8 : i1 to i32
    %sign3A_10 = arith.constant 0 : i32
    %sign3A_11 = arith.cmpi slt, %jit3A, %sign3A_10 : i32
    %sign3A_12 = arith.extui %sign3A_11 : i1 to i32
    %sign3A_13 = arith.subi %sign3A_9, %sign3A_12 : i32
    %ne3A = arith.cmpi ne, %sign3A_6, %sign3A_13 : i32
    %rem3A = arith.remsi %add3A, %jit3A : i32
    %ne3A_14 = arith.constant 0 : i32
    %ne3A_15 = arith.cmpi ne, %rem3A, %ne3A_14 : i32
    %and3A = arith.andi %ne3A, %ne3A_15 : i1
    %sub3A = arith.constant 1 : i32
    %sub3A_16 = arith.subi %div3A, %sub3A : i32
    %select_n3A = arith.select %and3A, %sub3A_16, %div3A : i32
    %jit3A_17 = arith.constant 8 : i32
    %eq3A = arith.constant 0 : i32
    %eq3A_18 = arith.cmpi eq, %jit3A_17, %eq3A : i32
    %jit3A_19 = arith.constant 1 : i32
    %select_n3A_20 = arith.select %eq3A_18, %jit3A_19, %jit3A_17 : i32
    %rem3A_21 = arith.remsi %add3A, %select_n3A_20 : i32
    %ne3A_22 = arith.constant 0 : i32
    %ne3A_23 = arith.cmpi ne, %rem3A_21, %ne3A_22 : i32
    %lt3A = arith.constant 0 : i32
    %lt3A_24 = arith.cmpi slt, %rem3A_21, %lt3A : i32
    %lt3A_25 = arith.constant 0 : i32
    %lt3A_26 = arith.cmpi slt, %select_n3A_20, %lt3A_25 : i32
    %ne3A_27 = arith.xori %lt3A_24, %lt3A_26 : i1
    %and3A_28 = arith.andi %ne3A_27, %ne3A_23 : i1
    %add3A_29 = arith.addi %rem3A_21, %select_n3A_20 : i32
    %select_n3A_30 = arith.select %and3A_28, %add3A_29, %rem3A_21 : i32
    %mul3A_31 = arith.constant 16 : i32
    %mul3A_32 = arith.muli %select_n3A_30, %mul3A_31 : i32
    %iota3A = tpu.iota {dimensions = array<i32: 0>} : vector<16xi32>
    %eq3A_33 = arith.constant 0 : i32
    %eq3A_34 = vector.broadcast %eq3A_33 : i32 to vector<16xi32>
    %eq3A_35 = arith.cmpi eq, %iota3A, %eq3A_34 : vector<16xi32>
    %mul3A_36 = arith.constant 3 : i32
    %mul3A_37 = arith.muli %select_n3A, %mul3A_36 : i32
    %mul3A_38 = arith.constant 8192 : i32
    %mul3A_39 = arith.muli %mul3A_37, %mul3A_38 : i32
    "tpu.region"() ({
      %run_scoped3A = tpu.sem_alloc : memref<!tpu.dma_semaphore, #tpu.memory_space<semaphore_mem>>
      %dma_start3A = tpu.memref_slice %arg2[%mul3A_39] : memref<98304xf32, #tpu.memory_space<hbm>> -> memref<24576xf32, #tpu.memory_space<hbm>>
      %dma_start3A_275 = tpu.memref_slice %arg2[%mul3A_39] : memref<98304xf32, #tpu.memory_space<hbm>> -> memref<24576xf32, #tpu.memory_space<hbm>>
      tpu.enqueue_dma source(%dma_start3A_275 : memref<24576xf32, #tpu.memory_space<hbm>>) target(%arg9 : memref<24576xf32, #tpu.memory_space<vmem>>) target_semaphore(%run_scoped3A : memref<!tpu.dma_semaphore, #tpu.memory_space<semaphore_mem>>)
      %dma_wait3A = tpu.memref_slice %arg2[%mul3A_39] : memref<98304xf32, #tpu.memory_space<hbm>> -> memref<24576xf32, #tpu.memory_space<hbm>>
      %dma_wait3A_276 = tpu.memref_slice %arg2[%mul3A_39] : memref<98304xf32, #tpu.memory_space<hbm>> -> memref<24576xf32, #tpu.memory_space<hbm>>
      tpu.wait_dma2 semaphore(%run_scoped3A : memref<!tpu.dma_semaphore, #tpu.memory_space<semaphore_mem>>) src(%dma_wait3A_276 : memref<24576xf32, #tpu.memory_space<hbm>>) dst(%arg9 : memref<24576xf32, #tpu.memory_space<vmem>>)
      tpu.yield
    }) : () -> ()
    %mul3A_40 = arith.constant 3 : i32
    %mul3A_41 = arith.muli %select_n3A, %mul3A_40 : i32
    %mul3A_42 = arith.constant 128 : i32
    %mul3A_43 = arith.muli %mul3A_41, %mul3A_42 : i32
    %add3A_44 = arith.constant 0 : i32
    %add3A_45 = arith.addi %add3A_44, %mul3A_43 : i32
    %add3A_46 = arith.addi %add3A_45, %mul3A_32 : i32
    "tpu.region"() ({
      %run_scoped3A = tpu.sem_alloc : memref<!tpu.dma_semaphore, #tpu.memory_space<semaphore_mem>>
      %dma_start3A = arith.constant 0 : i32
      %dma_start3A_275 = tpu.memref_slice %arg10[%dma_start3A] : memref<48xf32, #tpu.memory_space<vmem>> -> memref<16xf32, #tpu.memory_space<vmem>>
      %dma_start3A_276 = tpu.memref_slice %arg3[%add3A_46] : memref<6144xf32, #tpu.memory_space<hbm>> -> memref<16xf32, #tpu.memory_space<hbm>>
      %dma_start3A_277 = arith.constant 0 : i32
      %dma_start3A_278 = tpu.memref_slice %arg10[%dma_start3A_277] : memref<48xf32, #tpu.memory_space<vmem>> -> memref<16xf32, #tpu.memory_space<vmem>>
      %dma_start3A_279 = tpu.memref_slice %arg3[%add3A_46] : memref<6144xf32, #tpu.memory_space<hbm>> -> memref<16xf32, #tpu.memory_space<hbm>>
      tpu.enqueue_dma source(%dma_start3A_279 : memref<16xf32, #tpu.memory_space<hbm>>) target(%dma_start3A_278 : memref<16xf32, #tpu.memory_space<vmem>>) target_semaphore(%run_scoped3A : memref<!tpu.dma_semaphore, #tpu.memory_space<semaphore_mem>>)
      %dma_wait3A = arith.constant 0 : i32
      %dma_wait3A_280 = tpu.memref_slice %arg10[%dma_wait3A] : memref<48xf32, #tpu.memory_space<vmem>> -> memref<16xf32, #tpu.memory_space<vmem>>
      %dma_wait3A_281 = tpu.memref_slice %arg3[%add3A_46] : memref<6144xf32, #tpu.memory_space<hbm>> -> memref<16xf32, #tpu.memory_space<hbm>>
      %dma_wait3A_282 = arith.constant 0 : i32
      %dma_wait3A_283 = tpu.memref_slice %arg10[%dma_wait3A_282] : memref<48xf32, #tpu.memory_space<vmem>> -> memref<16xf32, #tpu.memory_space<vmem>>
      %dma_wait3A_284 = tpu.memref_slice %arg3[%add3A_46] : memref<6144xf32, #tpu.memory_space<hbm>> -> memref<16xf32, #tpu.memory_space<hbm>>
      tpu.wait_dma2 semaphore(%run_scoped3A : memref<!tpu.dma_semaphore, #tpu.memory_space<semaphore_mem>>) src(%dma_wait3A_284 : memref<16xf32, #tpu.memory_space<hbm>>) dst(%dma_wait3A_283 : memref<16xf32, #tpu.memory_space<vmem>>)
      tpu.yield
    }) : () -> ()
    %mul3A_47 = arith.constant 3 : i32
    %mul3A_48 = arith.muli %select_n3A, %mul3A_47 : i32
    %mul3A_49 = arith.constant 128 : i32
    %mul3A_50 = arith.muli %mul3A_48, %mul3A_49 : i32
    %add3A_51 = arith.constant 128 : i32
    %add3A_52 = arith.addi %add3A_51, %mul3A_50 : i32
    %add3A_53 = arith.addi %add3A_52, %mul3A_32 : i32
    "tpu.region"() ({
      %run_scoped3A = tpu.sem_alloc : memref<!tpu.dma_semaphore, #tpu.memory_space<semaphore_mem>>
      %dma_start3A = arith.constant 16 : i32
      %dma_start3A_275 = tpu.memref_slice %arg10[%dma_start3A] : memref<48xf32, #tpu.memory_space<vmem>> -> memref<16xf32, #tpu.memory_space<vmem>>
      %dma_start3A_276 = tpu.memref_slice %arg3[%add3A_53] : memref<6144xf32, #tpu.memory_space<hbm>> -> memref<16xf32, #tpu.memory_space<hbm>>
      %dma_start3A_277 = arith.constant 16 : i32
      %dma_start3A_278 = tpu.memref_slice %arg10[%dma_start3A_277] : memref<48xf32, #tpu.memory_space<vmem>> -> memref<16xf32, #tpu.memory_space<vmem>>
      %dma_start3A_279 = tpu.memref_slice %arg3[%add3A_53] : memref<6144xf32, #tpu.memory_space<hbm>> -> memref<16xf32, #tpu.memory_space<hbm>>
      tpu.enqueue_dma source(%dma_start3A_279 : memref<16xf32, #tpu.memory_space<hbm>>) target(%dma_start3A_278 : memref<16xf32, #tpu.memory_space<vmem>>) target_semaphore(%run_scoped3A : memref<!tpu.dma_semaphore, #tpu.memory_space<semaphore_mem>>)
      %dma_wait3A = arith.constant 16 : i32
      %dma_wait3A_280 = tpu.memref_slice %arg10[%dma_wait3A] : memref<48xf32, #tpu.memory_space<vmem>> -> memref<16xf32, #tpu.memory_space<vmem>>
      %dma_wait3A_281 = tpu.memref_slice %arg3[%add3A_53] : memref<6144xf32, #tpu.memory_space<hbm>> -> memref<16xf32, #tpu.memory_space<hbm>>
      %dma_wait3A_282 = arith.constant 16 : i32
      %dma_wait3A_283 = tpu.memref_slice %arg10[%dma_wait3A_282] : memref<48xf32, #tpu.memory_space<vmem>> -> memref<16xf32, #tpu.memory_space<vmem>>
      %dma_wait3A_284 = tpu.memref_slice %arg3[%add3A_53] : memref<6144xf32, #tpu.memory_space<hbm>> -> memref<16xf32, #tpu.memory_space<hbm>>
      tpu.wait_dma2 semaphore(%run_scoped3A : memref<!tpu.dma_semaphore, #tpu.memory_space<semaphore_mem>>) src(%dma_wait3A_284 : memref<16xf32, #tpu.memory_space<hbm>>) dst(%dma_wait3A_283 : memref<16xf32, #tpu.memory_space<vmem>>)
      tpu.yield
    }) : () -> ()
    %mul3A_54 = arith.constant 3 : i32
    %mul3A_55 = arith.muli %select_n3A, %mul3A_54 : i32
    %mul3A_56 = arith.constant 128 : i32
    %mul3A_57 = arith.muli %mul3A_55, %mul3A_56 : i32
    %add3A_58 = arith.constant 256 : i32
    %add3A_59 = arith.addi %add3A_58, %mul3A_57 : i32
    %add3A_60 = arith.addi %add3A_59, %mul3A_32 : i32
    "tpu.region"() ({
      %run_scoped3A = tpu.sem_alloc : memref<!tpu.dma_semaphore, #tpu.memory_space<semaphore_mem>>
      %dma_start3A = arith.constant 32 : i32
      %dma_start3A_275 = tpu.memref_slice %arg10[%dma_start3A] : memref<48xf32, #tpu.memory_space<vmem>> -> memref<16xf32, #tpu.memory_space<vmem>>
      %dma_start3A_276 = tpu.memref_slice %arg3[%add3A_60] : memref<6144xf32, #tpu.memory_space<hbm>> -> memref<16xf32, #tpu.memory_space<hbm>>
      %dma_start3A_277 = arith.constant 32 : i32
      %dma_start3A_278 = tpu.memref_slice %arg10[%dma_start3A_277] : memref<48xf32, #tpu.memory_space<vmem>> -> memref<16xf32, #tpu.memory_space<vmem>>
      %dma_start3A_279 = tpu.memref_slice %arg3[%add3A_60] : memref<6144xf32, #tpu.memory_space<hbm>> -> memref<16xf32, #tpu.memory_space<hbm>>
      tpu.enqueue_dma source(%dma_start3A_279 : memref<16xf32, #tpu.memory_space<hbm>>) target(%dma_start3A_278 : memref<16xf32, #tpu.memory_space<vmem>>) target_semaphore(%run_scoped3A : memref<!tpu.dma_semaphore, #tpu.memory_space<semaphore_mem>>)
      %dma_wait3A = arith.constant 32 : i32
      %dma_wait3A_280 = tpu.memref_slice %arg10[%dma_wait3A] : memref<48xf32, #tpu.memory_space<vmem>> -> memref<16xf32, #tpu.memory_space<vmem>>
      %dma_wait3A_281 = tpu.memref_slice %arg3[%add3A_60] : memref<6144xf32, #tpu.memory_space<hbm>> -> memref<16xf32, #tpu.memory_space<hbm>>
      %dma_wait3A_282 = arith.constant 32 : i32
      %dma_wait3A_283 = tpu.memref_slice %arg10[%dma_wait3A_282] : memref<48xf32, #tpu.memory_space<vmem>> -> memref<16xf32, #tpu.memory_space<vmem>>
      %dma_wait3A_284 = tpu.memref_slice %arg3[%add3A_60] : memref<6144xf32, #tpu.memory_space<hbm>> -> memref<16xf32, #tpu.memory_space<hbm>>
      tpu.wait_dma2 semaphore(%run_scoped3A : memref<!tpu.dma_semaphore, #tpu.memory_space<semaphore_mem>>) src(%dma_wait3A_284 : memref<16xf32, #tpu.memory_space<hbm>>) dst(%dma_wait3A_283 : memref<16xf32, #tpu.memory_space<vmem>>)
      tpu.yield
    }) : () -> ()
    %scan3A = arith.constant 0 : i32
    %scan3A_61 = arith.constant 0 : i32
    %scan3A_62 = arith.constant 16 : i32
    %scan3A_63 = arith.addi %scan3A_61, %scan3A_62 : i32
    %scan3A_64 = arith.constant 1 : i32
    scf.for %scan3A_275 = %scan3A_61 to %scan3A_63 step %scan3A_64  : i32 {
      %broadcast_in_dim3A = vector.broadcast %scan3A_275 : i32 to vector<16xi32>
      %gather3A = tpu.vector_load_idx %arg10[%broadcast_in_dim3A] : memref<48xf32, #tpu.memory_space<vmem>>[vector<16xi32>], vector<16xf32>,
      %add3A_276 = arith.constant 16 : i32
      %add3A_277 = vector.broadcast %add3A_276 : i32 to vector<16xi32>
      %add3A_278 = arith.addi %broadcast_in_dim3A, %add3A_277 : vector<16xi32>
      %gather3A_279 = tpu.vector_load_idx %arg10[%add3A_278] : memref<48xf32, #tpu.memory_space<vmem>>[vector<16xi32>], vector<16xf32>,
      %add3A_280 = arith.constant 32 : i32
      %add3A_281 = vector.broadcast %add3A_280 : i32 to vector<16xi32>
      %add3A_282 = arith.addi %broadcast_in_dim3A, %add3A_281 : vector<16xi32>
      %gather3A_283 = tpu.vector_load_idx %arg10[%add3A_282] : memref<48xf32, #tpu.memory_space<vmem>>[vector<16xi32>], vector<16xf32>,
      %while3A = arith.constant 0 : i32
      %while3A_284 = arith.constant 0 : i32
      %while3A_285:2 = scf.while (%while3A_372 = %while3A, %while3A_373 = %while3A_284) : (i32, i32) -> (i32, i32) {
        %lt3A_374 = arith.constant 128 : i32
        %lt3A_375 = arith.cmpi slt, %while3A_372, %lt3A_374 : i32
        %lt3A_376 = arith.constant 32 : i32
        %lt3A_377 = arith.cmpi slt, %while3A_373, %lt3A_376 : i32
        %and3A_378 = arith.andi %lt3A_375, %lt3A_377 : i1
        scf.condition(%and3A_378) %while3A_372, %while3A_373 : i32, i32
      } do {
      ^bb0(%while3A_372: i32, %while3A_373: i32):
        %mul3A_374 = arith.constant 64 : i32
        %mul3A_375 = arith.muli %while3A_372, %mul3A_374 : i32
        %add3A_376 = arith.constant 16384 : i32
        %add3A_377 = arith.addi %add3A_376, %mul3A_375 : i32
        %add3A_378 = arith.constant 0 : i32
        %add3A_379 = arith.addi %add3A_377, %add3A_378 : i32
        %get3A_380 = arith.index_cast %add3A_379 : i32 to index
        %get3A_381 = tpu.vector_load %arg9[%get3A_380] {strides = array<i32>} : memref<24576xf32, #tpu.memory_space<vmem>>, vector<16xf32>,
        %sub3A_382 = arith.subf %get3A_381, %gather3A_283 : vector<16xf32>
        %abs3A = math.absf %sub3A_382 : vector<16xf32>
        %lt3A_383 = arith.constant 2.500000e-01 : f32
        %lt3A_384 = vector.broadcast %lt3A_383 : f32 to vector<16xf32>
        %lt3A_385 = arith.cmpf olt, %abs3A, %lt3A_384 : vector<16xf32>
        %jit3A_386 = arith.constant 1 : i32
        %jit3A_387 = arith.constant 0 : i32
        %broadcast_in_dim3A_388 = vector.broadcast %jit3A_386 : i32 to vector<16xi32>
        %broadcast_in_dim3A_389 = vector.broadcast %jit3A_387 : i32 to vector<16xi32>
        %select_n3A_390 = arith.select %lt3A_385, %broadcast_in_dim3A_388, %broadcast_in_dim3A_389 : vector<16xi1>, vector<16xi32>
        %broadcast_in_dim3A_391 = arith.constant true
        %broadcast_in_dim3A_392 = vector.broadcast %broadcast_in_dim3A_391 : i1 to vector<16xi1>
        %masked_cumsum3A = tpu.scan <sum>, %select_n3A_390 masked %broadcast_in_dim3A_392 : vector<16xi32>, vector<16xi1> -> vector<16xi32>
        %add3A_393 = arith.constant 16384 : i32
        %add3A_394 = arith.addi %add3A_393, %mul3A_375 : i32
        %add3A_395 = arith.constant 16 : i32
        %add3A_396 = arith.addi %add3A_394, %add3A_395 : i32
        %get3A_397 = arith.index_cast %add3A_396 : i32 to index
        %get3A_398 = tpu.vector_load %arg9[%get3A_397] {strides = array<i32>} : memref<24576xf32, #tpu.memory_space<vmem>>, vector<16xf32>,
        %sub3A_399 = arith.subf %get3A_398, %gather3A_283 : vector<16xf32>
        %abs3A_400 = math.absf %sub3A_399 : vector<16xf32>
        %lt3A_401 = arith.constant 2.500000e-01 : f32
        %lt3A_402 = vector.broadcast %lt3A_401 : f32 to vector<16xf32>
        %lt3A_403 = arith.cmpf olt, %abs3A_400, %lt3A_402 : vector<16xf32>
        %jit3A_404 = arith.constant 1 : i32
        %jit3A_405 = arith.constant 0 : i32
        %broadcast_in_dim3A_406 = vector.broadcast %jit3A_404 : i32 to vector<16xi32>
        %broadcast_in_dim3A_407 = vector.broadcast %jit3A_405 : i32 to vector<16xi32>
        %select_n3A_408 = arith.select %lt3A_403, %broadcast_in_dim3A_406, %broadcast_in_dim3A_407 : vector<16xi1>, vector<16xi32>
        %broadcast_in_dim3A_409 = arith.constant true
        %broadcast_in_dim3A_410 = vector.broadcast %broadcast_in_dim3A_409 : i1 to vector<16xi1>
        %masked_cumsum3A_411 = tpu.scan <sum>, %select_n3A_408 masked %broadcast_in_dim3A_410 : vector<16xi32>, vector<16xi1> -> vector<16xi32>
        %add3A_412 = arith.constant 16384 : i32
        %add3A_413 = arith.addi %add3A_412, %mul3A_375 : i32
        %add3A_414 = arith.constant 32 : i32
        %add3A_415 = arith.addi %add3A_413, %add3A_414 : i32
        %get3A_416 = arith.index_cast %add3A_415 : i32 to index
        %get3A_417 = tpu.vector_load %arg9[%get3A_416] {strides = array<i32>} : memref<24576xf32, #tpu.memory_space<vmem>>, vector<16xf32>,
        %sub3A_418 = arith.subf %get3A_417, %gather3A_283 : vector<16xf32>
        %abs3A_419 = math.absf %sub3A_418 : vector<16xf32>
        %lt3A_420 = arith.constant 2.500000e-01 : f32
        %lt3A_421 = vector.broadcast %lt3A_420 : f32 to vector<16xf32>
        %lt3A_422 = arith.cmpf olt, %abs3A_419, %lt3A_421 : vector<16xf32>
        %jit3A_423 = arith.constant 1 : i32
        %jit3A_424 = arith.constant 0 : i32
        %broadcast_in_dim3A_425 = vector.broadcast %jit3A_423 : i32 to vector<16xi32>
        %broadcast_in_dim3A_426 = vector.broadcast %jit3A_424 : i32 to vector<16xi32>
        %select_n3A_427 = arith.select %lt3A_422, %broadcast_in_dim3A_425, %broadcast_in_dim3A_426 : vector<16xi1>, vector<16xi32>
        %broadcast_in_dim3A_428 = arith.constant true
        %broadcast_in_dim3A_429 = vector.broadcast %broadcast_in_dim3A_428 : i1 to vector<16xi1>
        %masked_cumsum3A_430 = tpu.scan <sum>, %select_n3A_427 masked %broadcast_in_dim3A_429 : vector<16xi32>, vector<16xi1> -> vector<16xi32>
        %add3A_431 = arith.constant 16384 : i32
        %add3A_432 = arith.addi %add3A_431, %mul3A_375 : i32
        %add3A_433 = arith.constant 48 : i32
        %add3A_434 = arith.addi %add3A_432, %add3A_433 : i32
        %get3A_435 = arith.index_cast %add3A_434 : i32 to index
        %get3A_436 = tpu.vector_load %arg9[%get3A_435] {strides = array<i32>} : memref<24576xf32, #tpu.memory_space<vmem>>, vector<16xf32>,
        %sub3A_437 = arith.subf %get3A_436, %gather3A_283 : vector<16xf32>
        %abs3A_438 = math.absf %sub3A_437 : vector<16xf32>
        %lt3A_439 = arith.constant 2.500000e-01 : f32
        %lt3A_440 = vector.broadcast %lt3A_439 : f32 to vector<16xf32>
        %lt3A_441 = arith.cmpf olt, %abs3A_438, %lt3A_440 : vector<16xf32>
        %jit3A_442 = arith.constant 1 : i32
        %jit3A_443 = arith.constant 0 : i32
        %broadcast_in_dim3A_444 = vector.broadcast %jit3A_442 : i32 to vector<16xi32>
        %broadcast_in_dim3A_445 = vector.broadcast %jit3A_443 : i32 to vector<16xi32>
        %select_n3A_446 = arith.select %lt3A_441, %broadcast_in_dim3A_444, %broadcast_in_dim3A_445 : vector<16xi1>, vector<16xi32>
        %broadcast_in_dim3A_447 = arith.constant true
        %broadcast_in_dim3A_448 = vector.broadcast %broadcast_in_dim3A_447 : i1 to vector<16xi1>
        %masked_cumsum3A_449 = tpu.scan <sum>, %select_n3A_446 masked %broadcast_in_dim3A_448 : vector<16xi32>, vector<16xi1> -> vector<16xi32>
        %add3A_450 = arith.constant 0 : i32
        %add3A_451 = arith.addi %mul3A_375, %add3A_450 : i32
        %add3A_452 = vector.broadcast %add3A_451 : i32 to vector<16xi32>
        %add3A_453 = arith.addi %iota3A, %add3A_452 : vector<16xi32>
        %sub3A_454 = arith.constant 1 : i32
        %sub3A_455 = arith.subi %while3A_373, %sub3A_454 : i32
        %add3A_456 = vector.broadcast %sub3A_455 : i32 to vector<16xi32>
        %add3A_457 = arith.addi %masked_cumsum3A, %add3A_456 : vector<16xi32>
        %lt3A_458 = arith.constant 32 : i32
        %lt3A_459 = vector.broadcast %lt3A_458 : i32 to vector<16xi32>
        %lt3A_460 = arith.cmpi slt, %add3A_457, %lt3A_459 : vector<16xi32>
        %and3A_461 = arith.andi %lt3A_385, %lt3A_460 : vector<16xi1>
        tpu.vector_store_idx %arg11[%add3A_457], %add3A_453 masked %and3A_461 : memref<144xi32, #tpu.memory_space<vmem>>[vector<16xi32>], vector<16xi32>, vector<16xi1>
        %slice3A = vector.extract_strided_slice %masked_cumsum3A {offsets = [15], sizes = [1], strides = [1]} : vector<16xi32> to vector<1xi32>
        %squeeze3A = vector.extract %slice3A[0] : i32 from vector<1xi32>
        %add3A_462 = arith.addi %while3A_373, %squeeze3A : i32
        %add3A_463 = arith.constant 16 : i32
        %add3A_464 = arith.addi %mul3A_375, %add3A_463 : i32
        %add3A_465 = vector.broadcast %add3A_464 : i32 to vector<16xi32>
        %add3A_466 = arith.addi %iota3A, %add3A_465 : vector<16xi32>
        %sub3A_467 = arith.constant 1 : i32
        %sub3A_468 = arith.subi %add3A_462, %sub3A_467 : i32
        %add3A_469 = vector.broadcast %sub3A_468 : i32 to vector<16xi32>
        %add3A_470 = arith.addi %masked_cumsum3A_411, %add3A_469 : vector<16xi32>
        %lt3A_471 = arith.constant 32 : i32
        %lt3A_472 = vector.broadcast %lt3A_471 : i32 to vector<16xi32>
        %lt3A_473 = arith.cmpi slt, %add3A_470, %lt3A_472 : vector<16xi32>
        %and3A_474 = arith.andi %lt3A_403, %lt3A_473 : vector<16xi1>
        tpu.vector_store_idx %arg11[%add3A_470], %add3A_466 masked %and3A_474 : memref<144xi32, #tpu.memory_space<vmem>>[vector<16xi32>], vector<16xi32>, vector<16xi1>
        %slice3A_475 = vector.extract_strided_slice %masked_cumsum3A_411 {offsets = [15], sizes = [1], strides = [1]} : vector<16xi32> to vector<1xi32>
        %squeeze3A_476 = vector.extract %slice3A_475[0] : i32 from vector<1xi32>
        %add3A_477 = arith.addi %add3A_462, %squeeze3A_476 : i32
        %add3A_478 = arith.constant 32 : i32
        %add3A_479 = arith.addi %mul3A_375, %add3A_478 : i32
        %add3A_480 = vector.broadcast %add3A_479 : i32 to vector<16xi32>
        %add3A_481 = arith.addi %iota3A, %add3A_480 : vector<16xi32>
        %sub3A_482 = arith.constant 1 : i32
        %sub3A_483 = arith.subi %add3A_477, %sub3A_482 : i32
        %add3A_484 = vector.broadcast %sub3A_483 : i32 to vector<16xi32>
        %add3A_485 = arith.addi %masked_cumsum3A_430, %add3A_484 : vector<16xi32>
        %lt3A_486 = arith.constant 32 : i32
        %lt3A_487 = vector.broadcast %lt3A_486 : i32 to vector<16xi32>
        %lt3A_488 = arith.cmpi slt, %add3A_485, %lt3A_487 : vector<16xi32>
        %and3A_489 = arith.andi %lt3A_422, %lt3A_488 : vector<16xi1>
        tpu.vector_store_idx %arg11[%add3A_485], %add3A_481 masked %and3A_489 : memref<144xi32, #tpu.memory_space<vmem>>[vector<16xi32>], vector<16xi32>, vector<16xi1>
        %slice3A_490 = vector.extract_strided_slice %masked_cumsum3A_430 {offsets = [15], sizes = [1], strides = [1]} : vector<16xi32> to vector<1xi32>
        %squeeze3A_491 = vector.extract %slice3A_490[0] : i32 from vector<1xi32>
        %add3A_492 = arith.addi %add3A_477, %squeeze3A_491 : i32
        %add3A_493 = arith.constant 48 : i32
        %add3A_494 = arith.addi %mul3A_375, %add3A_493 : i32
        %add3A_495 = vector.broadcast %add3A_494 : i32 to vector<16xi32>
        %add3A_496 = arith.addi %iota3A, %add3A_495 : vector<16xi32>
        %sub3A_497 = arith.constant 1 : i32
        %sub3A_498 = arith.subi %add3A_492, %sub3A_497 : i32
        %add3A_499 = vector.broadcast %sub3A_498 : i32 to vector<16xi32>
        %add3A_500 = arith.addi %masked_cumsum3A_449, %add3A_499 : vector<16xi32>
        %lt3A_501 = arith.constant 32 : i32
        %lt3A_502 = vector.broadcast %lt3A_501 : i32 to vector<16xi32>
        %lt3A_503 = arith.cmpi slt, %add3A_500, %lt3A_502 : vector<16xi32>
        %and3A_504 = arith.andi %lt3A_441, %lt3A_503 : vector<16xi1>
        tpu.vector_store_idx %arg11[%add3A_500], %add3A_496 masked %and3A_504 : memref<144xi32, #tpu.memory_space<vmem>>[vector<16xi32>], vector<16xi32>, vector<16xi1>
        %slice3A_505 = vector.extract_strided_slice %masked_cumsum3A_449 {offsets = [15], sizes = [1], strides = [1]} : vector<16xi32> to vector<1xi32>
        %squeeze3A_506 = vector.extract %slice3A_505[0] : i32 from vector<1xi32>
        %add3A_507 = arith.addi %add3A_492, %squeeze3A_506 : i32
        %add3A_508 = arith.constant 1 : i32
        %add3A_509 = arith.addi %while3A_372, %add3A_508 : i32
        scf.yield %add3A_509, %add3A_507 : i32, i32
      }
      %min3A = arith.constant 32 : i32
      %min3A_286 = arith.minsi %while3A_285#1, %min3A : i32
      %lt3A_287 = arith.constant 32 : i32
      %lt3A_288 = arith.cmpi slt, %while3A_285#1, %lt3A_287 : i32
      %convert_element_type3A = arith.extui %lt3A_288 : i1 to i32
      %cond3A = arith.constant 0 : i32
      %cond3A_289 = arith.cmpi ne, %convert_element_type3A, %cond3A : i32
      scf.if %cond3A_289 {
        %while3A_372 = arith.constant 0 : i32
        %while3A_373 = arith.constant 0 : i32
        %while3A_374:2 = scf.while (%while3A_375 = %while3A_372, %while3A_376 = %while3A_373) : (i32, i32) -> (i32, i32) {
          %lt3A_377 = arith.constant 512 : i32
          %lt3A_378 = arith.cmpi slt, %while3A_375, %lt3A_377 : i32
          %lt3A_379 = arith.constant 32 : i32
          %lt3A_380 = arith.cmpi slt, %while3A_376, %lt3A_379 : i32
          %and3A_381 = arith.andi %lt3A_378, %lt3A_380 : i1
          scf.condition(%and3A_381) %while3A_375, %while3A_376 : i32, i32
        } do {
        ^bb0(%while3A_375: i32, %while3A_376: i32):
          %mul3A_377 = arith.constant 16 : i32
          %mul3A_378 = arith.muli %while3A_375, %mul3A_377 : i32
          %add3A_379 = arith.constant 16384 : i32
          %add3A_380 = arith.addi %add3A_379, %mul3A_378 : i32
          %get3A_381 = arith.index_cast %add3A_380 : i32 to index
          %get3A_382 = tpu.vector_load %arg9[%get3A_381] {strides = array<i32>} : memref<24576xf32, #tpu.memory_space<vmem>>, vector<16xf32>,
          %mul3A_383 = arith.constant 16 : i32
          %mul3A_384 = arith.muli %while3A_375, %mul3A_383 : i32
          %add3A_385 = vector.broadcast %mul3A_384 : i32 to vector<16xi32>
          %add3A_386 = arith.addi %iota3A, %add3A_385 : vector<16xi32>
          %sub3A_387 = arith.subf %get3A_382, %gather3A_283 : vector<16xf32>
          %abs3A = math.absf %sub3A_387 : vector<16xf32>
          %ge3A = arith.constant 2.500000e-01 : f32
          %ge3A_388 = vector.broadcast %ge3A : f32 to vector<16xf32>
          %ge3A_389 = arith.cmpf oge, %abs3A, %ge3A_388 : vector<16xf32>
          %jit3A_390 = arith.constant 1 : i32
          %jit3A_391 = arith.constant 0 : i32
          %broadcast_in_dim3A_392 = vector.broadcast %jit3A_390 : i32 to vector<16xi32>
          %broadcast_in_dim3A_393 = vector.broadcast %jit3A_391 : i32 to vector<16xi32>
          %select_n3A_394 = arith.select %ge3A_389, %broadcast_in_dim3A_392, %broadcast_in_dim3A_393 : vector<16xi1>, vector<16xi32>
          %broadcast_in_dim3A_395 = arith.constant true
          %broadcast_in_dim3A_396 = vector.broadcast %broadcast_in_dim3A_395 : i1 to vector<16xi1>
          %masked_cumsum3A = tpu.scan <sum>, %select_n3A_394 masked %broadcast_in_dim3A_396 : vector<16xi32>, vector<16xi1> -> vector<16xi32>
          %sub3A_397 = arith.constant 1 : i32
          %sub3A_398 = arith.subi %while3A_376, %sub3A_397 : i32
          %add3A_399 = vector.broadcast %sub3A_398 : i32 to vector<16xi32>
          %add3A_400 = arith.addi %masked_cumsum3A, %add3A_399 : vector<16xi32>
          %lt3A_401 = arith.constant 32 : i32
          %lt3A_402 = vector.broadcast %lt3A_401 : i32 to vector<16xi32>
          %lt3A_403 = arith.cmpi slt, %add3A_400, %lt3A_402 : vector<16xi32>
          %and3A_404 = arith.andi %ge3A_389, %lt3A_403 : vector<16xi1>
          tpu.vector_store_idx %arg12[%add3A_400], %add3A_386 masked %and3A_404 : memref<144xi32, #tpu.memory_space<vmem>>[vector<16xi32>], vector<16xi32>, vector<16xi1>
          %slice3A = vector.extract_strided_slice %masked_cumsum3A {offsets = [15], sizes = [1], strides = [1]} : vector<16xi32> to vector<1xi32>
          %squeeze3A = vector.extract %slice3A[0] : i32 from vector<1xi32>
          %add3A_405 = arith.constant 1 : i32
          %add3A_406 = arith.addi %while3A_375, %add3A_405 : i32
          %add3A_407 = arith.addi %while3A_376, %squeeze3A : i32
          scf.yield %add3A_406, %add3A_407 : i32, i32
        }
      } else {
      }
      %add3A_290 = arith.constant 0 : i32
      %add3A_291 = vector.broadcast %add3A_290 : i32 to vector<16xi32>
      %add3A_292 = arith.addi %iota3A, %add3A_291 : vector<16xi32>
      %get3A = arith.constant 0 : index
      %get3A_293 = tpu.vector_load %arg11[%get3A] {strides = array<i32>} : memref<144xi32, #tpu.memory_space<vmem>>, vector<16xi32>,
      %sub3A_294 = vector.broadcast %min3A_286 : i32 to vector<16xi32>
      %sub3A_295 = arith.subi %add3A_292, %sub3A_294 : vector<16xi32>
      %max3A = arith.constant 0 : i32
      %max3A_296 = vector.broadcast %max3A : i32 to vector<16xi32>
      %max3A_297 = arith.maxsi %sub3A_295, %max3A_296 : vector<16xi32>
      %gather3A_298 = tpu.vector_load_idx %arg12[%max3A_297] : memref<144xi32, #tpu.memory_space<vmem>>[vector<16xi32>], vector<16xi32>,
      %lt3A_299 = vector.broadcast %min3A_286 : i32 to vector<16xi32>
      %lt3A_300 = arith.cmpi slt, %add3A_292, %lt3A_299 : vector<16xi32>
      %select_n3A_301 = arith.select %lt3A_300, %get3A_293, %gather3A_298 : vector<16xi1>, vector<16xi32>
      %mul3A_302 = arith.constant 32 : i32
      %mul3A_303 = arith.muli %scan3A_275, %mul3A_302 : i32
      %add3A_304 = arith.constant 0 : i32
      %add3A_305 = arith.addi %mul3A_303, %add3A_304 : i32
      %gather3A_306 = tpu.vector_load_idx %arg9[%select_n3A_301] : memref<24576xf32, #tpu.memory_space<vmem>>[vector<16xi32>], vector<16xf32>,
      %sub3A_307 = arith.subf %gather3A_306, %gather3A : vector<16xf32>
      %swap3A = arith.index_cast %add3A_305 : i32 to index
      %swap3A_308 = tpu.vector_load %arg13[%swap3A] {strides = array<i32>} : memref<6144xf32, #tpu.memory_space<vmem>>, vector<16xf32>,
      tpu.vector_store %arg13[%swap3A], %sub3A_307 {strides = array<i32>} : memref<6144xf32, #tpu.memory_space<vmem>>, vector<16xf32>,
      %add3A_309 = arith.constant 8192 : i32
      %add3A_310 = vector.broadcast %add3A_309 : i32 to vector<16xi32>
      %add3A_311 = arith.addi %select_n3A_301, %add3A_310 : vector<16xi32>
      %gather3A_312 = tpu.vector_load_idx %arg9[%add3A_311] : memref<24576xf32, #tpu.memory_space<vmem>>[vector<16xi32>], vector<16xf32>,
      %sub3A_313 = arith.subf %gather3A_312, %gather3A_279 : vector<16xf32>
      %add3A_314 = arith.constant 512 : i32
      %add3A_315 = arith.addi %add3A_314, %add3A_305 : i32
      %swap3A_316 = arith.index_cast %add3A_315 : i32 to index
      %swap3A_317 = tpu.vector_load %arg13[%swap3A_316] {strides = array<i32>} : memref<6144xf32, #tpu.memory_space<vmem>>, vector<16xf32>,
      tpu.vector_store %arg13[%swap3A_316], %sub3A_313 {strides = array<i32>} : memref<6144xf32, #tpu.memory_space<vmem>>, vector<16xf32>,
      %add3A_318 = arith.constant 16384 : i32
      %add3A_319 = vector.broadcast %add3A_318 : i32 to vector<16xi32>
      %add3A_320 = arith.addi %select_n3A_301, %add3A_319 : vector<16xi32>
      %gather3A_321 = tpu.vector_load_idx %arg9[%add3A_320] : memref<24576xf32, #tpu.memory_space<vmem>>[vector<16xi32>], vector<16xf32>,
      %sub3A_322 = arith.subf %gather3A_321, %gather3A_283 : vector<16xf32>
      %add3A_323 = arith.constant 1024 : i32
      %add3A_324 = arith.addi %add3A_323, %add3A_305 : i32
      %swap3A_325 = arith.index_cast %add3A_324 : i32 to index
      %swap3A_326 = tpu.vector_load %arg13[%swap3A_325] {strides = array<i32>} : memref<6144xf32, #tpu.memory_space<vmem>>, vector<16xf32>,
      tpu.vector_store %arg13[%swap3A_325], %sub3A_322 {strides = array<i32>} : memref<6144xf32, #tpu.memory_space<vmem>>, vector<16xf32>,
      %add3A_327 = arith.constant 16 : i32
      %add3A_328 = vector.broadcast %add3A_327 : i32 to vector<16xi32>
      %add3A_329 = arith.addi %iota3A, %add3A_328 : vector<16xi32>
      %get3A_330 = arith.constant 16 : index
      %get3A_331 = tpu.vector_load %arg11[%get3A_330] {strides = array<i32>} : memref<144xi32, #tpu.memory_space<vmem>>, vector<16xi32>,
      %sub3A_332 = vector.broadcast %min3A_286 : i32 to vector<16xi32>
      %sub3A_333 = arith.subi %add3A_329, %sub3A_332 : vector<16xi32>
      %max3A_334 = arith.constant 0 : i32
      %max3A_335 = vector.broadcast %max3A_334 : i32 to vector<16xi32>
      %max3A_336 = arith.maxsi %sub3A_333, %max3A_335 : vector<16xi32>
      %gather3A_337 = tpu.vector_load_idx %arg12[%max3A_336] : memref<144xi32, #tpu.memory_space<vmem>>[vector<16xi32>], vector<16xi32>,
      %lt3A_338 = vector.broadcast %min3A_286 : i32 to vector<16xi32>
      %lt3A_339 = arith.cmpi slt, %add3A_329, %lt3A_338 : vector<16xi32>
      %select_n3A_340 = arith.select %lt3A_339, %get3A_331, %gather3A_337 : vector<16xi1>, vector<16xi32>
      %mul3A_341 = arith.constant 32 : i32
      %mul3A_342 = arith.muli %scan3A_275, %mul3A_341 : i32
      %add3A_343 = arith.constant 16 : i32
      %add3A_344 = arith.addi %mul3A_342, %add3A_343 : i32
      %gather3A_345 = tpu.vector_load_idx %arg9[%select_n3A_340] : memref<24576xf32, #tpu.memory_space<vmem>>[vector<16xi32>], vector<16xf32>,
      %sub3A_346 = arith.subf %gather3A_345, %gather3A : vector<16xf32>
      %swap3A_347 = arith.index_cast %add3A_344 : i32 to index
      %swap3A_348 = tpu.vector_load %arg13[%swap3A_347] {strides = array<i32>} : memref<6144xf32, #tpu.memory_space<vmem>>, vector<16xf32>,
      tpu.vector_store %arg13[%swap3A_347], %sub3A_346 {strides = array<i32>} : memref<6144xf32, #tpu.memory_space<vmem>>, vector<16xf32>,
      %add3A_349 = arith.constant 8192 : i32
      %add3A_350 = vector.broadcast %add3A_349 : i32 to vector<16xi32>
      %add3A_351 = arith.addi %select_n3A_340, %add3A_350 : vector<16xi32>
      %gather3A_352 = tpu.vector_load_idx %arg9[%add3A_351] : memref<24576xf32, #tpu.memory_space<vmem>>[vector<16xi32>], vector<16xf32>,
      %sub3A_353 = arith.subf %gather3A_352, %gather3A_279 : vector<16xf32>
      %add3A_354 = arith.constant 512 : i32
      %add3A_355 = arith.addi %add3A_354, %add3A_344 : i32
      %swap3A_356 = arith.index_cast %add3A_355 : i32 to index
      %swap3A_357 = tpu.vector_load %arg13[%swap3A_356] {strides = array<i32>} : memref<6144xf32, #tpu.memory_space<vmem>>, vector<16xf32>,
      tpu.vector_store %arg13[%swap3A_356], %sub3A_353 {strides = array<i32>} : memref<6144xf32, #tpu.memory_space<vmem>>, vector<16xf32>,
      %add3A_358 = arith.constant 16384 : i32
      %add3A_359 = vector.broadcast %add3A_358 : i32 to vector<16xi32>
      %add3A_360 = arith.addi %select_n3A_340, %add3A_359 : vector<16xi32>
      %gather3A_361 = tpu.vector_load_idx %arg9[%add3A_360] : memref<24576xf32, #tpu.memory_space<vmem>>[vector<16xi32>], vector<16xf32>,
      %sub3A_362 = arith.subf %gather3A_361, %gather3A_283 : vector<16xf32>
      %add3A_363 = arith.constant 1024 : i32
      %add3A_364 = arith.addi %add3A_363, %add3A_344 : i32
      %swap3A_365 = arith.index_cast %add3A_364 : i32 to index
      %swap3A_366 = tpu.vector_load %arg13[%swap3A_365] {strides = array<i32>} : memref<6144xf32, #tpu.memory_space<vmem>>, vector<16xf32>,
      tpu.vector_store %arg13[%swap3A_365], %sub3A_362 {strides = array<i32>} : memref<6144xf32, #tpu.memory_space<vmem>>, vector<16xf32>,
      %gt3A = arith.constant 0 : i32
      %gt3A_367 = arith.cmpi sgt, %while3A_285#1, %gt3A : i32
      %jit3A_368 = arith.constant 1.000000e+00 : f32
      %jit3A_369 = arith.constant 0.000000e+00 : f32
      %select_n3A_370 = arith.select %gt3A_367, %jit3A_368, %jit3A_369 : f32
      %broadcast_in_dim3A_371 = vector.broadcast %select_n3A_370 : f32 to vector<16xf32>
      tpu.vector_store_idx %arg14[%broadcast_in_dim3A], %broadcast_in_dim3A_371 masked %eq3A_35 : memref<16xf32, #tpu.memory_space<vmem>>[vector<16xi32>], vector<16xf32>, vector<16xi1>
    }
    %scan3A_65 = arith.constant 16 : i32
    %mul3A_66 = arith.constant 3 : i32
    %mul3A_67 = arith.muli %select_n3A, %mul3A_66 : i32
    %add3A_68 = arith.constant 0 : i32
    %add3A_69 = arith.addi %mul3A_67, %add3A_68 : i32
    %mul3A_70 = arith.constant 128 : i32
    %mul3A_71 = arith.muli %add3A_69, %mul3A_70 : i32
    %add3A_72 = arith.addi %mul3A_71, %mul3A_32 : i32
    %mul3A_73 = arith.constant 32 : i32
    %mul3A_74 = arith.muli %add3A_72, %mul3A_73 : i32
    "tpu.region"() ({
      %run_scoped3A = tpu.sem_alloc : memref<!tpu.dma_semaphore, #tpu.memory_space<semaphore_mem>>
      %dma_start3A = arith.constant 0 : i32
      %dma_start3A_275 = tpu.memref_slice %arg13[%dma_start3A] : memref<6144xf32, #tpu.memory_space<vmem>> -> memref<512xf32, #tpu.memory_space<vmem>>
      %dma_start3A_276 = tpu.memref_slice %arg4[%mul3A_74] : memref<49152xf32, #tpu.memory_space<hbm>> -> memref<512xf32, #tpu.memory_space<hbm>>
      %dma_start3A_277 = tpu.memref_slice %arg4[%mul3A_74] : memref<49152xf32, #tpu.memory_space<hbm>> -> memref<512xf32, #tpu.memory_space<hbm>>
      %dma_start3A_278 = arith.constant 0 : i32
      %dma_start3A_279 = tpu.memref_slice %arg13[%dma_start3A_278] : memref<6144xf32, #tpu.memory_space<vmem>> -> memref<512xf32, #tpu.memory_space<vmem>>
      tpu.enqueue_dma source(%dma_start3A_279 : memref<512xf32, #tpu.memory_space<vmem>>) target(%dma_start3A_277 : memref<512xf32, #tpu.memory_space<hbm>>) target_semaphore(%run_scoped3A : memref<!tpu.dma_semaphore, #tpu.memory_space<semaphore_mem>>)
      %dma_wait3A = arith.constant 0 : i32
      %dma_wait3A_280 = tpu.memref_slice %arg13[%dma_wait3A] : memref<6144xf32, #tpu.memory_space<vmem>> -> memref<512xf32, #tpu.memory_space<vmem>>
      %dma_wait3A_281 = tpu.memref_slice %arg4[%mul3A_74] : memref<49152xf32, #tpu.memory_space<hbm>> -> memref<512xf32, #tpu.memory_space<hbm>>
      %dma_wait3A_282 = tpu.memref_slice %arg4[%mul3A_74] : memref<49152xf32, #tpu.memory_space<hbm>> -> memref<512xf32, #tpu.memory_space<hbm>>
      %dma_wait3A_283 = arith.constant 0 : i32
      %dma_wait3A_284 = tpu.memref_slice %arg13[%dma_wait3A_283] : memref<6144xf32, #tpu.memory_space<vmem>> -> memref<512xf32, #tpu.memory_space<vmem>>
      tpu.wait_dma2 semaphore(%run_scoped3A : memref<!tpu.dma_semaphore, #tpu.memory_space<semaphore_mem>>) src(%dma_wait3A_284 : memref<512xf32, #tpu.memory_space<vmem>>) dst(%dma_wait3A_282 : memref<512xf32, #tpu.memory_space<hbm>>)
      tpu.yield
    }) : () -> ()
    %mul3A_75 = arith.constant 3 : i32
    %mul3A_76 = arith.muli %select_n3A, %mul3A_75 : i32
    %add3A_77 = arith.constant 1 : i32
    %add3A_78 = arith.addi %mul3A_76, %add3A_77 : i32
    %mul3A_79 = arith.constant 128 : i32
    %mul3A_80 = arith.muli %add3A_78, %mul3A_79 : i32
    %add3A_81 = arith.addi %mul3A_80, %mul3A_32 : i32
    %mul3A_82 = arith.constant 32 : i32
    %mul3A_83 = arith.muli %add3A_81, %mul3A_82 : i32
    "tpu.region"() ({
      %run_scoped3A = tpu.sem_alloc : memref<!tpu.dma_semaphore, #tpu.memory_space<semaphore_mem>>
      %dma_start3A = arith.constant 512 : i32
      %dma_start3A_275 = tpu.memref_slice %arg13[%dma_start3A] : memref<6144xf32, #tpu.memory_space<vmem>> -> memref<512xf32, #tpu.memory_space<vmem>>
      %dma_start3A_276 = tpu.memref_slice %arg4[%mul3A_83] : memref<49152xf32, #tpu.memory_space<hbm>> -> memref<512xf32, #tpu.memory_space<hbm>>
      %dma_start3A_277 = tpu.memref_slice %arg4[%mul3A_83] : memref<49152xf32, #tpu.memory_space<hbm>> -> memref<512xf32, #tpu.memory_space<hbm>>
      %dma_start3A_278 = arith.constant 512 : i32
      %dma_start3A_279 = tpu.memref_slice %arg13[%dma_start3A_278] : memref<6144xf32, #tpu.memory_space<vmem>> -> memref<512xf32, #tpu.memory_space<vmem>>
      tpu.enqueue_dma source(%dma_start3A_279 : memref<512xf32, #tpu.memory_space<vmem>>) target(%dma_start3A_277 : memref<512xf32, #tpu.memory_space<hbm>>) target_semaphore(%run_scoped3A : memref<!tpu.dma_semaphore, #tpu.memory_space<semaphore_mem>>)
      %dma_wait3A = arith.constant 512 : i32
      %dma_wait3A_280 = tpu.memref_slice %arg13[%dma_wait3A] : memref<6144xf32, #tpu.memory_space<vmem>> -> memref<512xf32, #tpu.memory_space<vmem>>
      %dma_wait3A_281 = tpu.memref_slice %arg4[%mul3A_83] : memref<49152xf32, #tpu.memory_space<hbm>> -> memref<512xf32, #tpu.memory_space<hbm>>
      %dma_wait3A_282 = tpu.memref_slice %arg4[%mul3A_83] : memref<49152xf32, #tpu.memory_space<hbm>> -> memref<512xf32, #tpu.memory_space<hbm>>
      %dma_wait3A_283 = arith.constant 512 : i32
      %dma_wait3A_284 = tpu.memref_slice %arg13[%dma_wait3A_283] : memref<6144xf32, #tpu.memory_space<vmem>> -> memref<512xf32, #tpu.memory_space<vmem>>
      tpu.wait_dma2 semaphore(%run_scoped3A : memref<!tpu.dma_semaphore, #tpu.memory_space<semaphore_mem>>) src(%dma_wait3A_284 : memref<512xf32, #tpu.memory_space<vmem>>) dst(%dma_wait3A_282 : memref<512xf32, #tpu.memory_space<hbm>>)
      tpu.yield
    }) : () -> ()
    %mul3A_84 = arith.constant 3 : i32
    %mul3A_85 = arith.muli %select_n3A, %mul3A_84 : i32
    %add3A_86 = arith.constant 2 : i32
    %add3A_87 = arith.addi %mul3A_85, %add3A_86 : i32
    %mul3A_88 = arith.constant 128 : i32
    %mul3A_89 = arith.muli %add3A_87, %mul3A_88 : i32
    %add3A_90 = arith.addi %mul3A_89, %mul3A_32 : i32
    %mul3A_91 = arith.constant 32 : i32
    %mul3A_92 = arith.muli %add3A_90, %mul3A_91 : i32
    "tpu.region"() ({
      %run_scoped3A = tpu.sem_alloc : memref<!tpu.dma_semaphore, #tpu.memory_space<semaphore_mem>>
      %dma_start3A = arith.constant 1024 : i32
      %dma_start3A_275 = tpu.memref_slice %arg13[%dma_start3A] : memref<6144xf32, #tpu.memory_space<vmem>> -> memref<512xf32, #tpu.memory_space<vmem>>
      %dma_start3A_276 = tpu.memref_slice %arg4[%mul3A_92] : memref<49152xf32, #tpu.memory_space<hbm>> -> memref<512xf32, #tpu.memory_space<hbm>>
      %dma_start3A_277 = tpu.memref_slice %arg4[%mul3A_92] : memref<49152xf32, #tpu.memory_space<hbm>> -> memref<512xf32, #tpu.memory_space<hbm>>
      %dma_start3A_278 = arith.constant 1024 : i32
      %dma_start3A_279 = tpu.memref_slice %arg13[%dma_start3A_278] : memref<6144xf32, #tpu.memory_space<vmem>> -> memref<512xf32, #tpu.memory_space<vmem>>
      tpu.enqueue_dma source(%dma_start3A_279 : memref<512xf32, #tpu.memory_space<vmem>>) target(%dma_start3A_277 : memref<512xf32, #tpu.memory_space<hbm>>) target_semaphore(%run_scoped3A : memref<!tpu.dma_semaphore, #tpu.memory_space<semaphore_mem>>)
      %dma_wait3A = arith.constant 1024 : i32
      %dma_wait3A_280 = tpu.memref_slice %arg13[%dma_wait3A] : memref<6144xf32, #tpu.memory_space<vmem>> -> memref<512xf32, #tpu.memory_space<vmem>>
      %dma_wait3A_281 = tpu.memref_slice %arg4[%mul3A_92] : memref<49152xf32, #tpu.memory_space<hbm>> -> memref<512xf32, #tpu.memory_space<hbm>>
      %dma_wait3A_282 = tpu.memref_slice %arg4[%mul3A_92] : memref<49152xf32, #tpu.memory_space<hbm>> -> memref<512xf32, #tpu.memory_space<hbm>>
      %dma_wait3A_283 = arith.constant 1024 : i32
      %dma_wait3A_284 = tpu.memref_slice %arg13[%dma_wait3A_283] : memref<6144xf32, #tpu.memory_space<vmem>> -> memref<512xf32, #tpu.memory_space<vmem>>
      tpu.wait_dma2 semaphore(%run_scoped3A : memref<!tpu.dma_semaphore, #tpu.memory_space<semaphore_mem>>) src(%dma_wait3A_284 : memref<512xf32, #tpu.memory_space<vmem>>) dst(%dma_wait3A_282 : memref<512xf32, #tpu.memory_space<hbm>>)
      tpu.yield
    }) : () -> ()
    %mul3A_93 = arith.constant 128 : i32
    %mul3A_94 = arith.muli %select_n3A, %mul3A_93 : i32
    %add3A_95 = arith.constant 0 : i32
    %add3A_96 = arith.addi %add3A_95, %mul3A_94 : i32
    %add3A_97 = arith.addi %add3A_96, %mul3A_32 : i32
    "tpu.region"() ({
      %run_scoped3A = tpu.sem_alloc : memref<!tpu.dma_semaphore, #tpu.memory_space<semaphore_mem>>
      %dma_start3A = tpu.memref_slice %arg8[%add3A_97] : memref<2048xf32, #tpu.memory_space<hbm>> -> memref<16xf32, #tpu.memory_space<hbm>>
      %dma_start3A_275 = tpu.memref_slice %arg8[%add3A_97] : memref<2048xf32, #tpu.memory_space<hbm>> -> memref<16xf32, #tpu.memory_space<hbm>>
      tpu.enqueue_dma source(%arg14 : memref<16xf32, #tpu.memory_space<vmem>>) target(%dma_start3A_275 : memref<16xf32, #tpu.memory_space<hbm>>) target_semaphore(%run_scoped3A : memref<!tpu.dma_semaphore, #tpu.memory_space<semaphore_mem>>)
      %dma_wait3A = tpu.memref_slice %arg8[%add3A_97] : memref<2048xf32, #tpu.memory_space<hbm>> -> memref<16xf32, #tpu.memory_space<hbm>>
      %dma_wait3A_276 = tpu.memref_slice %arg8[%add3A_97] : memref<2048xf32, #tpu.memory_space<hbm>> -> memref<16xf32, #tpu.memory_space<hbm>>
      tpu.wait_dma2 semaphore(%run_scoped3A : memref<!tpu.dma_semaphore, #tpu.memory_space<semaphore_mem>>) src(%arg14 : memref<16xf32, #tpu.memory_space<vmem>>) dst(%dma_wait3A_276 : memref<16xf32, #tpu.memory_space<hbm>>)
      tpu.yield
    }) : () -> ()
    %mul3A_98 = arith.constant 3 : i32
    %mul3A_99 = arith.muli %select_n3A, %mul3A_98 : i32
    %mul3A_100 = arith.constant 128 : i32
    %mul3A_101 = arith.muli %mul3A_99, %mul3A_100 : i32
    %add3A_102 = arith.constant 1536 : i32
    %add3A_103 = arith.addi %add3A_102, %mul3A_101 : i32
    %add3A_104 = arith.addi %add3A_103, %mul3A_32 : i32
    "tpu.region"() ({
      %run_scoped3A = tpu.sem_alloc : memref<!tpu.dma_semaphore, #tpu.memory_space<semaphore_mem>>
      %dma_start3A = arith.constant 0 : i32
      %dma_start3A_275 = tpu.memref_slice %arg10[%dma_start3A] : memref<48xf32, #tpu.memory_space<vmem>> -> memref<16xf32, #tpu.memory_space<vmem>>
      %dma_start3A_276 = tpu.memref_slice %arg3[%add3A_104] : memref<6144xf32, #tpu.memory_space<hbm>> -> memref<16xf32, #tpu.memory_space<hbm>>
      %dma_start3A_277 = arith.constant 0 : i32
      %dma_start3A_278 = tpu.memref_slice %arg10[%dma_start3A_277] : memref<48xf32, #tpu.memory_space<vmem>> -> memref<16xf32, #tpu.memory_space<vmem>>
      %dma_start3A_279 = tpu.memref_slice %arg3[%add3A_104] : memref<6144xf32, #tpu.memory_space<hbm>> -> memref<16xf32, #tpu.memory_space<hbm>>
      tpu.enqueue_dma source(%dma_start3A_279 : memref<16xf32, #tpu.memory_space<hbm>>) target(%dma_start3A_278 : memref<16xf32, #tpu.memory_space<vmem>>) target_semaphore(%run_scoped3A : memref<!tpu.dma_semaphore, #tpu.memory_space<semaphore_mem>>)
      %dma_wait3A = arith.constant 0 : i32
      %dma_wait3A_280 = tpu.memref_slice %arg10[%dma_wait3A] : memref<48xf32, #tpu.memory_space<vmem>> -> memref<16xf32, #tpu.memory_space<vmem>>
      %dma_wait3A_281 = tpu.memref_slice %arg3[%add3A_104] : memref<6144xf32, #tpu.memory_space<hbm>> -> memref<16xf32, #tpu.memory_space<hbm>>
      %dma_wait3A_282 = arith.constant 0 : i32
      %dma_wait3A_283 = tpu.memref_slice %arg10[%dma_wait3A_282] : memref<48xf32, #tpu.memory_space<vmem>> -> memref<16xf32, #tpu.memory_space<vmem>>
      %dma_wait3A_284 = tpu.memref_slice %arg3[%add3A_104] : memref<6144xf32, #tpu.memory_space<hbm>> -> memref<16xf32, #tpu.memory_space<hbm>>
      tpu.wait_dma2 semaphore(%run_scoped3A : memref<!tpu.dma_semaphore, #tpu.memory_space<semaphore_mem>>) src(%dma_wait3A_284 : memref<16xf32, #tpu.memory_space<hbm>>) dst(%dma_wait3A_283 : memref<16xf32, #tpu.memory_space<vmem>>)
      tpu.yield
    }) : () -> ()
    %mul3A_105 = arith.constant 3 : i32
    %mul3A_106 = arith.muli %select_n3A, %mul3A_105 : i32
    %mul3A_107 = arith.constant 128 : i32
    %mul3A_108 = arith.muli %mul3A_106, %mul3A_107 : i32
    %add3A_109 = arith.constant 1664 : i32
    %add3A_110 = arith.addi %add3A_109, %mul3A_108 : i32
    %add3A_111 = arith.addi %add3A_110, %mul3A_32 : i32
    "tpu.region"() ({
      %run_scoped3A = tpu.sem_alloc : memref<!tpu.dma_semaphore, #tpu.memory_space<semaphore_mem>>
      %dma_start3A = arith.constant 16 : i32
      %dma_start3A_275 = tpu.memref_slice %arg10[%dma_start3A] : memref<48xf32, #tpu.memory_space<vmem>> -> memref<16xf32, #tpu.memory_space<vmem>>
      %dma_start3A_276 = tpu.memref_slice %arg3[%add3A_111] : memref<6144xf32, #tpu.memory_space<hbm>> -> memref<16xf32, #tpu.memory_space<hbm>>
      %dma_start3A_277 = arith.constant 16 : i32
      %dma_start3A_278 = tpu.memref_slice %arg10[%dma_start3A_277] : memref<48xf32, #tpu.memory_space<vmem>> -> memref<16xf32, #tpu.memory_space<vmem>>
      %dma_start3A_279 = tpu.memref_slice %arg3[%add3A_111] : memref<6144xf32, #tpu.memory_space<hbm>> -> memref<16xf32, #tpu.memory_space<hbm>>
      tpu.enqueue_dma source(%dma_start3A_279 : memref<16xf32, #tpu.memory_space<hbm>>) target(%dma_start3A_278 : memref<16xf32, #tpu.memory_space<vmem>>) target_semaphore(%run_scoped3A : memref<!tpu.dma_semaphore, #tpu.memory_space<semaphore_mem>>)
      %dma_wait3A = arith.constant 16 : i32
      %dma_wait3A_280 = tpu.memref_slice %arg10[%dma_wait3A] : memref<48xf32, #tpu.memory_space<vmem>> -> memref<16xf32, #tpu.memory_space<vmem>>
      %dma_wait3A_281 = tpu.memref_slice %arg3[%add3A_111] : memref<6144xf32, #tpu.memory_space<hbm>> -> memref<16xf32, #tpu.memory_space<hbm>>
      %dma_wait3A_282 = arith.constant 16 : i32
      %dma_wait3A_283 = tpu.memref_slice %arg10[%dma_wait3A_282] : memref<48xf32, #tpu.memory_space<vmem>> -> memref<16xf32, #tpu.memory_space<vmem>>
      %dma_wait3A_284 = tpu.memref_slice %arg3[%add3A_111] : memref<6144xf32, #tpu.memory_space<hbm>> -> memref<16xf32, #tpu.memory_space<hbm>>
      tpu.wait_dma2 semaphore(%run_scoped3A : memref<!tpu.dma_semaphore, #tpu.memory_space<semaphore_mem>>) src(%dma_wait3A_284 : memref<16xf32, #tpu.memory_space<hbm>>) dst(%dma_wait3A_283 : memref<16xf32, #tpu.memory_space<vmem>>)
      tpu.yield
    }) : () -> ()
    %mul3A_112 = arith.constant 3 : i32
    %mul3A_113 = arith.muli %select_n3A, %mul3A_112 : i32
    %mul3A_114 = arith.constant 128 : i32
    %mul3A_115 = arith.muli %mul3A_113, %mul3A_114 : i32
    %add3A_116 = arith.constant 1792 : i32
    %add3A_117 = arith.addi %add3A_116, %mul3A_115 : i32
    %add3A_118 = arith.addi %add3A_117, %mul3A_32 : i32
    "tpu.region"() ({
      %run_scoped3A = tpu.sem_alloc : memref<!tpu.dma_semaphore, #tpu.memory_space<semaphore_mem>>
      %dma_start3A = arith.constant 32 : i32
      %dma_start3A_275 = tpu.memref_slice %arg10[%dma_start3A] : memref<48xf32, #tpu.memory_space<vmem>> -> memref<16xf32, #tpu.memory_space<vmem>>
      %dma_start3A_276 = tpu.memref_slice %arg3[%add3A_118] : memref<6144xf32, #tpu.memory_space<hbm>> -> memref<16xf32, #tpu.memory_space<hbm>>
      %dma_start3A_277 = arith.constant 32 : i32
      %dma_start3A_278 = tpu.memref_slice %arg10[%dma_start3A_277] : memref<48xf32, #tpu.memory_space<vmem>> -> memref<16xf32, #tpu.memory_space<vmem>>
      %dma_start3A_279 = tpu.memref_slice %arg3[%add3A_118] : memref<6144xf32, #tpu.memory_space<hbm>> -> memref<16xf32, #tpu.memory_space<hbm>>
      tpu.enqueue_dma source(%dma_start3A_279 : memref<16xf32, #tpu.memory_space<hbm>>) target(%dma_start3A_278 : memref<16xf32, #tpu.memory_space<vmem>>) target_semaphore(%run_scoped3A : memref<!tpu.dma_semaphore, #tpu.memory_space<semaphore_mem>>)
      %dma_wait3A = arith.constant 32 : i32
      %dma_wait3A_280 = tpu.memref_slice %arg10[%dma_wait3A] : memref<48xf32, #tpu.memory_space<vmem>> -> memref<16xf32, #tpu.memory_space<vmem>>
      %dma_wait3A_281 = tpu.memref_slice %arg3[%add3A_118] : memref<6144xf32, #tpu.memory_space<hbm>> -> memref<16xf32, #tpu.memory_space<hbm>>
      %dma_wait3A_282 = arith.constant 32 : i32
      %dma_wait3A_283 = tpu.memref_slice %arg10[%dma_wait3A_282] : memref<48xf32, #tpu.memory_space<vmem>> -> memref<16xf32, #tpu.memory_space<vmem>>
      %dma_wait3A_284 = tpu.memref_slice %arg3[%add3A_118] : memref<6144xf32, #tpu.memory_space<hbm>> -> memref<16xf32, #tpu.memory_space<hbm>>
      tpu.wait_dma2 semaphore(%run_scoped3A : memref<!tpu.dma_semaphore, #tpu.memory_space<semaphore_mem>>) src(%dma_wait3A_284 : memref<16xf32, #tpu.memory_space<hbm>>) dst(%dma_wait3A_283 : memref<16xf32, #tpu.memory_space<vmem>>)
      tpu.yield
    }) : () -> ()
    %scan3A_119 = arith.constant 0 : i32
    %scan3A_120 = arith.constant 0 : i32
    %scan3A_121 = arith.constant 16 : i32
    %scan3A_122 = arith.addi %scan3A_120, %scan3A_121 : i32
    %scan3A_123 = arith.constant 1 : i32
    scf.for %scan3A_275 = %scan3A_120 to %scan3A_122 step %scan3A_123  : i32 {
      %broadcast_in_dim3A = vector.broadcast %scan3A_275 : i32 to vector<16xi32>
      %gather3A = tpu.vector_load_idx %arg10[%broadcast_in_dim3A] : memref<48xf32, #tpu.memory_space<vmem>>[vector<16xi32>], vector<16xf32>,
      %add3A_276 = arith.constant 16 : i32
      %add3A_277 = vector.broadcast %add3A_276 : i32 to vector<16xi32>
      %add3A_278 = arith.addi %broadcast_in_dim3A, %add3A_277 : vector<16xi32>
      %gather3A_279 = tpu.vector_load_idx %arg10[%add3A_278] : memref<48xf32, #tpu.memory_space<vmem>>[vector<16xi32>], vector<16xf32>,
      %add3A_280 = arith.constant 32 : i32
      %add3A_281 = vector.broadcast %add3A_280 : i32 to vector<16xi32>
      %add3A_282 = arith.addi %broadcast_in_dim3A, %add3A_281 : vector<16xi32>
      %gather3A_283 = tpu.vector_load_idx %arg10[%add3A_282] : memref<48xf32, #tpu.memory_space<vmem>>[vector<16xi32>], vector<16xf32>,
      %while3A = arith.constant 0 : i32
      %while3A_284 = arith.constant 0 : i32
      %while3A_285:2 = scf.while (%while3A_452 = %while3A, %while3A_453 = %while3A_284) : (i32, i32) -> (i32, i32) {
        %lt3A_454 = arith.constant 128 : i32
        %lt3A_455 = arith.cmpi slt, %while3A_452, %lt3A_454 : i32
        %lt3A_456 = arith.constant 64 : i32
        %lt3A_457 = arith.cmpi slt, %while3A_453, %lt3A_456 : i32
        %and3A_458 = arith.andi %lt3A_455, %lt3A_457 : i1
        scf.condition(%and3A_458) %while3A_452, %while3A_453 : i32, i32
      } do {
      ^bb0(%while3A_452: i32, %while3A_453: i32):
        %mul3A_454 = arith.constant 64 : i32
        %mul3A_455 = arith.muli %while3A_452, %mul3A_454 : i32
        %add3A_456 = arith.constant 16384 : i32
        %add3A_457 = arith.addi %add3A_456, %mul3A_455 : i32
        %add3A_458 = arith.constant 0 : i32
        %add3A_459 = arith.addi %add3A_457, %add3A_458 : i32
        %get3A_460 = arith.index_cast %add3A_459 : i32 to index
        %get3A_461 = tpu.vector_load %arg9[%get3A_460] {strides = array<i32>} : memref<24576xf32, #tpu.memory_space<vmem>>, vector<16xf32>,
        %sub3A_462 = arith.subf %get3A_461, %gather3A_283 : vector<16xf32>
        %abs3A = math.absf %sub3A_462 : vector<16xf32>
        %lt3A_463 = arith.constant 5.000000e-01 : f32
        %lt3A_464 = vector.broadcast %lt3A_463 : f32 to vector<16xf32>
        %lt3A_465 = arith.cmpf olt, %abs3A, %lt3A_464 : vector<16xf32>
        %jit3A_466 = arith.constant 1 : i32
        %jit3A_467 = arith.constant 0 : i32
        %broadcast_in_dim3A_468 = vector.broadcast %jit3A_466 : i32 to vector<16xi32>
        %broadcast_in_dim3A_469 = vector.broadcast %jit3A_467 : i32 to vector<16xi32>
        %select_n3A_470 = arith.select %lt3A_465, %broadcast_in_dim3A_468, %broadcast_in_dim3A_469 : vector<16xi1>, vector<16xi32>
        %broadcast_in_dim3A_471 = arith.constant true
        %broadcast_in_dim3A_472 = vector.broadcast %broadcast_in_dim3A_471 : i1 to vector<16xi1>
        %masked_cumsum3A = tpu.scan <sum>, %select_n3A_470 masked %broadcast_in_dim3A_472 : vector<16xi32>, vector<16xi1> -> vector<16xi32>
        %add3A_473 = arith.constant 16384 : i32
        %add3A_474 = arith.addi %add3A_473, %mul3A_455 : i32
        %add3A_475 = arith.constant 16 : i32
        %add3A_476 = arith.addi %add3A_474, %add3A_475 : i32
        %get3A_477 = arith.index_cast %add3A_476 : i32 to index
        %get3A_478 = tpu.vector_load %arg9[%get3A_477] {strides = array<i32>} : memref<24576xf32, #tpu.memory_space<vmem>>, vector<16xf32>,
        %sub3A_479 = arith.subf %get3A_478, %gather3A_283 : vector<16xf32>
        %abs3A_480 = math.absf %sub3A_479 : vector<16xf32>
        %lt3A_481 = arith.constant 5.000000e-01 : f32
        %lt3A_482 = vector.broadcast %lt3A_481 : f32 to vector<16xf32>
        %lt3A_483 = arith.cmpf olt, %abs3A_480, %lt3A_482 : vector<16xf32>
        %jit3A_484 = arith.constant 1 : i32
        %jit3A_485 = arith.constant 0 : i32
        %broadcast_in_dim3A_486 = vector.broadcast %jit3A_484 : i32 to vector<16xi32>
        %broadcast_in_dim3A_487 = vector.broadcast %jit3A_485 : i32 to vector<16xi32>
        %select_n3A_488 = arith.select %lt3A_483, %broadcast_in_dim3A_486, %broadcast_in_dim3A_487 : vector<16xi1>, vector<16xi32>
        %broadcast_in_dim3A_489 = arith.constant true
        %broadcast_in_dim3A_490 = vector.broadcast %broadcast_in_dim3A_489 : i1 to vector<16xi1>
        %masked_cumsum3A_491 = tpu.scan <sum>, %select_n3A_488 masked %broadcast_in_dim3A_490 : vector<16xi32>, vector<16xi1> -> vector<16xi32>
        %add3A_492 = arith.constant 16384 : i32
        %add3A_493 = arith.addi %add3A_492, %mul3A_455 : i32
        %add3A_494 = arith.constant 32 : i32
        %add3A_495 = arith.addi %add3A_493, %add3A_494 : i32
        %get3A_496 = arith.index_cast %add3A_495 : i32 to index
        %get3A_497 = tpu.vector_load %arg9[%get3A_496] {strides = array<i32>} : memref<24576xf32, #tpu.memory_space<vmem>>, vector<16xf32>,
        %sub3A_498 = arith.subf %get3A_497, %gather3A_283 : vector<16xf32>
        %abs3A_499 = math.absf %sub3A_498 : vector<16xf32>
        %lt3A_500 = arith.constant 5.000000e-01 : f32
        %lt3A_501 = vector.broadcast %lt3A_500 : f32 to vector<16xf32>
        %lt3A_502 = arith.cmpf olt, %abs3A_499, %lt3A_501 : vector<16xf32>
        %jit3A_503 = arith.constant 1 : i32
        %jit3A_504 = arith.constant 0 : i32
        %broadcast_in_dim3A_505 = vector.broadcast %jit3A_503 : i32 to vector<16xi32>
        %broadcast_in_dim3A_506 = vector.broadcast %jit3A_504 : i32 to vector<16xi32>
        %select_n3A_507 = arith.select %lt3A_502, %broadcast_in_dim3A_505, %broadcast_in_dim3A_506 : vector<16xi1>, vector<16xi32>
        %broadcast_in_dim3A_508 = arith.constant true
        %broadcast_in_dim3A_509 = vector.broadcast %broadcast_in_dim3A_508 : i1 to vector<16xi1>
        %masked_cumsum3A_510 = tpu.scan <sum>, %select_n3A_507 masked %broadcast_in_dim3A_509 : vector<16xi32>, vector<16xi1> -> vector<16xi32>
        %add3A_511 = arith.constant 16384 : i32
        %add3A_512 = arith.addi %add3A_511, %mul3A_455 : i32
        %add3A_513 = arith.constant 48 : i32
        %add3A_514 = arith.addi %add3A_512, %add3A_513 : i32
        %get3A_515 = arith.index_cast %add3A_514 : i32 to index
        %get3A_516 = tpu.vector_load %arg9[%get3A_515] {strides = array<i32>} : memref<24576xf32, #tpu.memory_space<vmem>>, vector<16xf32>,
        %sub3A_517 = arith.subf %get3A_516, %gather3A_283 : vector<16xf32>
        %abs3A_518 = math.absf %sub3A_517 : vector<16xf32>
        %lt3A_519 = arith.constant 5.000000e-01 : f32
        %lt3A_520 = vector.broadcast %lt3A_519 : f32 to vector<16xf32>
        %lt3A_521 = arith.cmpf olt, %abs3A_518, %lt3A_520 : vector<16xf32>
        %jit3A_522 = arith.constant 1 : i32
        %jit3A_523 = arith.constant 0 : i32
        %broadcast_in_dim3A_524 = vector.broadcast %jit3A_522 : i32 to vector<16xi32>
        %broadcast_in_dim3A_525 = vector.broadcast %jit3A_523 : i32 to vector<16xi32>
        %select_n3A_526 = arith.select %lt3A_521, %broadcast_in_dim3A_524, %broadcast_in_dim3A_525 : vector<16xi1>, vector<16xi32>
        %broadcast_in_dim3A_527 = arith.constant true
        %broadcast_in_dim3A_528 = vector.broadcast %broadcast_in_dim3A_527 : i1 to vector<16xi1>
        %masked_cumsum3A_529 = tpu.scan <sum>, %select_n3A_526 masked %broadcast_in_dim3A_528 : vector<16xi32>, vector<16xi1> -> vector<16xi32>
        %add3A_530 = arith.constant 0 : i32
        %add3A_531 = arith.addi %mul3A_455, %add3A_530 : i32
        %add3A_532 = vector.broadcast %add3A_531 : i32 to vector<16xi32>
        %add3A_533 = arith.addi %iota3A, %add3A_532 : vector<16xi32>
        %sub3A_534 = arith.constant 1 : i32
        %sub3A_535 = arith.subi %while3A_453, %sub3A_534 : i32
        %add3A_536 = vector.broadcast %sub3A_535 : i32 to vector<16xi32>
        %add3A_537 = arith.addi %masked_cumsum3A, %add3A_536 : vector<16xi32>
        %lt3A_538 = arith.constant 64 : i32
        %lt3A_539 = vector.broadcast %lt3A_538 : i32 to vector<16xi32>
        %lt3A_540 = arith.cmpi slt, %add3A_537, %lt3A_539 : vector<16xi32>
        %and3A_541 = arith.andi %lt3A_465, %lt3A_540 : vector<16xi1>
        tpu.vector_store_idx %arg11[%add3A_537], %add3A_533 masked %and3A_541 : memref<144xi32, #tpu.memory_space<vmem>>[vector<16xi32>], vector<16xi32>, vector<16xi1>
        %slice3A = vector.extract_strided_slice %masked_cumsum3A {offsets = [15], sizes = [1], strides = [1]} : vector<16xi32> to vector<1xi32>
        %squeeze3A = vector.extract %slice3A[0] : i32 from vector<1xi32>
        %add3A_542 = arith.addi %while3A_453, %squeeze3A : i32
        %add3A_543 = arith.constant 16 : i32
        %add3A_544 = arith.addi %mul3A_455, %add3A_543 : i32
        %add3A_545 = vector.broadcast %add3A_544 : i32 to vector<16xi32>
        %add3A_546 = arith.addi %iota3A, %add3A_545 : vector<16xi32>
        %sub3A_547 = arith.constant 1 : i32
        %sub3A_548 = arith.subi %add3A_542, %sub3A_547 : i32
        %add3A_549 = vector.broadcast %sub3A_548 : i32 to vector<16xi32>
        %add3A_550 = arith.addi %masked_cumsum3A_491, %add3A_549 : vector<16xi32>
        %lt3A_551 = arith.constant 64 : i32
        %lt3A_552 = vector.broadcast %lt3A_551 : i32 to vector<16xi32>
        %lt3A_553 = arith.cmpi slt, %add3A_550, %lt3A_552 : vector<16xi32>
        %and3A_554 = arith.andi %lt3A_483, %lt3A_553 : vector<16xi1>
        tpu.vector_store_idx %arg11[%add3A_550], %add3A_546 masked %and3A_554 : memref<144xi32, #tpu.memory_space<vmem>>[vector<16xi32>], vector<16xi32>, vector<16xi1>
        %slice3A_555 = vector.extract_strided_slice %masked_cumsum3A_491 {offsets = [15], sizes = [1], strides = [1]} : vector<16xi32> to vector<1xi32>
        %squeeze3A_556 = vector.extract %slice3A_555[0] : i32 from vector<1xi32>
        %add3A_557 = arith.addi %add3A_542, %squeeze3A_556 : i32
        %add3A_558 = arith.constant 32 : i32
        %add3A_559 = arith.addi %mul3A_455, %add3A_558 : i32
        %add3A_560 = vector.broadcast %add3A_559 : i32 to vector<16xi32>
        %add3A_561 = arith.addi %iota3A, %add3A_560 : vector<16xi32>
        %sub3A_562 = arith.constant 1 : i32
        %sub3A_563 = arith.subi %add3A_557, %sub3A_562 : i32
        %add3A_564 = vector.broadcast %sub3A_563 : i32 to vector<16xi32>
        %add3A_565 = arith.addi %masked_cumsum3A_510, %add3A_564 : vector<16xi32>
        %lt3A_566 = arith.constant 64 : i32
        %lt3A_567 = vector.broadcast %lt3A_566 : i32 to vector<16xi32>
        %lt3A_568 = arith.cmpi slt, %add3A_565, %lt3A_567 : vector<16xi32>
        %and3A_569 = arith.andi %lt3A_502, %lt3A_568 : vector<16xi1>
        tpu.vector_store_idx %arg11[%add3A_565], %add3A_561 masked %and3A_569 : memref<144xi32, #tpu.memory_space<vmem>>[vector<16xi32>], vector<16xi32>, vector<16xi1>
        %slice3A_570 = vector.extract_strided_slice %masked_cumsum3A_510 {offsets = [15], sizes = [1], strides = [1]} : vector<16xi32> to vector<1xi32>
        %squeeze3A_571 = vector.extract %slice3A_570[0] : i32 from vector<1xi32>
        %add3A_572 = arith.addi %add3A_557, %squeeze3A_571 : i32
        %add3A_573 = arith.constant 48 : i32
        %add3A_574 = arith.addi %mul3A_455, %add3A_573 : i32
        %add3A_575 = vector.broadcast %add3A_574 : i32 to vector<16xi32>
        %add3A_576 = arith.addi %iota3A, %add3A_575 : vector<16xi32>
        %sub3A_577 = arith.constant 1 : i32
        %sub3A_578 = arith.subi %add3A_572, %sub3A_577 : i32
        %add3A_579 = vector.broadcast %sub3A_578 : i32 to vector<16xi32>
        %add3A_580 = arith.addi %masked_cumsum3A_529, %add3A_579 : vector<16xi32>
        %lt3A_581 = arith.constant 64 : i32
        %lt3A_582 = vector.broadcast %lt3A_581 : i32 to vector<16xi32>
        %lt3A_583 = arith.cmpi slt, %add3A_580, %lt3A_582 : vector<16xi32>
        %and3A_584 = arith.andi %lt3A_521, %lt3A_583 : vector<16xi1>
        tpu.vector_store_idx %arg11[%add3A_580], %add3A_576 masked %and3A_584 : memref<144xi32, #tpu.memory_space<vmem>>[vector<16xi32>], vector<16xi32>, vector<16xi1>
        %slice3A_585 = vector.extract_strided_slice %masked_cumsum3A_529 {offsets = [15], sizes = [1], strides = [1]} : vector<16xi32> to vector<1xi32>
        %squeeze3A_586 = vector.extract %slice3A_585[0] : i32 from vector<1xi32>
        %add3A_587 = arith.addi %add3A_572, %squeeze3A_586 : i32
        %add3A_588 = arith.constant 1 : i32
        %add3A_589 = arith.addi %while3A_452, %add3A_588 : i32
        scf.yield %add3A_589, %add3A_587 : i32, i32
      }
      %min3A = arith.constant 64 : i32
      %min3A_286 = arith.minsi %while3A_285#1, %min3A : i32
      %lt3A_287 = arith.constant 64 : i32
      %lt3A_288 = arith.cmpi slt, %while3A_285#1, %lt3A_287 : i32
      %convert_element_type3A = arith.extui %lt3A_288 : i1 to i32
      %cond3A = arith.constant 0 : i32
      %cond3A_289 = arith.cmpi ne, %convert_element_type3A, %cond3A : i32
      scf.if %cond3A_289 {
        %while3A_452 = arith.constant 0 : i32
        %while3A_453 = arith.constant 0 : i32
        %while3A_454:2 = scf.while (%while3A_455 = %while3A_452, %while3A_456 = %while3A_453) : (i32, i32) -> (i32, i32) {
          %lt3A_457 = arith.constant 512 : i32
          %lt3A_458 = arith.cmpi slt, %while3A_455, %lt3A_457 : i32
          %lt3A_459 = arith.constant 64 : i32
          %lt3A_460 = arith.cmpi slt, %while3A_456, %lt3A_459 : i32
          %and3A_461 = arith.andi %lt3A_458, %lt3A_460 : i1
          scf.condition(%and3A_461) %while3A_455, %while3A_456 : i32, i32
        } do {
        ^bb0(%while3A_455: i32, %while3A_456: i32):
          %mul3A_457 = arith.constant 16 : i32
          %mul3A_458 = arith.muli %while3A_455, %mul3A_457 : i32
          %add3A_459 = arith.constant 16384 : i32
          %add3A_460 = arith.addi %add3A_459, %mul3A_458 : i32
          %get3A_461 = arith.index_cast %add3A_460 : i32 to index
          %get3A_462 = tpu.vector_load %arg9[%get3A_461] {strides = array<i32>} : memref<24576xf32, #tpu.memory_space<vmem>>, vector<16xf32>,
          %mul3A_463 = arith.constant 16 : i32
          %mul3A_464 = arith.muli %while3A_455, %mul3A_463 : i32
          %add3A_465 = vector.broadcast %mul3A_464 : i32 to vector<16xi32>
          %add3A_466 = arith.addi %iota3A, %add3A_465 : vector<16xi32>
          %sub3A_467 = arith.subf %get3A_462, %gather3A_283 : vector<16xf32>
          %abs3A = math.absf %sub3A_467 : vector<16xf32>
          %ge3A = arith.constant 5.000000e-01 : f32
          %ge3A_468 = vector.broadcast %ge3A : f32 to vector<16xf32>
          %ge3A_469 = arith.cmpf oge, %abs3A, %ge3A_468 : vector<16xf32>
          %jit3A_470 = arith.constant 1 : i32
          %jit3A_471 = arith.constant 0 : i32
          %broadcast_in_dim3A_472 = vector.broadcast %jit3A_470 : i32 to vector<16xi32>
          %broadcast_in_dim3A_473 = vector.broadcast %jit3A_471 : i32 to vector<16xi32>
          %select_n3A_474 = arith.select %ge3A_469, %broadcast_in_dim3A_472, %broadcast_in_dim3A_473 : vector<16xi1>, vector<16xi32>
          %broadcast_in_dim3A_475 = arith.constant true
          %broadcast_in_dim3A_476 = vector.broadcast %broadcast_in_dim3A_475 : i1 to vector<16xi1>
          %masked_cumsum3A = tpu.scan <sum>, %select_n3A_474 masked %broadcast_in_dim3A_476 : vector<16xi32>, vector<16xi1> -> vector<16xi32>
          %sub3A_477 = arith.constant 1 : i32
          %sub3A_478 = arith.subi %while3A_456, %sub3A_477 : i32
          %add3A_479 = vector.broadcast %sub3A_478 : i32 to vector<16xi32>
          %add3A_480 = arith.addi %masked_cumsum3A, %add3A_479 : vector<16xi32>
          %lt3A_481 = arith.constant 64 : i32
          %lt3A_482 = vector.broadcast %lt3A_481 : i32 to vector<16xi32>
          %lt3A_483 = arith.cmpi slt, %add3A_480, %lt3A_482 : vector<16xi32>
          %and3A_484 = arith.andi %ge3A_469, %lt3A_483 : vector<16xi1>
          tpu.vector_store_idx %arg12[%add3A_480], %add3A_466 masked %and3A_484 : memref<144xi32, #tpu.memory_space<vmem>>[vector<16xi32>], vector<16xi32>, vector<16xi1>
          %slice3A = vector.extract_strided_slice %masked_cumsum3A {offsets = [15], sizes = [1], strides = [1]} : vector<16xi32> to vector<1xi32>
          %squeeze3A = vector.extract %slice3A[0] : i32 from vector<1xi32>
          %add3A_485 = arith.constant 1 : i32
          %add3A_486 = arith.addi %while3A_455, %add3A_485 : i32
          %add3A_487 = arith.addi %while3A_456, %squeeze3A : i32
          scf.yield %add3A_486, %add3A_487 : i32, i32
        }
      } else {
      }
      %add3A_290 = arith.constant 0 : i32
      %add3A_291 = vector.broadcast %add3A_290 : i32 to vector<16xi32>
      %add3A_292 = arith.addi %iota3A, %add3A_291 : vector<16xi32>
      %get3A = arith.constant 0 : index
      %get3A_293 = tpu.vector_load %arg11[%get3A] {strides = array<i32>} : memref<144xi32, #tpu.memory_space<vmem>>, vector<16xi32>,
      %sub3A_294 = vector.broadcast %min3A_286 : i32 to vector<16xi32>
      %sub3A_295 = arith.subi %add3A_292, %sub3A_294 : vector<16xi32>
      %max3A = arith.constant 0 : i32
      %max3A_296 = vector.broadcast %max3A : i32 to vector<16xi32>
      %max3A_297 = arith.maxsi %sub3A_295, %max3A_296 : vector<16xi32>
      %gather3A_298 = tpu.vector_load_idx %arg12[%max3A_297] : memref<144xi32, #tpu.memory_space<vmem>>[vector<16xi32>], vector<16xi32>,
      %lt3A_299 = vector.broadcast %min3A_286 : i32 to vector<16xi32>
      %lt3A_300 = arith.cmpi slt, %add3A_292, %lt3A_299 : vector<16xi32>
      %select_n3A_301 = arith.select %lt3A_300, %get3A_293, %gather3A_298 : vector<16xi1>, vector<16xi32>
      %mul3A_302 = arith.constant 64 : i32
      %mul3A_303 = arith.muli %scan3A_275, %mul3A_302 : i32
      %add3A_304 = arith.constant 0 : i32
      %add3A_305 = arith.addi %mul3A_303, %add3A_304 : i32
      %gather3A_306 = tpu.vector_load_idx %arg9[%select_n3A_301] : memref<24576xf32, #tpu.memory_space<vmem>>[vector<16xi32>], vector<16xf32>,
      %sub3A_307 = arith.subf %gather3A_306, %gather3A : vector<16xf32>
      %swap3A = arith.index_cast %add3A_305 : i32 to index
      %swap3A_308 = tpu.vector_load %arg13[%swap3A] {strides = array<i32>} : memref<6144xf32, #tpu.memory_space<vmem>>, vector<16xf32>,
      tpu.vector_store %arg13[%swap3A], %sub3A_307 {strides = array<i32>} : memref<6144xf32, #tpu.memory_space<vmem>>, vector<16xf32>,
      %add3A_309 = arith.constant 8192 : i32
      %add3A_310 = vector.broadcast %add3A_309 : i32 to vector<16xi32>
      %add3A_311 = arith.addi %select_n3A_301, %add3A_310 : vector<16xi32>
      %gather3A_312 = tpu.vector_load_idx %arg9[%add3A_311] : memref<24576xf32, #tpu.memory_space<vmem>>[vector<16xi32>], vector<16xf32>,
      %sub3A_313 = arith.subf %gather3A_312, %gather3A_279 : vector<16xf32>
      %add3A_314 = arith.constant 1024 : i32
      %add3A_315 = arith.addi %add3A_314, %add3A_305 : i32
      %swap3A_316 = arith.index_cast %add3A_315 : i32 to index
      %swap3A_317 = tpu.vector_load %arg13[%swap3A_316] {strides = array<i32>} : memref<6144xf32, #tpu.memory_space<vmem>>, vector<16xf32>,
      tpu.vector_store %arg13[%swap3A_316], %sub3A_313 {strides = array<i32>} : memref<6144xf32, #tpu.memory_space<vmem>>, vector<16xf32>,
      %add3A_318 = arith.constant 16384 : i32
      %add3A_319 = vector.broadcast %add3A_318 : i32 to vector<16xi32>
      %add3A_320 = arith.addi %select_n3A_301, %add3A_319 : vector<16xi32>
      %gather3A_321 = tpu.vector_load_idx %arg9[%add3A_320] : memref<24576xf32, #tpu.memory_space<vmem>>[vector<16xi32>], vector<16xf32>,
      %sub3A_322 = arith.subf %gather3A_321, %gather3A_283 : vector<16xf32>
      %add3A_323 = arith.constant 2048 : i32
      %add3A_324 = arith.addi %add3A_323, %add3A_305 : i32
      %swap3A_325 = arith.index_cast %add3A_324 : i32 to index
      %swap3A_326 = tpu.vector_load %arg13[%swap3A_325] {strides = array<i32>} : memref<6144xf32, #tpu.memory_space<vmem>>, vector<16xf32>,
      tpu.vector_store %arg13[%swap3A_325], %sub3A_322 {strides = array<i32>} : memref<6144xf32, #tpu.memory_space<vmem>>, vector<16xf32>,
      %add3A_327 = arith.constant 16 : i32
      %add3A_328 = vector.broadcast %add3A_327 : i32 to vector<16xi32>
      %add3A_329 = arith.addi %iota3A, %add3A_328 : vector<16xi32>
      %get3A_330 = arith.constant 16 : index
      %get3A_331 = tpu.vector_load %arg11[%get3A_330] {strides = array<i32>} : memref<144xi32, #tpu.memory_space<vmem>>, vector<16xi32>,
      %sub3A_332 = vector.broadcast %min3A_286 : i32 to vector<16xi32>
      %sub3A_333 = arith.subi %add3A_329, %sub3A_332 : vector<16xi32>
      %max3A_334 = arith.constant 0 : i32
      %max3A_335 = vector.broadcast %max3A_334 : i32 to vector<16xi32>
      %max3A_336 = arith.maxsi %sub3A_333, %max3A_335 : vector<16xi32>
      %gather3A_337 = tpu.vector_load_idx %arg12[%max3A_336] : memref<144xi32, #tpu.memory_space<vmem>>[vector<16xi32>], vector<16xi32>,
      %lt3A_338 = vector.broadcast %min3A_286 : i32 to vector<16xi32>
      %lt3A_339 = arith.cmpi slt, %add3A_329, %lt3A_338 : vector<16xi32>
      %select_n3A_340 = arith.select %lt3A_339, %get3A_331, %gather3A_337 : vector<16xi1>, vector<16xi32>
      %mul3A_341 = arith.constant 64 : i32
      %mul3A_342 = arith.muli %scan3A_275, %mul3A_341 : i32
      %add3A_343 = arith.constant 16 : i32
      %add3A_344 = arith.addi %mul3A_342, %add3A_343 : i32
      %gather3A_345 = tpu.vector_load_idx %arg9[%select_n3A_340] : memref<24576xf32, #tpu.memory_space<vmem>>[vector<16xi32>], vector<16xf32>,
      %sub3A_346 = arith.subf %gather3A_345, %gather3A : vector<16xf32>
      %swap3A_347 = arith.index_cast %add3A_344 : i32 to index
      %swap3A_348 = tpu.vector_load %arg13[%swap3A_347] {strides = array<i32>} : memref<6144xf32, #tpu.memory_space<vmem>>, vector<16xf32>,
      tpu.vector_store %arg13[%swap3A_347], %sub3A_346 {strides = array<i32>} : memref<6144xf32, #tpu.memory_space<vmem>>, vector<16xf32>,
      %add3A_349 = arith.constant 8192 : i32
      %add3A_350 = vector.broadcast %add3A_349 : i32 to vector<16xi32>
      %add3A_351 = arith.addi %select_n3A_340, %add3A_350 : vector<16xi32>
      %gather3A_352 = tpu.vector_load_idx %arg9[%add3A_351] : memref<24576xf32, #tpu.memory_space<vmem>>[vector<16xi32>], vector<16xf32>,
      %sub3A_353 = arith.subf %gather3A_352, %gather3A_279 : vector<16xf32>
      %add3A_354 = arith.constant 1024 : i32
      %add3A_355 = arith.addi %add3A_354, %add3A_344 : i32
      %swap3A_356 = arith.index_cast %add3A_355 : i32 to index
      %swap3A_357 = tpu.vector_load %arg13[%swap3A_356] {strides = array<i32>} : memref<6144xf32, #tpu.memory_space<vmem>>, vector<16xf32>,
      tpu.vector_store %arg13[%swap3A_356], %sub3A_353 {strides = array<i32>} : memref<6144xf32, #tpu.memory_space<vmem>>, vector<16xf32>,
      %add3A_358 = arith.constant 16384 : i32
      %add3A_359 = vector.broadcast %add3A_358 : i32 to vector<16xi32>
      %add3A_360 = arith.addi %select_n3A_340, %add3A_359 : vector<16xi32>
      %gather3A_361 = tpu.vector_load_idx %arg9[%add3A_360] : memref<24576xf32, #tpu.memory_space<vmem>>[vector<16xi32>], vector<16xf32>,
      %sub3A_362 = arith.subf %gather3A_361, %gather3A_283 : vector<16xf32>
      %add3A_363 = arith.constant 2048 : i32
      %add3A_364 = arith.addi %add3A_363, %add3A_344 : i32
      %swap3A_365 = arith.index_cast %add3A_364 : i32 to index
      %swap3A_366 = tpu.vector_load %arg13[%swap3A_365] {strides = array<i32>} : memref<6144xf32, #tpu.memory_space<vmem>>, vector<16xf32>,
      tpu.vector_store %arg13[%swap3A_365], %sub3A_362 {strides = array<i32>} : memref<6144xf32, #tpu.memory_space<vmem>>, vector<16xf32>,
      %add3A_367 = arith.constant 32 : i32
      %add3A_368 = vector.broadcast %add3A_367 : i32 to vector<16xi32>
      %add3A_369 = arith.addi %iota3A, %add3A_368 : vector<16xi32>
      %get3A_370 = arith.constant 32 : index
      %get3A_371 = tpu.vector_load %arg11[%get3A_370] {strides = array<i32>} : memref<144xi32, #tpu.memory_space<vmem>>, vector<16xi32>,
      %sub3A_372 = vector.broadcast %min3A_286 : i32 to vector<16xi32>
      %sub3A_373 = arith.subi %add3A_369, %sub3A_372 : vector<16xi32>
      %max3A_374 = arith.constant 0 : i32
      %max3A_375 = vector.broadcast %max3A_374 : i32 to vector<16xi32>
      %max3A_376 = arith.maxsi %sub3A_373, %max3A_375 : vector<16xi32>
      %gather3A_377 = tpu.vector_load_idx %arg12[%max3A_376] : memref<144xi32, #tpu.memory_space<vmem>>[vector<16xi32>], vector<16xi32>,
      %lt3A_378 = vector.broadcast %min3A_286 : i32 to vector<16xi32>
      %lt3A_379 = arith.cmpi slt, %add3A_369, %lt3A_378 : vector<16xi32>
      %select_n3A_380 = arith.select %lt3A_379, %get3A_371, %gather3A_377 : vector<16xi1>, vector<16xi32>
      %mul3A_381 = arith.constant 64 : i32
      %mul3A_382 = arith.muli %scan3A_275, %mul3A_381 : i32
      %add3A_383 = arith.constant 32 : i32
      %add3A_384 = arith.addi %mul3A_382, %add3A_383 : i32
      %gather3A_385 = tpu.vector_load_idx %arg9[%select_n3A_380] : memref<24576xf32, #tpu.memory_space<vmem>>[vector<16xi32>], vector<16xf32>,
      %sub3A_386 = arith.subf %gather3A_385, %gather3A : vector<16xf32>
      %swap3A_387 = arith.index_cast %add3A_384 : i32 to index
      %swap3A_388 = tpu.vector_load %arg13[%swap3A_387] {strides = array<i32>} : memref<6144xf32, #tpu.memory_space<vmem>>, vector<16xf32>,
      tpu.vector_store %arg13[%swap3A_387], %sub3A_386 {strides = array<i32>} : memref<6144xf32, #tpu.memory_space<vmem>>, vector<16xf32>,
      %add3A_389 = arith.constant 8192 : i32
      %add3A_390 = vector.broadcast %add3A_389 : i32 to vector<16xi32>
      %add3A_391 = arith.addi %select_n3A_380, %add3A_390 : vector<16xi32>
      %gather3A_392 = tpu.vector_load_idx %arg9[%add3A_391] : memref<24576xf32, #tpu.memory_space<vmem>>[vector<16xi32>], vector<16xf32>,
      %sub3A_393 = arith.subf %gather3A_392, %gather3A_279 : vector<16xf32>
      %add3A_394 = arith.constant 1024 : i32
      %add3A_395 = arith.addi %add3A_394, %add3A_384 : i32
      %swap3A_396 = arith.index_cast %add3A_395 : i32 to index
      %swap3A_397 = tpu.vector_load %arg13[%swap3A_396] {strides = array<i32>} : memref<6144xf32, #tpu.memory_space<vmem>>, vector<16xf32>,
      tpu.vector_store %arg13[%swap3A_396], %sub3A_393 {strides = array<i32>} : memref<6144xf32, #tpu.memory_space<vmem>>, vector<16xf32>,
      %add3A_398 = arith.constant 16384 : i32
      %add3A_399 = vector.broadcast %add3A_398 : i32 to vector<16xi32>
      %add3A_400 = arith.addi %select_n3A_380, %add3A_399 : vector<16xi32>
      %gather3A_401 = tpu.vector_load_idx %arg9[%add3A_400] : memref<24576xf32, #tpu.memory_space<vmem>>[vector<16xi32>], vector<16xf32>,
      %sub3A_402 = arith.subf %gather3A_401, %gather3A_283 : vector<16xf32>
      %add3A_403 = arith.constant 2048 : i32
      %add3A_404 = arith.addi %add3A_403, %add3A_384 : i32
      %swap3A_405 = arith.index_cast %add3A_404 : i32 to index
      %swap3A_406 = tpu.vector_load %arg13[%swap3A_405] {strides = array<i32>} : memref<6144xf32, #tpu.memory_space<vmem>>, vector<16xf32>,
      tpu.vector_store %arg13[%swap3A_405], %sub3A_402 {strides = array<i32>} : memref<6144xf32, #tpu.memory_space<vmem>>, vector<16xf32>,
      %add3A_407 = arith.constant 48 : i32
      %add3A_408 = vector.broadcast %add3A_407 : i32 to vector<16xi32>
      %add3A_409 = arith.addi %iota3A, %add3A_408 : vector<16xi32>
      %get3A_410 = arith.constant 48 : index
      %get3A_411 = tpu.vector_load %arg11[%get3A_410] {strides = array<i32>} : memref<144xi32, #tpu.memory_space<vmem>>, vector<16xi32>,
      %sub3A_412 = vector.broadcast %min3A_286 : i32 to vector<16xi32>
      %sub3A_413 = arith.subi %add3A_409, %sub3A_412 : vector<16xi32>
      %max3A_414 = arith.constant 0 : i32
      %max3A_415 = vector.broadcast %max3A_414 : i32 to vector<16xi32>
      %max3A_416 = arith.maxsi %sub3A_413, %max3A_415 : vector<16xi32>
      %gather3A_417 = tpu.vector_load_idx %arg12[%max3A_416] : memref<144xi32, #tpu.memory_space<vmem>>[vector<16xi32>], vector<16xi32>,
      %lt3A_418 = vector.broadcast %min3A_286 : i32 to vector<16xi32>
      %lt3A_419 = arith.cmpi slt, %add3A_409, %lt3A_418 : vector<16xi32>
      %select_n3A_420 = arith.select %lt3A_419, %get3A_411, %gather3A_417 : vector<16xi1>, vector<16xi32>
      %mul3A_421 = arith.constant 64 : i32
      %mul3A_422 = arith.muli %scan3A_275, %mul3A_421 : i32
      %add3A_423 = arith.constant 48 : i32
      %add3A_424 = arith.addi %mul3A_422, %add3A_423 : i32
      %gather3A_425 = tpu.vector_load_idx %arg9[%select_n3A_420] : memref<24576xf32, #tpu.memory_space<vmem>>[vector<16xi32>], vector<16xf32>,
      %sub3A_426 = arith.subf %gather3A_425, %gather3A : vector<16xf32>
      %swap3A_427 = arith.index_cast %add3A_424 : i32 to index
      %swap3A_428 = tpu.vector_load %arg13[%swap3A_427] {strides = array<i32>} : memref<6144xf32, #tpu.memory_space<vmem>>, vector<16xf32>,
      tpu.vector_store %arg13[%swap3A_427], %sub3A_426 {strides = array<i32>} : memref<6144xf32, #tpu.memory_space<vmem>>, vector<16xf32>,
      %add3A_429 = arith.constant 8192 : i32
      %add3A_430 = vector.broadcast %add3A_429 : i32 to vector<16xi32>
      %add3A_431 = arith.addi %select_n3A_420, %add3A_430 : vector<16xi32>
      %gather3A_432 = tpu.vector_load_idx %arg9[%add3A_431] : memref<24576xf32, #tpu.memory_space<vmem>>[vector<16xi32>], vector<16xf32>,
      %sub3A_433 = arith.subf %gather3A_432, %gather3A_279 : vector<16xf32>
      %add3A_434 = arith.constant 1024 : i32
      %add3A_435 = arith.addi %add3A_434, %add3A_424 : i32
      %swap3A_436 = arith.index_cast %add3A_435 : i32 to index
      %swap3A_437 = tpu.vector_load %arg13[%swap3A_436] {strides = array<i32>} : memref<6144xf32, #tpu.memory_space<vmem>>, vector<16xf32>,
      tpu.vector_store %arg13[%swap3A_436], %sub3A_433 {strides = array<i32>} : memref<6144xf32, #tpu.memory_space<vmem>>, vector<16xf32>,
      %add3A_438 = arith.constant 16384 : i32
      %add3A_439 = vector.broadcast %add3A_438 : i32 to vector<16xi32>
      %add3A_440 = arith.addi %select_n3A_420, %add3A_439 : vector<16xi32>
      %gather3A_441 = tpu.vector_load_idx %arg9[%add3A_440] : memref<24576xf32, #tpu.memory_space<vmem>>[vector<16xi32>], vector<16xf32>,
      %sub3A_442 = arith.subf %gather3A_441, %gather3A_283 : vector<16xf32>
      %add3A_443 = arith.constant 2048 : i32
      %add3A_444 = arith.addi %add3A_443, %add3A_424 : i32
      %swap3A_445 = arith.index_cast %add3A_444 : i32 to index
      %swap3A_446 = tpu.vector_load %arg13[%swap3A_445] {strides = array<i32>} : memref<6144xf32, #tpu.memory_space<vmem>>, vector<16xf32>,
      tpu.vector_store %arg13[%swap3A_445], %sub3A_442 {strides = array<i32>} : memref<6144xf32, #tpu.memory_space<vmem>>, vector<16xf32>,
      %gt3A = arith.constant 0 : i32
      %gt3A_447 = arith.cmpi sgt, %while3A_285#1, %gt3A : i32
      %jit3A_448 = arith.constant 1.000000e+00 : f32
      %jit3A_449 = arith.constant 0.000000e+00 : f32
      %select_n3A_450 = arith.select %gt3A_447, %jit3A_448, %jit3A_449 : f32
      %broadcast_in_dim3A_451 = vector.broadcast %select_n3A_450 : f32 to vector<16xf32>
      tpu.vector_store_idx %arg14[%broadcast_in_dim3A], %broadcast_in_dim3A_451 masked %eq3A_35 : memref<16xf32, #tpu.memory_space<vmem>>[vector<16xi32>], vector<16xf32>, vector<16xi1>
    }
    %scan3A_124 = arith.constant 16 : i32
    %mul3A_125 = arith.constant 3 : i32
    %mul3A_126 = arith.muli %select_n3A, %mul3A_125 : i32
    %add3A_127 = arith.constant 0 : i32
    %add3A_128 = arith.addi %mul3A_126, %add3A_127 : i32
    %mul3A_129 = arith.constant 128 : i32
    %mul3A_130 = arith.muli %add3A_128, %mul3A_129 : i32
    %add3A_131 = arith.addi %mul3A_130, %mul3A_32 : i32
    %mul3A_132 = arith.constant 64 : i32
    %mul3A_133 = arith.muli %add3A_131, %mul3A_132 : i32
    "tpu.region"() ({
      %run_scoped3A = tpu.sem_alloc : memref<!tpu.dma_semaphore, #tpu.memory_space<semaphore_mem>>
      %dma_start3A = arith.constant 0 : i32
      %dma_start3A_275 = tpu.memref_slice %arg13[%dma_start3A] : memref<6144xf32, #tpu.memory_space<vmem>> -> memref<1024xf32, #tpu.memory_space<vmem>>
      %dma_start3A_276 = tpu.memref_slice %arg5[%mul3A_133] : memref<98304xf32, #tpu.memory_space<hbm>> -> memref<1024xf32, #tpu.memory_space<hbm>>
      %dma_start3A_277 = tpu.memref_slice %arg5[%mul3A_133] : memref<98304xf32, #tpu.memory_space<hbm>> -> memref<1024xf32, #tpu.memory_space<hbm>>
      %dma_start3A_278 = arith.constant 0 : i32
      %dma_start3A_279 = tpu.memref_slice %arg13[%dma_start3A_278] : memref<6144xf32, #tpu.memory_space<vmem>> -> memref<1024xf32, #tpu.memory_space<vmem>>
      tpu.enqueue_dma source(%dma_start3A_279 : memref<1024xf32, #tpu.memory_space<vmem>>) target(%dma_start3A_277 : memref<1024xf32, #tpu.memory_space<hbm>>) target_semaphore(%run_scoped3A : memref<!tpu.dma_semaphore, #tpu.memory_space<semaphore_mem>>)
      %dma_wait3A = arith.constant 0 : i32
      %dma_wait3A_280 = tpu.memref_slice %arg13[%dma_wait3A] : memref<6144xf32, #tpu.memory_space<vmem>> -> memref<1024xf32, #tpu.memory_space<vmem>>
      %dma_wait3A_281 = tpu.memref_slice %arg5[%mul3A_133] : memref<98304xf32, #tpu.memory_space<hbm>> -> memref<1024xf32, #tpu.memory_space<hbm>>
      %dma_wait3A_282 = tpu.memref_slice %arg5[%mul3A_133] : memref<98304xf32, #tpu.memory_space<hbm>> -> memref<1024xf32, #tpu.memory_space<hbm>>
      %dma_wait3A_283 = arith.constant 0 : i32
      %dma_wait3A_284 = tpu.memref_slice %arg13[%dma_wait3A_283] : memref<6144xf32, #tpu.memory_space<vmem>> -> memref<1024xf32, #tpu.memory_space<vmem>>
      tpu.wait_dma2 semaphore(%run_scoped3A : memref<!tpu.dma_semaphore, #tpu.memory_space<semaphore_mem>>) src(%dma_wait3A_284 : memref<1024xf32, #tpu.memory_space<vmem>>) dst(%dma_wait3A_282 : memref<1024xf32, #tpu.memory_space<hbm>>)
      tpu.yield
    }) : () -> ()
    %mul3A_134 = arith.constant 3 : i32
    %mul3A_135 = arith.muli %select_n3A, %mul3A_134 : i32
    %add3A_136 = arith.constant 1 : i32
    %add3A_137 = arith.addi %mul3A_135, %add3A_136 : i32
    %mul3A_138 = arith.constant 128 : i32
    %mul3A_139 = arith.muli %add3A_137, %mul3A_138 : i32
    %add3A_140 = arith.addi %mul3A_139, %mul3A_32 : i32
    %mul3A_141 = arith.constant 64 : i32
    %mul3A_142 = arith.muli %add3A_140, %mul3A_141 : i32
    "tpu.region"() ({
      %run_scoped3A = tpu.sem_alloc : memref<!tpu.dma_semaphore, #tpu.memory_space<semaphore_mem>>
      %dma_start3A = arith.constant 1024 : i32
      %dma_start3A_275 = tpu.memref_slice %arg13[%dma_start3A] : memref<6144xf32, #tpu.memory_space<vmem>> -> memref<1024xf32, #tpu.memory_space<vmem>>
      %dma_start3A_276 = tpu.memref_slice %arg5[%mul3A_142] : memref<98304xf32, #tpu.memory_space<hbm>> -> memref<1024xf32, #tpu.memory_space<hbm>>
      %dma_start3A_277 = tpu.memref_slice %arg5[%mul3A_142] : memref<98304xf32, #tpu.memory_space<hbm>> -> memref<1024xf32, #tpu.memory_space<hbm>>
      %dma_start3A_278 = arith.constant 1024 : i32
      %dma_start3A_279 = tpu.memref_slice %arg13[%dma_start3A_278] : memref<6144xf32, #tpu.memory_space<vmem>> -> memref<1024xf32, #tpu.memory_space<vmem>>
      tpu.enqueue_dma source(%dma_start3A_279 : memref<1024xf32, #tpu.memory_space<vmem>>) target(%dma_start3A_277 : memref<1024xf32, #tpu.memory_space<hbm>>) target_semaphore(%run_scoped3A : memref<!tpu.dma_semaphore, #tpu.memory_space<semaphore_mem>>)
      %dma_wait3A = arith.constant 1024 : i32
      %dma_wait3A_280 = tpu.memref_slice %arg13[%dma_wait3A] : memref<6144xf32, #tpu.memory_space<vmem>> -> memref<1024xf32, #tpu.memory_space<vmem>>
      %dma_wait3A_281 = tpu.memref_slice %arg5[%mul3A_142] : memref<98304xf32, #tpu.memory_space<hbm>> -> memref<1024xf32, #tpu.memory_space<hbm>>
      %dma_wait3A_282 = tpu.memref_slice %arg5[%mul3A_142] : memref<98304xf32, #tpu.memory_space<hbm>> -> memref<1024xf32, #tpu.memory_space<hbm>>
      %dma_wait3A_283 = arith.constant 1024 : i32
      %dma_wait3A_284 = tpu.memref_slice %arg13[%dma_wait3A_283] : memref<6144xf32, #tpu.memory_space<vmem>> -> memref<1024xf32, #tpu.memory_space<vmem>>
      tpu.wait_dma2 semaphore(%run_scoped3A : memref<!tpu.dma_semaphore, #tpu.memory_space<semaphore_mem>>) src(%dma_wait3A_284 : memref<1024xf32, #tpu.memory_space<vmem>>) dst(%dma_wait3A_282 : memref<1024xf32, #tpu.memory_space<hbm>>)
      tpu.yield
    }) : () -> ()
    %mul3A_143 = arith.constant 3 : i32
    %mul3A_144 = arith.muli %select_n3A, %mul3A_143 : i32
    %add3A_145 = arith.constant 2 : i32
    %add3A_146 = arith.addi %mul3A_144, %add3A_145 : i32
    %mul3A_147 = arith.constant 128 : i32
    %mul3A_148 = arith.muli %add3A_146, %mul3A_147 : i32
    %add3A_149 = arith.addi %mul3A_148, %mul3A_32 : i32
    %mul3A_150 = arith.constant 64 : i32
    %mul3A_151 = arith.muli %add3A_149, %mul3A_150 : i32
    "tpu.region"() ({
      %run_scoped3A = tpu.sem_alloc : memref<!tpu.dma_semaphore, #tpu.memory_space<semaphore_mem>>
      %dma_start3A = arith.constant 2048 : i32
      %dma_start3A_275 = tpu.memref_slice %arg13[%dma_start3A] : memref<6144xf32, #tpu.memory_space<vmem>> -> memref<1024xf32, #tpu.memory_space<vmem>>
      %dma_start3A_276 = tpu.memref_slice %arg5[%mul3A_151] : memref<98304xf32, #tpu.memory_space<hbm>> -> memref<1024xf32, #tpu.memory_space<hbm>>
      %dma_start3A_277 = tpu.memref_slice %arg5[%mul3A_151] : memref<98304xf32, #tpu.memory_space<hbm>> -> memref<1024xf32, #tpu.memory_space<hbm>>
      %dma_start3A_278 = arith.constant 2048 : i32
      %dma_start3A_279 = tpu.memref_slice %arg13[%dma_start3A_278] : memref<6144xf32, #tpu.memory_space<vmem>> -> memref<1024xf32, #tpu.memory_space<vmem>>
      tpu.enqueue_dma source(%dma_start3A_279 : memref<1024xf32, #tpu.memory_space<vmem>>) target(%dma_start3A_277 : memref<1024xf32, #tpu.memory_space<hbm>>) target_semaphore(%run_scoped3A : memref<!tpu.dma_semaphore, #tpu.memory_space<semaphore_mem>>)
      %dma_wait3A = arith.constant 2048 : i32
      %dma_wait3A_280 = tpu.memref_slice %arg13[%dma_wait3A] : memref<6144xf32, #tpu.memory_space<vmem>> -> memref<1024xf32, #tpu.memory_space<vmem>>
      %dma_wait3A_281 = tpu.memref_slice %arg5[%mul3A_151] : memref<98304xf32, #tpu.memory_space<hbm>> -> memref<1024xf32, #tpu.memory_space<hbm>>
      %dma_wait3A_282 = tpu.memref_slice %arg5[%mul3A_151] : memref<98304xf32, #tpu.memory_space<hbm>> -> memref<1024xf32, #tpu.memory_space<hbm>>
      %dma_wait3A_283 = arith.constant 2048 : i32
      %dma_wait3A_284 = tpu.memref_slice %arg13[%dma_wait3A_283] : memref<6144xf32, #tpu.memory_space<vmem>> -> memref<1024xf32, #tpu.memory_space<vmem>>
      tpu.wait_dma2 semaphore(%run_scoped3A : memref<!tpu.dma_semaphore, #tpu.memory_space<semaphore_mem>>) src(%dma_wait3A_284 : memref<1024xf32, #tpu.memory_space<vmem>>) dst(%dma_wait3A_282 : memref<1024xf32, #tpu.memory_space<hbm>>)
      tpu.yield
    }) : () -> ()
    %mul3A_152 = arith.constant 128 : i32
    %mul3A_153 = arith.muli %select_n3A, %mul3A_152 : i32
    %add3A_154 = arith.constant 512 : i32
    %add3A_155 = arith.addi %add3A_154, %mul3A_153 : i32
    %add3A_156 = arith.addi %add3A_155, %mul3A_32 : i32
    "tpu.region"() ({
      %run_scoped3A = tpu.sem_alloc : memref<!tpu.dma_semaphore, #tpu.memory_space<semaphore_mem>>
      %dma_start3A = tpu.memref_slice %arg8[%add3A_156] : memref<2048xf32, #tpu.memory_space<hbm>> -> memref<16xf32, #tpu.memory_space<hbm>>
      %dma_start3A_275 = tpu.memref_slice %arg8[%add3A_156] : memref<2048xf32, #tpu.memory_space<hbm>> -> memref<16xf32, #tpu.memory_space<hbm>>
      tpu.enqueue_dma source(%arg14 : memref<16xf32, #tpu.memory_space<vmem>>) target(%dma_start3A_275 : memref<16xf32, #tpu.memory_space<hbm>>) target_semaphore(%run_scoped3A : memref<!tpu.dma_semaphore, #tpu.memory_space<semaphore_mem>>)
      %dma_wait3A = tpu.memref_slice %arg8[%add3A_156] : memref<2048xf32, #tpu.memory_space<hbm>> -> memref<16xf32, #tpu.memory_space<hbm>>
      %dma_wait3A_276 = tpu.memref_slice %arg8[%add3A_156] : memref<2048xf32, #tpu.memory_space<hbm>> -> memref<16xf32, #tpu.memory_space<hbm>>
      tpu.wait_dma2 semaphore(%run_scoped3A : memref<!tpu.dma_semaphore, #tpu.memory_space<semaphore_mem>>) src(%arg14 : memref<16xf32, #tpu.memory_space<vmem>>) dst(%dma_wait3A_276 : memref<16xf32, #tpu.memory_space<hbm>>)
      tpu.yield
    }) : () -> ()
    %mul3A_157 = arith.constant 3 : i32
    %mul3A_158 = arith.muli %select_n3A, %mul3A_157 : i32
    %mul3A_159 = arith.constant 128 : i32
    %mul3A_160 = arith.muli %mul3A_158, %mul3A_159 : i32
    %add3A_161 = arith.constant 3072 : i32
    %add3A_162 = arith.addi %add3A_161, %mul3A_160 : i32
    %add3A_163 = arith.addi %add3A_162, %mul3A_32 : i32
    "tpu.region"() ({
      %run_scoped3A = tpu.sem_alloc : memref<!tpu.dma_semaphore, #tpu.memory_space<semaphore_mem>>
      %dma_start3A = arith.constant 0 : i32
      %dma_start3A_275 = tpu.memref_slice %arg10[%dma_start3A] : memref<48xf32, #tpu.memory_space<vmem>> -> memref<16xf32, #tpu.memory_space<vmem>>
      %dma_start3A_276 = tpu.memref_slice %arg3[%add3A_163] : memref<6144xf32, #tpu.memory_space<hbm>> -> memref<16xf32, #tpu.memory_space<hbm>>
      %dma_start3A_277 = arith.constant 0 : i32
      %dma_start3A_278 = tpu.memref_slice %arg10[%dma_start3A_277] : memref<48xf32, #tpu.memory_space<vmem>> -> memref<16xf32, #tpu.memory_space<vmem>>
      %dma_start3A_279 = tpu.memref_slice %arg3[%add3A_163] : memref<6144xf32, #tpu.memory_space<hbm>> -> memref<16xf32, #tpu.memory_space<hbm>>
      tpu.enqueue_dma source(%dma_start3A_279 : memref<16xf32, #tpu.memory_space<hbm>>) target(%dma_start3A_278 : memref<16xf32, #tpu.memory_space<vmem>>) target_semaphore(%run_scoped3A : memref<!tpu.dma_semaphore, #tpu.memory_space<semaphore_mem>>)
      %dma_wait3A = arith.constant 0 : i32
      %dma_wait3A_280 = tpu.memref_slice %arg10[%dma_wait3A] : memref<48xf32, #tpu.memory_space<vmem>> -> memref<16xf32, #tpu.memory_space<vmem>>
      %dma_wait3A_281 = tpu.memref_slice %arg3[%add3A_163] : memref<6144xf32, #tpu.memory_space<hbm>> -> memref<16xf32, #tpu.memory_space<hbm>>
      %dma_wait3A_282 = arith.constant 0 : i32
      %dma_wait3A_283 = tpu.memref_slice %arg10[%dma_wait3A_282] : memref<48xf32, #tpu.memory_space<vmem>> -> memref<16xf32, #tpu.memory_space<vmem>>
      %dma_wait3A_284 = tpu.memref_slice %arg3[%add3A_163] : memref<6144xf32, #tpu.memory_space<hbm>> -> memref<16xf32, #tpu.memory_space<hbm>>
      tpu.wait_dma2 semaphore(%run_scoped3A : memref<!tpu.dma_semaphore, #tpu.memory_space<semaphore_mem>>) src(%dma_wait3A_284 : memref<16xf32, #tpu.memory_space<hbm>>) dst(%dma_wait3A_283 : memref<16xf32, #tpu.memory_space<vmem>>)
      tpu.yield
    }) : () -> ()
    %mul3A_164 = arith.constant 3 : i32
    %mul3A_165 = arith.muli %select_n3A, %mul3A_164 : i32
    %mul3A_166 = arith.constant 128 : i32
    %mul3A_167 = arith.muli %mul3A_165, %mul3A_166 : i32
    %add3A_168 = arith.constant 3200 : i32
    %add3A_169 = arith.addi %add3A_168, %mul3A_167 : i32
    %add3A_170 = arith.addi %add3A_169, %mul3A_32 : i32
    "tpu.region"() ({
      %run_scoped3A = tpu.sem_alloc : memref<!tpu.dma_semaphore, #tpu.memory_space<semaphore_mem>>
      %dma_start3A = arith.constant 16 : i32
      %dma_start3A_275 = tpu.memref_slice %arg10[%dma_start3A] : memref<48xf32, #tpu.memory_space<vmem>> -> memref<16xf32, #tpu.memory_space<vmem>>
      %dma_start3A_276 = tpu.memref_slice %arg3[%add3A_170] : memref<6144xf32, #tpu.memory_space<hbm>> -> memref<16xf32, #tpu.memory_space<hbm>>
      %dma_start3A_277 = arith.constant 16 : i32
      %dma_start3A_278 = tpu.memref_slice %arg10[%dma_start3A_277] : memref<48xf32, #tpu.memory_space<vmem>> -> memref<16xf32, #tpu.memory_space<vmem>>
      %dma_start3A_279 = tpu.memref_slice %arg3[%add3A_170] : memref<6144xf32, #tpu.memory_space<hbm>> -> memref<16xf32, #tpu.memory_space<hbm>>
      tpu.enqueue_dma source(%dma_start3A_279 : memref<16xf32, #tpu.memory_space<hbm>>) target(%dma_start3A_278 : memref<16xf32, #tpu.memory_space<vmem>>) target_semaphore(%run_scoped3A : memref<!tpu.dma_semaphore, #tpu.memory_space<semaphore_mem>>)
      %dma_wait3A = arith.constant 16 : i32
      %dma_wait3A_280 = tpu.memref_slice %arg10[%dma_wait3A] : memref<48xf32, #tpu.memory_space<vmem>> -> memref<16xf32, #tpu.memory_space<vmem>>
      %dma_wait3A_281 = tpu.memref_slice %arg3[%add3A_170] : memref<6144xf32, #tpu.memory_space<hbm>> -> memref<16xf32, #tpu.memory_space<hbm>>
      %dma_wait3A_282 = arith.constant 16 : i32
      %dma_wait3A_283 = tpu.memref_slice %arg10[%dma_wait3A_282] : memref<48xf32, #tpu.memory_space<vmem>> -> memref<16xf32, #tpu.memory_space<vmem>>
      %dma_wait3A_284 = tpu.memref_slice %arg3[%add3A_170] : memref<6144xf32, #tpu.memory_space<hbm>> -> memref<16xf32, #tpu.memory_space<hbm>>
      tpu.wait_dma2 semaphore(%run_scoped3A : memref<!tpu.dma_semaphore, #tpu.memory_space<semaphore_mem>>) src(%dma_wait3A_284 : memref<16xf32, #tpu.memory_space<hbm>>) dst(%dma_wait3A_283 : memref<16xf32, #tpu.memory_space<vmem>>)
      tpu.yield
    }) : () -> ()
    %mul3A_171 = arith.constant 3 : i32
    %mul3A_172 = arith.muli %select_n3A, %mul3A_171 : i32
    %mul3A_173 = arith.constant 128 : i32
    %mul3A_174 = arith.muli %mul3A_172, %mul3A_173 : i32
    %add3A_175 = arith.constant 3328 : i32
    %add3A_176 = arith.addi %add3A_175, %mul3A_174 : i32
    %add3A_177 = arith.addi %add3A_176, %mul3A_32 : i32
    "tpu.region"() ({
      %run_scoped3A = tpu.sem_alloc : memref<!tpu.dma_semaphore, #tpu.memory_space<semaphore_mem>>
      %dma_start3A = arith.constant 32 : i32
      %dma_start3A_275 = tpu.memref_slice %arg10[%dma_start3A] : memref<48xf32, #tpu.memory_space<vmem>> -> memref<16xf32, #tpu.memory_space<vmem>>
      %dma_start3A_276 = tpu.memref_slice %arg3[%add3A_177] : memref<6144xf32, #tpu.memory_space<hbm>> -> memref<16xf32, #tpu.memory_space<hbm>>
      %dma_start3A_277 = arith.constant 32 : i32
      %dma_start3A_278 = tpu.memref_slice %arg10[%dma_start3A_277] : memref<48xf32, #tpu.memory_space<vmem>> -> memref<16xf32, #tpu.memory_space<vmem>>
      %dma_start3A_279 = tpu.memref_slice %arg3[%add3A_177] : memref<6144xf32, #tpu.memory_space<hbm>> -> memref<16xf32, #tpu.memory_space<hbm>>
      tpu.enqueue_dma source(%dma_start3A_279 : memref<16xf32, #tpu.memory_space<hbm>>) target(%dma_start3A_278 : memref<16xf32, #tpu.memory_space<vmem>>) target_semaphore(%run_scoped3A : memref<!tpu.dma_semaphore, #tpu.memory_space<semaphore_mem>>)
      %dma_wait3A = arith.constant 32 : i32
      %dma_wait3A_280 = tpu.memref_slice %arg10[%dma_wait3A] : memref<48xf32, #tpu.memory_space<vmem>> -> memref<16xf32, #tpu.memory_space<vmem>>
      %dma_wait3A_281 = tpu.memref_slice %arg3[%add3A_177] : memref<6144xf32, #tpu.memory_space<hbm>> -> memref<16xf32, #tpu.memory_space<hbm>>
      %dma_wait3A_282 = arith.constant 32 : i32
      %dma_wait3A_283 = tpu.memref_slice %arg10[%dma_wait3A_282] : memref<48xf32, #tpu.memory_space<vmem>> -> memref<16xf32, #tpu.memory_space<vmem>>
      %dma_wait3A_284 = tpu.memref_slice %arg3[%add3A_177] : memref<6144xf32, #tpu.memory_space<hbm>> -> memref<16xf32, #tpu.memory_space<hbm>>
      tpu.wait_dma2 semaphore(%run_scoped3A : memref<!tpu.dma_semaphore, #tpu.memory_space<semaphore_mem>>) src(%dma_wait3A_284 : memref<16xf32, #tpu.memory_space<hbm>>) dst(%dma_wait3A_283 : memref<16xf32, #tpu.memory_space<vmem>>)
      tpu.yield
    }) : () -> ()
    %scan3A_178 = arith.constant 0 : i32
    %scan3A_179 = arith.constant 0 : i32
    %scan3A_180 = arith.constant 16 : i32
    %scan3A_181 = arith.addi %scan3A_179, %scan3A_180 : i32
    %scan3A_182 = arith.constant 1 : i32
    scf.for %scan3A_275 = %scan3A_179 to %scan3A_181 step %scan3A_182  : i32 {
      %broadcast_in_dim3A = vector.broadcast %scan3A_275 : i32 to vector<16xi32>
      %gather3A = tpu.vector_load_idx %arg10[%broadcast_in_dim3A] : memref<48xf32, #tpu.memory_space<vmem>>[vector<16xi32>], vector<16xf32>,
      %add3A_276 = arith.constant 16 : i32
      %add3A_277 = vector.broadcast %add3A_276 : i32 to vector<16xi32>
      %add3A_278 = arith.addi %broadcast_in_dim3A, %add3A_277 : vector<16xi32>
      %gather3A_279 = tpu.vector_load_idx %arg10[%add3A_278] : memref<48xf32, #tpu.memory_space<vmem>>[vector<16xi32>], vector<16xf32>,
      %add3A_280 = arith.constant 32 : i32
      %add3A_281 = vector.broadcast %add3A_280 : i32 to vector<16xi32>
      %add3A_282 = arith.addi %broadcast_in_dim3A, %add3A_281 : vector<16xi32>
      %gather3A_283 = tpu.vector_load_idx %arg10[%add3A_282] : memref<48xf32, #tpu.memory_space<vmem>>[vector<16xi32>], vector<16xf32>,
      %while3A = arith.constant 0 : i32
      %while3A_284 = arith.constant 0 : i32
      %while3A_285:2 = scf.while (%while3A_452 = %while3A, %while3A_453 = %while3A_284) : (i32, i32) -> (i32, i32) {
        %lt3A_454 = arith.constant 128 : i32
        %lt3A_455 = arith.cmpi slt, %while3A_452, %lt3A_454 : i32
        %lt3A_456 = arith.constant 64 : i32
        %lt3A_457 = arith.cmpi slt, %while3A_453, %lt3A_456 : i32
        %and3A_458 = arith.andi %lt3A_455, %lt3A_457 : i1
        scf.condition(%and3A_458) %while3A_452, %while3A_453 : i32, i32
      } do {
      ^bb0(%while3A_452: i32, %while3A_453: i32):
        %mul3A_454 = arith.constant 64 : i32
        %mul3A_455 = arith.muli %while3A_452, %mul3A_454 : i32
        %add3A_456 = arith.constant 16384 : i32
        %add3A_457 = arith.addi %add3A_456, %mul3A_455 : i32
        %add3A_458 = arith.constant 0 : i32
        %add3A_459 = arith.addi %add3A_457, %add3A_458 : i32
        %get3A_460 = arith.index_cast %add3A_459 : i32 to index
        %get3A_461 = tpu.vector_load %arg9[%get3A_460] {strides = array<i32>} : memref<24576xf32, #tpu.memory_space<vmem>>, vector<16xf32>,
        %sub3A_462 = arith.subf %get3A_461, %gather3A_283 : vector<16xf32>
        %abs3A = math.absf %sub3A_462 : vector<16xf32>
        %lt3A_463 = arith.constant 1.000000e+00 : f32
        %lt3A_464 = vector.broadcast %lt3A_463 : f32 to vector<16xf32>
        %lt3A_465 = arith.cmpf olt, %abs3A, %lt3A_464 : vector<16xf32>
        %jit3A_466 = arith.constant 1 : i32
        %jit3A_467 = arith.constant 0 : i32
        %broadcast_in_dim3A_468 = vector.broadcast %jit3A_466 : i32 to vector<16xi32>
        %broadcast_in_dim3A_469 = vector.broadcast %jit3A_467 : i32 to vector<16xi32>
        %select_n3A_470 = arith.select %lt3A_465, %broadcast_in_dim3A_468, %broadcast_in_dim3A_469 : vector<16xi1>, vector<16xi32>
        %broadcast_in_dim3A_471 = arith.constant true
        %broadcast_in_dim3A_472 = vector.broadcast %broadcast_in_dim3A_471 : i1 to vector<16xi1>
        %masked_cumsum3A = tpu.scan <sum>, %select_n3A_470 masked %broadcast_in_dim3A_472 : vector<16xi32>, vector<16xi1> -> vector<16xi32>
        %add3A_473 = arith.constant 16384 : i32
        %add3A_474 = arith.addi %add3A_473, %mul3A_455 : i32
        %add3A_475 = arith.constant 16 : i32
        %add3A_476 = arith.addi %add3A_474, %add3A_475 : i32
        %get3A_477 = arith.index_cast %add3A_476 : i32 to index
        %get3A_478 = tpu.vector_load %arg9[%get3A_477] {strides = array<i32>} : memref<24576xf32, #tpu.memory_space<vmem>>, vector<16xf32>,
        %sub3A_479 = arith.subf %get3A_478, %gather3A_283 : vector<16xf32>
        %abs3A_480 = math.absf %sub3A_479 : vector<16xf32>
        %lt3A_481 = arith.constant 1.000000e+00 : f32
        %lt3A_482 = vector.broadcast %lt3A_481 : f32 to vector<16xf32>
        %lt3A_483 = arith.cmpf olt, %abs3A_480, %lt3A_482 : vector<16xf32>
        %jit3A_484 = arith.constant 1 : i32
        %jit3A_485 = arith.constant 0 : i32
        %broadcast_in_dim3A_486 = vector.broadcast %jit3A_484 : i32 to vector<16xi32>
        %broadcast_in_dim3A_487 = vector.broadcast %jit3A_485 : i32 to vector<16xi32>
        %select_n3A_488 = arith.select %lt3A_483, %broadcast_in_dim3A_486, %broadcast_in_dim3A_487 : vector<16xi1>, vector<16xi32>
        %broadcast_in_dim3A_489 = arith.constant true
        %broadcast_in_dim3A_490 = vector.broadcast %broadcast_in_dim3A_489 : i1 to vector<16xi1>
        %masked_cumsum3A_491 = tpu.scan <sum>, %select_n3A_488 masked %broadcast_in_dim3A_490 : vector<16xi32>, vector<16xi1> -> vector<16xi32>
        %add3A_492 = arith.constant 16384 : i32
        %add3A_493 = arith.addi %add3A_492, %mul3A_455 : i32
        %add3A_494 = arith.constant 32 : i32
        %add3A_495 = arith.addi %add3A_493, %add3A_494 : i32
        %get3A_496 = arith.index_cast %add3A_495 : i32 to index
        %get3A_497 = tpu.vector_load %arg9[%get3A_496] {strides = array<i32>} : memref<24576xf32, #tpu.memory_space<vmem>>, vector<16xf32>,
        %sub3A_498 = arith.subf %get3A_497, %gather3A_283 : vector<16xf32>
        %abs3A_499 = math.absf %sub3A_498 : vector<16xf32>
        %lt3A_500 = arith.constant 1.000000e+00 : f32
        %lt3A_501 = vector.broadcast %lt3A_500 : f32 to vector<16xf32>
        %lt3A_502 = arith.cmpf olt, %abs3A_499, %lt3A_501 : vector<16xf32>
        %jit3A_503 = arith.constant 1 : i32
        %jit3A_504 = arith.constant 0 : i32
        %broadcast_in_dim3A_505 = vector.broadcast %jit3A_503 : i32 to vector<16xi32>
        %broadcast_in_dim3A_506 = vector.broadcast %jit3A_504 : i32 to vector<16xi32>
        %select_n3A_507 = arith.select %lt3A_502, %broadcast_in_dim3A_505, %broadcast_in_dim3A_506 : vector<16xi1>, vector<16xi32>
        %broadcast_in_dim3A_508 = arith.constant true
        %broadcast_in_dim3A_509 = vector.broadcast %broadcast_in_dim3A_508 : i1 to vector<16xi1>
        %masked_cumsum3A_510 = tpu.scan <sum>, %select_n3A_507 masked %broadcast_in_dim3A_509 : vector<16xi32>, vector<16xi1> -> vector<16xi32>
        %add3A_511 = arith.constant 16384 : i32
        %add3A_512 = arith.addi %add3A_511, %mul3A_455 : i32
        %add3A_513 = arith.constant 48 : i32
        %add3A_514 = arith.addi %add3A_512, %add3A_513 : i32
        %get3A_515 = arith.index_cast %add3A_514 : i32 to index
        %get3A_516 = tpu.vector_load %arg9[%get3A_515] {strides = array<i32>} : memref<24576xf32, #tpu.memory_space<vmem>>, vector<16xf32>,
        %sub3A_517 = arith.subf %get3A_516, %gather3A_283 : vector<16xf32>
        %abs3A_518 = math.absf %sub3A_517 : vector<16xf32>
        %lt3A_519 = arith.constant 1.000000e+00 : f32
        %lt3A_520 = vector.broadcast %lt3A_519 : f32 to vector<16xf32>
        %lt3A_521 = arith.cmpf olt, %abs3A_518, %lt3A_520 : vector<16xf32>
        %jit3A_522 = arith.constant 1 : i32
        %jit3A_523 = arith.constant 0 : i32
        %broadcast_in_dim3A_524 = vector.broadcast %jit3A_522 : i32 to vector<16xi32>
        %broadcast_in_dim3A_525 = vector.broadcast %jit3A_523 : i32 to vector<16xi32>
        %select_n3A_526 = arith.select %lt3A_521, %broadcast_in_dim3A_524, %broadcast_in_dim3A_525 : vector<16xi1>, vector<16xi32>
        %broadcast_in_dim3A_527 = arith.constant true
        %broadcast_in_dim3A_528 = vector.broadcast %broadcast_in_dim3A_527 : i1 to vector<16xi1>
        %masked_cumsum3A_529 = tpu.scan <sum>, %select_n3A_526 masked %broadcast_in_dim3A_528 : vector<16xi32>, vector<16xi1> -> vector<16xi32>
        %add3A_530 = arith.constant 0 : i32
        %add3A_531 = arith.addi %mul3A_455, %add3A_530 : i32
        %add3A_532 = vector.broadcast %add3A_531 : i32 to vector<16xi32>
        %add3A_533 = arith.addi %iota3A, %add3A_532 : vector<16xi32>
        %sub3A_534 = arith.constant 1 : i32
        %sub3A_535 = arith.subi %while3A_453, %sub3A_534 : i32
        %add3A_536 = vector.broadcast %sub3A_535 : i32 to vector<16xi32>
        %add3A_537 = arith.addi %masked_cumsum3A, %add3A_536 : vector<16xi32>
        %lt3A_538 = arith.constant 64 : i32
        %lt3A_539 = vector.broadcast %lt3A_538 : i32 to vector<16xi32>
        %lt3A_540 = arith.cmpi slt, %add3A_537, %lt3A_539 : vector<16xi32>
        %and3A_541 = arith.andi %lt3A_465, %lt3A_540 : vector<16xi1>
        tpu.vector_store_idx %arg11[%add3A_537], %add3A_533 masked %and3A_541 : memref<144xi32, #tpu.memory_space<vmem>>[vector<16xi32>], vector<16xi32>, vector<16xi1>
        %slice3A = vector.extract_strided_slice %masked_cumsum3A {offsets = [15], sizes = [1], strides = [1]} : vector<16xi32> to vector<1xi32>
        %squeeze3A = vector.extract %slice3A[0] : i32 from vector<1xi32>
        %add3A_542 = arith.addi %while3A_453, %squeeze3A : i32
        %add3A_543 = arith.constant 16 : i32
        %add3A_544 = arith.addi %mul3A_455, %add3A_543 : i32
        %add3A_545 = vector.broadcast %add3A_544 : i32 to vector<16xi32>
        %add3A_546 = arith.addi %iota3A, %add3A_545 : vector<16xi32>
        %sub3A_547 = arith.constant 1 : i32
        %sub3A_548 = arith.subi %add3A_542, %sub3A_547 : i32
        %add3A_549 = vector.broadcast %sub3A_548 : i32 to vector<16xi32>
        %add3A_550 = arith.addi %masked_cumsum3A_491, %add3A_549 : vector<16xi32>
        %lt3A_551 = arith.constant 64 : i32
        %lt3A_552 = vector.broadcast %lt3A_551 : i32 to vector<16xi32>
        %lt3A_553 = arith.cmpi slt, %add3A_550, %lt3A_552 : vector<16xi32>
        %and3A_554 = arith.andi %lt3A_483, %lt3A_553 : vector<16xi1>
        tpu.vector_store_idx %arg11[%add3A_550], %add3A_546 masked %and3A_554 : memref<144xi32, #tpu.memory_space<vmem>>[vector<16xi32>], vector<16xi32>, vector<16xi1>
        %slice3A_555 = vector.extract_strided_slice %masked_cumsum3A_491 {offsets = [15], sizes = [1], strides = [1]} : vector<16xi32> to vector<1xi32>
        %squeeze3A_556 = vector.extract %slice3A_555[0] : i32 from vector<1xi32>
        %add3A_557 = arith.addi %add3A_542, %squeeze3A_556 : i32
        %add3A_558 = arith.constant 32 : i32
        %add3A_559 = arith.addi %mul3A_455, %add3A_558 : i32
        %add3A_560 = vector.broadcast %add3A_559 : i32 to vector<16xi32>
        %add3A_561 = arith.addi %iota3A, %add3A_560 : vector<16xi32>
        %sub3A_562 = arith.constant 1 : i32
        %sub3A_563 = arith.subi %add3A_557, %sub3A_562 : i32
        %add3A_564 = vector.broadcast %sub3A_563 : i32 to vector<16xi32>
        %add3A_565 = arith.addi %masked_cumsum3A_510, %add3A_564 : vector<16xi32>
        %lt3A_566 = arith.constant 64 : i32
        %lt3A_567 = vector.broadcast %lt3A_566 : i32 to vector<16xi32>
        %lt3A_568 = arith.cmpi slt, %add3A_565, %lt3A_567 : vector<16xi32>
        %and3A_569 = arith.andi %lt3A_502, %lt3A_568 : vector<16xi1>
        tpu.vector_store_idx %arg11[%add3A_565], %add3A_561 masked %and3A_569 : memref<144xi32, #tpu.memory_space<vmem>>[vector<16xi32>], vector<16xi32>, vector<16xi1>
        %slice3A_570 = vector.extract_strided_slice %masked_cumsum3A_510 {offsets = [15], sizes = [1], strides = [1]} : vector<16xi32> to vector<1xi32>
        %squeeze3A_571 = vector.extract %slice3A_570[0] : i32 from vector<1xi32>
        %add3A_572 = arith.addi %add3A_557, %squeeze3A_571 : i32
        %add3A_573 = arith.constant 48 : i32
        %add3A_574 = arith.addi %mul3A_455, %add3A_573 : i32
        %add3A_575 = vector.broadcast %add3A_574 : i32 to vector<16xi32>
        %add3A_576 = arith.addi %iota3A, %add3A_575 : vector<16xi32>
        %sub3A_577 = arith.constant 1 : i32
        %sub3A_578 = arith.subi %add3A_572, %sub3A_577 : i32
        %add3A_579 = vector.broadcast %sub3A_578 : i32 to vector<16xi32>
        %add3A_580 = arith.addi %masked_cumsum3A_529, %add3A_579 : vector<16xi32>
        %lt3A_581 = arith.constant 64 : i32
        %lt3A_582 = vector.broadcast %lt3A_581 : i32 to vector<16xi32>
        %lt3A_583 = arith.cmpi slt, %add3A_580, %lt3A_582 : vector<16xi32>
        %and3A_584 = arith.andi %lt3A_521, %lt3A_583 : vector<16xi1>
        tpu.vector_store_idx %arg11[%add3A_580], %add3A_576 masked %and3A_584 : memref<144xi32, #tpu.memory_space<vmem>>[vector<16xi32>], vector<16xi32>, vector<16xi1>
        %slice3A_585 = vector.extract_strided_slice %masked_cumsum3A_529 {offsets = [15], sizes = [1], strides = [1]} : vector<16xi32> to vector<1xi32>
        %squeeze3A_586 = vector.extract %slice3A_585[0] : i32 from vector<1xi32>
        %add3A_587 = arith.addi %add3A_572, %squeeze3A_586 : i32
        %add3A_588 = arith.constant 1 : i32
        %add3A_589 = arith.addi %while3A_452, %add3A_588 : i32
        scf.yield %add3A_589, %add3A_587 : i32, i32
      }
      %min3A = arith.constant 64 : i32
      %min3A_286 = arith.minsi %while3A_285#1, %min3A : i32
      %lt3A_287 = arith.constant 64 : i32
      %lt3A_288 = arith.cmpi slt, %while3A_285#1, %lt3A_287 : i32
      %convert_element_type3A = arith.extui %lt3A_288 : i1 to i32
      %cond3A = arith.constant 0 : i32
      %cond3A_289 = arith.cmpi ne, %convert_element_type3A, %cond3A : i32
      scf.if %cond3A_289 {
        %while3A_452 = arith.constant 0 : i32
        %while3A_453 = arith.constant 0 : i32
        %while3A_454:2 = scf.while (%while3A_455 = %while3A_452, %while3A_456 = %while3A_453) : (i32, i32) -> (i32, i32) {
          %lt3A_457 = arith.constant 512 : i32
          %lt3A_458 = arith.cmpi slt, %while3A_455, %lt3A_457 : i32
          %lt3A_459 = arith.constant 64 : i32
          %lt3A_460 = arith.cmpi slt, %while3A_456, %lt3A_459 : i32
          %and3A_461 = arith.andi %lt3A_458, %lt3A_460 : i1
          scf.condition(%and3A_461) %while3A_455, %while3A_456 : i32, i32
        } do {
        ^bb0(%while3A_455: i32, %while3A_456: i32):
          %mul3A_457 = arith.constant 16 : i32
          %mul3A_458 = arith.muli %while3A_455, %mul3A_457 : i32
          %add3A_459 = arith.constant 16384 : i32
          %add3A_460 = arith.addi %add3A_459, %mul3A_458 : i32
          %get3A_461 = arith.index_cast %add3A_460 : i32 to index
          %get3A_462 = tpu.vector_load %arg9[%get3A_461] {strides = array<i32>} : memref<24576xf32, #tpu.memory_space<vmem>>, vector<16xf32>,
          %mul3A_463 = arith.constant 16 : i32
          %mul3A_464 = arith.muli %while3A_455, %mul3A_463 : i32
          %add3A_465 = vector.broadcast %mul3A_464 : i32 to vector<16xi32>
          %add3A_466 = arith.addi %iota3A, %add3A_465 : vector<16xi32>
          %sub3A_467 = arith.subf %get3A_462, %gather3A_283 : vector<16xf32>
          %abs3A = math.absf %sub3A_467 : vector<16xf32>
          %ge3A = arith.constant 1.000000e+00 : f32
          %ge3A_468 = vector.broadcast %ge3A : f32 to vector<16xf32>
          %ge3A_469 = arith.cmpf oge, %abs3A, %ge3A_468 : vector<16xf32>
          %jit3A_470 = arith.constant 1 : i32
          %jit3A_471 = arith.constant 0 : i32
          %broadcast_in_dim3A_472 = vector.broadcast %jit3A_470 : i32 to vector<16xi32>
          %broadcast_in_dim3A_473 = vector.broadcast %jit3A_471 : i32 to vector<16xi32>
          %select_n3A_474 = arith.select %ge3A_469, %broadcast_in_dim3A_472, %broadcast_in_dim3A_473 : vector<16xi1>, vector<16xi32>
          %broadcast_in_dim3A_475 = arith.constant true
          %broadcast_in_dim3A_476 = vector.broadcast %broadcast_in_dim3A_475 : i1 to vector<16xi1>
          %masked_cumsum3A = tpu.scan <sum>, %select_n3A_474 masked %broadcast_in_dim3A_476 : vector<16xi32>, vector<16xi1> -> vector<16xi32>
          %sub3A_477 = arith.constant 1 : i32
          %sub3A_478 = arith.subi %while3A_456, %sub3A_477 : i32
          %add3A_479 = vector.broadcast %sub3A_478 : i32 to vector<16xi32>
          %add3A_480 = arith.addi %masked_cumsum3A, %add3A_479 : vector<16xi32>
          %lt3A_481 = arith.constant 64 : i32
          %lt3A_482 = vector.broadcast %lt3A_481 : i32 to vector<16xi32>
          %lt3A_483 = arith.cmpi slt, %add3A_480, %lt3A_482 : vector<16xi32>
          %and3A_484 = arith.andi %ge3A_469, %lt3A_483 : vector<16xi1>
          tpu.vector_store_idx %arg12[%add3A_480], %add3A_466 masked %and3A_484 : memref<144xi32, #tpu.memory_space<vmem>>[vector<16xi32>], vector<16xi32>, vector<16xi1>
          %slice3A = vector.extract_strided_slice %masked_cumsum3A {offsets = [15], sizes = [1], strides = [1]} : vector<16xi32> to vector<1xi32>
          %squeeze3A = vector.extract %slice3A[0] : i32 from vector<1xi32>
          %add3A_485 = arith.constant 1 : i32
          %add3A_486 = arith.addi %while3A_455, %add3A_485 : i32
          %add3A_487 = arith.addi %while3A_456, %squeeze3A : i32
          scf.yield %add3A_486, %add3A_487 : i32, i32
        }
      } else {
      }
      %add3A_290 = arith.constant 0 : i32
      %add3A_291 = vector.broadcast %add3A_290 : i32 to vector<16xi32>
      %add3A_292 = arith.addi %iota3A, %add3A_291 : vector<16xi32>
      %get3A = arith.constant 0 : index
      %get3A_293 = tpu.vector_load %arg11[%get3A] {strides = array<i32>} : memref<144xi32, #tpu.memory_space<vmem>>, vector<16xi32>,
      %sub3A_294 = vector.broadcast %min3A_286 : i32 to vector<16xi32>
      %sub3A_295 = arith.subi %add3A_292, %sub3A_294 : vector<16xi32>
      %max3A = arith.constant 0 : i32
      %max3A_296 = vector.broadcast %max3A : i32 to vector<16xi32>
      %max3A_297 = arith.maxsi %sub3A_295, %max3A_296 : vector<16xi32>
      %gather3A_298 = tpu.vector_load_idx %arg12[%max3A_297] : memref<144xi32, #tpu.memory_space<vmem>>[vector<16xi32>], vector<16xi32>,
      %lt3A_299 = vector.broadcast %min3A_286 : i32 to vector<16xi32>
      %lt3A_300 = arith.cmpi slt, %add3A_292, %lt3A_299 : vector<16xi32>
      %select_n3A_301 = arith.select %lt3A_300, %get3A_293, %gather3A_298 : vector<16xi1>, vector<16xi32>
      %mul3A_302 = arith.constant 64 : i32
      %mul3A_303 = arith.muli %scan3A_275, %mul3A_302 : i32
      %add3A_304 = arith.constant 0 : i32
      %add3A_305 = arith.addi %mul3A_303, %add3A_304 : i32
      %gather3A_306 = tpu.vector_load_idx %arg9[%select_n3A_301] : memref<24576xf32, #tpu.memory_space<vmem>>[vector<16xi32>], vector<16xf32>,
      %sub3A_307 = arith.subf %gather3A_306, %gather3A : vector<16xf32>
      %swap3A = arith.index_cast %add3A_305 : i32 to index
      %swap3A_308 = tpu.vector_load %arg13[%swap3A] {strides = array<i32>} : memref<6144xf32, #tpu.memory_space<vmem>>, vector<16xf32>,
      tpu.vector_store %arg13[%swap3A], %sub3A_307 {strides = array<i32>} : memref<6144xf32, #tpu.memory_space<vmem>>, vector<16xf32>,
      %add3A_309 = arith.constant 8192 : i32
      %add3A_310 = vector.broadcast %add3A_309 : i32 to vector<16xi32>
      %add3A_311 = arith.addi %select_n3A_301, %add3A_310 : vector<16xi32>
      %gather3A_312 = tpu.vector_load_idx %arg9[%add3A_311] : memref<24576xf32, #tpu.memory_space<vmem>>[vector<16xi32>], vector<16xf32>,
      %sub3A_313 = arith.subf %gather3A_312, %gather3A_279 : vector<16xf32>
      %add3A_314 = arith.constant 1024 : i32
      %add3A_315 = arith.addi %add3A_314, %add3A_305 : i32
      %swap3A_316 = arith.index_cast %add3A_315 : i32 to index
      %swap3A_317 = tpu.vector_load %arg13[%swap3A_316] {strides = array<i32>} : memref<6144xf32, #tpu.memory_space<vmem>>, vector<16xf32>,
      tpu.vector_store %arg13[%swap3A_316], %sub3A_313 {strides = array<i32>} : memref<6144xf32, #tpu.memory_space<vmem>>, vector<16xf32>,
      %add3A_318 = arith.constant 16384 : i32
      %add3A_319 = vector.broadcast %add3A_318 : i32 to vector<16xi32>
      %add3A_320 = arith.addi %select_n3A_301, %add3A_319 : vector<16xi32>
      %gather3A_321 = tpu.vector_load_idx %arg9[%add3A_320] : memref<24576xf32, #tpu.memory_space<vmem>>[vector<16xi32>], vector<16xf32>,
      %sub3A_322 = arith.subf %gather3A_321, %gather3A_283 : vector<16xf32>
      %add3A_323 = arith.constant 2048 : i32
      %add3A_324 = arith.addi %add3A_323, %add3A_305 : i32
      %swap3A_325 = arith.index_cast %add3A_324 : i32 to index
      %swap3A_326 = tpu.vector_load %arg13[%swap3A_325] {strides = array<i32>} : memref<6144xf32, #tpu.memory_space<vmem>>, vector<16xf32>,
      tpu.vector_store %arg13[%swap3A_325], %sub3A_322 {strides = array<i32>} : memref<6144xf32, #tpu.memory_space<vmem>>, vector<16xf32>,
      %add3A_327 = arith.constant 16 : i32
      %add3A_328 = vector.broadcast %add3A_327 : i32 to vector<16xi32>
      %add3A_329 = arith.addi %iota3A, %add3A_328 : vector<16xi32>
      %get3A_330 = arith.constant 16 : index
      %get3A_331 = tpu.vector_load %arg11[%get3A_330] {strides = array<i32>} : memref<144xi32, #tpu.memory_space<vmem>>, vector<16xi32>,
      %sub3A_332 = vector.broadcast %min3A_286 : i32 to vector<16xi32>
      %sub3A_333 = arith.subi %add3A_329, %sub3A_332 : vector<16xi32>
      %max3A_334 = arith.constant 0 : i32
      %max3A_335 = vector.broadcast %max3A_334 : i32 to vector<16xi32>
      %max3A_336 = arith.maxsi %sub3A_333, %max3A_335 : vector<16xi32>
      %gather3A_337 = tpu.vector_load_idx %arg12[%max3A_336] : memref<144xi32, #tpu.memory_space<vmem>>[vector<16xi32>], vector<16xi32>,
      %lt3A_338 = vector.broadcast %min3A_286 : i32 to vector<16xi32>
      %lt3A_339 = arith.cmpi slt, %add3A_329, %lt3A_338 : vector<16xi32>
      %select_n3A_340 = arith.select %lt3A_339, %get3A_331, %gather3A_337 : vector<16xi1>, vector<16xi32>
      %mul3A_341 = arith.constant 64 : i32
      %mul3A_342 = arith.muli %scan3A_275, %mul3A_341 : i32
      %add3A_343 = arith.constant 16 : i32
      %add3A_344 = arith.addi %mul3A_342, %add3A_343 : i32
      %gather3A_345 = tpu.vector_load_idx %arg9[%select_n3A_340] : memref<24576xf32, #tpu.memory_space<vmem>>[vector<16xi32>], vector<16xf32>,
      %sub3A_346 = arith.subf %gather3A_345, %gather3A : vector<16xf32>
      %swap3A_347 = arith.index_cast %add3A_344 : i32 to index
      %swap3A_348 = tpu.vector_load %arg13[%swap3A_347] {strides = array<i32>} : memref<6144xf32, #tpu.memory_space<vmem>>, vector<16xf32>,
      tpu.vector_store %arg13[%swap3A_347], %sub3A_346 {strides = array<i32>} : memref<6144xf32, #tpu.memory_space<vmem>>, vector<16xf32>,
      %add3A_349 = arith.constant 8192 : i32
      %add3A_350 = vector.broadcast %add3A_349 : i32 to vector<16xi32>
      %add3A_351 = arith.addi %select_n3A_340, %add3A_350 : vector<16xi32>
      %gather3A_352 = tpu.vector_load_idx %arg9[%add3A_351] : memref<24576xf32, #tpu.memory_space<vmem>>[vector<16xi32>], vector<16xf32>,
      %sub3A_353 = arith.subf %gather3A_352, %gather3A_279 : vector<16xf32>
      %add3A_354 = arith.constant 1024 : i32
      %add3A_355 = arith.addi %add3A_354, %add3A_344 : i32
      %swap3A_356 = arith.index_cast %add3A_355 : i32 to index
      %swap3A_357 = tpu.vector_load %arg13[%swap3A_356] {strides = array<i32>} : memref<6144xf32, #tpu.memory_space<vmem>>, vector<16xf32>,
      tpu.vector_store %arg13[%swap3A_356], %sub3A_353 {strides = array<i32>} : memref<6144xf32, #tpu.memory_space<vmem>>, vector<16xf32>,
      %add3A_358 = arith.constant 16384 : i32
      %add3A_359 = vector.broadcast %add3A_358 : i32 to vector<16xi32>
      %add3A_360 = arith.addi %select_n3A_340, %add3A_359 : vector<16xi32>
      %gather3A_361 = tpu.vector_load_idx %arg9[%add3A_360] : memref<24576xf32, #tpu.memory_space<vmem>>[vector<16xi32>], vector<16xf32>,
      %sub3A_362 = arith.subf %gather3A_361, %gather3A_283 : vector<16xf32>
      %add3A_363 = arith.constant 2048 : i32
      %add3A_364 = arith.addi %add3A_363, %add3A_344 : i32
      %swap3A_365 = arith.index_cast %add3A_364 : i32 to index
      %swap3A_366 = tpu.vector_load %arg13[%swap3A_365] {strides = array<i32>} : memref<6144xf32, #tpu.memory_space<vmem>>, vector<16xf32>,
      tpu.vector_store %arg13[%swap3A_365], %sub3A_362 {strides = array<i32>} : memref<6144xf32, #tpu.memory_space<vmem>>, vector<16xf32>,
      %add3A_367 = arith.constant 32 : i32
      %add3A_368 = vector.broadcast %add3A_367 : i32 to vector<16xi32>
      %add3A_369 = arith.addi %iota3A, %add3A_368 : vector<16xi32>
      %get3A_370 = arith.constant 32 : index
      %get3A_371 = tpu.vector_load %arg11[%get3A_370] {strides = array<i32>} : memref<144xi32, #tpu.memory_space<vmem>>, vector<16xi32>,
      %sub3A_372 = vector.broadcast %min3A_286 : i32 to vector<16xi32>
      %sub3A_373 = arith.subi %add3A_369, %sub3A_372 : vector<16xi32>
      %max3A_374 = arith.constant 0 : i32
      %max3A_375 = vector.broadcast %max3A_374 : i32 to vector<16xi32>
      %max3A_376 = arith.maxsi %sub3A_373, %max3A_375 : vector<16xi32>
      %gather3A_377 = tpu.vector_load_idx %arg12[%max3A_376] : memref<144xi32, #tpu.memory_space<vmem>>[vector<16xi32>], vector<16xi32>,
      %lt3A_378 = vector.broadcast %min3A_286 : i32 to vector<16xi32>
      %lt3A_379 = arith.cmpi slt, %add3A_369, %lt3A_378 : vector<16xi32>
      %select_n3A_380 = arith.select %lt3A_379, %get3A_371, %gather3A_377 : vector<16xi1>, vector<16xi32>
      %mul3A_381 = arith.constant 64 : i32
      %mul3A_382 = arith.muli %scan3A_275, %mul3A_381 : i32
      %add3A_383 = arith.constant 32 : i32
      %add3A_384 = arith.addi %mul3A_382, %add3A_383 : i32
      %gather3A_385 = tpu.vector_load_idx %arg9[%select_n3A_380] : memref<24576xf32, #tpu.memory_space<vmem>>[vector<16xi32>], vector<16xf32>,
      %sub3A_386 = arith.subf %gather3A_385, %gather3A : vector<16xf32>
      %swap3A_387 = arith.index_cast %add3A_384 : i32 to index
      %swap3A_388 = tpu.vector_load %arg13[%swap3A_387] {strides = array<i32>} : memref<6144xf32, #tpu.memory_space<vmem>>, vector<16xf32>,
      tpu.vector_store %arg13[%swap3A_387], %sub3A_386 {strides = array<i32>} : memref<6144xf32, #tpu.memory_space<vmem>>, vector<16xf32>,
      %add3A_389 = arith.constant 8192 : i32
      %add3A_390 = vector.broadcast %add3A_389 : i32 to vector<16xi32>
      %add3A_391 = arith.addi %select_n3A_380, %add3A_390 : vector<16xi32>
      %gather3A_392 = tpu.vector_load_idx %arg9[%add3A_391] : memref<24576xf32, #tpu.memory_space<vmem>>[vector<16xi32>], vector<16xf32>,
      %sub3A_393 = arith.subf %gather3A_392, %gather3A_279 : vector<16xf32>
      %add3A_394 = arith.constant 1024 : i32
      %add3A_395 = arith.addi %add3A_394, %add3A_384 : i32
      %swap3A_396 = arith.index_cast %add3A_395 : i32 to index
      %swap3A_397 = tpu.vector_load %arg13[%swap3A_396] {strides = array<i32>} : memref<6144xf32, #tpu.memory_space<vmem>>, vector<16xf32>,
      tpu.vector_store %arg13[%swap3A_396], %sub3A_393 {strides = array<i32>} : memref<6144xf32, #tpu.memory_space<vmem>>, vector<16xf32>,
      %add3A_398 = arith.constant 16384 : i32
      %add3A_399 = vector.broadcast %add3A_398 : i32 to vector<16xi32>
      %add3A_400 = arith.addi %select_n3A_380, %add3A_399 : vector<16xi32>
      %gather3A_401 = tpu.vector_load_idx %arg9[%add3A_400] : memref<24576xf32, #tpu.memory_space<vmem>>[vector<16xi32>], vector<16xf32>,
      %sub3A_402 = arith.subf %gather3A_401, %gather3A_283 : vector<16xf32>
      %add3A_403 = arith.constant 2048 : i32
      %add3A_404 = arith.addi %add3A_403, %add3A_384 : i32
      %swap3A_405 = arith.index_cast %add3A_404 : i32 to index
      %swap3A_406 = tpu.vector_load %arg13[%swap3A_405] {strides = array<i32>} : memref<6144xf32, #tpu.memory_space<vmem>>, vector<16xf32>,
      tpu.vector_store %arg13[%swap3A_405], %sub3A_402 {strides = array<i32>} : memref<6144xf32, #tpu.memory_space<vmem>>, vector<16xf32>,
      %add3A_407 = arith.constant 48 : i32
      %add3A_408 = vector.broadcast %add3A_407 : i32 to vector<16xi32>
      %add3A_409 = arith.addi %iota3A, %add3A_408 : vector<16xi32>
      %get3A_410 = arith.constant 48 : index
      %get3A_411 = tpu.vector_load %arg11[%get3A_410] {strides = array<i32>} : memref<144xi32, #tpu.memory_space<vmem>>, vector<16xi32>,
      %sub3A_412 = vector.broadcast %min3A_286 : i32 to vector<16xi32>
      %sub3A_413 = arith.subi %add3A_409, %sub3A_412 : vector<16xi32>
      %max3A_414 = arith.constant 0 : i32
      %max3A_415 = vector.broadcast %max3A_414 : i32 to vector<16xi32>
      %max3A_416 = arith.maxsi %sub3A_413, %max3A_415 : vector<16xi32>
      %gather3A_417 = tpu.vector_load_idx %arg12[%max3A_416] : memref<144xi32, #tpu.memory_space<vmem>>[vector<16xi32>], vector<16xi32>,
      %lt3A_418 = vector.broadcast %min3A_286 : i32 to vector<16xi32>
      %lt3A_419 = arith.cmpi slt, %add3A_409, %lt3A_418 : vector<16xi32>
      %select_n3A_420 = arith.select %lt3A_419, %get3A_411, %gather3A_417 : vector<16xi1>, vector<16xi32>
      %mul3A_421 = arith.constant 64 : i32
      %mul3A_422 = arith.muli %scan3A_275, %mul3A_421 : i32
      %add3A_423 = arith.constant 48 : i32
      %add3A_424 = arith.addi %mul3A_422, %add3A_423 : i32
      %gather3A_425 = tpu.vector_load_idx %arg9[%select_n3A_420] : memref<24576xf32, #tpu.memory_space<vmem>>[vector<16xi32>], vector<16xf32>,
      %sub3A_426 = arith.subf %gather3A_425, %gather3A : vector<16xf32>
      %swap3A_427 = arith.index_cast %add3A_424 : i32 to index
      %swap3A_428 = tpu.vector_load %arg13[%swap3A_427] {strides = array<i32>} : memref<6144xf32, #tpu.memory_space<vmem>>, vector<16xf32>,
      tpu.vector_store %arg13[%swap3A_427], %sub3A_426 {strides = array<i32>} : memref<6144xf32, #tpu.memory_space<vmem>>, vector<16xf32>,
      %add3A_429 = arith.constant 8192 : i32
      %add3A_430 = vector.broadcast %add3A_429 : i32 to vector<16xi32>
      %add3A_431 = arith.addi %select_n3A_420, %add3A_430 : vector<16xi32>
      %gather3A_432 = tpu.vector_load_idx %arg9[%add3A_431] : memref<24576xf32, #tpu.memory_space<vmem>>[vector<16xi32>], vector<16xf32>,
      %sub3A_433 = arith.subf %gather3A_432, %gather3A_279 : vector<16xf32>
      %add3A_434 = arith.constant 1024 : i32
      %add3A_435 = arith.addi %add3A_434, %add3A_424 : i32
      %swap3A_436 = arith.index_cast %add3A_435 : i32 to index
      %swap3A_437 = tpu.vector_load %arg13[%swap3A_436] {strides = array<i32>} : memref<6144xf32, #tpu.memory_space<vmem>>, vector<16xf32>,
      tpu.vector_store %arg13[%swap3A_436], %sub3A_433 {strides = array<i32>} : memref<6144xf32, #tpu.memory_space<vmem>>, vector<16xf32>,
      %add3A_438 = arith.constant 16384 : i32
      %add3A_439 = vector.broadcast %add3A_438 : i32 to vector<16xi32>
      %add3A_440 = arith.addi %select_n3A_420, %add3A_439 : vector<16xi32>
      %gather3A_441 = tpu.vector_load_idx %arg9[%add3A_440] : memref<24576xf32, #tpu.memory_space<vmem>>[vector<16xi32>], vector<16xf32>,
      %sub3A_442 = arith.subf %gather3A_441, %gather3A_283 : vector<16xf32>
      %add3A_443 = arith.constant 2048 : i32
      %add3A_444 = arith.addi %add3A_443, %add3A_424 : i32
      %swap3A_445 = arith.index_cast %add3A_444 : i32 to index
      %swap3A_446 = tpu.vector_load %arg13[%swap3A_445] {strides = array<i32>} : memref<6144xf32, #tpu.memory_space<vmem>>, vector<16xf32>,
      tpu.vector_store %arg13[%swap3A_445], %sub3A_442 {strides = array<i32>} : memref<6144xf32, #tpu.memory_space<vmem>>, vector<16xf32>,
      %gt3A = arith.constant 0 : i32
      %gt3A_447 = arith.cmpi sgt, %while3A_285#1, %gt3A : i32
      %jit3A_448 = arith.constant 1.000000e+00 : f32
      %jit3A_449 = arith.constant 0.000000e+00 : f32
      %select_n3A_450 = arith.select %gt3A_447, %jit3A_448, %jit3A_449 : f32
      %broadcast_in_dim3A_451 = vector.broadcast %select_n3A_450 : f32 to vector<16xf32>
      tpu.vector_store_idx %arg14[%broadcast_in_dim3A], %broadcast_in_dim3A_451 masked %eq3A_35 : memref<16xf32, #tpu.memory_space<vmem>>[vector<16xi32>], vector<16xf32>, vector<16xi1>
    }
    %scan3A_183 = arith.constant 16 : i32
    %mul3A_184 = arith.constant 3 : i32
    %mul3A_185 = arith.muli %select_n3A, %mul3A_184 : i32
    %add3A_186 = arith.constant 0 : i32
    %add3A_187 = arith.addi %mul3A_185, %add3A_186 : i32
    %mul3A_188 = arith.constant 128 : i32
    %mul3A_189 = arith.muli %add3A_187, %mul3A_188 : i32
    %add3A_190 = arith.addi %mul3A_189, %mul3A_32 : i32
    %mul3A_191 = arith.constant 64 : i32
    %mul3A_192 = arith.muli %add3A_190, %mul3A_191 : i32
    "tpu.region"() ({
      %run_scoped3A = tpu.sem_alloc : memref<!tpu.dma_semaphore, #tpu.memory_space<semaphore_mem>>
      %dma_start3A = arith.constant 0 : i32
      %dma_start3A_275 = tpu.memref_slice %arg13[%dma_start3A] : memref<6144xf32, #tpu.memory_space<vmem>> -> memref<1024xf32, #tpu.memory_space<vmem>>
      %dma_start3A_276 = tpu.memref_slice %arg6[%mul3A_192] : memref<98304xf32, #tpu.memory_space<hbm>> -> memref<1024xf32, #tpu.memory_space<hbm>>
      %dma_start3A_277 = tpu.memref_slice %arg6[%mul3A_192] : memref<98304xf32, #tpu.memory_space<hbm>> -> memref<1024xf32, #tpu.memory_space<hbm>>
      %dma_start3A_278 = arith.constant 0 : i32
      %dma_start3A_279 = tpu.memref_slice %arg13[%dma_start3A_278] : memref<6144xf32, #tpu.memory_space<vmem>> -> memref<1024xf32, #tpu.memory_space<vmem>>
      tpu.enqueue_dma source(%dma_start3A_279 : memref<1024xf32, #tpu.memory_space<vmem>>) target(%dma_start3A_277 : memref<1024xf32, #tpu.memory_space<hbm>>) target_semaphore(%run_scoped3A : memref<!tpu.dma_semaphore, #tpu.memory_space<semaphore_mem>>)
      %dma_wait3A = arith.constant 0 : i32
      %dma_wait3A_280 = tpu.memref_slice %arg13[%dma_wait3A] : memref<6144xf32, #tpu.memory_space<vmem>> -> memref<1024xf32, #tpu.memory_space<vmem>>
      %dma_wait3A_281 = tpu.memref_slice %arg6[%mul3A_192] : memref<98304xf32, #tpu.memory_space<hbm>> -> memref<1024xf32, #tpu.memory_space<hbm>>
      %dma_wait3A_282 = tpu.memref_slice %arg6[%mul3A_192] : memref<98304xf32, #tpu.memory_space<hbm>> -> memref<1024xf32, #tpu.memory_space<hbm>>
      %dma_wait3A_283 = arith.constant 0 : i32
      %dma_wait3A_284 = tpu.memref_slice %arg13[%dma_wait3A_283] : memref<6144xf32, #tpu.memory_space<vmem>> -> memref<1024xf32, #tpu.memory_space<vmem>>
      tpu.wait_dma2 semaphore(%run_scoped3A : memref<!tpu.dma_semaphore, #tpu.memory_space<semaphore_mem>>) src(%dma_wait3A_284 : memref<1024xf32, #tpu.memory_space<vmem>>) dst(%dma_wait3A_282 : memref<1024xf32, #tpu.memory_space<hbm>>)
      tpu.yield
    }) : () -> ()
    %mul3A_193 = arith.constant 3 : i32
    %mul3A_194 = arith.muli %select_n3A, %mul3A_193 : i32
    %add3A_195 = arith.constant 1 : i32
    %add3A_196 = arith.addi %mul3A_194, %add3A_195 : i32
    %mul3A_197 = arith.constant 128 : i32
    %mul3A_198 = arith.muli %add3A_196, %mul3A_197 : i32
    %add3A_199 = arith.addi %mul3A_198, %mul3A_32 : i32
    %mul3A_200 = arith.constant 64 : i32
    %mul3A_201 = arith.muli %add3A_199, %mul3A_200 : i32
    "tpu.region"() ({
      %run_scoped3A = tpu.sem_alloc : memref<!tpu.dma_semaphore, #tpu.memory_space<semaphore_mem>>
      %dma_start3A = arith.constant 1024 : i32
      %dma_start3A_275 = tpu.memref_slice %arg13[%dma_start3A] : memref<6144xf32, #tpu.memory_space<vmem>> -> memref<1024xf32, #tpu.memory_space<vmem>>
      %dma_start3A_276 = tpu.memref_slice %arg6[%mul3A_201] : memref<98304xf32, #tpu.memory_space<hbm>> -> memref<1024xf32, #tpu.memory_space<hbm>>
      %dma_start3A_277 = tpu.memref_slice %arg6[%mul3A_201] : memref<98304xf32, #tpu.memory_space<hbm>> -> memref<1024xf32, #tpu.memory_space<hbm>>
      %dma_start3A_278 = arith.constant 1024 : i32
      %dma_start3A_279 = tpu.memref_slice %arg13[%dma_start3A_278] : memref<6144xf32, #tpu.memory_space<vmem>> -> memref<1024xf32, #tpu.memory_space<vmem>>
      tpu.enqueue_dma source(%dma_start3A_279 : memref<1024xf32, #tpu.memory_space<vmem>>) target(%dma_start3A_277 : memref<1024xf32, #tpu.memory_space<hbm>>) target_semaphore(%run_scoped3A : memref<!tpu.dma_semaphore, #tpu.memory_space<semaphore_mem>>)
      %dma_wait3A = arith.constant 1024 : i32
      %dma_wait3A_280 = tpu.memref_slice %arg13[%dma_wait3A] : memref<6144xf32, #tpu.memory_space<vmem>> -> memref<1024xf32, #tpu.memory_space<vmem>>
      %dma_wait3A_281 = tpu.memref_slice %arg6[%mul3A_201] : memref<98304xf32, #tpu.memory_space<hbm>> -> memref<1024xf32, #tpu.memory_space<hbm>>
      %dma_wait3A_282 = tpu.memref_slice %arg6[%mul3A_201] : memref<98304xf32, #tpu.memory_space<hbm>> -> memref<1024xf32, #tpu.memory_space<hbm>>
      %dma_wait3A_283 = arith.constant 1024 : i32
      %dma_wait3A_284 = tpu.memref_slice %arg13[%dma_wait3A_283] : memref<6144xf32, #tpu.memory_space<vmem>> -> memref<1024xf32, #tpu.memory_space<vmem>>
      tpu.wait_dma2 semaphore(%run_scoped3A : memref<!tpu.dma_semaphore, #tpu.memory_space<semaphore_mem>>) src(%dma_wait3A_284 : memref<1024xf32, #tpu.memory_space<vmem>>) dst(%dma_wait3A_282 : memref<1024xf32, #tpu.memory_space<hbm>>)
      tpu.yield
    }) : () -> ()
    %mul3A_202 = arith.constant 3 : i32
    %mul3A_203 = arith.muli %select_n3A, %mul3A_202 : i32
    %add3A_204 = arith.constant 2 : i32
    %add3A_205 = arith.addi %mul3A_203, %add3A_204 : i32
    %mul3A_206 = arith.constant 128 : i32
    %mul3A_207 = arith.muli %add3A_205, %mul3A_206 : i32
    %add3A_208 = arith.addi %mul3A_207, %mul3A_32 : i32
    %mul3A_209 = arith.constant 64 : i32
    %mul3A_210 = arith.muli %add3A_208, %mul3A_209 : i32
    "tpu.region"() ({
      %run_scoped3A = tpu.sem_alloc : memref<!tpu.dma_semaphore, #tpu.memory_space<semaphore_mem>>
      %dma_start3A = arith.constant 2048 : i32
      %dma_start3A_275 = tpu.memref_slice %arg13[%dma_start3A] : memref<6144xf32, #tpu.memory_space<vmem>> -> memref<1024xf32, #tpu.memory_space<vmem>>
      %dma_start3A_276 = tpu.memref_slice %arg6[%mul3A_210] : memref<98304xf32, #tpu.memory_space<hbm>> -> memref<1024xf32, #tpu.memory_space<hbm>>
      %dma_start3A_277 = tpu.memref_slice %arg6[%mul3A_210] : memref<98304xf32, #tpu.memory_space<hbm>> -> memref<1024xf32, #tpu.memory_space<hbm>>
      %dma_start3A_278 = arith.constant 2048 : i32
      %dma_start3A_279 = tpu.memref_slice %arg13[%dma_start3A_278] : memref<6144xf32, #tpu.memory_space<vmem>> -> memref<1024xf32, #tpu.memory_space<vmem>>
      tpu.enqueue_dma source(%dma_start3A_279 : memref<1024xf32, #tpu.memory_space<vmem>>) target(%dma_start3A_277 : memref<1024xf32, #tpu.memory_space<hbm>>) target_semaphore(%run_scoped3A : memref<!tpu.dma_semaphore, #tpu.memory_space<semaphore_mem>>)
      %dma_wait3A = arith.constant 2048 : i32
      %dma_wait3A_280 = tpu.memref_slice %arg13[%dma_wait3A] : memref<6144xf32, #tpu.memory_space<vmem>> -> memref<1024xf32, #tpu.memory_space<vmem>>
      %dma_wait3A_281 = tpu.memref_slice %arg6[%mul3A_210] : memref<98304xf32, #tpu.memory_space<hbm>> -> memref<1024xf32, #tpu.memory_space<hbm>>
      %dma_wait3A_282 = tpu.memref_slice %arg6[%mul3A_210] : memref<98304xf32, #tpu.memory_space<hbm>> -> memref<1024xf32, #tpu.memory_space<hbm>>
      %dma_wait3A_283 = arith.constant 2048 : i32
      %dma_wait3A_284 = tpu.memref_slice %arg13[%dma_wait3A_283] : memref<6144xf32, #tpu.memory_space<vmem>> -> memref<1024xf32, #tpu.memory_space<vmem>>
      tpu.wait_dma2 semaphore(%run_scoped3A : memref<!tpu.dma_semaphore, #tpu.memory_space<semaphore_mem>>) src(%dma_wait3A_284 : memref<1024xf32, #tpu.memory_space<vmem>>) dst(%dma_wait3A_282 : memref<1024xf32, #tpu.memory_space<hbm>>)
      tpu.yield
    }) : () -> ()
    %mul3A_211 = arith.constant 128 : i32
    %mul3A_212 = arith.muli %select_n3A, %mul3A_211 : i32
    %add3A_213 = arith.constant 1024 : i32
    %add3A_214 = arith.addi %add3A_213, %mul3A_212 : i32
    %add3A_215 = arith.addi %add3A_214, %mul3A_32 : i32
    "tpu.region"() ({
      %run_scoped3A = tpu.sem_alloc : memref<!tpu.dma_semaphore, #tpu.memory_space<semaphore_mem>>
      %dma_start3A = tpu.memref_slice %arg8[%add3A_215] : memref<2048xf32, #tpu.memory_space<hbm>> -> memref<16xf32, #tpu.memory_space<hbm>>
      %dma_start3A_275 = tpu.memref_slice %arg8[%add3A_215] : memref<2048xf32, #tpu.memory_space<hbm>> -> memref<16xf32, #tpu.memory_space<hbm>>
      tpu.enqueue_dma source(%arg14 : memref<16xf32, #tpu.memory_space<vmem>>) target(%dma_start3A_275 : memref<16xf32, #tpu.memory_space<hbm>>) target_semaphore(%run_scoped3A : memref<!tpu.dma_semaphore, #tpu.memory_space<semaphore_mem>>)
      %dma_wait3A = tpu.memref_slice %arg8[%add3A_215] : memref<2048xf32, #tpu.memory_space<hbm>> -> memref<16xf32, #tpu.memory_space<hbm>>
      %dma_wait3A_276 = tpu.memref_slice %arg8[%add3A_215] : memref<2048xf32, #tpu.memory_space<hbm>> -> memref<16xf32, #tpu.memory_space<hbm>>
      tpu.wait_dma2 semaphore(%run_scoped3A : memref<!tpu.dma_semaphore, #tpu.memory_space<semaphore_mem>>) src(%arg14 : memref<16xf32, #tpu.memory_space<vmem>>) dst(%dma_wait3A_276 : memref<16xf32, #tpu.memory_space<hbm>>)
      tpu.yield
    }) : () -> ()
    %mul3A_216 = arith.constant 3 : i32
    %mul3A_217 = arith.muli %select_n3A, %mul3A_216 : i32
    %mul3A_218 = arith.constant 128 : i32
    %mul3A_219 = arith.muli %mul3A_217, %mul3A_218 : i32
    %add3A_220 = arith.constant 4608 : i32
    %add3A_221 = arith.addi %add3A_220, %mul3A_219 : i32
    %add3A_222 = arith.addi %add3A_221, %mul3A_32 : i32
    "tpu.region"() ({
      %run_scoped3A = tpu.sem_alloc : memref<!tpu.dma_semaphore, #tpu.memory_space<semaphore_mem>>
      %dma_start3A = arith.constant 0 : i32
      %dma_start3A_275 = tpu.memref_slice %arg10[%dma_start3A] : memref<48xf32, #tpu.memory_space<vmem>> -> memref<16xf32, #tpu.memory_space<vmem>>
      %dma_start3A_276 = tpu.memref_slice %arg3[%add3A_222] : memref<6144xf32, #tpu.memory_space<hbm>> -> memref<16xf32, #tpu.memory_space<hbm>>
      %dma_start3A_277 = arith.constant 0 : i32
      %dma_start3A_278 = tpu.memref_slice %arg10[%dma_start3A_277] : memref<48xf32, #tpu.memory_space<vmem>> -> memref<16xf32, #tpu.memory_space<vmem>>
      %dma_start3A_279 = tpu.memref_slice %arg3[%add3A_222] : memref<6144xf32, #tpu.memory_space<hbm>> -> memref<16xf32, #tpu.memory_space<hbm>>
      tpu.enqueue_dma source(%dma_start3A_279 : memref<16xf32, #tpu.memory_space<hbm>>) target(%dma_start3A_278 : memref<16xf32, #tpu.memory_space<vmem>>) target_semaphore(%run_scoped3A : memref<!tpu.dma_semaphore, #tpu.memory_space<semaphore_mem>>)
      %dma_wait3A = arith.constant 0 : i32
      %dma_wait3A_280 = tpu.memref_slice %arg10[%dma_wait3A] : memref<48xf32, #tpu.memory_space<vmem>> -> memref<16xf32, #tpu.memory_space<vmem>>
      %dma_wait3A_281 = tpu.memref_slice %arg3[%add3A_222] : memref<6144xf32, #tpu.memory_space<hbm>> -> memref<16xf32, #tpu.memory_space<hbm>>
      %dma_wait3A_282 = arith.constant 0 : i32
      %dma_wait3A_283 = tpu.memref_slice %arg10[%dma_wait3A_282] : memref<48xf32, #tpu.memory_space<vmem>> -> memref<16xf32, #tpu.memory_space<vmem>>
      %dma_wait3A_284 = tpu.memref_slice %arg3[%add3A_222] : memref<6144xf32, #tpu.memory_space<hbm>> -> memref<16xf32, #tpu.memory_space<hbm>>
      tpu.wait_dma2 semaphore(%run_scoped3A : memref<!tpu.dma_semaphore, #tpu.memory_space<semaphore_mem>>) src(%dma_wait3A_284 : memref<16xf32, #tpu.memory_space<hbm>>) dst(%dma_wait3A_283 : memref<16xf32, #tpu.memory_space<vmem>>)
      tpu.yield
    }) : () -> ()
    %mul3A_223 = arith.constant 3 : i32
    %mul3A_224 = arith.muli %select_n3A, %mul3A_223 : i32
    %mul3A_225 = arith.constant 128 : i32
    %mul3A_226 = arith.muli %mul3A_224, %mul3A_225 : i32
    %add3A_227 = arith.constant 4736 : i32
    %add3A_228 = arith.addi %add3A_227, %mul3A_226 : i32
    %add3A_229 = arith.addi %add3A_228, %mul3A_32 : i32
    "tpu.region"() ({
      %run_scoped3A = tpu.sem_alloc : memref<!tpu.dma_semaphore, #tpu.memory_space<semaphore_mem>>
      %dma_start3A = arith.constant 16 : i32
      %dma_start3A_275 = tpu.memref_slice %arg10[%dma_start3A] : memref<48xf32, #tpu.memory_space<vmem>> -> memref<16xf32, #tpu.memory_space<vmem>>
      %dma_start3A_276 = tpu.memref_slice %arg3[%add3A_229] : memref<6144xf32, #tpu.memory_space<hbm>> -> memref<16xf32, #tpu.memory_space<hbm>>
      %dma_start3A_277 = arith.constant 16 : i32
      %dma_start3A_278 = tpu.memref_slice %arg10[%dma_start3A_277] : memref<48xf32, #tpu.memory_space<vmem>> -> memref<16xf32, #tpu.memory_space<vmem>>
      %dma_start3A_279 = tpu.memref_slice %arg3[%add3A_229] : memref<6144xf32, #tpu.memory_space<hbm>> -> memref<16xf32, #tpu.memory_space<hbm>>
      tpu.enqueue_dma source(%dma_start3A_279 : memref<16xf32, #tpu.memory_space<hbm>>) target(%dma_start3A_278 : memref<16xf32, #tpu.memory_space<vmem>>) target_semaphore(%run_scoped3A : memref<!tpu.dma_semaphore, #tpu.memory_space<semaphore_mem>>)
      %dma_wait3A = arith.constant 16 : i32
      %dma_wait3A_280 = tpu.memref_slice %arg10[%dma_wait3A] : memref<48xf32, #tpu.memory_space<vmem>> -> memref<16xf32, #tpu.memory_space<vmem>>
      %dma_wait3A_281 = tpu.memref_slice %arg3[%add3A_229] : memref<6144xf32, #tpu.memory_space<hbm>> -> memref<16xf32, #tpu.memory_space<hbm>>
      %dma_wait3A_282 = arith.constant 16 : i32
      %dma_wait3A_283 = tpu.memref_slice %arg10[%dma_wait3A_282] : memref<48xf32, #tpu.memory_space<vmem>> -> memref<16xf32, #tpu.memory_space<vmem>>
      %dma_wait3A_284 = tpu.memref_slice %arg3[%add3A_229] : memref<6144xf32, #tpu.memory_space<hbm>> -> memref<16xf32, #tpu.memory_space<hbm>>
      tpu.wait_dma2 semaphore(%run_scoped3A : memref<!tpu.dma_semaphore, #tpu.memory_space<semaphore_mem>>) src(%dma_wait3A_284 : memref<16xf32, #tpu.memory_space<hbm>>) dst(%dma_wait3A_283 : memref<16xf32, #tpu.memory_space<vmem>>)
      tpu.yield
    }) : () -> ()
    %mul3A_230 = arith.constant 3 : i32
    %mul3A_231 = arith.muli %select_n3A, %mul3A_230 : i32
    %mul3A_232 = arith.constant 128 : i32
    %mul3A_233 = arith.muli %mul3A_231, %mul3A_232 : i32
    %add3A_234 = arith.constant 4864 : i32
    %add3A_235 = arith.addi %add3A_234, %mul3A_233 : i32
    %add3A_236 = arith.addi %add3A_235, %mul3A_32 : i32
    "tpu.region"() ({
      %run_scoped3A = tpu.sem_alloc : memref<!tpu.dma_semaphore, #tpu.memory_space<semaphore_mem>>
      %dma_start3A = arith.constant 32 : i32
      %dma_start3A_275 = tpu.memref_slice %arg10[%dma_start3A] : memref<48xf32, #tpu.memory_space<vmem>> -> memref<16xf32, #tpu.memory_space<vmem>>
      %dma_start3A_276 = tpu.memref_slice %arg3[%add3A_236] : memref<6144xf32, #tpu.memory_space<hbm>> -> memref<16xf32, #tpu.memory_space<hbm>>
      %dma_start3A_277 = arith.constant 32 : i32
      %dma_start3A_278 = tpu.memref_slice %arg10[%dma_start3A_277] : memref<48xf32, #tpu.memory_space<vmem>> -> memref<16xf32, #tpu.memory_space<vmem>>
      %dma_start3A_279 = tpu.memref_slice %arg3[%add3A_236] : memref<6144xf32, #tpu.memory_space<hbm>> -> memref<16xf32, #tpu.memory_space<hbm>>
      tpu.enqueue_dma source(%dma_start3A_279 : memref<16xf32, #tpu.memory_space<hbm>>) target(%dma_start3A_278 : memref<16xf32, #tpu.memory_space<vmem>>) target_semaphore(%run_scoped3A : memref<!tpu.dma_semaphore, #tpu.memory_space<semaphore_mem>>)
      %dma_wait3A = arith.constant 32 : i32
      %dma_wait3A_280 = tpu.memref_slice %arg10[%dma_wait3A] : memref<48xf32, #tpu.memory_space<vmem>> -> memref<16xf32, #tpu.memory_space<vmem>>
      %dma_wait3A_281 = tpu.memref_slice %arg3[%add3A_236] : memref<6144xf32, #tpu.memory_space<hbm>> -> memref<16xf32, #tpu.memory_space<hbm>>
      %dma_wait3A_282 = arith.constant 32 : i32
      %dma_wait3A_283 = tpu.memref_slice %arg10[%dma_wait3A_282] : memref<48xf32, #tpu.memory_space<vmem>> -> memref<16xf32, #tpu.memory_space<vmem>>
      %dma_wait3A_284 = tpu.memref_slice %arg3[%add3A_236] : memref<6144xf32, #tpu.memory_space<hbm>> -> memref<16xf32, #tpu.memory_space<hbm>>
      tpu.wait_dma2 semaphore(%run_scoped3A : memref<!tpu.dma_semaphore, #tpu.memory_space<semaphore_mem>>) src(%dma_wait3A_284 : memref<16xf32, #tpu.memory_space<hbm>>) dst(%dma_wait3A_283 : memref<16xf32, #tpu.memory_space<vmem>>)
      tpu.yield
    }) : () -> ()
    %scan3A_237 = arith.constant 0 : i32
    %scan3A_238 = arith.constant 0 : i32
    %scan3A_239 = arith.constant 16 : i32
    %scan3A_240 = arith.addi %scan3A_238, %scan3A_239 : i32
    %scan3A_241 = arith.constant 1 : i32
    scf.for %scan3A_275 = %scan3A_238 to %scan3A_240 step %scan3A_241  : i32 {
      %broadcast_in_dim3A = vector.broadcast %scan3A_275 : i32 to vector<16xi32>
      %gather3A = tpu.vector_load_idx %arg10[%broadcast_in_dim3A] : memref<48xf32, #tpu.memory_space<vmem>>[vector<16xi32>], vector<16xf32>,
      %add3A_276 = arith.constant 16 : i32
      %add3A_277 = vector.broadcast %add3A_276 : i32 to vector<16xi32>
      %add3A_278 = arith.addi %broadcast_in_dim3A, %add3A_277 : vector<16xi32>
      %gather3A_279 = tpu.vector_load_idx %arg10[%add3A_278] : memref<48xf32, #tpu.memory_space<vmem>>[vector<16xi32>], vector<16xf32>,
      %add3A_280 = arith.constant 32 : i32
      %add3A_281 = vector.broadcast %add3A_280 : i32 to vector<16xi32>
      %add3A_282 = arith.addi %broadcast_in_dim3A, %add3A_281 : vector<16xi32>
      %gather3A_283 = tpu.vector_load_idx %arg10[%add3A_282] : memref<48xf32, #tpu.memory_space<vmem>>[vector<16xi32>], vector<16xf32>,
      %while3A = arith.constant 0 : i32
      %while3A_284 = arith.constant 0 : i32
      %while3A_285:2 = scf.while (%while3A_612 = %while3A, %while3A_613 = %while3A_284) : (i32, i32) -> (i32, i32) {
        %lt3A_614 = arith.constant 128 : i32
        %lt3A_615 = arith.cmpi slt, %while3A_612, %lt3A_614 : i32
        %lt3A_616 = arith.constant 128 : i32
        %lt3A_617 = arith.cmpi slt, %while3A_613, %lt3A_616 : i32
        %and3A_618 = arith.andi %lt3A_615, %lt3A_617 : i1
        scf.condition(%and3A_618) %while3A_612, %while3A_613 : i32, i32
      } do {
      ^bb0(%while3A_612: i32, %while3A_613: i32):
        %mul3A_614 = arith.constant 64 : i32
        %mul3A_615 = arith.muli %while3A_612, %mul3A_614 : i32
        %add3A_616 = arith.constant 16384 : i32
        %add3A_617 = arith.addi %add3A_616, %mul3A_615 : i32
        %add3A_618 = arith.constant 0 : i32
        %add3A_619 = arith.addi %add3A_617, %add3A_618 : i32
        %get3A_620 = arith.index_cast %add3A_619 : i32 to index
        %get3A_621 = tpu.vector_load %arg9[%get3A_620] {strides = array<i32>} : memref<24576xf32, #tpu.memory_space<vmem>>, vector<16xf32>,
        %sub3A_622 = arith.subf %get3A_621, %gather3A_283 : vector<16xf32>
        %abs3A = math.absf %sub3A_622 : vector<16xf32>
        %lt3A_623 = arith.constant 2.000000e+00 : f32
        %lt3A_624 = vector.broadcast %lt3A_623 : f32 to vector<16xf32>
        %lt3A_625 = arith.cmpf olt, %abs3A, %lt3A_624 : vector<16xf32>
        %jit3A_626 = arith.constant 1 : i32
        %jit3A_627 = arith.constant 0 : i32
        %broadcast_in_dim3A_628 = vector.broadcast %jit3A_626 : i32 to vector<16xi32>
        %broadcast_in_dim3A_629 = vector.broadcast %jit3A_627 : i32 to vector<16xi32>
        %select_n3A_630 = arith.select %lt3A_625, %broadcast_in_dim3A_628, %broadcast_in_dim3A_629 : vector<16xi1>, vector<16xi32>
        %broadcast_in_dim3A_631 = arith.constant true
        %broadcast_in_dim3A_632 = vector.broadcast %broadcast_in_dim3A_631 : i1 to vector<16xi1>
        %masked_cumsum3A = tpu.scan <sum>, %select_n3A_630 masked %broadcast_in_dim3A_632 : vector<16xi32>, vector<16xi1> -> vector<16xi32>
        %add3A_633 = arith.constant 16384 : i32
        %add3A_634 = arith.addi %add3A_633, %mul3A_615 : i32
        %add3A_635 = arith.constant 16 : i32
        %add3A_636 = arith.addi %add3A_634, %add3A_635 : i32
        %get3A_637 = arith.index_cast %add3A_636 : i32 to index
        %get3A_638 = tpu.vector_load %arg9[%get3A_637] {strides = array<i32>} : memref<24576xf32, #tpu.memory_space<vmem>>, vector<16xf32>,
        %sub3A_639 = arith.subf %get3A_638, %gather3A_283 : vector<16xf32>
        %abs3A_640 = math.absf %sub3A_639 : vector<16xf32>
        %lt3A_641 = arith.constant 2.000000e+00 : f32
        %lt3A_642 = vector.broadcast %lt3A_641 : f32 to vector<16xf32>
        %lt3A_643 = arith.cmpf olt, %abs3A_640, %lt3A_642 : vector<16xf32>
        %jit3A_644 = arith.constant 1 : i32
        %jit3A_645 = arith.constant 0 : i32
        %broadcast_in_dim3A_646 = vector.broadcast %jit3A_644 : i32 to vector<16xi32>
        %broadcast_in_dim3A_647 = vector.broadcast %jit3A_645 : i32 to vector<16xi32>
        %select_n3A_648 = arith.select %lt3A_643, %broadcast_in_dim3A_646, %broadcast_in_dim3A_647 : vector<16xi1>, vector<16xi32>
        %broadcast_in_dim3A_649 = arith.constant true
        %broadcast_in_dim3A_650 = vector.broadcast %broadcast_in_dim3A_649 : i1 to vector<16xi1>
        %masked_cumsum3A_651 = tpu.scan <sum>, %select_n3A_648 masked %broadcast_in_dim3A_650 : vector<16xi32>, vector<16xi1> -> vector<16xi32>
        %add3A_652 = arith.constant 16384 : i32
        %add3A_653 = arith.addi %add3A_652, %mul3A_615 : i32
        %add3A_654 = arith.constant 32 : i32
        %add3A_655 = arith.addi %add3A_653, %add3A_654 : i32
        %get3A_656 = arith.index_cast %add3A_655 : i32 to index
        %get3A_657 = tpu.vector_load %arg9[%get3A_656] {strides = array<i32>} : memref<24576xf32, #tpu.memory_space<vmem>>, vector<16xf32>,
        %sub3A_658 = arith.subf %get3A_657, %gather3A_283 : vector<16xf32>
        %abs3A_659 = math.absf %sub3A_658 : vector<16xf32>
        %lt3A_660 = arith.constant 2.000000e+00 : f32
        %lt3A_661 = vector.broadcast %lt3A_660 : f32 to vector<16xf32>
        %lt3A_662 = arith.cmpf olt, %abs3A_659, %lt3A_661 : vector<16xf32>
        %jit3A_663 = arith.constant 1 : i32
        %jit3A_664 = arith.constant 0 : i32
        %broadcast_in_dim3A_665 = vector.broadcast %jit3A_663 : i32 to vector<16xi32>
        %broadcast_in_dim3A_666 = vector.broadcast %jit3A_664 : i32 to vector<16xi32>
        %select_n3A_667 = arith.select %lt3A_662, %broadcast_in_dim3A_665, %broadcast_in_dim3A_666 : vector<16xi1>, vector<16xi32>
        %broadcast_in_dim3A_668 = arith.constant true
        %broadcast_in_dim3A_669 = vector.broadcast %broadcast_in_dim3A_668 : i1 to vector<16xi1>
        %masked_cumsum3A_670 = tpu.scan <sum>, %select_n3A_667 masked %broadcast_in_dim3A_669 : vector<16xi32>, vector<16xi1> -> vector<16xi32>
        %add3A_671 = arith.constant 16384 : i32
        %add3A_672 = arith.addi %add3A_671, %mul3A_615 : i32
        %add3A_673 = arith.constant 48 : i32
        %add3A_674 = arith.addi %add3A_672, %add3A_673 : i32
        %get3A_675 = arith.index_cast %add3A_674 : i32 to index
        %get3A_676 = tpu.vector_load %arg9[%get3A_675] {strides = array<i32>} : memref<24576xf32, #tpu.memory_space<vmem>>, vector<16xf32>,
        %sub3A_677 = arith.subf %get3A_676, %gather3A_283 : vector<16xf32>
        %abs3A_678 = math.absf %sub3A_677 : vector<16xf32>
        %lt3A_679 = arith.constant 2.000000e+00 : f32
        %lt3A_680 = vector.broadcast %lt3A_679 : f32 to vector<16xf32>
        %lt3A_681 = arith.cmpf olt, %abs3A_678, %lt3A_680 : vector<16xf32>
        %jit3A_682 = arith.constant 1 : i32
        %jit3A_683 = arith.constant 0 : i32
        %broadcast_in_dim3A_684 = vector.broadcast %jit3A_682 : i32 to vector<16xi32>
        %broadcast_in_dim3A_685 = vector.broadcast %jit3A_683 : i32 to vector<16xi32>
        %select_n3A_686 = arith.select %lt3A_681, %broadcast_in_dim3A_684, %broadcast_in_dim3A_685 : vector<16xi1>, vector<16xi32>
        %broadcast_in_dim3A_687 = arith.constant true
        %broadcast_in_dim3A_688 = vector.broadcast %broadcast_in_dim3A_687 : i1 to vector<16xi1>
        %masked_cumsum3A_689 = tpu.scan <sum>, %select_n3A_686 masked %broadcast_in_dim3A_688 : vector<16xi32>, vector<16xi1> -> vector<16xi32>
        %add3A_690 = arith.constant 0 : i32
        %add3A_691 = arith.addi %mul3A_615, %add3A_690 : i32
        %add3A_692 = vector.broadcast %add3A_691 : i32 to vector<16xi32>
        %add3A_693 = arith.addi %iota3A, %add3A_692 : vector<16xi32>
        %sub3A_694 = arith.constant 1 : i32
        %sub3A_695 = arith.subi %while3A_613, %sub3A_694 : i32
        %add3A_696 = vector.broadcast %sub3A_695 : i32 to vector<16xi32>
        %add3A_697 = arith.addi %masked_cumsum3A, %add3A_696 : vector<16xi32>
        %lt3A_698 = arith.constant 128 : i32
        %lt3A_699 = vector.broadcast %lt3A_698 : i32 to vector<16xi32>
        %lt3A_700 = arith.cmpi slt, %add3A_697, %lt3A_699 : vector<16xi32>
        %and3A_701 = arith.andi %lt3A_625, %lt3A_700 : vector<16xi1>
        tpu.vector_store_idx %arg11[%add3A_697], %add3A_693 masked %and3A_701 : memref<144xi32, #tpu.memory_space<vmem>>[vector<16xi32>], vector<16xi32>, vector<16xi1>
        %slice3A = vector.extract_strided_slice %masked_cumsum3A {offsets = [15], sizes = [1], strides = [1]} : vector<16xi32> to vector<1xi32>
        %squeeze3A = vector.extract %slice3A[0] : i32 from vector<1xi32>
        %add3A_702 = arith.addi %while3A_613, %squeeze3A : i32
        %add3A_703 = arith.constant 16 : i32
        %add3A_704 = arith.addi %mul3A_615, %add3A_703 : i32
        %add3A_705 = vector.broadcast %add3A_704 : i32 to vector<16xi32>
        %add3A_706 = arith.addi %iota3A, %add3A_705 : vector<16xi32>
        %sub3A_707 = arith.constant 1 : i32
        %sub3A_708 = arith.subi %add3A_702, %sub3A_707 : i32
        %add3A_709 = vector.broadcast %sub3A_708 : i32 to vector<16xi32>
        %add3A_710 = arith.addi %masked_cumsum3A_651, %add3A_709 : vector<16xi32>
        %lt3A_711 = arith.constant 128 : i32
        %lt3A_712 = vector.broadcast %lt3A_711 : i32 to vector<16xi32>
        %lt3A_713 = arith.cmpi slt, %add3A_710, %lt3A_712 : vector<16xi32>
        %and3A_714 = arith.andi %lt3A_643, %lt3A_713 : vector<16xi1>
        tpu.vector_store_idx %arg11[%add3A_710], %add3A_706 masked %and3A_714 : memref<144xi32, #tpu.memory_space<vmem>>[vector<16xi32>], vector<16xi32>, vector<16xi1>
        %slice3A_715 = vector.extract_strided_slice %masked_cumsum3A_651 {offsets = [15], sizes = [1], strides = [1]} : vector<16xi32> to vector<1xi32>
        %squeeze3A_716 = vector.extract %slice3A_715[0] : i32 from vector<1xi32>
        %add3A_717 = arith.addi %add3A_702, %squeeze3A_716 : i32
        %add3A_718 = arith.constant 32 : i32
        %add3A_719 = arith.addi %mul3A_615, %add3A_718 : i32
        %add3A_720 = vector.broadcast %add3A_719 : i32 to vector<16xi32>
        %add3A_721 = arith.addi %iota3A, %add3A_720 : vector<16xi32>
        %sub3A_722 = arith.constant 1 : i32
        %sub3A_723 = arith.subi %add3A_717, %sub3A_722 : i32
        %add3A_724 = vector.broadcast %sub3A_723 : i32 to vector<16xi32>
        %add3A_725 = arith.addi %masked_cumsum3A_670, %add3A_724 : vector<16xi32>
        %lt3A_726 = arith.constant 128 : i32
        %lt3A_727 = vector.broadcast %lt3A_726 : i32 to vector<16xi32>
        %lt3A_728 = arith.cmpi slt, %add3A_725, %lt3A_727 : vector<16xi32>
        %and3A_729 = arith.andi %lt3A_662, %lt3A_728 : vector<16xi1>
        tpu.vector_store_idx %arg11[%add3A_725], %add3A_721 masked %and3A_729 : memref<144xi32, #tpu.memory_space<vmem>>[vector<16xi32>], vector<16xi32>, vector<16xi1>
        %slice3A_730 = vector.extract_strided_slice %masked_cumsum3A_670 {offsets = [15], sizes = [1], strides = [1]} : vector<16xi32> to vector<1xi32>
        %squeeze3A_731 = vector.extract %slice3A_730[0] : i32 from vector<1xi32>
        %add3A_732 = arith.addi %add3A_717, %squeeze3A_731 : i32
        %add3A_733 = arith.constant 48 : i32
        %add3A_734 = arith.addi %mul3A_615, %add3A_733 : i32
        %add3A_735 = vector.broadcast %add3A_734 : i32 to vector<16xi32>
        %add3A_736 = arith.addi %iota3A, %add3A_735 : vector<16xi32>
        %sub3A_737 = arith.constant 1 : i32
        %sub3A_738 = arith.subi %add3A_732, %sub3A_737 : i32
        %add3A_739 = vector.broadcast %sub3A_738 : i32 to vector<16xi32>
        %add3A_740 = arith.addi %masked_cumsum3A_689, %add3A_739 : vector<16xi32>
        %lt3A_741 = arith.constant 128 : i32
        %lt3A_742 = vector.broadcast %lt3A_741 : i32 to vector<16xi32>
        %lt3A_743 = arith.cmpi slt, %add3A_740, %lt3A_742 : vector<16xi32>
        %and3A_744 = arith.andi %lt3A_681, %lt3A_743 : vector<16xi1>
        tpu.vector_store_idx %arg11[%add3A_740], %add3A_736 masked %and3A_744 : memref<144xi32, #tpu.memory_space<vmem>>[vector<16xi32>], vector<16xi32>, vector<16xi1>
        %slice3A_745 = vector.extract_strided_slice %masked_cumsum3A_689 {offsets = [15], sizes = [1], strides = [1]} : vector<16xi32> to vector<1xi32>
        %squeeze3A_746 = vector.extract %slice3A_745[0] : i32 from vector<1xi32>
        %add3A_747 = arith.addi %add3A_732, %squeeze3A_746 : i32
        %add3A_748 = arith.constant 1 : i32
        %add3A_749 = arith.addi %while3A_612, %add3A_748 : i32
        scf.yield %add3A_749, %add3A_747 : i32, i32
      }
      %min3A = arith.constant 128 : i32
      %min3A_286 = arith.minsi %while3A_285#1, %min3A : i32
      %lt3A_287 = arith.constant 128 : i32
      %lt3A_288 = arith.cmpi slt, %while3A_285#1, %lt3A_287 : i32
      %convert_element_type3A = arith.extui %lt3A_288 : i1 to i32
      %cond3A = arith.constant 0 : i32
      %cond3A_289 = arith.cmpi ne, %convert_element_type3A, %cond3A : i32
      scf.if %cond3A_289 {
        %while3A_612 = arith.constant 0 : i32
        %while3A_613 = arith.constant 0 : i32
        %while3A_614:2 = scf.while (%while3A_615 = %while3A_612, %while3A_616 = %while3A_613) : (i32, i32) -> (i32, i32) {
          %lt3A_617 = arith.constant 512 : i32
          %lt3A_618 = arith.cmpi slt, %while3A_615, %lt3A_617 : i32
          %lt3A_619 = arith.constant 128 : i32
          %lt3A_620 = arith.cmpi slt, %while3A_616, %lt3A_619 : i32
          %and3A_621 = arith.andi %lt3A_618, %lt3A_620 : i1
          scf.condition(%and3A_621) %while3A_615, %while3A_616 : i32, i32
        } do {
        ^bb0(%while3A_615: i32, %while3A_616: i32):
          %mul3A_617 = arith.constant 16 : i32
          %mul3A_618 = arith.muli %while3A_615, %mul3A_617 : i32
          %add3A_619 = arith.constant 16384 : i32
          %add3A_620 = arith.addi %add3A_619, %mul3A_618 : i32
          %get3A_621 = arith.index_cast %add3A_620 : i32 to index
          %get3A_622 = tpu.vector_load %arg9[%get3A_621] {strides = array<i32>} : memref<24576xf32, #tpu.memory_space<vmem>>, vector<16xf32>,
          %mul3A_623 = arith.constant 16 : i32
          %mul3A_624 = arith.muli %while3A_615, %mul3A_623 : i32
          %add3A_625 = vector.broadcast %mul3A_624 : i32 to vector<16xi32>
          %add3A_626 = arith.addi %iota3A, %add3A_625 : vector<16xi32>
          %sub3A_627 = arith.subf %get3A_622, %gather3A_283 : vector<16xf32>
          %abs3A = math.absf %sub3A_627 : vector<16xf32>
          %ge3A = arith.constant 2.000000e+00 : f32
          %ge3A_628 = vector.broadcast %ge3A : f32 to vector<16xf32>
          %ge3A_629 = arith.cmpf oge, %abs3A, %ge3A_628 : vector<16xf32>
          %jit3A_630 = arith.constant 1 : i32
          %jit3A_631 = arith.constant 0 : i32
          %broadcast_in_dim3A_632 = vector.broadcast %jit3A_630 : i32 to vector<16xi32>
          %broadcast_in_dim3A_633 = vector.broadcast %jit3A_631 : i32 to vector<16xi32>
          %select_n3A_634 = arith.select %ge3A_629, %broadcast_in_dim3A_632, %broadcast_in_dim3A_633 : vector<16xi1>, vector<16xi32>
          %broadcast_in_dim3A_635 = arith.constant true
          %broadcast_in_dim3A_636 = vector.broadcast %broadcast_in_dim3A_635 : i1 to vector<16xi1>
          %masked_cumsum3A = tpu.scan <sum>, %select_n3A_634 masked %broadcast_in_dim3A_636 : vector<16xi32>, vector<16xi1> -> vector<16xi32>
          %sub3A_637 = arith.constant 1 : i32
          %sub3A_638 = arith.subi %while3A_616, %sub3A_637 : i32
          %add3A_639 = vector.broadcast %sub3A_638 : i32 to vector<16xi32>
          %add3A_640 = arith.addi %masked_cumsum3A, %add3A_639 : vector<16xi32>
          %lt3A_641 = arith.constant 128 : i32
          %lt3A_642 = vector.broadcast %lt3A_641 : i32 to vector<16xi32>
          %lt3A_643 = arith.cmpi slt, %add3A_640, %lt3A_642 : vector<16xi32>
          %and3A_644 = arith.andi %ge3A_629, %lt3A_643 : vector<16xi1>
          tpu.vector_store_idx %arg12[%add3A_640], %add3A_626 masked %and3A_644 : memref<144xi32, #tpu.memory_space<vmem>>[vector<16xi32>], vector<16xi32>, vector<16xi1>
          %slice3A = vector.extract_strided_slice %masked_cumsum3A {offsets = [15], sizes = [1], strides = [1]} : vector<16xi32> to vector<1xi32>
          %squeeze3A = vector.extract %slice3A[0] : i32 from vector<1xi32>
          %add3A_645 = arith.constant 1 : i32
          %add3A_646 = arith.addi %while3A_615, %add3A_645 : i32
          %add3A_647 = arith.addi %while3A_616, %squeeze3A : i32
          scf.yield %add3A_646, %add3A_647 : i32, i32
        }
      } else {
      }
      %add3A_290 = arith.constant 0 : i32
      %add3A_291 = vector.broadcast %add3A_290 : i32 to vector<16xi32>
      %add3A_292 = arith.addi %iota3A, %add3A_291 : vector<16xi32>
      %get3A = arith.constant 0 : index
      %get3A_293 = tpu.vector_load %arg11[%get3A] {strides = array<i32>} : memref<144xi32, #tpu.memory_space<vmem>>, vector<16xi32>,
      %sub3A_294 = vector.broadcast %min3A_286 : i32 to vector<16xi32>
      %sub3A_295 = arith.subi %add3A_292, %sub3A_294 : vector<16xi32>
      %max3A = arith.constant 0 : i32
      %max3A_296 = vector.broadcast %max3A : i32 to vector<16xi32>
      %max3A_297 = arith.maxsi %sub3A_295, %max3A_296 : vector<16xi32>
      %gather3A_298 = tpu.vector_load_idx %arg12[%max3A_297] : memref<144xi32, #tpu.memory_space<vmem>>[vector<16xi32>], vector<16xi32>,
      %lt3A_299 = vector.broadcast %min3A_286 : i32 to vector<16xi32>
      %lt3A_300 = arith.cmpi slt, %add3A_292, %lt3A_299 : vector<16xi32>
      %select_n3A_301 = arith.select %lt3A_300, %get3A_293, %gather3A_298 : vector<16xi1>, vector<16xi32>
      %mul3A_302 = arith.constant 128 : i32
      %mul3A_303 = arith.muli %scan3A_275, %mul3A_302 : i32
      %add3A_304 = arith.constant 0 : i32
      %add3A_305 = arith.addi %mul3A_303, %add3A_304 : i32
      %gather3A_306 = tpu.vector_load_idx %arg9[%select_n3A_301] : memref<24576xf32, #tpu.memory_space<vmem>>[vector<16xi32>], vector<16xf32>,
      %sub3A_307 = arith.subf %gather3A_306, %gather3A : vector<16xf32>
      %swap3A = arith.index_cast %add3A_305 : i32 to index
      %swap3A_308 = tpu.vector_load %arg13[%swap3A] {strides = array<i32>} : memref<6144xf32, #tpu.memory_space<vmem>>, vector<16xf32>,
      tpu.vector_store %arg13[%swap3A], %sub3A_307 {strides = array<i32>} : memref<6144xf32, #tpu.memory_space<vmem>>, vector<16xf32>,
      %add3A_309 = arith.constant 8192 : i32
      %add3A_310 = vector.broadcast %add3A_309 : i32 to vector<16xi32>
      %add3A_311 = arith.addi %select_n3A_301, %add3A_310 : vector<16xi32>
      %gather3A_312 = tpu.vector_load_idx %arg9[%add3A_311] : memref<24576xf32, #tpu.memory_space<vmem>>[vector<16xi32>], vector<16xf32>,
      %sub3A_313 = arith.subf %gather3A_312, %gather3A_279 : vector<16xf32>
      %add3A_314 = arith.constant 2048 : i32
      %add3A_315 = arith.addi %add3A_314, %add3A_305 : i32
      %swap3A_316 = arith.index_cast %add3A_315 : i32 to index
      %swap3A_317 = tpu.vector_load %arg13[%swap3A_316] {strides = array<i32>} : memref<6144xf32, #tpu.memory_space<vmem>>, vector<16xf32>,
      tpu.vector_store %arg13[%swap3A_316], %sub3A_313 {strides = array<i32>} : memref<6144xf32, #tpu.memory_space<vmem>>, vector<16xf32>,
      %add3A_318 = arith.constant 16384 : i32
      %add3A_319 = vector.broadcast %add3A_318 : i32 to vector<16xi32>
      %add3A_320 = arith.addi %select_n3A_301, %add3A_319 : vector<16xi32>
      %gather3A_321 = tpu.vector_load_idx %arg9[%add3A_320] : memref<24576xf32, #tpu.memory_space<vmem>>[vector<16xi32>], vector<16xf32>,
      %sub3A_322 = arith.subf %gather3A_321, %gather3A_283 : vector<16xf32>
      %add3A_323 = arith.constant 4096 : i32
      %add3A_324 = arith.addi %add3A_323, %add3A_305 : i32
      %swap3A_325 = arith.index_cast %add3A_324 : i32 to index
      %swap3A_326 = tpu.vector_load %arg13[%swap3A_325] {strides = array<i32>} : memref<6144xf32, #tpu.memory_space<vmem>>, vector<16xf32>,
      tpu.vector_store %arg13[%swap3A_325], %sub3A_322 {strides = array<i32>} : memref<6144xf32, #tpu.memory_space<vmem>>, vector<16xf32>,
      %add3A_327 = arith.constant 16 : i32
      %add3A_328 = vector.broadcast %add3A_327 : i32 to vector<16xi32>
      %add3A_329 = arith.addi %iota3A, %add3A_328 : vector<16xi32>
      %get3A_330 = arith.constant 16 : index
      %get3A_331 = tpu.vector_load %arg11[%get3A_330] {strides = array<i32>} : memref<144xi32, #tpu.memory_space<vmem>>, vector<16xi32>,
      %sub3A_332 = vector.broadcast %min3A_286 : i32 to vector<16xi32>
      %sub3A_333 = arith.subi %add3A_329, %sub3A_332 : vector<16xi32>
      %max3A_334 = arith.constant 0 : i32
      %max3A_335 = vector.broadcast %max3A_334 : i32 to vector<16xi32>
      %max3A_336 = arith.maxsi %sub3A_333, %max3A_335 : vector<16xi32>
      %gather3A_337 = tpu.vector_load_idx %arg12[%max3A_336] : memref<144xi32, #tpu.memory_space<vmem>>[vector<16xi32>], vector<16xi32>,
      %lt3A_338 = vector.broadcast %min3A_286 : i32 to vector<16xi32>
      %lt3A_339 = arith.cmpi slt, %add3A_329, %lt3A_338 : vector<16xi32>
      %select_n3A_340 = arith.select %lt3A_339, %get3A_331, %gather3A_337 : vector<16xi1>, vector<16xi32>
      %mul3A_341 = arith.constant 128 : i32
      %mul3A_342 = arith.muli %scan3A_275, %mul3A_341 : i32
      %add3A_343 = arith.constant 16 : i32
      %add3A_344 = arith.addi %mul3A_342, %add3A_343 : i32
      %gather3A_345 = tpu.vector_load_idx %arg9[%select_n3A_340] : memref<24576xf32, #tpu.memory_space<vmem>>[vector<16xi32>], vector<16xf32>,
      %sub3A_346 = arith.subf %gather3A_345, %gather3A : vector<16xf32>
      %swap3A_347 = arith.index_cast %add3A_344 : i32 to index
      %swap3A_348 = tpu.vector_load %arg13[%swap3A_347] {strides = array<i32>} : memref<6144xf32, #tpu.memory_space<vmem>>, vector<16xf32>,
      tpu.vector_store %arg13[%swap3A_347], %sub3A_346 {strides = array<i32>} : memref<6144xf32, #tpu.memory_space<vmem>>, vector<16xf32>,
      %add3A_349 = arith.constant 8192 : i32
      %add3A_350 = vector.broadcast %add3A_349 : i32 to vector<16xi32>
      %add3A_351 = arith.addi %select_n3A_340, %add3A_350 : vector<16xi32>
      %gather3A_352 = tpu.vector_load_idx %arg9[%add3A_351] : memref<24576xf32, #tpu.memory_space<vmem>>[vector<16xi32>], vector<16xf32>,
      %sub3A_353 = arith.subf %gather3A_352, %gather3A_279 : vector<16xf32>
      %add3A_354 = arith.constant 2048 : i32
      %add3A_355 = arith.addi %add3A_354, %add3A_344 : i32
      %swap3A_356 = arith.index_cast %add3A_355 : i32 to index
      %swap3A_357 = tpu.vector_load %arg13[%swap3A_356] {strides = array<i32>} : memref<6144xf32, #tpu.memory_space<vmem>>, vector<16xf32>,
      tpu.vector_store %arg13[%swap3A_356], %sub3A_353 {strides = array<i32>} : memref<6144xf32, #tpu.memory_space<vmem>>, vector<16xf32>,
      %add3A_358 = arith.constant 16384 : i32
      %add3A_359 = vector.broadcast %add3A_358 : i32 to vector<16xi32>
      %add3A_360 = arith.addi %select_n3A_340, %add3A_359 : vector<16xi32>
      %gather3A_361 = tpu.vector_load_idx %arg9[%add3A_360] : memref<24576xf32, #tpu.memory_space<vmem>>[vector<16xi32>], vector<16xf32>,
      %sub3A_362 = arith.subf %gather3A_361, %gather3A_283 : vector<16xf32>
      %add3A_363 = arith.constant 4096 : i32
      %add3A_364 = arith.addi %add3A_363, %add3A_344 : i32
      %swap3A_365 = arith.index_cast %add3A_364 : i32 to index
      %swap3A_366 = tpu.vector_load %arg13[%swap3A_365] {strides = array<i32>} : memref<6144xf32, #tpu.memory_space<vmem>>, vector<16xf32>,
      tpu.vector_store %arg13[%swap3A_365], %sub3A_362 {strides = array<i32>} : memref<6144xf32, #tpu.memory_space<vmem>>, vector<16xf32>,
      %add3A_367 = arith.constant 32 : i32
      %add3A_368 = vector.broadcast %add3A_367 : i32 to vector<16xi32>
      %add3A_369 = arith.addi %iota3A, %add3A_368 : vector<16xi32>
      %get3A_370 = arith.constant 32 : index
      %get3A_371 = tpu.vector_load %arg11[%get3A_370] {strides = array<i32>} : memref<144xi32, #tpu.memory_space<vmem>>, vector<16xi32>,
      %sub3A_372 = vector.broadcast %min3A_286 : i32 to vector<16xi32>
      %sub3A_373 = arith.subi %add3A_369, %sub3A_372 : vector<16xi32>
      %max3A_374 = arith.constant 0 : i32
      %max3A_375 = vector.broadcast %max3A_374 : i32 to vector<16xi32>
      %max3A_376 = arith.maxsi %sub3A_373, %max3A_375 : vector<16xi32>
      %gather3A_377 = tpu.vector_load_idx %arg12[%max3A_376] : memref<144xi32, #tpu.memory_space<vmem>>[vector<16xi32>], vector<16xi32>,
      %lt3A_378 = vector.broadcast %min3A_286 : i32 to vector<16xi32>
      %lt3A_379 = arith.cmpi slt, %add3A_369, %lt3A_378 : vector<16xi32>
      %select_n3A_380 = arith.select %lt3A_379, %get3A_371, %gather3A_377 : vector<16xi1>, vector<16xi32>
      %mul3A_381 = arith.constant 128 : i32
      %mul3A_382 = arith.muli %scan3A_275, %mul3A_381 : i32
      %add3A_383 = arith.constant 32 : i32
      %add3A_384 = arith.addi %mul3A_382, %add3A_383 : i32
      %gather3A_385 = tpu.vector_load_idx %arg9[%select_n3A_380] : memref<24576xf32, #tpu.memory_space<vmem>>[vector<16xi32>], vector<16xf32>,
      %sub3A_386 = arith.subf %gather3A_385, %gather3A : vector<16xf32>
      %swap3A_387 = arith.index_cast %add3A_384 : i32 to index
      %swap3A_388 = tpu.vector_load %arg13[%swap3A_387] {strides = array<i32>} : memref<6144xf32, #tpu.memory_space<vmem>>, vector<16xf32>,
      tpu.vector_store %arg13[%swap3A_387], %sub3A_386 {strides = array<i32>} : memref<6144xf32, #tpu.memory_space<vmem>>, vector<16xf32>,
      %add3A_389 = arith.constant 8192 : i32
      %add3A_390 = vector.broadcast %add3A_389 : i32 to vector<16xi32>
      %add3A_391 = arith.addi %select_n3A_380, %add3A_390 : vector<16xi32>
      %gather3A_392 = tpu.vector_load_idx %arg9[%add3A_391] : memref<24576xf32, #tpu.memory_space<vmem>>[vector<16xi32>], vector<16xf32>,
      %sub3A_393 = arith.subf %gather3A_392, %gather3A_279 : vector<16xf32>
      %add3A_394 = arith.constant 2048 : i32
      %add3A_395 = arith.addi %add3A_394, %add3A_384 : i32
      %swap3A_396 = arith.index_cast %add3A_395 : i32 to index
      %swap3A_397 = tpu.vector_load %arg13[%swap3A_396] {strides = array<i32>} : memref<6144xf32, #tpu.memory_space<vmem>>, vector<16xf32>,
      tpu.vector_store %arg13[%swap3A_396], %sub3A_393 {strides = array<i32>} : memref<6144xf32, #tpu.memory_space<vmem>>, vector<16xf32>,
      %add3A_398 = arith.constant 16384 : i32
      %add3A_399 = vector.broadcast %add3A_398 : i32 to vector<16xi32>
      %add3A_400 = arith.addi %select_n3A_380, %add3A_399 : vector<16xi32>
      %gather3A_401 = tpu.vector_load_idx %arg9[%add3A_400] : memref<24576xf32, #tpu.memory_space<vmem>>[vector<16xi32>], vector<16xf32>,
      %sub3A_402 = arith.subf %gather3A_401, %gather3A_283 : vector<16xf32>
      %add3A_403 = arith.constant 4096 : i32
      %add3A_404 = arith.addi %add3A_403, %add3A_384 : i32
      %swap3A_405 = arith.index_cast %add3A_404 : i32 to index
      %swap3A_406 = tpu.vector_load %arg13[%swap3A_405] {strides = array<i32>} : memref<6144xf32, #tpu.memory_space<vmem>>, vector<16xf32>,
      tpu.vector_store %arg13[%swap3A_405], %sub3A_402 {strides = array<i32>} : memref<6144xf32, #tpu.memory_space<vmem>>, vector<16xf32>,
      %add3A_407 = arith.constant 48 : i32
      %add3A_408 = vector.broadcast %add3A_407 : i32 to vector<16xi32>
      %add3A_409 = arith.addi %iota3A, %add3A_408 : vector<16xi32>
      %get3A_410 = arith.constant 48 : index
      %get3A_411 = tpu.vector_load %arg11[%get3A_410] {strides = array<i32>} : memref<144xi32, #tpu.memory_space<vmem>>, vector<16xi32>,
      %sub3A_412 = vector.broadcast %min3A_286 : i32 to vector<16xi32>
      %sub3A_413 = arith.subi %add3A_409, %sub3A_412 : vector<16xi32>
      %max3A_414 = arith.constant 0 : i32
      %max3A_415 = vector.broadcast %max3A_414 : i32 to vector<16xi32>
      %max3A_416 = arith.maxsi %sub3A_413, %max3A_415 : vector<16xi32>
      %gather3A_417 = tpu.vector_load_idx %arg12[%max3A_416] : memref<144xi32, #tpu.memory_space<vmem>>[vector<16xi32>], vector<16xi32>,
      %lt3A_418 = vector.broadcast %min3A_286 : i32 to vector<16xi32>
      %lt3A_419 = arith.cmpi slt, %add3A_409, %lt3A_418 : vector<16xi32>
      %select_n3A_420 = arith.select %lt3A_419, %get3A_411, %gather3A_417 : vector<16xi1>, vector<16xi32>
      %mul3A_421 = arith.constant 128 : i32
      %mul3A_422 = arith.muli %scan3A_275, %mul3A_421 : i32
      %add3A_423 = arith.constant 48 : i32
      %add3A_424 = arith.addi %mul3A_422, %add3A_423 : i32
      %gather3A_425 = tpu.vector_load_idx %arg9[%select_n3A_420] : memref<24576xf32, #tpu.memory_space<vmem>>[vector<16xi32>], vector<16xf32>,
      %sub3A_426 = arith.subf %gather3A_425, %gather3A : vector<16xf32>
      %swap3A_427 = arith.index_cast %add3A_424 : i32 to index
      %swap3A_428 = tpu.vector_load %arg13[%swap3A_427] {strides = array<i32>} : memref<6144xf32, #tpu.memory_space<vmem>>, vector<16xf32>,
      tpu.vector_store %arg13[%swap3A_427], %sub3A_426 {strides = array<i32>} : memref<6144xf32, #tpu.memory_space<vmem>>, vector<16xf32>,
      %add3A_429 = arith.constant 8192 : i32
      %add3A_430 = vector.broadcast %add3A_429 : i32 to vector<16xi32>
      %add3A_431 = arith.addi %select_n3A_420, %add3A_430 : vector<16xi32>
      %gather3A_432 = tpu.vector_load_idx %arg9[%add3A_431] : memref<24576xf32, #tpu.memory_space<vmem>>[vector<16xi32>], vector<16xf32>,
      %sub3A_433 = arith.subf %gather3A_432, %gather3A_279 : vector<16xf32>
      %add3A_434 = arith.constant 2048 : i32
      %add3A_435 = arith.addi %add3A_434, %add3A_424 : i32
      %swap3A_436 = arith.index_cast %add3A_435 : i32 to index
      %swap3A_437 = tpu.vector_load %arg13[%swap3A_436] {strides = array<i32>} : memref<6144xf32, #tpu.memory_space<vmem>>, vector<16xf32>,
      tpu.vector_store %arg13[%swap3A_436], %sub3A_433 {strides = array<i32>} : memref<6144xf32, #tpu.memory_space<vmem>>, vector<16xf32>,
      %add3A_438 = arith.constant 16384 : i32
      %add3A_439 = vector.broadcast %add3A_438 : i32 to vector<16xi32>
      %add3A_440 = arith.addi %select_n3A_420, %add3A_439 : vector<16xi32>
      %gather3A_441 = tpu.vector_load_idx %arg9[%add3A_440] : memref<24576xf32, #tpu.memory_space<vmem>>[vector<16xi32>], vector<16xf32>,
      %sub3A_442 = arith.subf %gather3A_441, %gather3A_283 : vector<16xf32>
      %add3A_443 = arith.constant 4096 : i32
      %add3A_444 = arith.addi %add3A_443, %add3A_424 : i32
      %swap3A_445 = arith.index_cast %add3A_444 : i32 to index
      %swap3A_446 = tpu.vector_load %arg13[%swap3A_445] {strides = array<i32>} : memref<6144xf32, #tpu.memory_space<vmem>>, vector<16xf32>,
      tpu.vector_store %arg13[%swap3A_445], %sub3A_442 {strides = array<i32>} : memref<6144xf32, #tpu.memory_space<vmem>>, vector<16xf32>,
      %add3A_447 = arith.constant 64 : i32
      %add3A_448 = vector.broadcast %add3A_447 : i32 to vector<16xi32>
      %add3A_449 = arith.addi %iota3A, %add3A_448 : vector<16xi32>
      %get3A_450 = arith.constant 64 : index
      %get3A_451 = tpu.vector_load %arg11[%get3A_450] {strides = array<i32>} : memref<144xi32, #tpu.memory_space<vmem>>, vector<16xi32>,
      %sub3A_452 = vector.broadcast %min3A_286 : i32 to vector<16xi32>
      %sub3A_453 = arith.subi %add3A_449, %sub3A_452 : vector<16xi32>
      %max3A_454 = arith.constant 0 : i32
      %max3A_455 = vector.broadcast %max3A_454 : i32 to vector<16xi32>
      %max3A_456 = arith.maxsi %sub3A_453, %max3A_455 : vector<16xi32>
      %gather3A_457 = tpu.vector_load_idx %arg12[%max3A_456] : memref<144xi32, #tpu.memory_space<vmem>>[vector<16xi32>], vector<16xi32>,
      %lt3A_458 = vector.broadcast %min3A_286 : i32 to vector<16xi32>
      %lt3A_459 = arith.cmpi slt, %add3A_449, %lt3A_458 : vector<16xi32>
      %select_n3A_460 = arith.select %lt3A_459, %get3A_451, %gather3A_457 : vector<16xi1>, vector<16xi32>
      %mul3A_461 = arith.constant 128 : i32
      %mul3A_462 = arith.muli %scan3A_275, %mul3A_461 : i32
      %add3A_463 = arith.constant 64 : i32
      %add3A_464 = arith.addi %mul3A_462, %add3A_463 : i32
      %gather3A_465 = tpu.vector_load_idx %arg9[%select_n3A_460] : memref<24576xf32, #tpu.memory_space<vmem>>[vector<16xi32>], vector<16xf32>,
      %sub3A_466 = arith.subf %gather3A_465, %gather3A : vector<16xf32>
      %swap3A_467 = arith.index_cast %add3A_464 : i32 to index
      %swap3A_468 = tpu.vector_load %arg13[%swap3A_467] {strides = array<i32>} : memref<6144xf32, #tpu.memory_space<vmem>>, vector<16xf32>,
      tpu.vector_store %arg13[%swap3A_467], %sub3A_466 {strides = array<i32>} : memref<6144xf32, #tpu.memory_space<vmem>>, vector<16xf32>,
      %add3A_469 = arith.constant 8192 : i32
      %add3A_470 = vector.broadcast %add3A_469 : i32 to vector<16xi32>
      %add3A_471 = arith.addi %select_n3A_460, %add3A_470 : vector<16xi32>
      %gather3A_472 = tpu.vector_load_idx %arg9[%add3A_471] : memref<24576xf32, #tpu.memory_space<vmem>>[vector<16xi32>], vector<16xf32>,
      %sub3A_473 = arith.subf %gather3A_472, %gather3A_279 : vector<16xf32>
      %add3A_474 = arith.constant 2048 : i32
      %add3A_475 = arith.addi %add3A_474, %add3A_464 : i32
      %swap3A_476 = arith.index_cast %add3A_475 : i32 to index
      %swap3A_477 = tpu.vector_load %arg13[%swap3A_476] {strides = array<i32>} : memref<6144xf32, #tpu.memory_space<vmem>>, vector<16xf32>,
      tpu.vector_store %arg13[%swap3A_476], %sub3A_473 {strides = array<i32>} : memref<6144xf32, #tpu.memory_space<vmem>>, vector<16xf32>,
      %add3A_478 = arith.constant 16384 : i32
      %add3A_479 = vector.broadcast %add3A_478 : i32 to vector<16xi32>
      %add3A_480 = arith.addi %select_n3A_460, %add3A_479 : vector<16xi32>
      %gather3A_481 = tpu.vector_load_idx %arg9[%add3A_480] : memref<24576xf32, #tpu.memory_space<vmem>>[vector<16xi32>], vector<16xf32>,
      %sub3A_482 = arith.subf %gather3A_481, %gather3A_283 : vector<16xf32>
      %add3A_483 = arith.constant 4096 : i32
      %add3A_484 = arith.addi %add3A_483, %add3A_464 : i32
      %swap3A_485 = arith.index_cast %add3A_484 : i32 to index
      %swap3A_486 = tpu.vector_load %arg13[%swap3A_485] {strides = array<i32>} : memref<6144xf32, #tpu.memory_space<vmem>>, vector<16xf32>,
      tpu.vector_store %arg13[%swap3A_485], %sub3A_482 {strides = array<i32>} : memref<6144xf32, #tpu.memory_space<vmem>>, vector<16xf32>,
      %add3A_487 = arith.constant 80 : i32
      %add3A_488 = vector.broadcast %add3A_487 : i32 to vector<16xi32>
      %add3A_489 = arith.addi %iota3A, %add3A_488 : vector<16xi32>
      %get3A_490 = arith.constant 80 : index
      %get3A_491 = tpu.vector_load %arg11[%get3A_490] {strides = array<i32>} : memref<144xi32, #tpu.memory_space<vmem>>, vector<16xi32>,
      %sub3A_492 = vector.broadcast %min3A_286 : i32 to vector<16xi32>
      %sub3A_493 = arith.subi %add3A_489, %sub3A_492 : vector<16xi32>
      %max3A_494 = arith.constant 0 : i32
      %max3A_495 = vector.broadcast %max3A_494 : i32 to vector<16xi32>
      %max3A_496 = arith.maxsi %sub3A_493, %max3A_495 : vector<16xi32>
      %gather3A_497 = tpu.vector_load_idx %arg12[%max3A_496] : memref<144xi32, #tpu.memory_space<vmem>>[vector<16xi32>], vector<16xi32>,
      %lt3A_498 = vector.broadcast %min3A_286 : i32 to vector<16xi32>
      %lt3A_499 = arith.cmpi slt, %add3A_489, %lt3A_498 : vector<16xi32>
      %select_n3A_500 = arith.select %lt3A_499, %get3A_491, %gather3A_497 : vector<16xi1>, vector<16xi32>
      %mul3A_501 = arith.constant 128 : i32
      %mul3A_502 = arith.muli %scan3A_275, %mul3A_501 : i32
      %add3A_503 = arith.constant 80 : i32
      %add3A_504 = arith.addi %mul3A_502, %add3A_503 : i32
      %gather3A_505 = tpu.vector_load_idx %arg9[%select_n3A_500] : memref<24576xf32, #tpu.memory_space<vmem>>[vector<16xi32>], vector<16xf32>,
      %sub3A_506 = arith.subf %gather3A_505, %gather3A : vector<16xf32>
      %swap3A_507 = arith.index_cast %add3A_504 : i32 to index
      %swap3A_508 = tpu.vector_load %arg13[%swap3A_507] {strides = array<i32>} : memref<6144xf32, #tpu.memory_space<vmem>>, vector<16xf32>,
      tpu.vector_store %arg13[%swap3A_507], %sub3A_506 {strides = array<i32>} : memref<6144xf32, #tpu.memory_space<vmem>>, vector<16xf32>,
      %add3A_509 = arith.constant 8192 : i32
      %add3A_510 = vector.broadcast %add3A_509 : i32 to vector<16xi32>
      %add3A_511 = arith.addi %select_n3A_500, %add3A_510 : vector<16xi32>
      %gather3A_512 = tpu.vector_load_idx %arg9[%add3A_511] : memref<24576xf32, #tpu.memory_space<vmem>>[vector<16xi32>], vector<16xf32>,
      %sub3A_513 = arith.subf %gather3A_512, %gather3A_279 : vector<16xf32>
      %add3A_514 = arith.constant 2048 : i32
      %add3A_515 = arith.addi %add3A_514, %add3A_504 : i32
      %swap3A_516 = arith.index_cast %add3A_515 : i32 to index
      %swap3A_517 = tpu.vector_load %arg13[%swap3A_516] {strides = array<i32>} : memref<6144xf32, #tpu.memory_space<vmem>>, vector<16xf32>,
      tpu.vector_store %arg13[%swap3A_516], %sub3A_513 {strides = array<i32>} : memref<6144xf32, #tpu.memory_space<vmem>>, vector<16xf32>,
      %add3A_518 = arith.constant 16384 : i32
      %add3A_519 = vector.broadcast %add3A_518 : i32 to vector<16xi32>
      %add3A_520 = arith.addi %select_n3A_500, %add3A_519 : vector<16xi32>
      %gather3A_521 = tpu.vector_load_idx %arg9[%add3A_520] : memref<24576xf32, #tpu.memory_space<vmem>>[vector<16xi32>], vector<16xf32>,
      %sub3A_522 = arith.subf %gather3A_521, %gather3A_283 : vector<16xf32>
      %add3A_523 = arith.constant 4096 : i32
      %add3A_524 = arith.addi %add3A_523, %add3A_504 : i32
      %swap3A_525 = arith.index_cast %add3A_524 : i32 to index
      %swap3A_526 = tpu.vector_load %arg13[%swap3A_525] {strides = array<i32>} : memref<6144xf32, #tpu.memory_space<vmem>>, vector<16xf32>,
      tpu.vector_store %arg13[%swap3A_525], %sub3A_522 {strides = array<i32>} : memref<6144xf32, #tpu.memory_space<vmem>>, vector<16xf32>,
      %add3A_527 = arith.constant 96 : i32
      %add3A_528 = vector.broadcast %add3A_527 : i32 to vector<16xi32>
      %add3A_529 = arith.addi %iota3A, %add3A_528 : vector<16xi32>
      %get3A_530 = arith.constant 96 : index
      %get3A_531 = tpu.vector_load %arg11[%get3A_530] {strides = array<i32>} : memref<144xi32, #tpu.memory_space<vmem>>, vector<16xi32>,
      %sub3A_532 = vector.broadcast %min3A_286 : i32 to vector<16xi32>
      %sub3A_533 = arith.subi %add3A_529, %sub3A_532 : vector<16xi32>
      %max3A_534 = arith.constant 0 : i32
      %max3A_535 = vector.broadcast %max3A_534 : i32 to vector<16xi32>
      %max3A_536 = arith.maxsi %sub3A_533, %max3A_535 : vector<16xi32>
      %gather3A_537 = tpu.vector_load_idx %arg12[%max3A_536] : memref<144xi32, #tpu.memory_space<vmem>>[vector<16xi32>], vector<16xi32>,
      %lt3A_538 = vector.broadcast %min3A_286 : i32 to vector<16xi32>
      %lt3A_539 = arith.cmpi slt, %add3A_529, %lt3A_538 : vector<16xi32>
      %select_n3A_540 = arith.select %lt3A_539, %get3A_531, %gather3A_537 : vector<16xi1>, vector<16xi32>
      %mul3A_541 = arith.constant 128 : i32
      %mul3A_542 = arith.muli %scan3A_275, %mul3A_541 : i32
      %add3A_543 = arith.constant 96 : i32
      %add3A_544 = arith.addi %mul3A_542, %add3A_543 : i32
      %gather3A_545 = tpu.vector_load_idx %arg9[%select_n3A_540] : memref<24576xf32, #tpu.memory_space<vmem>>[vector<16xi32>], vector<16xf32>,
      %sub3A_546 = arith.subf %gather3A_545, %gather3A : vector<16xf32>
      %swap3A_547 = arith.index_cast %add3A_544 : i32 to index
      %swap3A_548 = tpu.vector_load %arg13[%swap3A_547] {strides = array<i32>} : memref<6144xf32, #tpu.memory_space<vmem>>, vector<16xf32>,
      tpu.vector_store %arg13[%swap3A_547], %sub3A_546 {strides = array<i32>} : memref<6144xf32, #tpu.memory_space<vmem>>, vector<16xf32>,
      %add3A_549 = arith.constant 8192 : i32
      %add3A_550 = vector.broadcast %add3A_549 : i32 to vector<16xi32>
      %add3A_551 = arith.addi %select_n3A_540, %add3A_550 : vector<16xi32>
      %gather3A_552 = tpu.vector_load_idx %arg9[%add3A_551] : memref<24576xf32, #tpu.memory_space<vmem>>[vector<16xi32>], vector<16xf32>,
      %sub3A_553 = arith.subf %gather3A_552, %gather3A_279 : vector<16xf32>
      %add3A_554 = arith.constant 2048 : i32
      %add3A_555 = arith.addi %add3A_554, %add3A_544 : i32
      %swap3A_556 = arith.index_cast %add3A_555 : i32 to index
      %swap3A_557 = tpu.vector_load %arg13[%swap3A_556] {strides = array<i32>} : memref<6144xf32, #tpu.memory_space<vmem>>, vector<16xf32>,
      tpu.vector_store %arg13[%swap3A_556], %sub3A_553 {strides = array<i32>} : memref<6144xf32, #tpu.memory_space<vmem>>, vector<16xf32>,
      %add3A_558 = arith.constant 16384 : i32
      %add3A_559 = vector.broadcast %add3A_558 : i32 to vector<16xi32>
      %add3A_560 = arith.addi %select_n3A_540, %add3A_559 : vector<16xi32>
      %gather3A_561 = tpu.vector_load_idx %arg9[%add3A_560] : memref<24576xf32, #tpu.memory_space<vmem>>[vector<16xi32>], vector<16xf32>,
      %sub3A_562 = arith.subf %gather3A_561, %gather3A_283 : vector<16xf32>
      %add3A_563 = arith.constant 4096 : i32
      %add3A_564 = arith.addi %add3A_563, %add3A_544 : i32
      %swap3A_565 = arith.index_cast %add3A_564 : i32 to index
      %swap3A_566 = tpu.vector_load %arg13[%swap3A_565] {strides = array<i32>} : memref<6144xf32, #tpu.memory_space<vmem>>, vector<16xf32>,
      tpu.vector_store %arg13[%swap3A_565], %sub3A_562 {strides = array<i32>} : memref<6144xf32, #tpu.memory_space<vmem>>, vector<16xf32>,
      %add3A_567 = arith.constant 112 : i32
      %add3A_568 = vector.broadcast %add3A_567 : i32 to vector<16xi32>
      %add3A_569 = arith.addi %iota3A, %add3A_568 : vector<16xi32>
      %get3A_570 = arith.constant 112 : index
      %get3A_571 = tpu.vector_load %arg11[%get3A_570] {strides = array<i32>} : memref<144xi32, #tpu.memory_space<vmem>>, vector<16xi32>,
      %sub3A_572 = vector.broadcast %min3A_286 : i32 to vector<16xi32>
      %sub3A_573 = arith.subi %add3A_569, %sub3A_572 : vector<16xi32>
      %max3A_574 = arith.constant 0 : i32
      %max3A_575 = vector.broadcast %max3A_574 : i32 to vector<16xi32>
      %max3A_576 = arith.maxsi %sub3A_573, %max3A_575 : vector<16xi32>
      %gather3A_577 = tpu.vector_load_idx %arg12[%max3A_576] : memref<144xi32, #tpu.memory_space<vmem>>[vector<16xi32>], vector<16xi32>,
      %lt3A_578 = vector.broadcast %min3A_286 : i32 to vector<16xi32>
      %lt3A_579 = arith.cmpi slt, %add3A_569, %lt3A_578 : vector<16xi32>
      %select_n3A_580 = arith.select %lt3A_579, %get3A_571, %gather3A_577 : vector<16xi1>, vector<16xi32>
      %mul3A_581 = arith.constant 128 : i32
      %mul3A_582 = arith.muli %scan3A_275, %mul3A_581 : i32
      %add3A_583 = arith.constant 112 : i32
      %add3A_584 = arith.addi %mul3A_582, %add3A_583 : i32
      %gather3A_585 = tpu.vector_load_idx %arg9[%select_n3A_580] : memref<24576xf32, #tpu.memory_space<vmem>>[vector<16xi32>], vector<16xf32>,
      %sub3A_586 = arith.subf %gather3A_585, %gather3A : vector<16xf32>
      %swap3A_587 = arith.index_cast %add3A_584 : i32 to index
      %swap3A_588 = tpu.vector_load %arg13[%swap3A_587] {strides = array<i32>} : memref<6144xf32, #tpu.memory_space<vmem>>, vector<16xf32>,
      tpu.vector_store %arg13[%swap3A_587], %sub3A_586 {strides = array<i32>} : memref<6144xf32, #tpu.memory_space<vmem>>, vector<16xf32>,
      %add3A_589 = arith.constant 8192 : i32
      %add3A_590 = vector.broadcast %add3A_589 : i32 to vector<16xi32>
      %add3A_591 = arith.addi %select_n3A_580, %add3A_590 : vector<16xi32>
      %gather3A_592 = tpu.vector_load_idx %arg9[%add3A_591] : memref<24576xf32, #tpu.memory_space<vmem>>[vector<16xi32>], vector<16xf32>,
      %sub3A_593 = arith.subf %gather3A_592, %gather3A_279 : vector<16xf32>
      %add3A_594 = arith.constant 2048 : i32
      %add3A_595 = arith.addi %add3A_594, %add3A_584 : i32
      %swap3A_596 = arith.index_cast %add3A_595 : i32 to index
      %swap3A_597 = tpu.vector_load %arg13[%swap3A_596] {strides = array<i32>} : memref<6144xf32, #tpu.memory_space<vmem>>, vector<16xf32>,
      tpu.vector_store %arg13[%swap3A_596], %sub3A_593 {strides = array<i32>} : memref<6144xf32, #tpu.memory_space<vmem>>, vector<16xf32>,
      %add3A_598 = arith.constant 16384 : i32
      %add3A_599 = vector.broadcast %add3A_598 : i32 to vector<16xi32>
      %add3A_600 = arith.addi %select_n3A_580, %add3A_599 : vector<16xi32>
      %gather3A_601 = tpu.vector_load_idx %arg9[%add3A_600] : memref<24576xf32, #tpu.memory_space<vmem>>[vector<16xi32>], vector<16xf32>,
      %sub3A_602 = arith.subf %gather3A_601, %gather3A_283 : vector<16xf32>
      %add3A_603 = arith.constant 4096 : i32
      %add3A_604 = arith.addi %add3A_603, %add3A_584 : i32
      %swap3A_605 = arith.index_cast %add3A_604 : i32 to index
      %swap3A_606 = tpu.vector_load %arg13[%swap3A_605] {strides = array<i32>} : memref<6144xf32, #tpu.memory_space<vmem>>, vector<16xf32>,
      tpu.vector_store %arg13[%swap3A_605], %sub3A_602 {strides = array<i32>} : memref<6144xf32, #tpu.memory_space<vmem>>, vector<16xf32>,
      %gt3A = arith.constant 0 : i32
      %gt3A_607 = arith.cmpi sgt, %while3A_285#1, %gt3A : i32
      %jit3A_608 = arith.constant 1.000000e+00 : f32
      %jit3A_609 = arith.constant 0.000000e+00 : f32
      %select_n3A_610 = arith.select %gt3A_607, %jit3A_608, %jit3A_609 : f32
      %broadcast_in_dim3A_611 = vector.broadcast %select_n3A_610 : f32 to vector<16xf32>
      tpu.vector_store_idx %arg14[%broadcast_in_dim3A], %broadcast_in_dim3A_611 masked %eq3A_35 : memref<16xf32, #tpu.memory_space<vmem>>[vector<16xi32>], vector<16xf32>, vector<16xi1>
    }
    %scan3A_242 = arith.constant 16 : i32
    %mul3A_243 = arith.constant 3 : i32
    %mul3A_244 = arith.muli %select_n3A, %mul3A_243 : i32
    %add3A_245 = arith.constant 0 : i32
    %add3A_246 = arith.addi %mul3A_244, %add3A_245 : i32
    %mul3A_247 = arith.constant 128 : i32
    %mul3A_248 = arith.muli %add3A_246, %mul3A_247 : i32
    %add3A_249 = arith.addi %mul3A_248, %mul3A_32 : i32
    %mul3A_250 = arith.constant 128 : i32
    %mul3A_251 = arith.muli %add3A_249, %mul3A_250 : i32
    "tpu.region"() ({
      %run_scoped3A = tpu.sem_alloc : memref<!tpu.dma_semaphore, #tpu.memory_space<semaphore_mem>>
      %dma_start3A = arith.constant 0 : i32
      %dma_start3A_275 = tpu.memref_slice %arg13[%dma_start3A] : memref<6144xf32, #tpu.memory_space<vmem>> -> memref<2048xf32, #tpu.memory_space<vmem>>
      %dma_start3A_276 = tpu.memref_slice %arg7[%mul3A_251] : memref<196608xf32, #tpu.memory_space<hbm>> -> memref<2048xf32, #tpu.memory_space<hbm>>
      %dma_start3A_277 = tpu.memref_slice %arg7[%mul3A_251] : memref<196608xf32, #tpu.memory_space<hbm>> -> memref<2048xf32, #tpu.memory_space<hbm>>
      %dma_start3A_278 = arith.constant 0 : i32
      %dma_start3A_279 = tpu.memref_slice %arg13[%dma_start3A_278] : memref<6144xf32, #tpu.memory_space<vmem>> -> memref<2048xf32, #tpu.memory_space<vmem>>
      tpu.enqueue_dma source(%dma_start3A_279 : memref<2048xf32, #tpu.memory_space<vmem>>) target(%dma_start3A_277 : memref<2048xf32, #tpu.memory_space<hbm>>) target_semaphore(%run_scoped3A : memref<!tpu.dma_semaphore, #tpu.memory_space<semaphore_mem>>)
      %dma_wait3A = arith.constant 0 : i32
      %dma_wait3A_280 = tpu.memref_slice %arg13[%dma_wait3A] : memref<6144xf32, #tpu.memory_space<vmem>> -> memref<2048xf32, #tpu.memory_space<vmem>>
      %dma_wait3A_281 = tpu.memref_slice %arg7[%mul3A_251] : memref<196608xf32, #tpu.memory_space<hbm>> -> memref<2048xf32, #tpu.memory_space<hbm>>
      %dma_wait3A_282 = tpu.memref_slice %arg7[%mul3A_251] : memref<196608xf32, #tpu.memory_space<hbm>> -> memref<2048xf32, #tpu.memory_space<hbm>>
      %dma_wait3A_283 = arith.constant 0 : i32
      %dma_wait3A_284 = tpu.memref_slice %arg13[%dma_wait3A_283] : memref<6144xf32, #tpu.memory_space<vmem>> -> memref<2048xf32, #tpu.memory_space<vmem>>
      tpu.wait_dma2 semaphore(%run_scoped3A : memref<!tpu.dma_semaphore, #tpu.memory_space<semaphore_mem>>) src(%dma_wait3A_284 : memref<2048xf32, #tpu.memory_space<vmem>>) dst(%dma_wait3A_282 : memref<2048xf32, #tpu.memory_space<hbm>>)
      tpu.yield
    }) : () -> ()
    %mul3A_252 = arith.constant 3 : i32
    %mul3A_253 = arith.muli %select_n3A, %mul3A_252 : i32
    %add3A_254 = arith.constant 1 : i32
    %add3A_255 = arith.addi %mul3A_253, %add3A_254 : i32
    %mul3A_256 = arith.constant 128 : i32
    %mul3A_257 = arith.muli %add3A_255, %mul3A_256 : i32
    %add3A_258 = arith.addi %mul3A_257, %mul3A_32 : i32
    %mul3A_259 = arith.constant 128 : i32
    %mul3A_260 = arith.muli %add3A_258, %mul3A_259 : i32
    "tpu.region"() ({
      %run_scoped3A = tpu.sem_alloc : memref<!tpu.dma_semaphore, #tpu.memory_space<semaphore_mem>>
      %dma_start3A = arith.constant 2048 : i32
      %dma_start3A_275 = tpu.memref_slice %arg13[%dma_start3A] : memref<6144xf32, #tpu.memory_space<vmem>> -> memref<2048xf32, #tpu.memory_space<vmem>>
      %dma_start3A_276 = tpu.memref_slice %arg7[%mul3A_260] : memref<196608xf32, #tpu.memory_space<hbm>> -> memref<2048xf32, #tpu.memory_space<hbm>>
      %dma_start3A_277 = tpu.memref_slice %arg7[%mul3A_260] : memref<196608xf32, #tpu.memory_space<hbm>> -> memref<2048xf32, #tpu.memory_space<hbm>>
      %dma_start3A_278 = arith.constant 2048 : i32
      %dma_start3A_279 = tpu.memref_slice %arg13[%dma_start3A_278] : memref<6144xf32, #tpu.memory_space<vmem>> -> memref<2048xf32, #tpu.memory_space<vmem>>
      tpu.enqueue_dma source(%dma_start3A_279 : memref<2048xf32, #tpu.memory_space<vmem>>) target(%dma_start3A_277 : memref<2048xf32, #tpu.memory_space<hbm>>) target_semaphore(%run_scoped3A : memref<!tpu.dma_semaphore, #tpu.memory_space<semaphore_mem>>)
      %dma_wait3A = arith.constant 2048 : i32
      %dma_wait3A_280 = tpu.memref_slice %arg13[%dma_wait3A] : memref<6144xf32, #tpu.memory_space<vmem>> -> memref<2048xf32, #tpu.memory_space<vmem>>
      %dma_wait3A_281 = tpu.memref_slice %arg7[%mul3A_260] : memref<196608xf32, #tpu.memory_space<hbm>> -> memref<2048xf32, #tpu.memory_space<hbm>>
      %dma_wait3A_282 = tpu.memref_slice %arg7[%mul3A_260] : memref<196608xf32, #tpu.memory_space<hbm>> -> memref<2048xf32, #tpu.memory_space<hbm>>
      %dma_wait3A_283 = arith.constant 2048 : i32
      %dma_wait3A_284 = tpu.memref_slice %arg13[%dma_wait3A_283] : memref<6144xf32, #tpu.memory_space<vmem>> -> memref<2048xf32, #tpu.memory_space<vmem>>
      tpu.wait_dma2 semaphore(%run_scoped3A : memref<!tpu.dma_semaphore, #tpu.memory_space<semaphore_mem>>) src(%dma_wait3A_284 : memref<2048xf32, #tpu.memory_space<vmem>>) dst(%dma_wait3A_282 : memref<2048xf32, #tpu.memory_space<hbm>>)
      tpu.yield
    }) : () -> ()
    %mul3A_261 = arith.constant 3 : i32
    %mul3A_262 = arith.muli %select_n3A, %mul3A_261 : i32
    %add3A_263 = arith.constant 2 : i32
    %add3A_264 = arith.addi %mul3A_262, %add3A_263 : i32
    %mul3A_265 = arith.constant 128 : i32
    %mul3A_266 = arith.muli %add3A_264, %mul3A_265 : i32
    %add3A_267 = arith.addi %mul3A_266, %mul3A_32 : i32
    %mul3A_268 = arith.constant 128 : i32
    %mul3A_269 = arith.muli %add3A_267, %mul3A_268 : i32
    "tpu.region"() ({
      %run_scoped3A = tpu.sem_alloc : memref<!tpu.dma_semaphore, #tpu.memory_space<semaphore_mem>>
      %dma_start3A = arith.constant 4096 : i32
      %dma_start3A_275 = tpu.memref_slice %arg13[%dma_start3A] : memref<6144xf32, #tpu.memory_space<vmem>> -> memref<2048xf32, #tpu.memory_space<vmem>>
      %dma_start3A_276 = tpu.memref_slice %arg7[%mul3A_269] : memref<196608xf32, #tpu.memory_space<hbm>> -> memref<2048xf32, #tpu.memory_space<hbm>>
      %dma_start3A_277 = tpu.memref_slice %arg7[%mul3A_269] : memref<196608xf32, #tpu.memory_space<hbm>> -> memref<2048xf32, #tpu.memory_space<hbm>>
      %dma_start3A_278 = arith.constant 4096 : i32
      %dma_start3A_279 = tpu.memref_slice %arg13[%dma_start3A_278] : memref<6144xf32, #tpu.memory_space<vmem>> -> memref<2048xf32, #tpu.memory_space<vmem>>
      tpu.enqueue_dma source(%dma_start3A_279 : memref<2048xf32, #tpu.memory_space<vmem>>) target(%dma_start3A_277 : memref<2048xf32, #tpu.memory_space<hbm>>) target_semaphore(%run_scoped3A : memref<!tpu.dma_semaphore, #tpu.memory_space<semaphore_mem>>)
      %dma_wait3A = arith.constant 4096 : i32
      %dma_wait3A_280 = tpu.memref_slice %arg13[%dma_wait3A] : memref<6144xf32, #tpu.memory_space<vmem>> -> memref<2048xf32, #tpu.memory_space<vmem>>
      %dma_wait3A_281 = tpu.memref_slice %arg7[%mul3A_269] : memref<196608xf32, #tpu.memory_space<hbm>> -> memref<2048xf32, #tpu.memory_space<hbm>>
      %dma_wait3A_282 = tpu.memref_slice %arg7[%mul3A_269] : memref<196608xf32, #tpu.memory_space<hbm>> -> memref<2048xf32, #tpu.memory_space<hbm>>
      %dma_wait3A_283 = arith.constant 4096 : i32
      %dma_wait3A_284 = tpu.memref_slice %arg13[%dma_wait3A_283] : memref<6144xf32, #tpu.memory_space<vmem>> -> memref<2048xf32, #tpu.memory_space<vmem>>
      tpu.wait_dma2 semaphore(%run_scoped3A : memref<!tpu.dma_semaphore, #tpu.memory_space<semaphore_mem>>) src(%dma_wait3A_284 : memref<2048xf32, #tpu.memory_space<vmem>>) dst(%dma_wait3A_282 : memref<2048xf32, #tpu.memory_space<hbm>>)
      tpu.yield
    }) : () -> ()
    %mul3A_270 = arith.constant 128 : i32
    %mul3A_271 = arith.muli %select_n3A, %mul3A_270 : i32
    %add3A_272 = arith.constant 1536 : i32
    %add3A_273 = arith.addi %add3A_272, %mul3A_271 : i32
    %add3A_274 = arith.addi %add3A_273, %mul3A_32 : i32
    "tpu.region"() ({
      %run_scoped3A = tpu.sem_alloc : memref<!tpu.dma_semaphore, #tpu.memory_space<semaphore_mem>>
      %dma_start3A = tpu.memref_slice %arg8[%add3A_274] : memref<2048xf32, #tpu.memory_space<hbm>> -> memref<16xf32, #tpu.memory_space<hbm>>
      %dma_start3A_275 = tpu.memref_slice %arg8[%add3A_274] : memref<2048xf32, #tpu.memory_space<hbm>> -> memref<16xf32, #tpu.memory_space<hbm>>
      tpu.enqueue_dma source(%arg14 : memref<16xf32, #tpu.memory_space<vmem>>) target(%dma_start3A_275 : memref<16xf32, #tpu.memory_space<hbm>>) target_semaphore(%run_scoped3A : memref<!tpu.dma_semaphore, #tpu.memory_space<semaphore_mem>>)
      %dma_wait3A = tpu.memref_slice %arg8[%add3A_274] : memref<2048xf32, #tpu.memory_space<hbm>> -> memref<16xf32, #tpu.memory_space<hbm>>
      %dma_wait3A_276 = tpu.memref_slice %arg8[%add3A_274] : memref<2048xf32, #tpu.memory_space<hbm>> -> memref<16xf32, #tpu.memory_space<hbm>>
      tpu.wait_dma2 semaphore(%run_scoped3A : memref<!tpu.dma_semaphore, #tpu.memory_space<semaphore_mem>>) src(%arg14 : memref<16xf32, #tpu.memory_space<vmem>>) dst(%dma_wait3A_276 : memref<16xf32, #tpu.memory_space<hbm>>)
      tpu.yield
    }) : () -> ()
    return
  }
}

module attributes {stable_mosaic.version = 14 : i64} {
  func.func @body(%arg0: i32, %arg1: memref<1x3x4096xf32, #tpu.memory_space<vmem>>, %arg2: memref<1x3x8192xf32, #tpu.memory_space<vmem>>, %arg3: memref<1x3x8192xf32, #tpu.memory_space<vmem>>, %arg4: memref<1x3x16384xf32, #tpu.memory_space<vmem>>, %arg5: memref<4x1x128x1xf32, #tpu.memory_space<vmem>>, %arg6: memref<3x64xf32, #tpu.memory_space<vmem>>, %arg7: memref<1x64xf32, #tpu.memory_space<vmem>>, %arg8: memref<64x64xf32, #tpu.memory_space<vmem>>, %arg9: memref<1x64xf32, #tpu.memory_space<vmem>>, %arg10: memref<64x128xf32, #tpu.memory_space<vmem>>, %arg11: memref<1x128xf32, #tpu.memory_space<vmem>>, %arg12: memref<128x128xf32, #tpu.memory_space<vmem>>, %arg13: memref<1x128xf32, #tpu.memory_space<vmem>>, %arg14: memref<3x64xf32, #tpu.memory_space<vmem>>, %arg15: memref<1x64xf32, #tpu.memory_space<vmem>>, %arg16: memref<64x64xf32, #tpu.memory_space<vmem>>, %arg17: memref<1x64xf32, #tpu.memory_space<vmem>>, %arg18: memref<64x128xf32, #tpu.memory_space<vmem>>, %arg19: memref<1x128xf32, #tpu.memory_space<vmem>>, %arg20: memref<128x128xf32, #tpu.memory_space<vmem>>, %arg21: memref<1x128xf32, #tpu.memory_space<vmem>>, %arg22: memref<3x128xf32, #tpu.memory_space<vmem>>, %arg23: memref<1x128xf32, #tpu.memory_space<vmem>>, %arg24: memref<128x128xf32, #tpu.memory_space<vmem>>, %arg25: memref<1x128xf32, #tpu.memory_space<vmem>>, %arg26: memref<128x256xf32, #tpu.memory_space<vmem>>, %arg27: memref<1x256xf32, #tpu.memory_space<vmem>>, %arg28: memref<256x256xf32, #tpu.memory_space<vmem>>, %arg29: memref<1x256xf32, #tpu.memory_space<vmem>>, %arg30: memref<3x256xf32, #tpu.memory_space<vmem>>, %arg31: memref<1x256xf32, #tpu.memory_space<vmem>>, %arg32: memref<256x256xf32, #tpu.memory_space<vmem>>, %arg33: memref<1x256xf32, #tpu.memory_space<vmem>>, %arg34: memref<256x512xf32, #tpu.memory_space<vmem>>, %arg35: memref<1x512xf32, #tpu.memory_space<vmem>>, %arg36: memref<1x128x128xf32, #tpu.memory_space<vmem>>, %arg37: memref<1x128x128xf32, #tpu.memory_space<vmem>>, %arg38: memref<1x128x256xf32, #tpu.memory_space<vmem>>, %arg39: memref<1x128x512xf32, #tpu.memory_space<vmem>>) attributes {dimension_semantics = [#tpu.dimension_semantics<arbitrary>], iteration_bounds = array<i64: 4>, scalar_prefetch = 0 : i64, scratch_operands = 0 : i64, tpu.core_type = #tpu.core_type<tc>, window_params = [{transform_indices = @transform_0, window_bounds = array<i64: 1, 3, 4096>}, {transform_indices = @transform_1, window_bounds = array<i64: 1, 3, 8192>}, {transform_indices = @transform_2, window_bounds = array<i64: 1, 3, 8192>}, {transform_indices = @transform_3, window_bounds = array<i64: 1, 3, 16384>}, {transform_indices = @transform_4, window_bounds = array<i64: 4, 1, 128, 1>}, {pipeline_mode = #tpu.pipeline_mode<synchronous>, transform_indices = @transform_5, window_bounds = array<i64: 3, 64>}, {pipeline_mode = #tpu.pipeline_mode<synchronous>, transform_indices = @transform_6, window_bounds = array<i64: 1, 64>}, {pipeline_mode = #tpu.pipeline_mode<synchronous>, transform_indices = @transform_7, window_bounds = array<i64: 64, 64>}, {pipeline_mode = #tpu.pipeline_mode<synchronous>, transform_indices = @transform_8, window_bounds = array<i64: 1, 64>}, {pipeline_mode = #tpu.pipeline_mode<synchronous>, transform_indices = @transform_9, window_bounds = array<i64: 64, 128>}, {pipeline_mode = #tpu.pipeline_mode<synchronous>, transform_indices = @transform_10, window_bounds = array<i64: 1, 128>}, {pipeline_mode = #tpu.pipeline_mode<synchronous>, transform_indices = @transform_11, window_bounds = array<i64: 128, 128>}, {pipeline_mode = #tpu.pipeline_mode<synchronous>, transform_indices = @transform_12, window_bounds = array<i64: 1, 128>}, {pipeline_mode = #tpu.pipeline_mode<synchronous>, transform_indices = @transform_13, window_bounds = array<i64: 3, 64>}, {pipeline_mode = #tpu.pipeline_mode<synchronous>, transform_indices = @transform_14, window_bounds = array<i64: 1, 64>}, {pipeline_mode = #tpu.pipeline_mode<synchronous>, transform_indices = @transform_15, window_bounds = array<i64: 64, 64>}, {pipeline_mode = #tpu.pipeline_mode<synchronous>, transform_indices = @transform_16, window_bounds = array<i64: 1, 64>}, {pipeline_mode = #tpu.pipeline_mode<synchronous>, transform_indices = @transform_17, window_bounds = array<i64: 64, 128>}, {pipeline_mode = #tpu.pipeline_mode<synchronous>, transform_indices = @transform_18, window_bounds = array<i64: 1, 128>}, {pipeline_mode = #tpu.pipeline_mode<synchronous>, transform_indices = @transform_19, window_bounds = array<i64: 128, 128>}, {pipeline_mode = #tpu.pipeline_mode<synchronous>, transform_indices = @transform_20, window_bounds = array<i64: 1, 128>}, {pipeline_mode = #tpu.pipeline_mode<synchronous>, transform_indices = @transform_21, window_bounds = array<i64: 3, 128>}, {pipeline_mode = #tpu.pipeline_mode<synchronous>, transform_indices = @transform_22, window_bounds = array<i64: 1, 128>}, {pipeline_mode = #tpu.pipeline_mode<synchronous>, transform_indices = @transform_23, window_bounds = array<i64: 128, 128>}, {pipeline_mode = #tpu.pipeline_mode<synchronous>, transform_indices = @transform_24, window_bounds = array<i64: 1, 128>}, {pipeline_mode = #tpu.pipeline_mode<synchronous>, transform_indices = @transform_25, window_bounds = array<i64: 128, 256>}, {pipeline_mode = #tpu.pipeline_mode<synchronous>, transform_indices = @transform_26, window_bounds = array<i64: 1, 256>}, {pipeline_mode = #tpu.pipeline_mode<synchronous>, transform_indices = @transform_27, window_bounds = array<i64: 256, 256>}, {pipeline_mode = #tpu.pipeline_mode<synchronous>, transform_indices = @transform_28, window_bounds = array<i64: 1, 256>}, {pipeline_mode = #tpu.pipeline_mode<synchronous>, transform_indices = @transform_29, window_bounds = array<i64: 3, 256>}, {pipeline_mode = #tpu.pipeline_mode<synchronous>, transform_indices = @transform_30, window_bounds = array<i64: 1, 256>}, {pipeline_mode = #tpu.pipeline_mode<synchronous>, transform_indices = @transform_31, window_bounds = array<i64: 256, 256>}, {pipeline_mode = #tpu.pipeline_mode<synchronous>, transform_indices = @transform_32, window_bounds = array<i64: 1, 256>}, {pipeline_mode = #tpu.pipeline_mode<synchronous>, transform_indices = @transform_33, window_bounds = array<i64: 256, 512>}, {pipeline_mode = #tpu.pipeline_mode<synchronous>, transform_indices = @transform_34, window_bounds = array<i64: 1, 512>}, {transform_indices = @transform_35, window_bounds = array<i64: 1, 128, 128>}, {transform_indices = @transform_36, window_bounds = array<i64: 1, 128, 128>}, {transform_indices = @transform_37, window_bounds = array<i64: 1, 128, 256>}, {transform_indices = @transform_38, window_bounds = array<i64: 1, 128, 512>}]} {
    %get3A = arith.constant 0 : index
    %get3A_0 = arith.constant 0 : index
    %get3A_1 = arith.constant 0 : index
    %get3A_2 = vector.load %arg1[%get3A, %get3A_0, %get3A_1] : memref<1x3x4096xf32, #tpu.memory_space<vmem>>, vector<1x3x4096xf32>
    %get3A_3 = vector.shape_cast %get3A_2 : vector<1x3x4096xf32> to vector<3x4096xf32>
    %get3A_4 = arith.constant 0 : index
    %get3A_5 = arith.constant 0 : index
    %get3A_6 = vector.load %arg6[%get3A_4, %get3A_5] : memref<3x64xf32, #tpu.memory_space<vmem>>, vector<3x64xf32>
    %get3A_7 = arith.constant 0 : index
    %get3A_8 = arith.constant 0 : index
    %get3A_9 = vector.load %arg7[%get3A_7, %get3A_8] : memref<1x64xf32, #tpu.memory_space<vmem>>, vector<1x64xf32>
    %dot_general3A = arith.constant dense<0.000000e+00> : vector<4096x64xf32>
    %dot_general3A_10 = tpu.matmul %get3A_3, %get3A_6, %dot_general3A {dimension_numbers = #tpu.dot_dimension_numbers<[0], [0], [1], [1], [0, 1, 1, 1], [], []>, transpose_lhs_hint = false} : vector<3x4096xf32>, vector<3x64xf32>, vector<4096x64xf32> -> vector<4096x64xf32>
    %add3A = vector.broadcast %get3A_9 : vector<1x64xf32> to vector<4096x64xf32>
    %add3A_11 = arith.addf %dot_general3A_10, %add3A : vector<4096x64xf32>
    %max3A = arith.constant 0.000000e+00 : f32
    %max3A_12 = vector.broadcast %max3A : f32 to vector<4096x64xf32>
    %max3A_13 = arith.maximumf %add3A_11, %max3A_12 : vector<4096x64xf32>
    %get3A_14 = arith.constant 0 : index
    %get3A_15 = arith.constant 0 : index
    %get3A_16 = vector.load %arg8[%get3A_14, %get3A_15] : memref<64x64xf32, #tpu.memory_space<vmem>>, vector<64x64xf32>
    %get3A_17 = arith.constant 0 : index
    %get3A_18 = arith.constant 0 : index
    %get3A_19 = vector.load %arg9[%get3A_17, %get3A_18] : memref<1x64xf32, #tpu.memory_space<vmem>>, vector<1x64xf32>
    %dot_general3A_20 = arith.constant dense<0.000000e+00> : vector<4096x64xf32>
    %dot_general3A_21 = tpu.matmul %max3A_13, %get3A_16, %dot_general3A_20 {dimension_numbers = #tpu.dot_dimension_numbers<[1], [0], [0], [1], [0, 0, 1, 1], [], []>, transpose_lhs_hint = false} : vector<4096x64xf32>, vector<64x64xf32>, vector<4096x64xf32> -> vector<4096x64xf32>
    %add3A_22 = vector.broadcast %get3A_19 : vector<1x64xf32> to vector<4096x64xf32>
    %add3A_23 = arith.addf %dot_general3A_21, %add3A_22 : vector<4096x64xf32>
    %max3A_24 = arith.constant 0.000000e+00 : f32
    %max3A_25 = vector.broadcast %max3A_24 : f32 to vector<4096x64xf32>
    %max3A_26 = arith.maximumf %add3A_23, %max3A_25 : vector<4096x64xf32>
    %get3A_27 = arith.constant 0 : index
    %get3A_28 = arith.constant 0 : index
    %get3A_29 = vector.load %arg10[%get3A_27, %get3A_28] : memref<64x128xf32, #tpu.memory_space<vmem>>, vector<64x128xf32>
    %get3A_30 = arith.constant 0 : index
    %get3A_31 = arith.constant 0 : index
    %get3A_32 = vector.load %arg11[%get3A_30, %get3A_31] : memref<1x128xf32, #tpu.memory_space<vmem>>, vector<1x128xf32>
    %dot_general3A_33 = arith.constant dense<0.000000e+00> : vector<4096x128xf32>
    %dot_general3A_34 = tpu.matmul %max3A_26, %get3A_29, %dot_general3A_33 {dimension_numbers = #tpu.dot_dimension_numbers<[1], [0], [0], [1], [0, 0, 1, 1], [], []>, transpose_lhs_hint = false} : vector<4096x64xf32>, vector<64x128xf32>, vector<4096x128xf32> -> vector<4096x128xf32>
    %add3A_35 = vector.broadcast %get3A_32 : vector<1x128xf32> to vector<4096x128xf32>
    %add3A_36 = arith.addf %dot_general3A_34, %add3A_35 : vector<4096x128xf32>
    %max3A_37 = arith.constant 0.000000e+00 : f32
    %max3A_38 = vector.broadcast %max3A_37 : f32 to vector<4096x128xf32>
    %max3A_39 = arith.maximumf %add3A_36, %max3A_38 : vector<4096x128xf32>
    %get3A_40 = arith.constant 0 : index
    %get3A_41 = arith.constant 0 : index
    %get3A_42 = vector.load %arg12[%get3A_40, %get3A_41] : memref<128x128xf32, #tpu.memory_space<vmem>>, vector<128x128xf32>
    %get3A_43 = arith.constant 0 : index
    %get3A_44 = arith.constant 0 : index
    %get3A_45 = vector.load %arg13[%get3A_43, %get3A_44] : memref<1x128xf32, #tpu.memory_space<vmem>>, vector<1x128xf32>
    %dot_general3A_46 = arith.constant dense<0.000000e+00> : vector<4096x128xf32>
    %dot_general3A_47 = tpu.matmul %max3A_39, %get3A_42, %dot_general3A_46 {dimension_numbers = #tpu.dot_dimension_numbers<[1], [0], [0], [1], [0, 0, 1, 1], [], []>, transpose_lhs_hint = false} : vector<4096x128xf32>, vector<128x128xf32>, vector<4096x128xf32> -> vector<4096x128xf32>
    %add3A_48 = vector.broadcast %get3A_45 : vector<1x128xf32> to vector<4096x128xf32>
    %add3A_49 = arith.addf %dot_general3A_47, %add3A_48 : vector<4096x128xf32>
    %max3A_50 = arith.constant 0.000000e+00 : f32
    %max3A_51 = vector.broadcast %max3A_50 : f32 to vector<4096x128xf32>
    %max3A_52 = arith.maximumf %add3A_49, %max3A_51 : vector<4096x128xf32>
    %reshape3A = vector.shape_cast %max3A_52 : vector<4096x128xf32> to vector<128x32x128xf32>
    %reduce_max3A = arith.constant dense<0xFF800000> : vector<128x128xf32>
    %reduce_max3A_53 = vector.multi_reduction <maximumf>, %reshape3A, %reduce_max3A [1] : vector<128x32x128xf32> to vector<128x128xf32>
    %get3A_54 = arith.constant 0 : index
    %get3A_55 = arith.constant 0 : index
    %get3A_56 = arith.constant 0 : index
    %get3A_57 = arith.constant 0 : index
    %get3A_58 = vector.load %arg5[%get3A_54, %get3A_55, %get3A_56, %get3A_57] : memref<4x1x128x1xf32, #tpu.memory_space<vmem>>, vector<1x1x128x1xf32>
    %get3A_59 = vector.shape_cast %get3A_58 : vector<1x1x128x1xf32> to vector<128x1xf32>
    %mul3A = vector.broadcast %get3A_59 : vector<128x1xf32> to vector<128x128xf32>
    %mul3A_60 = arith.mulf %reduce_max3A_53, %mul3A : vector<128x128xf32>
    %swap3A = arith.constant 0 : index
    %swap3A_61 = arith.constant 0 : index
    %swap3A_62 = arith.constant 0 : index
    %swap3A_63 = vector.load %arg36[%swap3A, %swap3A_61, %swap3A_62] : memref<1x128x128xf32, #tpu.memory_space<vmem>>, vector<1x128x128xf32>
    %swap3A_64 = vector.shape_cast %swap3A_63 : vector<1x128x128xf32> to vector<128x128xf32>
    %swap3A_65 = vector.shape_cast %mul3A_60 : vector<128x128xf32> to vector<1x128x128xf32>
    tpu.vector_store %arg36[%swap3A, %swap3A_61, %swap3A_62], %swap3A_65 {strides = array<i32>} : memref<1x128x128xf32, #tpu.memory_space<vmem>>, vector<1x128x128xf32>,
    %get3A_66 = arith.constant 0 : index
    %get3A_67 = arith.constant 0 : index
    %get3A_68 = arith.constant 0 : index
    %get3A_69 = vector.load %arg2[%get3A_66, %get3A_67, %get3A_68] : memref<1x3x8192xf32, #tpu.memory_space<vmem>>, vector<1x3x4096xf32>
    %get3A_70 = vector.shape_cast %get3A_69 : vector<1x3x4096xf32> to vector<3x4096xf32>
    %get3A_71 = arith.constant 0 : index
    %get3A_72 = arith.constant 0 : index
    %get3A_73 = vector.load %arg14[%get3A_71, %get3A_72] : memref<3x64xf32, #tpu.memory_space<vmem>>, vector<3x64xf32>
    %get3A_74 = arith.constant 0 : index
    %get3A_75 = arith.constant 0 : index
    %get3A_76 = vector.load %arg15[%get3A_74, %get3A_75] : memref<1x64xf32, #tpu.memory_space<vmem>>, vector<1x64xf32>
    %dot_general3A_77 = arith.constant dense<0.000000e+00> : vector<4096x64xf32>
    %dot_general3A_78 = tpu.matmul %get3A_70, %get3A_73, %dot_general3A_77 {dimension_numbers = #tpu.dot_dimension_numbers<[0], [0], [1], [1], [0, 1, 1, 1], [], []>, transpose_lhs_hint = false} : vector<3x4096xf32>, vector<3x64xf32>, vector<4096x64xf32> -> vector<4096x64xf32>
    %add3A_79 = vector.broadcast %get3A_76 : vector<1x64xf32> to vector<4096x64xf32>
    %add3A_80 = arith.addf %dot_general3A_78, %add3A_79 : vector<4096x64xf32>
    %max3A_81 = arith.constant 0.000000e+00 : f32
    %max3A_82 = vector.broadcast %max3A_81 : f32 to vector<4096x64xf32>
    %max3A_83 = arith.maximumf %add3A_80, %max3A_82 : vector<4096x64xf32>
    %get3A_84 = arith.constant 0 : index
    %get3A_85 = arith.constant 0 : index
    %get3A_86 = vector.load %arg16[%get3A_84, %get3A_85] : memref<64x64xf32, #tpu.memory_space<vmem>>, vector<64x64xf32>
    %get3A_87 = arith.constant 0 : index
    %get3A_88 = arith.constant 0 : index
    %get3A_89 = vector.load %arg17[%get3A_87, %get3A_88] : memref<1x64xf32, #tpu.memory_space<vmem>>, vector<1x64xf32>
    %dot_general3A_90 = arith.constant dense<0.000000e+00> : vector<4096x64xf32>
    %dot_general3A_91 = tpu.matmul %max3A_83, %get3A_86, %dot_general3A_90 {dimension_numbers = #tpu.dot_dimension_numbers<[1], [0], [0], [1], [0, 0, 1, 1], [], []>, transpose_lhs_hint = false} : vector<4096x64xf32>, vector<64x64xf32>, vector<4096x64xf32> -> vector<4096x64xf32>
    %add3A_92 = vector.broadcast %get3A_89 : vector<1x64xf32> to vector<4096x64xf32>
    %add3A_93 = arith.addf %dot_general3A_91, %add3A_92 : vector<4096x64xf32>
    %max3A_94 = arith.constant 0.000000e+00 : f32
    %max3A_95 = vector.broadcast %max3A_94 : f32 to vector<4096x64xf32>
    %max3A_96 = arith.maximumf %add3A_93, %max3A_95 : vector<4096x64xf32>
    %get3A_97 = arith.constant 0 : index
    %get3A_98 = arith.constant 0 : index
    %get3A_99 = vector.load %arg18[%get3A_97, %get3A_98] : memref<64x128xf32, #tpu.memory_space<vmem>>, vector<64x128xf32>
    %get3A_100 = arith.constant 0 : index
    %get3A_101 = arith.constant 0 : index
    %get3A_102 = vector.load %arg19[%get3A_100, %get3A_101] : memref<1x128xf32, #tpu.memory_space<vmem>>, vector<1x128xf32>
    %dot_general3A_103 = arith.constant dense<0.000000e+00> : vector<4096x128xf32>
    %dot_general3A_104 = tpu.matmul %max3A_96, %get3A_99, %dot_general3A_103 {dimension_numbers = #tpu.dot_dimension_numbers<[1], [0], [0], [1], [0, 0, 1, 1], [], []>, transpose_lhs_hint = false} : vector<4096x64xf32>, vector<64x128xf32>, vector<4096x128xf32> -> vector<4096x128xf32>
    %add3A_105 = vector.broadcast %get3A_102 : vector<1x128xf32> to vector<4096x128xf32>
    %add3A_106 = arith.addf %dot_general3A_104, %add3A_105 : vector<4096x128xf32>
    %max3A_107 = arith.constant 0.000000e+00 : f32
    %max3A_108 = vector.broadcast %max3A_107 : f32 to vector<4096x128xf32>
    %max3A_109 = arith.maximumf %add3A_106, %max3A_108 : vector<4096x128xf32>
    %get3A_110 = arith.constant 0 : index
    %get3A_111 = arith.constant 0 : index
    %get3A_112 = vector.load %arg20[%get3A_110, %get3A_111] : memref<128x128xf32, #tpu.memory_space<vmem>>, vector<128x128xf32>
    %get3A_113 = arith.constant 0 : index
    %get3A_114 = arith.constant 0 : index
    %get3A_115 = vector.load %arg21[%get3A_113, %get3A_114] : memref<1x128xf32, #tpu.memory_space<vmem>>, vector<1x128xf32>
    %dot_general3A_116 = arith.constant dense<0.000000e+00> : vector<4096x128xf32>
    %dot_general3A_117 = tpu.matmul %max3A_109, %get3A_112, %dot_general3A_116 {dimension_numbers = #tpu.dot_dimension_numbers<[1], [0], [0], [1], [0, 0, 1, 1], [], []>, transpose_lhs_hint = false} : vector<4096x128xf32>, vector<128x128xf32>, vector<4096x128xf32> -> vector<4096x128xf32>
    %add3A_118 = vector.broadcast %get3A_115 : vector<1x128xf32> to vector<4096x128xf32>
    %add3A_119 = arith.addf %dot_general3A_117, %add3A_118 : vector<4096x128xf32>
    %max3A_120 = arith.constant 0.000000e+00 : f32
    %max3A_121 = vector.broadcast %max3A_120 : f32 to vector<4096x128xf32>
    %max3A_122 = arith.maximumf %add3A_119, %max3A_121 : vector<4096x128xf32>
    %reshape3A_123 = vector.shape_cast %max3A_122 : vector<4096x128xf32> to vector<64x64x128xf32>
    %reduce_max3A_124 = arith.constant dense<0xFF800000> : vector<64x128xf32>
    %reduce_max3A_125 = vector.multi_reduction <maximumf>, %reshape3A_123, %reduce_max3A_124 [1] : vector<64x64x128xf32> to vector<64x128xf32>
    %get3A_126 = arith.constant 1 : index
    %get3A_127 = arith.constant 0 : index
    %get3A_128 = arith.constant 0 : index
    %get3A_129 = arith.constant 0 : index
    %get3A_130 = vector.load %arg5[%get3A_126, %get3A_127, %get3A_128, %get3A_129] : memref<4x1x128x1xf32, #tpu.memory_space<vmem>>, vector<1x1x64x1xf32>
    %get3A_131 = vector.shape_cast %get3A_130 : vector<1x1x64x1xf32> to vector<64x1xf32>
    %mul3A_132 = vector.broadcast %get3A_131 : vector<64x1xf32> to vector<64x128xf32>
    %mul3A_133 = arith.mulf %reduce_max3A_125, %mul3A_132 : vector<64x128xf32>
    %swap3A_134 = arith.constant 0 : index
    %swap3A_135 = arith.constant 0 : index
    %swap3A_136 = arith.constant 0 : index
    %swap3A_137 = vector.load %arg37[%swap3A_134, %swap3A_135, %swap3A_136] : memref<1x128x128xf32, #tpu.memory_space<vmem>>, vector<1x64x128xf32>
    %swap3A_138 = vector.shape_cast %swap3A_137 : vector<1x64x128xf32> to vector<64x128xf32>
    %swap3A_139 = vector.shape_cast %mul3A_133 : vector<64x128xf32> to vector<1x64x128xf32>
    tpu.vector_store %arg37[%swap3A_134, %swap3A_135, %swap3A_136], %swap3A_139 {strides = array<i32>} : memref<1x128x128xf32, #tpu.memory_space<vmem>>, vector<1x64x128xf32>,
    %get3A_140 = arith.constant 0 : index
    %get3A_141 = arith.constant 0 : index
    %get3A_142 = arith.constant 4096 : index
    %get3A_143 = vector.load %arg2[%get3A_140, %get3A_141, %get3A_142] : memref<1x3x8192xf32, #tpu.memory_space<vmem>>, vector<1x3x4096xf32>
    %get3A_144 = vector.shape_cast %get3A_143 : vector<1x3x4096xf32> to vector<3x4096xf32>
    %get3A_145 = arith.constant 0 : index
    %get3A_146 = arith.constant 0 : index
    %get3A_147 = vector.load %arg14[%get3A_145, %get3A_146] : memref<3x64xf32, #tpu.memory_space<vmem>>, vector<3x64xf32>
    %get3A_148 = arith.constant 0 : index
    %get3A_149 = arith.constant 0 : index
    %get3A_150 = vector.load %arg15[%get3A_148, %get3A_149] : memref<1x64xf32, #tpu.memory_space<vmem>>, vector<1x64xf32>
    %dot_general3A_151 = arith.constant dense<0.000000e+00> : vector<4096x64xf32>
    %dot_general3A_152 = tpu.matmul %get3A_144, %get3A_147, %dot_general3A_151 {dimension_numbers = #tpu.dot_dimension_numbers<[0], [0], [1], [1], [0, 1, 1, 1], [], []>, transpose_lhs_hint = false} : vector<3x4096xf32>, vector<3x64xf32>, vector<4096x64xf32> -> vector<4096x64xf32>
    %add3A_153 = vector.broadcast %get3A_150 : vector<1x64xf32> to vector<4096x64xf32>
    %add3A_154 = arith.addf %dot_general3A_152, %add3A_153 : vector<4096x64xf32>
    %max3A_155 = arith.constant 0.000000e+00 : f32
    %max3A_156 = vector.broadcast %max3A_155 : f32 to vector<4096x64xf32>
    %max3A_157 = arith.maximumf %add3A_154, %max3A_156 : vector<4096x64xf32>
    %get3A_158 = arith.constant 0 : index
    %get3A_159 = arith.constant 0 : index
    %get3A_160 = vector.load %arg16[%get3A_158, %get3A_159] : memref<64x64xf32, #tpu.memory_space<vmem>>, vector<64x64xf32>
    %get3A_161 = arith.constant 0 : index
    %get3A_162 = arith.constant 0 : index
    %get3A_163 = vector.load %arg17[%get3A_161, %get3A_162] : memref<1x64xf32, #tpu.memory_space<vmem>>, vector<1x64xf32>
    %dot_general3A_164 = arith.constant dense<0.000000e+00> : vector<4096x64xf32>
    %dot_general3A_165 = tpu.matmul %max3A_157, %get3A_160, %dot_general3A_164 {dimension_numbers = #tpu.dot_dimension_numbers<[1], [0], [0], [1], [0, 0, 1, 1], [], []>, transpose_lhs_hint = false} : vector<4096x64xf32>, vector<64x64xf32>, vector<4096x64xf32> -> vector<4096x64xf32>
    %add3A_166 = vector.broadcast %get3A_163 : vector<1x64xf32> to vector<4096x64xf32>
    %add3A_167 = arith.addf %dot_general3A_165, %add3A_166 : vector<4096x64xf32>
    %max3A_168 = arith.constant 0.000000e+00 : f32
    %max3A_169 = vector.broadcast %max3A_168 : f32 to vector<4096x64xf32>
    %max3A_170 = arith.maximumf %add3A_167, %max3A_169 : vector<4096x64xf32>
    %get3A_171 = arith.constant 0 : index
    %get3A_172 = arith.constant 0 : index
    %get3A_173 = vector.load %arg18[%get3A_171, %get3A_172] : memref<64x128xf32, #tpu.memory_space<vmem>>, vector<64x128xf32>
    %get3A_174 = arith.constant 0 : index
    %get3A_175 = arith.constant 0 : index
    %get3A_176 = vector.load %arg19[%get3A_174, %get3A_175] : memref<1x128xf32, #tpu.memory_space<vmem>>, vector<1x128xf32>
    %dot_general3A_177 = arith.constant dense<0.000000e+00> : vector<4096x128xf32>
    %dot_general3A_178 = tpu.matmul %max3A_170, %get3A_173, %dot_general3A_177 {dimension_numbers = #tpu.dot_dimension_numbers<[1], [0], [0], [1], [0, 0, 1, 1], [], []>, transpose_lhs_hint = false} : vector<4096x64xf32>, vector<64x128xf32>, vector<4096x128xf32> -> vector<4096x128xf32>
    %add3A_179 = vector.broadcast %get3A_176 : vector<1x128xf32> to vector<4096x128xf32>
    %add3A_180 = arith.addf %dot_general3A_178, %add3A_179 : vector<4096x128xf32>
    %max3A_181 = arith.constant 0.000000e+00 : f32
    %max3A_182 = vector.broadcast %max3A_181 : f32 to vector<4096x128xf32>
    %max3A_183 = arith.maximumf %add3A_180, %max3A_182 : vector<4096x128xf32>
    %get3A_184 = arith.constant 0 : index
    %get3A_185 = arith.constant 0 : index
    %get3A_186 = vector.load %arg20[%get3A_184, %get3A_185] : memref<128x128xf32, #tpu.memory_space<vmem>>, vector<128x128xf32>
    %get3A_187 = arith.constant 0 : index
    %get3A_188 = arith.constant 0 : index
    %get3A_189 = vector.load %arg21[%get3A_187, %get3A_188] : memref<1x128xf32, #tpu.memory_space<vmem>>, vector<1x128xf32>
    %dot_general3A_190 = arith.constant dense<0.000000e+00> : vector<4096x128xf32>
    %dot_general3A_191 = tpu.matmul %max3A_183, %get3A_186, %dot_general3A_190 {dimension_numbers = #tpu.dot_dimension_numbers<[1], [0], [0], [1], [0, 0, 1, 1], [], []>, transpose_lhs_hint = false} : vector<4096x128xf32>, vector<128x128xf32>, vector<4096x128xf32> -> vector<4096x128xf32>
    %add3A_192 = vector.broadcast %get3A_189 : vector<1x128xf32> to vector<4096x128xf32>
    %add3A_193 = arith.addf %dot_general3A_191, %add3A_192 : vector<4096x128xf32>
    %max3A_194 = arith.constant 0.000000e+00 : f32
    %max3A_195 = vector.broadcast %max3A_194 : f32 to vector<4096x128xf32>
    %max3A_196 = arith.maximumf %add3A_193, %max3A_195 : vector<4096x128xf32>
    %reshape3A_197 = vector.shape_cast %max3A_196 : vector<4096x128xf32> to vector<64x64x128xf32>
    %reduce_max3A_198 = arith.constant dense<0xFF800000> : vector<64x128xf32>
    %reduce_max3A_199 = vector.multi_reduction <maximumf>, %reshape3A_197, %reduce_max3A_198 [1] : vector<64x64x128xf32> to vector<64x128xf32>
    %get3A_200 = arith.constant 1 : index
    %get3A_201 = arith.constant 0 : index
    %get3A_202 = arith.constant 64 : index
    %get3A_203 = arith.constant 0 : index
    %get3A_204 = vector.load %arg5[%get3A_200, %get3A_201, %get3A_202, %get3A_203] : memref<4x1x128x1xf32, #tpu.memory_space<vmem>>, vector<1x1x64x1xf32>
    %get3A_205 = vector.shape_cast %get3A_204 : vector<1x1x64x1xf32> to vector<64x1xf32>
    %mul3A_206 = vector.broadcast %get3A_205 : vector<64x1xf32> to vector<64x128xf32>
    %mul3A_207 = arith.mulf %reduce_max3A_199, %mul3A_206 : vector<64x128xf32>
    %swap3A_208 = arith.constant 0 : index
    %swap3A_209 = arith.constant 64 : index
    %swap3A_210 = arith.constant 0 : index
    %swap3A_211 = vector.load %arg37[%swap3A_208, %swap3A_209, %swap3A_210] : memref<1x128x128xf32, #tpu.memory_space<vmem>>, vector<1x64x128xf32>
    %swap3A_212 = vector.shape_cast %swap3A_211 : vector<1x64x128xf32> to vector<64x128xf32>
    %swap3A_213 = vector.shape_cast %mul3A_207 : vector<64x128xf32> to vector<1x64x128xf32>
    tpu.vector_store %arg37[%swap3A_208, %swap3A_209, %swap3A_210], %swap3A_213 {strides = array<i32>} : memref<1x128x128xf32, #tpu.memory_space<vmem>>, vector<1x64x128xf32>,
    %get3A_214 = arith.constant 0 : index
    %get3A_215 = arith.constant 0 : index
    %get3A_216 = arith.constant 0 : index
    %get3A_217 = vector.load %arg3[%get3A_214, %get3A_215, %get3A_216] : memref<1x3x8192xf32, #tpu.memory_space<vmem>>, vector<1x3x4096xf32>
    %get3A_218 = vector.shape_cast %get3A_217 : vector<1x3x4096xf32> to vector<3x4096xf32>
    %get3A_219 = arith.constant 0 : index
    %get3A_220 = arith.constant 0 : index
    %get3A_221 = vector.load %arg22[%get3A_219, %get3A_220] : memref<3x128xf32, #tpu.memory_space<vmem>>, vector<3x128xf32>
    %get3A_222 = arith.constant 0 : index
    %get3A_223 = arith.constant 0 : index
    %get3A_224 = vector.load %arg23[%get3A_222, %get3A_223] : memref<1x128xf32, #tpu.memory_space<vmem>>, vector<1x128xf32>
    %dot_general3A_225 = arith.constant dense<0.000000e+00> : vector<4096x128xf32>
    %dot_general3A_226 = tpu.matmul %get3A_218, %get3A_221, %dot_general3A_225 {dimension_numbers = #tpu.dot_dimension_numbers<[0], [0], [1], [1], [0, 1, 1, 1], [], []>, transpose_lhs_hint = false} : vector<3x4096xf32>, vector<3x128xf32>, vector<4096x128xf32> -> vector<4096x128xf32>
    %add3A_227 = vector.broadcast %get3A_224 : vector<1x128xf32> to vector<4096x128xf32>
    %add3A_228 = arith.addf %dot_general3A_226, %add3A_227 : vector<4096x128xf32>
    %max3A_229 = arith.constant 0.000000e+00 : f32
    %max3A_230 = vector.broadcast %max3A_229 : f32 to vector<4096x128xf32>
    %max3A_231 = arith.maximumf %add3A_228, %max3A_230 : vector<4096x128xf32>
    %get3A_232 = arith.constant 0 : index
    %get3A_233 = arith.constant 0 : index
    %get3A_234 = vector.load %arg24[%get3A_232, %get3A_233] : memref<128x128xf32, #tpu.memory_space<vmem>>, vector<128x128xf32>
    %get3A_235 = arith.constant 0 : index
    %get3A_236 = arith.constant 0 : index
    %get3A_237 = vector.load %arg25[%get3A_235, %get3A_236] : memref<1x128xf32, #tpu.memory_space<vmem>>, vector<1x128xf32>
    %dot_general3A_238 = arith.constant dense<0.000000e+00> : vector<4096x128xf32>
    %dot_general3A_239 = tpu.matmul %max3A_231, %get3A_234, %dot_general3A_238 {dimension_numbers = #tpu.dot_dimension_numbers<[1], [0], [0], [1], [0, 0, 1, 1], [], []>, transpose_lhs_hint = false} : vector<4096x128xf32>, vector<128x128xf32>, vector<4096x128xf32> -> vector<4096x128xf32>
    %add3A_240 = vector.broadcast %get3A_237 : vector<1x128xf32> to vector<4096x128xf32>
    %add3A_241 = arith.addf %dot_general3A_239, %add3A_240 : vector<4096x128xf32>
    %max3A_242 = arith.constant 0.000000e+00 : f32
    %max3A_243 = vector.broadcast %max3A_242 : f32 to vector<4096x128xf32>
    %max3A_244 = arith.maximumf %add3A_241, %max3A_243 : vector<4096x128xf32>
    %get3A_245 = arith.constant 0 : index
    %get3A_246 = arith.constant 0 : index
    %get3A_247 = vector.load %arg26[%get3A_245, %get3A_246] : memref<128x256xf32, #tpu.memory_space<vmem>>, vector<128x256xf32>
    %get3A_248 = arith.constant 0 : index
    %get3A_249 = arith.constant 0 : index
    %get3A_250 = vector.load %arg27[%get3A_248, %get3A_249] : memref<1x256xf32, #tpu.memory_space<vmem>>, vector<1x256xf32>
    %dot_general3A_251 = arith.constant dense<0.000000e+00> : vector<4096x256xf32>
    %dot_general3A_252 = tpu.matmul %max3A_244, %get3A_247, %dot_general3A_251 {dimension_numbers = #tpu.dot_dimension_numbers<[1], [0], [0], [1], [0, 0, 1, 1], [], []>, transpose_lhs_hint = false} : vector<4096x128xf32>, vector<128x256xf32>, vector<4096x256xf32> -> vector<4096x256xf32>
    %add3A_253 = vector.broadcast %get3A_250 : vector<1x256xf32> to vector<4096x256xf32>
    %add3A_254 = arith.addf %dot_general3A_252, %add3A_253 : vector<4096x256xf32>
    %max3A_255 = arith.constant 0.000000e+00 : f32
    %max3A_256 = vector.broadcast %max3A_255 : f32 to vector<4096x256xf32>
    %max3A_257 = arith.maximumf %add3A_254, %max3A_256 : vector<4096x256xf32>
    %get3A_258 = arith.constant 0 : index
    %get3A_259 = arith.constant 0 : index
    %get3A_260 = vector.load %arg28[%get3A_258, %get3A_259] : memref<256x256xf32, #tpu.memory_space<vmem>>, vector<256x256xf32>
    %get3A_261 = arith.constant 0 : index
    %get3A_262 = arith.constant 0 : index
    %get3A_263 = vector.load %arg29[%get3A_261, %get3A_262] : memref<1x256xf32, #tpu.memory_space<vmem>>, vector<1x256xf32>
    %dot_general3A_264 = arith.constant dense<0.000000e+00> : vector<4096x256xf32>
    %dot_general3A_265 = tpu.matmul %max3A_257, %get3A_260, %dot_general3A_264 {dimension_numbers = #tpu.dot_dimension_numbers<[1], [0], [0], [1], [0, 0, 1, 1], [], []>, transpose_lhs_hint = false} : vector<4096x256xf32>, vector<256x256xf32>, vector<4096x256xf32> -> vector<4096x256xf32>
    %add3A_266 = vector.broadcast %get3A_263 : vector<1x256xf32> to vector<4096x256xf32>
    %add3A_267 = arith.addf %dot_general3A_265, %add3A_266 : vector<4096x256xf32>
    %max3A_268 = arith.constant 0.000000e+00 : f32
    %max3A_269 = vector.broadcast %max3A_268 : f32 to vector<4096x256xf32>
    %max3A_270 = arith.maximumf %add3A_267, %max3A_269 : vector<4096x256xf32>
    %reshape3A_271 = vector.shape_cast %max3A_270 : vector<4096x256xf32> to vector<64x64x256xf32>
    %reduce_max3A_272 = arith.constant dense<0xFF800000> : vector<64x256xf32>
    %reduce_max3A_273 = vector.multi_reduction <maximumf>, %reshape3A_271, %reduce_max3A_272 [1] : vector<64x64x256xf32> to vector<64x256xf32>
    %get3A_274 = arith.constant 2 : index
    %get3A_275 = arith.constant 0 : index
    %get3A_276 = arith.constant 0 : index
    %get3A_277 = arith.constant 0 : index
    %get3A_278 = vector.load %arg5[%get3A_274, %get3A_275, %get3A_276, %get3A_277] : memref<4x1x128x1xf32, #tpu.memory_space<vmem>>, vector<1x1x64x1xf32>
    %get3A_279 = vector.shape_cast %get3A_278 : vector<1x1x64x1xf32> to vector<64x1xf32>
    %mul3A_280 = vector.broadcast %get3A_279 : vector<64x1xf32> to vector<64x256xf32>
    %mul3A_281 = arith.mulf %reduce_max3A_273, %mul3A_280 : vector<64x256xf32>
    %swap3A_282 = arith.constant 0 : index
    %swap3A_283 = arith.constant 0 : index
    %swap3A_284 = arith.constant 0 : index
    %swap3A_285 = vector.load %arg38[%swap3A_282, %swap3A_283, %swap3A_284] : memref<1x128x256xf32, #tpu.memory_space<vmem>>, vector<1x64x256xf32>
    %swap3A_286 = vector.shape_cast %swap3A_285 : vector<1x64x256xf32> to vector<64x256xf32>
    %swap3A_287 = vector.shape_cast %mul3A_281 : vector<64x256xf32> to vector<1x64x256xf32>
    tpu.vector_store %arg38[%swap3A_282, %swap3A_283, %swap3A_284], %swap3A_287 {strides = array<i32>} : memref<1x128x256xf32, #tpu.memory_space<vmem>>, vector<1x64x256xf32>,
    %get3A_288 = arith.constant 0 : index
    %get3A_289 = arith.constant 0 : index
    %get3A_290 = arith.constant 4096 : index
    %get3A_291 = vector.load %arg3[%get3A_288, %get3A_289, %get3A_290] : memref<1x3x8192xf32, #tpu.memory_space<vmem>>, vector<1x3x4096xf32>
    %get3A_292 = vector.shape_cast %get3A_291 : vector<1x3x4096xf32> to vector<3x4096xf32>
    %get3A_293 = arith.constant 0 : index
    %get3A_294 = arith.constant 0 : index
    %get3A_295 = vector.load %arg22[%get3A_293, %get3A_294] : memref<3x128xf32, #tpu.memory_space<vmem>>, vector<3x128xf32>
    %get3A_296 = arith.constant 0 : index
    %get3A_297 = arith.constant 0 : index
    %get3A_298 = vector.load %arg23[%get3A_296, %get3A_297] : memref<1x128xf32, #tpu.memory_space<vmem>>, vector<1x128xf32>
    %dot_general3A_299 = arith.constant dense<0.000000e+00> : vector<4096x128xf32>
    %dot_general3A_300 = tpu.matmul %get3A_292, %get3A_295, %dot_general3A_299 {dimension_numbers = #tpu.dot_dimension_numbers<[0], [0], [1], [1], [0, 1, 1, 1], [], []>, transpose_lhs_hint = false} : vector<3x4096xf32>, vector<3x128xf32>, vector<4096x128xf32> -> vector<4096x128xf32>
    %add3A_301 = vector.broadcast %get3A_298 : vector<1x128xf32> to vector<4096x128xf32>
    %add3A_302 = arith.addf %dot_general3A_300, %add3A_301 : vector<4096x128xf32>
    %max3A_303 = arith.constant 0.000000e+00 : f32
    %max3A_304 = vector.broadcast %max3A_303 : f32 to vector<4096x128xf32>
    %max3A_305 = arith.maximumf %add3A_302, %max3A_304 : vector<4096x128xf32>
    %get3A_306 = arith.constant 0 : index
    %get3A_307 = arith.constant 0 : index
    %get3A_308 = vector.load %arg24[%get3A_306, %get3A_307] : memref<128x128xf32, #tpu.memory_space<vmem>>, vector<128x128xf32>
    %get3A_309 = arith.constant 0 : index
    %get3A_310 = arith.constant 0 : index
    %get3A_311 = vector.load %arg25[%get3A_309, %get3A_310] : memref<1x128xf32, #tpu.memory_space<vmem>>, vector<1x128xf32>
    %dot_general3A_312 = arith.constant dense<0.000000e+00> : vector<4096x128xf32>
    %dot_general3A_313 = tpu.matmul %max3A_305, %get3A_308, %dot_general3A_312 {dimension_numbers = #tpu.dot_dimension_numbers<[1], [0], [0], [1], [0, 0, 1, 1], [], []>, transpose_lhs_hint = false} : vector<4096x128xf32>, vector<128x128xf32>, vector<4096x128xf32> -> vector<4096x128xf32>
    %add3A_314 = vector.broadcast %get3A_311 : vector<1x128xf32> to vector<4096x128xf32>
    %add3A_315 = arith.addf %dot_general3A_313, %add3A_314 : vector<4096x128xf32>
    %max3A_316 = arith.constant 0.000000e+00 : f32
    %max3A_317 = vector.broadcast %max3A_316 : f32 to vector<4096x128xf32>
    %max3A_318 = arith.maximumf %add3A_315, %max3A_317 : vector<4096x128xf32>
    %get3A_319 = arith.constant 0 : index
    %get3A_320 = arith.constant 0 : index
    %get3A_321 = vector.load %arg26[%get3A_319, %get3A_320] : memref<128x256xf32, #tpu.memory_space<vmem>>, vector<128x256xf32>
    %get3A_322 = arith.constant 0 : index
    %get3A_323 = arith.constant 0 : index
    %get3A_324 = vector.load %arg27[%get3A_322, %get3A_323] : memref<1x256xf32, #tpu.memory_space<vmem>>, vector<1x256xf32>
    %dot_general3A_325 = arith.constant dense<0.000000e+00> : vector<4096x256xf32>
    %dot_general3A_326 = tpu.matmul %max3A_318, %get3A_321, %dot_general3A_325 {dimension_numbers = #tpu.dot_dimension_numbers<[1], [0], [0], [1], [0, 0, 1, 1], [], []>, transpose_lhs_hint = false} : vector<4096x128xf32>, vector<128x256xf32>, vector<4096x256xf32> -> vector<4096x256xf32>
    %add3A_327 = vector.broadcast %get3A_324 : vector<1x256xf32> to vector<4096x256xf32>
    %add3A_328 = arith.addf %dot_general3A_326, %add3A_327 : vector<4096x256xf32>
    %max3A_329 = arith.constant 0.000000e+00 : f32
    %max3A_330 = vector.broadcast %max3A_329 : f32 to vector<4096x256xf32>
    %max3A_331 = arith.maximumf %add3A_328, %max3A_330 : vector<4096x256xf32>
    %get3A_332 = arith.constant 0 : index
    %get3A_333 = arith.constant 0 : index
    %get3A_334 = vector.load %arg28[%get3A_332, %get3A_333] : memref<256x256xf32, #tpu.memory_space<vmem>>, vector<256x256xf32>
    %get3A_335 = arith.constant 0 : index
    %get3A_336 = arith.constant 0 : index
    %get3A_337 = vector.load %arg29[%get3A_335, %get3A_336] : memref<1x256xf32, #tpu.memory_space<vmem>>, vector<1x256xf32>
    %dot_general3A_338 = arith.constant dense<0.000000e+00> : vector<4096x256xf32>
    %dot_general3A_339 = tpu.matmul %max3A_331, %get3A_334, %dot_general3A_338 {dimension_numbers = #tpu.dot_dimension_numbers<[1], [0], [0], [1], [0, 0, 1, 1], [], []>, transpose_lhs_hint = false} : vector<4096x256xf32>, vector<256x256xf32>, vector<4096x256xf32> -> vector<4096x256xf32>
    %add3A_340 = vector.broadcast %get3A_337 : vector<1x256xf32> to vector<4096x256xf32>
    %add3A_341 = arith.addf %dot_general3A_339, %add3A_340 : vector<4096x256xf32>
    %max3A_342 = arith.constant 0.000000e+00 : f32
    %max3A_343 = vector.broadcast %max3A_342 : f32 to vector<4096x256xf32>
    %max3A_344 = arith.maximumf %add3A_341, %max3A_343 : vector<4096x256xf32>
    %reshape3A_345 = vector.shape_cast %max3A_344 : vector<4096x256xf32> to vector<64x64x256xf32>
    %reduce_max3A_346 = arith.constant dense<0xFF800000> : vector<64x256xf32>
    %reduce_max3A_347 = vector.multi_reduction <maximumf>, %reshape3A_345, %reduce_max3A_346 [1] : vector<64x64x256xf32> to vector<64x256xf32>
    %get3A_348 = arith.constant 2 : index
    %get3A_349 = arith.constant 0 : index
    %get3A_350 = arith.constant 64 : index
    %get3A_351 = arith.constant 0 : index
    %get3A_352 = vector.load %arg5[%get3A_348, %get3A_349, %get3A_350, %get3A_351] : memref<4x1x128x1xf32, #tpu.memory_space<vmem>>, vector<1x1x64x1xf32>
    %get3A_353 = vector.shape_cast %get3A_352 : vector<1x1x64x1xf32> to vector<64x1xf32>
    %mul3A_354 = vector.broadcast %get3A_353 : vector<64x1xf32> to vector<64x256xf32>
    %mul3A_355 = arith.mulf %reduce_max3A_347, %mul3A_354 : vector<64x256xf32>
    %swap3A_356 = arith.constant 0 : index
    %swap3A_357 = arith.constant 64 : index
    %swap3A_358 = arith.constant 0 : index
    %swap3A_359 = vector.load %arg38[%swap3A_356, %swap3A_357, %swap3A_358] : memref<1x128x256xf32, #tpu.memory_space<vmem>>, vector<1x64x256xf32>
    %swap3A_360 = vector.shape_cast %swap3A_359 : vector<1x64x256xf32> to vector<64x256xf32>
    %swap3A_361 = vector.shape_cast %mul3A_355 : vector<64x256xf32> to vector<1x64x256xf32>
    tpu.vector_store %arg38[%swap3A_356, %swap3A_357, %swap3A_358], %swap3A_361 {strides = array<i32>} : memref<1x128x256xf32, #tpu.memory_space<vmem>>, vector<1x64x256xf32>,
    %get3A_362 = arith.constant 0 : index
    %get3A_363 = arith.constant 0 : index
    %get3A_364 = arith.constant 0 : index
    %get3A_365 = vector.load %arg4[%get3A_362, %get3A_363, %get3A_364] : memref<1x3x16384xf32, #tpu.memory_space<vmem>>, vector<1x3x4096xf32>
    %get3A_366 = vector.shape_cast %get3A_365 : vector<1x3x4096xf32> to vector<3x4096xf32>
    %get3A_367 = arith.constant 0 : index
    %get3A_368 = arith.constant 0 : index
    %get3A_369 = vector.load %arg30[%get3A_367, %get3A_368] : memref<3x256xf32, #tpu.memory_space<vmem>>, vector<3x256xf32>
    %get3A_370 = arith.constant 0 : index
    %get3A_371 = arith.constant 0 : index
    %get3A_372 = vector.load %arg31[%get3A_370, %get3A_371] : memref<1x256xf32, #tpu.memory_space<vmem>>, vector<1x256xf32>
    %dot_general3A_373 = arith.constant dense<0.000000e+00> : vector<4096x256xf32>
    %dot_general3A_374 = tpu.matmul %get3A_366, %get3A_369, %dot_general3A_373 {dimension_numbers = #tpu.dot_dimension_numbers<[0], [0], [1], [1], [0, 1, 1, 1], [], []>, transpose_lhs_hint = false} : vector<3x4096xf32>, vector<3x256xf32>, vector<4096x256xf32> -> vector<4096x256xf32>
    %add3A_375 = vector.broadcast %get3A_372 : vector<1x256xf32> to vector<4096x256xf32>
    %add3A_376 = arith.addf %dot_general3A_374, %add3A_375 : vector<4096x256xf32>
    %max3A_377 = arith.constant 0.000000e+00 : f32
    %max3A_378 = vector.broadcast %max3A_377 : f32 to vector<4096x256xf32>
    %max3A_379 = arith.maximumf %add3A_376, %max3A_378 : vector<4096x256xf32>
    %get3A_380 = arith.constant 0 : index
    %get3A_381 = arith.constant 0 : index
    %get3A_382 = vector.load %arg32[%get3A_380, %get3A_381] : memref<256x256xf32, #tpu.memory_space<vmem>>, vector<256x256xf32>
    %get3A_383 = arith.constant 0 : index
    %get3A_384 = arith.constant 0 : index
    %get3A_385 = vector.load %arg33[%get3A_383, %get3A_384] : memref<1x256xf32, #tpu.memory_space<vmem>>, vector<1x256xf32>
    %dot_general3A_386 = arith.constant dense<0.000000e+00> : vector<4096x256xf32>
    %dot_general3A_387 = tpu.matmul %max3A_379, %get3A_382, %dot_general3A_386 {dimension_numbers = #tpu.dot_dimension_numbers<[1], [0], [0], [1], [0, 0, 1, 1], [], []>, transpose_lhs_hint = false} : vector<4096x256xf32>, vector<256x256xf32>, vector<4096x256xf32> -> vector<4096x256xf32>
    %add3A_388 = vector.broadcast %get3A_385 : vector<1x256xf32> to vector<4096x256xf32>
    %add3A_389 = arith.addf %dot_general3A_387, %add3A_388 : vector<4096x256xf32>
    %max3A_390 = arith.constant 0.000000e+00 : f32
    %max3A_391 = vector.broadcast %max3A_390 : f32 to vector<4096x256xf32>
    %max3A_392 = arith.maximumf %add3A_389, %max3A_391 : vector<4096x256xf32>
    %get3A_393 = arith.constant 0 : index
    %get3A_394 = arith.constant 0 : index
    %get3A_395 = vector.load %arg34[%get3A_393, %get3A_394] : memref<256x512xf32, #tpu.memory_space<vmem>>, vector<256x512xf32>
    %get3A_396 = arith.constant 0 : index
    %get3A_397 = arith.constant 0 : index
    %get3A_398 = vector.load %arg35[%get3A_396, %get3A_397] : memref<1x512xf32, #tpu.memory_space<vmem>>, vector<1x512xf32>
    %dot_general3A_399 = arith.constant dense<0.000000e+00> : vector<4096x512xf32>
    %dot_general3A_400 = tpu.matmul %max3A_392, %get3A_395, %dot_general3A_399 {dimension_numbers = #tpu.dot_dimension_numbers<[1], [0], [0], [1], [0, 0, 1, 1], [], []>, transpose_lhs_hint = false} : vector<4096x256xf32>, vector<256x512xf32>, vector<4096x512xf32> -> vector<4096x512xf32>
    %add3A_401 = vector.broadcast %get3A_398 : vector<1x512xf32> to vector<4096x512xf32>
    %add3A_402 = arith.addf %dot_general3A_400, %add3A_401 : vector<4096x512xf32>
    %max3A_403 = arith.constant 0.000000e+00 : f32
    %max3A_404 = vector.broadcast %max3A_403 : f32 to vector<4096x512xf32>
    %max3A_405 = arith.maximumf %add3A_402, %max3A_404 : vector<4096x512xf32>
    %reshape3A_406 = vector.shape_cast %max3A_405 : vector<4096x512xf32> to vector<32x128x512xf32>
    %reduce_max3A_407 = arith.constant dense<0xFF800000> : vector<32x512xf32>
    %reduce_max3A_408 = vector.multi_reduction <maximumf>, %reshape3A_406, %reduce_max3A_407 [1] : vector<32x128x512xf32> to vector<32x512xf32>
    %get3A_409 = arith.constant 3 : index
    %get3A_410 = arith.constant 0 : index
    %get3A_411 = arith.constant 0 : index
    %get3A_412 = arith.constant 0 : index
    %get3A_413 = vector.load %arg5[%get3A_409, %get3A_410, %get3A_411, %get3A_412] : memref<4x1x128x1xf32, #tpu.memory_space<vmem>>, vector<1x1x32x1xf32>
    %get3A_414 = vector.shape_cast %get3A_413 : vector<1x1x32x1xf32> to vector<32x1xf32>
    %mul3A_415 = vector.broadcast %get3A_414 : vector<32x1xf32> to vector<32x512xf32>
    %mul3A_416 = arith.mulf %reduce_max3A_408, %mul3A_415 : vector<32x512xf32>
    %swap3A_417 = arith.constant 0 : index
    %swap3A_418 = arith.constant 0 : index
    %swap3A_419 = arith.constant 0 : index
    %swap3A_420 = vector.load %arg39[%swap3A_417, %swap3A_418, %swap3A_419] : memref<1x128x512xf32, #tpu.memory_space<vmem>>, vector<1x32x512xf32>
    %swap3A_421 = vector.shape_cast %swap3A_420 : vector<1x32x512xf32> to vector<32x512xf32>
    %swap3A_422 = vector.shape_cast %mul3A_416 : vector<32x512xf32> to vector<1x32x512xf32>
    tpu.vector_store %arg39[%swap3A_417, %swap3A_418, %swap3A_419], %swap3A_422 {strides = array<i32>} : memref<1x128x512xf32, #tpu.memory_space<vmem>>, vector<1x32x512xf32>,
    %get3A_423 = arith.constant 0 : index
    %get3A_424 = arith.constant 0 : index
    %get3A_425 = arith.constant 4096 : index
    %get3A_426 = vector.load %arg4[%get3A_423, %get3A_424, %get3A_425] : memref<1x3x16384xf32, #tpu.memory_space<vmem>>, vector<1x3x4096xf32>
    %get3A_427 = vector.shape_cast %get3A_426 : vector<1x3x4096xf32> to vector<3x4096xf32>
    %get3A_428 = arith.constant 0 : index
    %get3A_429 = arith.constant 0 : index
    %get3A_430 = vector.load %arg30[%get3A_428, %get3A_429] : memref<3x256xf32, #tpu.memory_space<vmem>>, vector<3x256xf32>
    %get3A_431 = arith.constant 0 : index
    %get3A_432 = arith.constant 0 : index
    %get3A_433 = vector.load %arg31[%get3A_431, %get3A_432] : memref<1x256xf32, #tpu.memory_space<vmem>>, vector<1x256xf32>
    %dot_general3A_434 = arith.constant dense<0.000000e+00> : vector<4096x256xf32>
    %dot_general3A_435 = tpu.matmul %get3A_427, %get3A_430, %dot_general3A_434 {dimension_numbers = #tpu.dot_dimension_numbers<[0], [0], [1], [1], [0, 1, 1, 1], [], []>, transpose_lhs_hint = false} : vector<3x4096xf32>, vector<3x256xf32>, vector<4096x256xf32> -> vector<4096x256xf32>
    %add3A_436 = vector.broadcast %get3A_433 : vector<1x256xf32> to vector<4096x256xf32>
    %add3A_437 = arith.addf %dot_general3A_435, %add3A_436 : vector<4096x256xf32>
    %max3A_438 = arith.constant 0.000000e+00 : f32
    %max3A_439 = vector.broadcast %max3A_438 : f32 to vector<4096x256xf32>
    %max3A_440 = arith.maximumf %add3A_437, %max3A_439 : vector<4096x256xf32>
    %get3A_441 = arith.constant 0 : index
    %get3A_442 = arith.constant 0 : index
    %get3A_443 = vector.load %arg32[%get3A_441, %get3A_442] : memref<256x256xf32, #tpu.memory_space<vmem>>, vector<256x256xf32>
    %get3A_444 = arith.constant 0 : index
    %get3A_445 = arith.constant 0 : index
    %get3A_446 = vector.load %arg33[%get3A_444, %get3A_445] : memref<1x256xf32, #tpu.memory_space<vmem>>, vector<1x256xf32>
    %dot_general3A_447 = arith.constant dense<0.000000e+00> : vector<4096x256xf32>
    %dot_general3A_448 = tpu.matmul %max3A_440, %get3A_443, %dot_general3A_447 {dimension_numbers = #tpu.dot_dimension_numbers<[1], [0], [0], [1], [0, 0, 1, 1], [], []>, transpose_lhs_hint = false} : vector<4096x256xf32>, vector<256x256xf32>, vector<4096x256xf32> -> vector<4096x256xf32>
    %add3A_449 = vector.broadcast %get3A_446 : vector<1x256xf32> to vector<4096x256xf32>
    %add3A_450 = arith.addf %dot_general3A_448, %add3A_449 : vector<4096x256xf32>
    %max3A_451 = arith.constant 0.000000e+00 : f32
    %max3A_452 = vector.broadcast %max3A_451 : f32 to vector<4096x256xf32>
    %max3A_453 = arith.maximumf %add3A_450, %max3A_452 : vector<4096x256xf32>
    %get3A_454 = arith.constant 0 : index
    %get3A_455 = arith.constant 0 : index
    %get3A_456 = vector.load %arg34[%get3A_454, %get3A_455] : memref<256x512xf32, #tpu.memory_space<vmem>>, vector<256x512xf32>
    %get3A_457 = arith.constant 0 : index
    %get3A_458 = arith.constant 0 : index
    %get3A_459 = vector.load %arg35[%get3A_457, %get3A_458] : memref<1x512xf32, #tpu.memory_space<vmem>>, vector<1x512xf32>
    %dot_general3A_460 = arith.constant dense<0.000000e+00> : vector<4096x512xf32>
    %dot_general3A_461 = tpu.matmul %max3A_453, %get3A_456, %dot_general3A_460 {dimension_numbers = #tpu.dot_dimension_numbers<[1], [0], [0], [1], [0, 0, 1, 1], [], []>, transpose_lhs_hint = false} : vector<4096x256xf32>, vector<256x512xf32>, vector<4096x512xf32> -> vector<4096x512xf32>
    %add3A_462 = vector.broadcast %get3A_459 : vector<1x512xf32> to vector<4096x512xf32>
    %add3A_463 = arith.addf %dot_general3A_461, %add3A_462 : vector<4096x512xf32>
    %max3A_464 = arith.constant 0.000000e+00 : f32
    %max3A_465 = vector.broadcast %max3A_464 : f32 to vector<4096x512xf32>
    %max3A_466 = arith.maximumf %add3A_463, %max3A_465 : vector<4096x512xf32>
    %reshape3A_467 = vector.shape_cast %max3A_466 : vector<4096x512xf32> to vector<32x128x512xf32>
    %reduce_max3A_468 = arith.constant dense<0xFF800000> : vector<32x512xf32>
    %reduce_max3A_469 = vector.multi_reduction <maximumf>, %reshape3A_467, %reduce_max3A_468 [1] : vector<32x128x512xf32> to vector<32x512xf32>
    %get3A_470 = arith.constant 3 : index
    %get3A_471 = arith.constant 0 : index
    %get3A_472 = arith.constant 32 : index
    %get3A_473 = arith.constant 0 : index
    %get3A_474 = vector.load %arg5[%get3A_470, %get3A_471, %get3A_472, %get3A_473] : memref<4x1x128x1xf32, #tpu.memory_space<vmem>>, vector<1x1x32x1xf32>
    %get3A_475 = vector.shape_cast %get3A_474 : vector<1x1x32x1xf32> to vector<32x1xf32>
    %mul3A_476 = vector.broadcast %get3A_475 : vector<32x1xf32> to vector<32x512xf32>
    %mul3A_477 = arith.mulf %reduce_max3A_469, %mul3A_476 : vector<32x512xf32>
    %swap3A_478 = arith.constant 0 : index
    %swap3A_479 = arith.constant 32 : index
    %swap3A_480 = arith.constant 0 : index
    %swap3A_481 = vector.load %arg39[%swap3A_478, %swap3A_479, %swap3A_480] : memref<1x128x512xf32, #tpu.memory_space<vmem>>, vector<1x32x512xf32>
    %swap3A_482 = vector.shape_cast %swap3A_481 : vector<1x32x512xf32> to vector<32x512xf32>
    %swap3A_483 = vector.shape_cast %mul3A_477 : vector<32x512xf32> to vector<1x32x512xf32>
    tpu.vector_store %arg39[%swap3A_478, %swap3A_479, %swap3A_480], %swap3A_483 {strides = array<i32>} : memref<1x128x512xf32, #tpu.memory_space<vmem>>, vector<1x32x512xf32>,
    %get3A_484 = arith.constant 0 : index
    %get3A_485 = arith.constant 0 : index
    %get3A_486 = arith.constant 8192 : index
    %get3A_487 = vector.load %arg4[%get3A_484, %get3A_485, %get3A_486] : memref<1x3x16384xf32, #tpu.memory_space<vmem>>, vector<1x3x4096xf32>
    %get3A_488 = vector.shape_cast %get3A_487 : vector<1x3x4096xf32> to vector<3x4096xf32>
    %get3A_489 = arith.constant 0 : index
    %get3A_490 = arith.constant 0 : index
    %get3A_491 = vector.load %arg30[%get3A_489, %get3A_490] : memref<3x256xf32, #tpu.memory_space<vmem>>, vector<3x256xf32>
    %get3A_492 = arith.constant 0 : index
    %get3A_493 = arith.constant 0 : index
    %get3A_494 = vector.load %arg31[%get3A_492, %get3A_493] : memref<1x256xf32, #tpu.memory_space<vmem>>, vector<1x256xf32>
    %dot_general3A_495 = arith.constant dense<0.000000e+00> : vector<4096x256xf32>
    %dot_general3A_496 = tpu.matmul %get3A_488, %get3A_491, %dot_general3A_495 {dimension_numbers = #tpu.dot_dimension_numbers<[0], [0], [1], [1], [0, 1, 1, 1], [], []>, transpose_lhs_hint = false} : vector<3x4096xf32>, vector<3x256xf32>, vector<4096x256xf32> -> vector<4096x256xf32>
    %add3A_497 = vector.broadcast %get3A_494 : vector<1x256xf32> to vector<4096x256xf32>
    %add3A_498 = arith.addf %dot_general3A_496, %add3A_497 : vector<4096x256xf32>
    %max3A_499 = arith.constant 0.000000e+00 : f32
    %max3A_500 = vector.broadcast %max3A_499 : f32 to vector<4096x256xf32>
    %max3A_501 = arith.maximumf %add3A_498, %max3A_500 : vector<4096x256xf32>
    %get3A_502 = arith.constant 0 : index
    %get3A_503 = arith.constant 0 : index
    %get3A_504 = vector.load %arg32[%get3A_502, %get3A_503] : memref<256x256xf32, #tpu.memory_space<vmem>>, vector<256x256xf32>
    %get3A_505 = arith.constant 0 : index
    %get3A_506 = arith.constant 0 : index
    %get3A_507 = vector.load %arg33[%get3A_505, %get3A_506] : memref<1x256xf32, #tpu.memory_space<vmem>>, vector<1x256xf32>
    %dot_general3A_508 = arith.constant dense<0.000000e+00> : vector<4096x256xf32>
    %dot_general3A_509 = tpu.matmul %max3A_501, %get3A_504, %dot_general3A_508 {dimension_numbers = #tpu.dot_dimension_numbers<[1], [0], [0], [1], [0, 0, 1, 1], [], []>, transpose_lhs_hint = false} : vector<4096x256xf32>, vector<256x256xf32>, vector<4096x256xf32> -> vector<4096x256xf32>
    %add3A_510 = vector.broadcast %get3A_507 : vector<1x256xf32> to vector<4096x256xf32>
    %add3A_511 = arith.addf %dot_general3A_509, %add3A_510 : vector<4096x256xf32>
    %max3A_512 = arith.constant 0.000000e+00 : f32
    %max3A_513 = vector.broadcast %max3A_512 : f32 to vector<4096x256xf32>
    %max3A_514 = arith.maximumf %add3A_511, %max3A_513 : vector<4096x256xf32>
    %get3A_515 = arith.constant 0 : index
    %get3A_516 = arith.constant 0 : index
    %get3A_517 = vector.load %arg34[%get3A_515, %get3A_516] : memref<256x512xf32, #tpu.memory_space<vmem>>, vector<256x512xf32>
    %get3A_518 = arith.constant 0 : index
    %get3A_519 = arith.constant 0 : index
    %get3A_520 = vector.load %arg35[%get3A_518, %get3A_519] : memref<1x512xf32, #tpu.memory_space<vmem>>, vector<1x512xf32>
    %dot_general3A_521 = arith.constant dense<0.000000e+00> : vector<4096x512xf32>
    %dot_general3A_522 = tpu.matmul %max3A_514, %get3A_517, %dot_general3A_521 {dimension_numbers = #tpu.dot_dimension_numbers<[1], [0], [0], [1], [0, 0, 1, 1], [], []>, transpose_lhs_hint = false} : vector<4096x256xf32>, vector<256x512xf32>, vector<4096x512xf32> -> vector<4096x512xf32>
    %add3A_523 = vector.broadcast %get3A_520 : vector<1x512xf32> to vector<4096x512xf32>
    %add3A_524 = arith.addf %dot_general3A_522, %add3A_523 : vector<4096x512xf32>
    %max3A_525 = arith.constant 0.000000e+00 : f32
    %max3A_526 = vector.broadcast %max3A_525 : f32 to vector<4096x512xf32>
    %max3A_527 = arith.maximumf %add3A_524, %max3A_526 : vector<4096x512xf32>
    %reshape3A_528 = vector.shape_cast %max3A_527 : vector<4096x512xf32> to vector<32x128x512xf32>
    %reduce_max3A_529 = arith.constant dense<0xFF800000> : vector<32x512xf32>
    %reduce_max3A_530 = vector.multi_reduction <maximumf>, %reshape3A_528, %reduce_max3A_529 [1] : vector<32x128x512xf32> to vector<32x512xf32>
    %get3A_531 = arith.constant 3 : index
    %get3A_532 = arith.constant 0 : index
    %get3A_533 = arith.constant 64 : index
    %get3A_534 = arith.constant 0 : index
    %get3A_535 = vector.load %arg5[%get3A_531, %get3A_532, %get3A_533, %get3A_534] : memref<4x1x128x1xf32, #tpu.memory_space<vmem>>, vector<1x1x32x1xf32>
    %get3A_536 = vector.shape_cast %get3A_535 : vector<1x1x32x1xf32> to vector<32x1xf32>
    %mul3A_537 = vector.broadcast %get3A_536 : vector<32x1xf32> to vector<32x512xf32>
    %mul3A_538 = arith.mulf %reduce_max3A_530, %mul3A_537 : vector<32x512xf32>
    %swap3A_539 = arith.constant 0 : index
    %swap3A_540 = arith.constant 64 : index
    %swap3A_541 = arith.constant 0 : index
    %swap3A_542 = vector.load %arg39[%swap3A_539, %swap3A_540, %swap3A_541] : memref<1x128x512xf32, #tpu.memory_space<vmem>>, vector<1x32x512xf32>
    %swap3A_543 = vector.shape_cast %swap3A_542 : vector<1x32x512xf32> to vector<32x512xf32>
    %swap3A_544 = vector.shape_cast %mul3A_538 : vector<32x512xf32> to vector<1x32x512xf32>
    tpu.vector_store %arg39[%swap3A_539, %swap3A_540, %swap3A_541], %swap3A_544 {strides = array<i32>} : memref<1x128x512xf32, #tpu.memory_space<vmem>>, vector<1x32x512xf32>,
    %get3A_545 = arith.constant 0 : index
    %get3A_546 = arith.constant 0 : index
    %get3A_547 = arith.constant 12288 : index
    %get3A_548 = vector.load %arg4[%get3A_545, %get3A_546, %get3A_547] : memref<1x3x16384xf32, #tpu.memory_space<vmem>>, vector<1x3x4096xf32>
    %get3A_549 = vector.shape_cast %get3A_548 : vector<1x3x4096xf32> to vector<3x4096xf32>
    %get3A_550 = arith.constant 0 : index
    %get3A_551 = arith.constant 0 : index
    %get3A_552 = vector.load %arg30[%get3A_550, %get3A_551] : memref<3x256xf32, #tpu.memory_space<vmem>>, vector<3x256xf32>
    %get3A_553 = arith.constant 0 : index
    %get3A_554 = arith.constant 0 : index
    %get3A_555 = vector.load %arg31[%get3A_553, %get3A_554] : memref<1x256xf32, #tpu.memory_space<vmem>>, vector<1x256xf32>
    %dot_general3A_556 = arith.constant dense<0.000000e+00> : vector<4096x256xf32>
    %dot_general3A_557 = tpu.matmul %get3A_549, %get3A_552, %dot_general3A_556 {dimension_numbers = #tpu.dot_dimension_numbers<[0], [0], [1], [1], [0, 1, 1, 1], [], []>, transpose_lhs_hint = false} : vector<3x4096xf32>, vector<3x256xf32>, vector<4096x256xf32> -> vector<4096x256xf32>
    %add3A_558 = vector.broadcast %get3A_555 : vector<1x256xf32> to vector<4096x256xf32>
    %add3A_559 = arith.addf %dot_general3A_557, %add3A_558 : vector<4096x256xf32>
    %max3A_560 = arith.constant 0.000000e+00 : f32
    %max3A_561 = vector.broadcast %max3A_560 : f32 to vector<4096x256xf32>
    %max3A_562 = arith.maximumf %add3A_559, %max3A_561 : vector<4096x256xf32>
    %get3A_563 = arith.constant 0 : index
    %get3A_564 = arith.constant 0 : index
    %get3A_565 = vector.load %arg32[%get3A_563, %get3A_564] : memref<256x256xf32, #tpu.memory_space<vmem>>, vector<256x256xf32>
    %get3A_566 = arith.constant 0 : index
    %get3A_567 = arith.constant 0 : index
    %get3A_568 = vector.load %arg33[%get3A_566, %get3A_567] : memref<1x256xf32, #tpu.memory_space<vmem>>, vector<1x256xf32>
    %dot_general3A_569 = arith.constant dense<0.000000e+00> : vector<4096x256xf32>
    %dot_general3A_570 = tpu.matmul %max3A_562, %get3A_565, %dot_general3A_569 {dimension_numbers = #tpu.dot_dimension_numbers<[1], [0], [0], [1], [0, 0, 1, 1], [], []>, transpose_lhs_hint = false} : vector<4096x256xf32>, vector<256x256xf32>, vector<4096x256xf32> -> vector<4096x256xf32>
    %add3A_571 = vector.broadcast %get3A_568 : vector<1x256xf32> to vector<4096x256xf32>
    %add3A_572 = arith.addf %dot_general3A_570, %add3A_571 : vector<4096x256xf32>
    %max3A_573 = arith.constant 0.000000e+00 : f32
    %max3A_574 = vector.broadcast %max3A_573 : f32 to vector<4096x256xf32>
    %max3A_575 = arith.maximumf %add3A_572, %max3A_574 : vector<4096x256xf32>
    %get3A_576 = arith.constant 0 : index
    %get3A_577 = arith.constant 0 : index
    %get3A_578 = vector.load %arg34[%get3A_576, %get3A_577] : memref<256x512xf32, #tpu.memory_space<vmem>>, vector<256x512xf32>
    %get3A_579 = arith.constant 0 : index
    %get3A_580 = arith.constant 0 : index
    %get3A_581 = vector.load %arg35[%get3A_579, %get3A_580] : memref<1x512xf32, #tpu.memory_space<vmem>>, vector<1x512xf32>
    %dot_general3A_582 = arith.constant dense<0.000000e+00> : vector<4096x512xf32>
    %dot_general3A_583 = tpu.matmul %max3A_575, %get3A_578, %dot_general3A_582 {dimension_numbers = #tpu.dot_dimension_numbers<[1], [0], [0], [1], [0, 0, 1, 1], [], []>, transpose_lhs_hint = false} : vector<4096x256xf32>, vector<256x512xf32>, vector<4096x512xf32> -> vector<4096x512xf32>
    %add3A_584 = vector.broadcast %get3A_581 : vector<1x512xf32> to vector<4096x512xf32>
    %add3A_585 = arith.addf %dot_general3A_583, %add3A_584 : vector<4096x512xf32>
    %max3A_586 = arith.constant 0.000000e+00 : f32
    %max3A_587 = vector.broadcast %max3A_586 : f32 to vector<4096x512xf32>
    %max3A_588 = arith.maximumf %add3A_585, %max3A_587 : vector<4096x512xf32>
    %reshape3A_589 = vector.shape_cast %max3A_588 : vector<4096x512xf32> to vector<32x128x512xf32>
    %reduce_max3A_590 = arith.constant dense<0xFF800000> : vector<32x512xf32>
    %reduce_max3A_591 = vector.multi_reduction <maximumf>, %reshape3A_589, %reduce_max3A_590 [1] : vector<32x128x512xf32> to vector<32x512xf32>
    %get3A_592 = arith.constant 3 : index
    %get3A_593 = arith.constant 0 : index
    %get3A_594 = arith.constant 96 : index
    %get3A_595 = arith.constant 0 : index
    %get3A_596 = vector.load %arg5[%get3A_592, %get3A_593, %get3A_594, %get3A_595] : memref<4x1x128x1xf32, #tpu.memory_space<vmem>>, vector<1x1x32x1xf32>
    %get3A_597 = vector.shape_cast %get3A_596 : vector<1x1x32x1xf32> to vector<32x1xf32>
    %mul3A_598 = vector.broadcast %get3A_597 : vector<32x1xf32> to vector<32x512xf32>
    %mul3A_599 = arith.mulf %reduce_max3A_591, %mul3A_598 : vector<32x512xf32>
    %swap3A_600 = arith.constant 0 : index
    %swap3A_601 = arith.constant 96 : index
    %swap3A_602 = arith.constant 0 : index
    %swap3A_603 = vector.load %arg39[%swap3A_600, %swap3A_601, %swap3A_602] : memref<1x128x512xf32, #tpu.memory_space<vmem>>, vector<1x32x512xf32>
    %swap3A_604 = vector.shape_cast %swap3A_603 : vector<1x32x512xf32> to vector<32x512xf32>
    %swap3A_605 = vector.shape_cast %mul3A_599 : vector<32x512xf32> to vector<1x32x512xf32>
    tpu.vector_store %arg39[%swap3A_600, %swap3A_601, %swap3A_602], %swap3A_605 {strides = array<i32>} : memref<1x128x512xf32, #tpu.memory_space<vmem>>, vector<1x32x512xf32>,
    return
  }
  func.func @transform_0(%arg0: i32) -> (i32, i32, i32) {
    %c0_i32 = arith.constant 0 : i32
    %c0_i32_0 = arith.constant 0 : i32
    %c0_i32_1 = arith.constant 0 : i32
    return %arg0, %c0_i32, %c0_i32_0 : i32, i32, i32
  }
  func.func @transform_1(%arg0: i32) -> (i32, i32, i32) {
    %c0_i32 = arith.constant 0 : i32
    %c0_i32_0 = arith.constant 0 : i32
    %c0_i32_1 = arith.constant 0 : i32
    return %arg0, %c0_i32, %c0_i32_0 : i32, i32, i32
  }
  func.func @transform_2(%arg0: i32) -> (i32, i32, i32) {
    %c0_i32 = arith.constant 0 : i32
    %c0_i32_0 = arith.constant 0 : i32
    %c0_i32_1 = arith.constant 0 : i32
    return %arg0, %c0_i32, %c0_i32_0 : i32, i32, i32
  }
  func.func @transform_3(%arg0: i32) -> (i32, i32, i32) {
    %c0_i32 = arith.constant 0 : i32
    %c0_i32_0 = arith.constant 0 : i32
    %c0_i32_1 = arith.constant 0 : i32
    return %arg0, %c0_i32, %c0_i32_0 : i32, i32, i32
  }
  func.func @transform_4(%arg0: i32) -> (i32, i32, i32, i32) {
    %c0_i32 = arith.constant 0 : i32
    %c0_i32_0 = arith.constant 0 : i32
    %c0_i32_1 = arith.constant 0 : i32
    %c0_i32_2 = arith.constant 0 : i32
    return %c0_i32, %arg0, %c0_i32_0, %c0_i32_1 : i32, i32, i32, i32
  }
  func.func @transform_5(%arg0: i32) -> (i32, i32) {
    %c0_i32 = arith.constant 0 : i32
    %c0_i32_0 = arith.constant 0 : i32
    %c0_i32_1 = arith.constant 0 : i32
    return %c0_i32, %c0_i32_0 : i32, i32
  }
  func.func @transform_6(%arg0: i32) -> (i32, i32) {
    %c0_i32 = arith.constant 0 : i32
    %c0_i32_0 = arith.constant 0 : i32
    %c0_i32_1 = arith.constant 0 : i32
    return %c0_i32, %c0_i32_0 : i32, i32
  }
  func.func @transform_7(%arg0: i32) -> (i32, i32) {
    %c0_i32 = arith.constant 0 : i32
    %c0_i32_0 = arith.constant 0 : i32
    %c0_i32_1 = arith.constant 0 : i32
    return %c0_i32, %c0_i32_0 : i32, i32
  }
  func.func @transform_8(%arg0: i32) -> (i32, i32) {
    %c0_i32 = arith.constant 0 : i32
    %c0_i32_0 = arith.constant 0 : i32
    %c0_i32_1 = arith.constant 0 : i32
    return %c0_i32, %c0_i32_0 : i32, i32
  }
  func.func @transform_9(%arg0: i32) -> (i32, i32) {
    %c0_i32 = arith.constant 0 : i32
    %c0_i32_0 = arith.constant 0 : i32
    %c0_i32_1 = arith.constant 0 : i32
    return %c0_i32, %c0_i32_0 : i32, i32
  }
  func.func @transform_10(%arg0: i32) -> (i32, i32) {
    %c0_i32 = arith.constant 0 : i32
    %c0_i32_0 = arith.constant 0 : i32
    %c0_i32_1 = arith.constant 0 : i32
    return %c0_i32, %c0_i32_0 : i32, i32
  }
  func.func @transform_11(%arg0: i32) -> (i32, i32) {
    %c0_i32 = arith.constant 0 : i32
    %c0_i32_0 = arith.constant 0 : i32
    %c0_i32_1 = arith.constant 0 : i32
    return %c0_i32, %c0_i32_0 : i32, i32
  }
  func.func @transform_12(%arg0: i32) -> (i32, i32) {
    %c0_i32 = arith.constant 0 : i32
    %c0_i32_0 = arith.constant 0 : i32
    %c0_i32_1 = arith.constant 0 : i32
    return %c0_i32, %c0_i32_0 : i32, i32
  }
  func.func @transform_13(%arg0: i32) -> (i32, i32) {
    %c0_i32 = arith.constant 0 : i32
    %c0_i32_0 = arith.constant 0 : i32
    %c0_i32_1 = arith.constant 0 : i32
    return %c0_i32, %c0_i32_0 : i32, i32
  }
  func.func @transform_14(%arg0: i32) -> (i32, i32) {
    %c0_i32 = arith.constant 0 : i32
    %c0_i32_0 = arith.constant 0 : i32
    %c0_i32_1 = arith.constant 0 : i32
    return %c0_i32, %c0_i32_0 : i32, i32
  }
  func.func @transform_15(%arg0: i32) -> (i32, i32) {
    %c0_i32 = arith.constant 0 : i32
    %c0_i32_0 = arith.constant 0 : i32
    %c0_i32_1 = arith.constant 0 : i32
    return %c0_i32, %c0_i32_0 : i32, i32
  }
  func.func @transform_16(%arg0: i32) -> (i32, i32) {
    %c0_i32 = arith.constant 0 : i32
    %c0_i32_0 = arith.constant 0 : i32
    %c0_i32_1 = arith.constant 0 : i32
    return %c0_i32, %c0_i32_0 : i32, i32
  }
  func.func @transform_17(%arg0: i32) -> (i32, i32) {
    %c0_i32 = arith.constant 0 : i32
    %c0_i32_0 = arith.constant 0 : i32
    %c0_i32_1 = arith.constant 0 : i32
    return %c0_i32, %c0_i32_0 : i32, i32
  }
  func.func @transform_18(%arg0: i32) -> (i32, i32) {
    %c0_i32 = arith.constant 0 : i32
    %c0_i32_0 = arith.constant 0 : i32
    %c0_i32_1 = arith.constant 0 : i32
    return %c0_i32, %c0_i32_0 : i32, i32
  }
  func.func @transform_19(%arg0: i32) -> (i32, i32) {
    %c0_i32 = arith.constant 0 : i32
    %c0_i32_0 = arith.constant 0 : i32
    %c0_i32_1 = arith.constant 0 : i32
    return %c0_i32, %c0_i32_0 : i32, i32
  }
  func.func @transform_20(%arg0: i32) -> (i32, i32) {
    %c0_i32 = arith.constant 0 : i32
    %c0_i32_0 = arith.constant 0 : i32
    %c0_i32_1 = arith.constant 0 : i32
    return %c0_i32, %c0_i32_0 : i32, i32
  }
  func.func @transform_21(%arg0: i32) -> (i32, i32) {
    %c0_i32 = arith.constant 0 : i32
    %c0_i32_0 = arith.constant 0 : i32
    %c0_i32_1 = arith.constant 0 : i32
    return %c0_i32, %c0_i32_0 : i32, i32
  }
  func.func @transform_22(%arg0: i32) -> (i32, i32) {
    %c0_i32 = arith.constant 0 : i32
    %c0_i32_0 = arith.constant 0 : i32
    %c0_i32_1 = arith.constant 0 : i32
    return %c0_i32, %c0_i32_0 : i32, i32
  }
  func.func @transform_23(%arg0: i32) -> (i32, i32) {
    %c0_i32 = arith.constant 0 : i32
    %c0_i32_0 = arith.constant 0 : i32
    %c0_i32_1 = arith.constant 0 : i32
    return %c0_i32, %c0_i32_0 : i32, i32
  }
  func.func @transform_24(%arg0: i32) -> (i32, i32) {
    %c0_i32 = arith.constant 0 : i32
    %c0_i32_0 = arith.constant 0 : i32
    %c0_i32_1 = arith.constant 0 : i32
    return %c0_i32, %c0_i32_0 : i32, i32
  }
  func.func @transform_25(%arg0: i32) -> (i32, i32) {
    %c0_i32 = arith.constant 0 : i32
    %c0_i32_0 = arith.constant 0 : i32
    %c0_i32_1 = arith.constant 0 : i32
    return %c0_i32, %c0_i32_0 : i32, i32
  }
  func.func @transform_26(%arg0: i32) -> (i32, i32) {
    %c0_i32 = arith.constant 0 : i32
    %c0_i32_0 = arith.constant 0 : i32
    %c0_i32_1 = arith.constant 0 : i32
    return %c0_i32, %c0_i32_0 : i32, i32
  }
  func.func @transform_27(%arg0: i32) -> (i32, i32) {
    %c0_i32 = arith.constant 0 : i32
    %c0_i32_0 = arith.constant 0 : i32
    %c0_i32_1 = arith.constant 0 : i32
    return %c0_i32, %c0_i32_0 : i32, i32
  }
  func.func @transform_28(%arg0: i32) -> (i32, i32) {
    %c0_i32 = arith.constant 0 : i32
    %c0_i32_0 = arith.constant 0 : i32
    %c0_i32_1 = arith.constant 0 : i32
    return %c0_i32, %c0_i32_0 : i32, i32
  }
  func.func @transform_29(%arg0: i32) -> (i32, i32) {
    %c0_i32 = arith.constant 0 : i32
    %c0_i32_0 = arith.constant 0 : i32
    %c0_i32_1 = arith.constant 0 : i32
    return %c0_i32, %c0_i32_0 : i32, i32
  }
  func.func @transform_30(%arg0: i32) -> (i32, i32) {
    %c0_i32 = arith.constant 0 : i32
    %c0_i32_0 = arith.constant 0 : i32
    %c0_i32_1 = arith.constant 0 : i32
    return %c0_i32, %c0_i32_0 : i32, i32
  }
  func.func @transform_31(%arg0: i32) -> (i32, i32) {
    %c0_i32 = arith.constant 0 : i32
    %c0_i32_0 = arith.constant 0 : i32
    %c0_i32_1 = arith.constant 0 : i32
    return %c0_i32, %c0_i32_0 : i32, i32
  }
  func.func @transform_32(%arg0: i32) -> (i32, i32) {
    %c0_i32 = arith.constant 0 : i32
    %c0_i32_0 = arith.constant 0 : i32
    %c0_i32_1 = arith.constant 0 : i32
    return %c0_i32, %c0_i32_0 : i32, i32
  }
  func.func @transform_33(%arg0: i32) -> (i32, i32) {
    %c0_i32 = arith.constant 0 : i32
    %c0_i32_0 = arith.constant 0 : i32
    %c0_i32_1 = arith.constant 0 : i32
    return %c0_i32, %c0_i32_0 : i32, i32
  }
  func.func @transform_34(%arg0: i32) -> (i32, i32) {
    %c0_i32 = arith.constant 0 : i32
    %c0_i32_0 = arith.constant 0 : i32
    %c0_i32_1 = arith.constant 0 : i32
    return %c0_i32, %c0_i32_0 : i32, i32
  }
  func.func @transform_35(%arg0: i32) -> (i32, i32, i32) {
    %c0_i32 = arith.constant 0 : i32
    %c0_i32_0 = arith.constant 0 : i32
    %c0_i32_1 = arith.constant 0 : i32
    return %arg0, %c0_i32, %c0_i32_0 : i32, i32, i32
  }
  func.func @transform_36(%arg0: i32) -> (i32, i32, i32) {
    %c0_i32 = arith.constant 0 : i32
    %c0_i32_0 = arith.constant 0 : i32
    %c0_i32_1 = arith.constant 0 : i32
    return %arg0, %c0_i32, %c0_i32_0 : i32, i32, i32
  }
  func.func @transform_37(%arg0: i32) -> (i32, i32, i32) {
    %c0_i32 = arith.constant 0 : i32
    %c0_i32_0 = arith.constant 0 : i32
    %c0_i32_1 = arith.constant 0 : i32
    return %arg0, %c0_i32, %c0_i32_0 : i32, i32, i32
  }
  func.func @transform_38(%arg0: i32) -> (i32, i32, i32) {
    %c0_i32 = arith.constant 0 : i32
    %c0_i32_0 = arith.constant 0 : i32
    %c0_i32_1 = arith.constant 0 : i32
    return %arg0, %c0_i32, %c0_i32_0 : i32, i32, i32
  }
}

</mosaic_0001>

<sc_bundles>
// kernel: kernel.4.cloned.1.call-start
scs
__scs_entry_jumppad:
0x0: {  	(pc) =	sbr.rel $0x88, $3  }
0x1: {  	(tag) =	ssettag $0x0;
	lr =	simm.s32 $0x1  }
0x2: {  	[smem:$0x3F81] =	sst lr;
	_ =	strace $0xD0000000  }
0x3: {  	_ = 	snop  }
0x4: {  	_ = 	snop  }
0x5: {  	_ = 	snop  }
0x6: {  	_ = 	snop  }
0x7: {  	_ = 	snop  }
__scs_overlays_trampoline_lowered:
0x8: {  	[smem:$0x3F90] =	sst s0  }
0x9: {  	[smem:$0x3F91] =	sst s1  }
0xa: {  	[smem:$0x3F92] =	sst s2  }
0xb: {  	[smem:$0x3F93] =	sst s3  }
0xc: {  	[smem:$0x3F94] =	sst s4  }
0xd: {  	[smem:$0x3F95] =	sst s5  }
0xe: {  	[smem:$0x3F96] =	sst s6  }
0xf: {  	[smem:$0x3F97] =	sst s7  }
0x10: {  	[smem:$0x3F98] =	sst s8  }
0x11: {  	[smem:$0x3F99] =	sst s9;
	s0 =	simm.s32 @!p0 $0x0  }
0x12: {  	s1 =	sld [smem:$0x3F7F];
	s0 =	simm.s32 @p0 $0x1  }
0x13: {  	[smem:$0x3F9A] =	sst s0;
	s0 =	simm.s32 @!p1 $0x0  }
0x14: {  	s2 =	sld [smem:$0x3F7E];
	s0 =	simm.s32 @p1 $0x1  }
0x15: {  	[smem:$0x3F9B] =	sst s0;
	s0 =	simm.s32 @!p2 $0x0  }
0x16: {  	s3 =	sld [smem:$0x3FDB];
	s0 =	simm.s32 @p2 $0x1  }
0x17: {  	s4 =	simm.s32 $0x1BF5;
	[smem:$0x3F9D] =	sst s0  }
0x18: {  	s0 =	sld [smem:$0x3F80];
	_ =	swait.ge [sflag:s4], $0x0  }
0x19: {  	s7 =	sld [smem:$0x3F81]  }
0x1a: {  	s8 =	sadd.s32 $0xFFFFE003, lr  }
0x1b: {  	s9 =	sadd.s32 $0xFFFFFEF7, lr;
	s5 =	simm.s32 $0xFFFFFFFF;
	p2 =	slt.u32 s8, $0xFFFFF086  }
0x1c: {  	p1 =	slt.u32 s9, $0xF7A;
	s5 =	simm.s32 @!p2 $0x0  }
0x1d: {  	s5 =	simm.s32 @p1 $0x1;
	p0 =	seq.s32 s7, s2  }
0x1e: {  	s7 =	smul.u32 @!p0 $0xF7A, s2;
	p2 =	seq.s32 @!p0 s5, $0x0  }
0x1f: {  	s9 =	smul.u32 $0xF7A, s1;
	s8 =	simm.s32 @!p0 $0x1BF5;
	p2 =	por !p2, p0  }
0x20: {  	[sflag:s8] =	ssyncset.s32 @!p0 $0xFFFFF086;
	s6 =	sadd.s32 @!p0 s3, s7;
	s7 =	simm.s32 @!p0 $0x108  }
0x21: {  	s3 =	sadd.s32 s3, s9;
	s6 =	sadd.s32 @!p0 $0x88, s6;
	s7 =	simm.s32 @p2 $0x1082  }
0x22: {  	[simem:s7], [sflag:s8] =	dma.local @!p0 [hbm:s6], $0xF7A  }
0x23: {  	s9 =	sor.u32 $0xD0000000, s2;
	s6 =	simm.s32 $0x108;
	_ =	swait.ge @!p0 [sflag:s8], $0x0  }
0x24: {  	s3 =	sadd.s32 $0x88, s3;
	s6 =	simm.s32 @!p1 $0x1082;
	[sflag:s4] =	ssyncset.s32 $0xFFFFF086  }
0x25: {  	[simem:s6], [sflag:s4] =	dma.local [hbm:s3], $0xF7A  }
0x26: {  	[smem:$0x3F81] =	sst s1;
	(tag) =	ssettag s2;
	_ =	strace s9  }
0x27: {  	s1 =	sld [smem:$0x3F91]  }
0x28: {  	s2 =	sld [smem:$0x3F92]  }
0x29: {  	s4 =	sld [smem:$0x3F94]  }
0x2a: {  	p0 =	seq.s32 s5, $0x0;
	s5 =	sld [smem:$0x3F95]  }
0x2b: {  	s6 =	sld [smem:$0x3F96]  }
0x2c: {  	s7 =	sld [smem:$0x3F97]  }
0x2d: {  	s3 =	simm.s32 $0x108;
	s8 =	sld [smem:$0x3F98]  }
0x2e: {  	s3 =	simm.s32 @!p0 $0x1082;
	s9 =	sld [smem:$0x3F99]  }
0x2f: {  	lr =	sadd.s32 s0, s3;
	s0 =	sld [smem:$0x3F90]  }
0x30: {  	s3 =	sld [smem:$0x3F93]  }
0x31: {  	[smem:$0x3F9C] =	sst s10  }
0x32: {  	s10 =	sld [smem:$0x3F9A];
	_ =	sdelay $0x3  }
0x33: {  	p0 =	seq.s32 s10, $0x1;
	s10 =	sld [smem:$0x3F9C];
	_ =	sdelay $0x3  }
0x34: {  	[smem:$0x3F9C] =	sst s10  }
0x35: {  	s10 =	sld [smem:$0x3F9B];
	_ =	sdelay $0x3  }
0x36: {  	p1 =	seq.s32 s10, $0x1;
	s10 =	sld [smem:$0x3F9C];
	_ =	sdelay $0x3  }
0x37: {  	[smem:$0x3F9C] =	sst s10  }
0x38: {  	s10 =	sld [smem:$0x3F9D]  }
0x39: {  	_ = 	snop;
	(pc) =	sbr.ind lr, $3  }
0x3a: {  	_ = 	snop  }
0x3b: {  	_ = 	snop  }
0x3c: {  	p2 =	seq.s32 s10, $0x1;
	s10 =	sld [smem:$0x3F9C]  }
0x3d: {  	_ =	shalt  }
0x3e: {  	_ =	shalt  }
0x3f: {  	_ =	shalt  }
0x40: {  	_ =	shalt  }
0x41: {  	_ =	shalt  }
0x42: {  	_ =	shalt  }
0x43: {  	_ =	shalt  }
0x44: {  	_ =	shalt  }
0x45: {  	_ =	shalt  }
0x46: {  	_ =	shalt  }
0x47: {  	_ =	shalt  }
0x48: {  	_ =	shalt  }
0x49: {  	_ =	shalt  }
0x4a: {  	_ =	shalt  }
0x4b: {  	_ =	shalt  }
0x4c: {  	_ =	shalt  }
0x4d: {  	_ =	shalt  }
0x4e: {  	_ =	shalt  }
0x4f: {  	_ =	shalt  }
0x50: {  	_ =	shalt  }
0x51: {  	_ =	shalt  }
0x52: {  	_ =	shalt  }
0x53: {  	_ =	shalt  }
0x54: {  	_ =	shalt  }
0x55: {  	_ =	shalt  }
0x56: {  	_ =	shalt  }
0x57: {  	_ =	shalt  }
0x58: {  	_ =	shalt  }
0x59: {  	_ =	shalt  }
0x5a: {  	_ =	shalt  }
0x5b: {  	_ =	shalt  }
0x5c: {  	_ =	shalt  }
0x5d: {  	_ =	shalt  }
0x5e: {  	_ =	shalt  }
0x5f: {  	_ =	shalt  }
0x60: {  	_ =	shalt  }
0x61: {  	_ =	shalt  }
0x62: {  	_ =	shalt  }
0x63: {  	_ =	shalt  }
0x64: {  	_ =	shalt  }
0x65: {  	_ =	shalt  }
0x66: {  	_ =	shalt  }
0x67: {  	_ =	shalt  }
0x68: {  	_ =	shalt  }
0x69: {  	_ =	shalt  }
0x6a: {  	_ =	shalt  }
0x6b: {  	_ =	shalt  }
0x6c: {  	_ =	shalt  }
0x6d: {  	_ =	shalt  }
0x6e: {  	_ =	shalt  }
0x6f: {  	_ =	shalt  }
0x70: {  	_ =	shalt  }
0x71: {  	_ =	shalt  }
0x72: {  	_ =	shalt  }
0x73: {  	_ =	shalt  }
0x74: {  	_ =	shalt  }
0x75: {  	_ =	shalt  }
0x76: {  	_ =	shalt  }
0x77: {  	_ =	shalt  }
0x78: {  	_ =	shalt  }
0x79: {  	_ =	shalt  }
0x7a: {  	_ =	shalt  }
0x7b: {  	_ =	shalt  }
0x7c: {  	_ =	shalt  }
0x7d: {  	_ =	shalt  }
0x7e: {  	_ =	shalt  }
0x7f: {  	_ =	shalt  }
0x80: {  	_ =	shalt  }
0x81: {  	_ =	shalt  }
0x82: {  	_ =	shalt  }
0x83: {  	_ =	shalt  }
0x84: {  	_ =	shalt  }
0x85: {  	_ =	shalt  }
0x86: {  	_ =	shalt  }
0x87: {  	_ =	shalt  }
.Lfunc_end0:
.L_simem_size_0:
called_computation_lowered:
.L_overlay_start_0:
0x88: {  	s2 =	sld [smem:$0x3FD9]  }
0x89: {  	s3 =	sld [smem:$0x3FFE];
	_ =	sdelay $0x1  }
0x8a: {  	s1 =	srdreg.scid  }
0x8b: {  	s0 =	sand.u32 $0x1, s1  }
0x8c: {  	s14 =	sshll.u32 s0, $0xA;
	s2 =	sadd.s32 s3, s2  }
0x8d: {  	s2 =	sadd.s32 s2, s14  }
0x8e: {  	[smem:$0x3FA8] =	sst s2  }
0x8f: {  	_ = 	snop  }
0x90: {  	s2 =	sld [smem:$0x3FD0];
	_ =	sdelay $0x2  }
0x91: {  	s15 =	simm.s32 $0xA;
	s4 =	simm.s32 $0x10  }
0x92: {  	[smem:s4], [sflag:s15] =	dma.local [hbm:s2], $0x1  }
0x93: {  	_ =	swait.eq [sflag:s15], $0x1  }
0x94: {  	s16 =	sld [smem:$0x10]  }
0x95: {  	s17 =	sld [smem:$0x11];
	[sflag:s15] =	ssyncset.done $0x0  }
0x96: {  	s5 =	sld [smem:$0x12];
	[sflag:s15] =	ssyncadd.s32 $0xFFFFFFFF  }
0x97: {  	s18 =	sld [smem:$0x13];
	(tm) =	ssettm $0x1  }
0x98: {  	s6 =	sld [smem:$0x3FFB];
	_ =	sdelay $0x3  }
0x99: {  	_ =	strace s6  }
0x9a: {  	s6 =	sld [smem:$0x3FFC];
	_ =	sdelay $0x3  }
0x9b: {  	_ =	strace s6  }
0x9c: {  	s6 =	sld [smem:$0x3FFD];
	_ =	sdelay $0x3  }
0x9d: {  	_ =	strace s6  }
0x9e: {  	_ =	strace $0x8FFFFFFF  }
0x9f: {  	s19 =	sld [smem:$0x3FDB];
	_ =	sdelay $0x1  }
0xa0: {  	s7 =	simm.s32 $_scs_section_size  }
0xa1: {  	s8 =	simm.s32 $_size__tile_overlayer_lowered;
	s9 =	simm.s32 $_tile_overlayer_lowered  }
0xa2: {  	s22 =	simm.s32 $0x1BFF;
	s21 =	sshll.u32 s9, $0x1;
	s6 =	sadd.s32 s7, s19  }
0xa3: {  	s10 =	simm.s32 $0x0;
	s20 =	sshll.u32 s8, $0x1;
	s8 =	sadd.s32 s21, s6  }
0xa4: {  	[timem:s10], [sflag:s22] =	dma.local [hbm:s8], s20  }
0xa5: {  	_ =	swait.ge [sflag:s22], s20  }
0xa6: {  	s7 =	ssub.s32 $0x0, s20;
	[sflag:s22] =	ssyncset.done $0x0  }
0xa7: {  	[sflag:s22] =	ssyncadd.s32 s7;
	_ =	sdelay $0x1  }
0xa8: {  	s23 =	simm.s32 $0x1B8B  }
0xa9: {  	_ =	swait.ge [sflag:s23], $0x1  }
0xaa: {  	[sflag:s23] =	ssyncset.done $0x0  }
0xab: {  	s25 =	simm.s32 $0x1B8E;
	s24 =	sld [smem:$0x3FFE];
	[sflag:s23] =	ssyncadd.s32 $0xFFFFFFFF  }
0xac: {  	s26 =	simm.s32 $execute0_lowered;
	[smem:$0x3FD2] =	sst s25  }
0xad: {  	s8 =	sshll.u32 s26, $0x1;
	_ =	strace $0x80000046;
	[dreg:$0x1] =	wrdreg $0xFFFFFFFF  }
0xae: {  	s28 =	simm.s32 $_size_execute0_lowered;
	s6 =	sadd.s32 s6, s8;
	[dreg:$0x0] =	wrdreg $0x0  }
0xaf: {  	s8 =	sshll.u32 s28, $0x1;
	[dreg:$0x2] =	wrdreg s6  }
0xb0: {  	[dreg:$0x3] =	wrdreg s8  }
0xb1: {  	[dreg:$0x4] =	wrdreg $0xC0  }
0xb2: {  	_ =	task [dreg:s10], $0x5FFFF  }
0xb3: {  	[dreg:$0x1] =	wrdreg $0xFFFFFFFF  }
0xb4: {  	[dreg:$0x0] =	wrdreg $0x60  }
0xb5: {  	[dreg:$0x2] =	wrdreg s5  }
0xb6: {  	[dreg:$0x3] =	wrdreg s16  }
0xb7: {  	[dreg:$0x4] =	wrdreg s17  }
0xb8: {  	[dreg:$0x5] =	wrdreg s24  }
0xb9: {  	[dreg:$0x6] =	wrdreg s18  }
0xba: {  	[dreg:$0x7] =	wrdreg $0x9  }
0xbb: {  	_ =	task.clear_ibuf [dreg:s10], $0x8FFFF;
	_ =	strace $0x90000046  }
0xbc: {  	s29 =	simm.s32 $0x9;
	_ =	strace $0x80000048  }
0xbd: {  	_ =	swait.ge [sflag:s29], $0x1  }
0xbe: {  	[sflag:s29] =	ssyncadd.s32 $0xFFFFFFFF  }
0xbf: {  	_ =	strace $0x90000048  }
0xc0: {  	_ =	sfence  }
0xc1: {  	s30 =	sld [smem:$0x0];
	_ =	sdelay $0x2  }
0xc2: {  	s31 =	sshll.u32 s1, $0xD;
	s1 =	sshrl.u32 s1, $0x2  }
0xc3: {  	s3 =	sand.u32 $0x4000, s31;
	s1 =	sadd.s32 s1, s30  }
0xc4: {  	s0 =	sor.u32 s3, s0;
	s1 =	sshll.u32 s1, $0x11  }
0xc5: {  	s0 =	sor.u32 s1, s0  }
0xc6: {  	s0 =	sadd.s32 $0x8F2B, s0  }
0xc7: {  	[sflag:s0] =	ssyncadd.remote.s32 $0x1  }
0xc8: {  	_ =	sfence.sel $0xFFFF  }
0xc9: {  	[dreg:$0x0] =	wrdreg $0xFFFFFFFF;
	(pc) =	sbr.abs _section_cstart, $3  }
0xca: {  	[dreg:$0x1] =	wrdreg $0xFFFFFFFF  }
0xcb: {  	_ =	task.clear_ibuf [dreg:s10], $0x2FFFF;
	_ =	strace $0x9FFFFFFF  }
0xcc: {  	(tm) =	ssettm $0x7FFFFFFF  }
0xcd: {  	_ =	shalt  }
tec
execute0_lowered:
.L_overlay_start_1:
0x0: {  	(tag) =	ssettag $0x1  }
0x1: {  	s3 =	rddreg [dreg:$0x0]  }
0x2: {  	s0 =	rddreg [dreg:$0x1]  }
0x3: {  	s6 =	stileid.u32;
	s4 =	rddreg [dreg:$0x2]  }
0x4: {  	s1 =	srdreg.scid;
	s5 =	rddreg [dreg:$0x3];
	s2 =	sshll.u32 s6, $0x1  }
0x5: {  	s1 =	sand.u32 $0x1, s1;
	s6 =	sshrl.u32 s6, $0x2;
	s2 =	sand.u32 $0x6, s2  }
0x6: {  	s7 =	sadd.s32 $0x4E00, s5;
	s10 =	smul.u32 $0x180, s6;
	s2 =	sor.u32 s1, s2  }
0x7: {  	s8 =	sshll.u32 s6, $0x7;
	s6 =	smul.u32 $0xC00, s6;
	s2 =	sshll.u32 s2, $0x4  }
0x8: {  	s9 =	sadd.s32 $0x7E00, s5;
	s11 =	ssub.s32 $0x2, s1;
	s8 =	sor.u32 s8, s2  }
0x9: {  	s22 =	sshrl.u32 s11, $0x1;
	s3 =	sadd.s32 s3, s6;
	s8 =	sshrl.u32 s8, $0x3  }
0xa: {  	[dreg:$0x6] =	wrdreg s3;
	s1 =	sadd.s32 s8, s5;
	s8 =	sor.u32 s10, s2  }
0xb: {  	s2 =	ssub.s32 s11, s22;
	s3 =	sadd.s32 $0x80, s8;
	s23 =	sshrl.u32 s8, $0x3  }
0xc: {  	s10 =	sadd.s32 $0x100, s8;
	s6 =	sshll.u32 s8, $0x2;
	s14 =	sadd.s32 $0x600, s8  }
0xd: {  	s15 =	sadd.s32 $0x680, s8;
	s16 =	sadd.s32 $0x700, s8;
	s19 =	sshll.u32 s8, $0x3  }
0xe: {  	s29 =	sadd.s32 $0xAE00, s1;
	s30 =	sadd.s32 $0xAE40, s1;
	s31 =	sadd.s32 $0xAE80, s1  }
0xf: {  	s24 =	sshrl.u32 s3, $0x3;
	s5 =	sadd.s32 s0, s23;
	s26 =	sshrl.u32 s10, $0x3  }
0x10: {  	s11 =	sshll.u32 s3, $0x2;
	s13 =	sshll.u32 s10, $0x2;
	s18 =	sshrl.u32 s16, $0x3  }
0x11: {  	s20 =	sshll.u32 s3, $0x3;
	s21 =	sadd.s32 s7, s19;
	[dreg:$0x7] =	wrdreg s5  }
0x12: {  	s23 =	sshll.u32 s10, $0x3;
	s25 =	sadd.s32 s0, s24;
	[dreg:$0x10] =	wrdreg s21  }
0x13: {  	s5 =	sadd.s32 s0, s26;
	s12 =	sadd.s32 s4, s11;
	[dreg:$0x8] =	wrdreg s25  }
0x14: {  	s22 =	sadd.s32 s7, s20;
	s7 =	sadd.s32 s7, s23;
	[dreg:$0x9] =	wrdreg s5  }
0x15: {  	s24 =	sadd.s32 $0xC00, s8;
	s26 =	sadd.s32 s9, s20;
	[dreg:$0xb] =	wrdreg s12  }
0x16: {  	s5 =	sadd.s32 s4, s6;
	s4 =	sadd.s32 s4, s13;
	[dreg:$0x11] =	wrdreg s22  }
0x17: {  	[dreg:$0x12] =	wrdreg s7;
	s25 =	sadd.s32 $0xC80, s8;
	s7 =	sshrl.u32 s24, $0x3  }
0x18: {  	[dreg:$0x14] =	wrdreg s26;
	s6 =	sadd.s32 $0xD00, s8;
	s13 =	sadd.s32 $0x1200, s8  }
0x19: {  	s22 =	sshll.u32 s10, $0x4;
	s10 =	simm.s32 $0x6A80;
	[dreg:$0xa] =	wrdreg s5  }
0x1a: {  	[dreg:$0xc] =	wrdreg s4;
	s4 =	sshrl.u32 s14, $0x3;
	s5 =	sshrl.u32 s15, $0x3  }
0x1b: {  	s11 =	sshrl.u32 s25, $0x3;
	s14 =	sadd.s32 $0x1280, s8;
	s4 =	sadd.s32 s0, s4  }
0x1c: {  	s15 =	sadd.s32 $0x1300, s8;
	s17 =	sadd.s32 s0, s5;
	[dreg:$0xd] =	wrdreg s4  }
0x1d: {  	s5 =	sadd.s32 s9, s23;
	s12 =	sadd.s32 s0, s11;
	[dreg:$0xe] =	wrdreg s17  }
0x1e: {  	s16 =	sshrl.u32 s15, $0x3;
	s23 =	simm.s32 $0x0;
	[dreg:$0x15] =	wrdreg s5  }
0x1f: {  	s11 =	simm.s32 $0x0;
	s4 =	sadd.s32 s0, s18;
	[dreg:$0x17] =	wrdreg s12  }
0x20: {  	s5 =	sshrl.u32 s14, $0x3;
	s17 =	sshll.u32 s8, $0x4;
	s18 =	rddreg [dreg:$0x4]  }
0x21: {  	s24 =	sadd.s32 s0, s16;
	[smem:$0x7FF] =	sst s23;
	s8 =	simm.s32 $0x6280  }
0x22: {  	[dreg:$0xf] =	wrdreg s4;
	s4 =	sadd.s32 s9, s19;
	s9 =	sadd.s32 s0, s7  }
0x23: {  	s21 =	sadd.s32 s0, s5;
	s25 =	sadd.s32 s18, s17;
	s19 =	sshll.u32 s3, $0x4  }
0x24: {  	s28 =	sadd.s32 s18, s22;
	s22 =	sadd.s32 $0xAEC0, s1;
	s1 =	simm.s32 $0x1  }
0x25: {  	s3 =	simm.s32 $0x6010;
	s5 =	simm.s32 $0x6080;
	s7 =	simm.s32 $0x7A80  }
.Ltmp0:
0x26: {  	[dreg:$0x13] =	wrdreg s4;
	s4 =	sshrl.u32 s6, $0x3;
	(pc) =	sbr.rel .LBB2_1-.Ltmp0, $4  }
0x27: {  	[dreg:$0x16] =	wrdreg s9;
	s26 =	sadd.s32 s18, s19;
	s4 =	sadd.s32 s0, s4  }
0x28: {  	s6 =	simm.s32 $0x6180;
	[dreg:$0x18] =	wrdreg s4;
	s4 =	sshrl.u32 s13, $0x3  }
0x29: {  	v0 =	vimm.s32 $0x0;
	v1 =	vlaneseq.u32;
	s9 =	simm.s32 $0x6680;
	s20 =	sadd.s32 s0, s4;
	_ =	strace $0x80000047  }
0x2a: {  	v2 =	vor.u32 $0x10, v1;
	v3 =	vor.u32 $0x20, v1;
	v4 =	vor.u32 $0x30, v1;
	s0 =	smax.u32 s2, $0x1;
	s2 =	simm.s32 $0x6000;
	s4 =	simm.s32 $0x6020  }
.LBB2_25:
0x2b: {  	[hbm4b:s25+s23] =	stream.linear.scatter [tilespmem:s8], [sflag:$0x1], $0x800, $0x38;
	[tilespmem:$0x7B00] =	vst v63  }
0x2c: {  	_ =	swait.ge [sflag:s1], $0x800  }
0x2d: {  	[sflag:s1] =	ssyncset.done $0x0  }
0x2e: {  	[sflag:s1] =	ssyncadd.s32 $0xFFFFF800  }
0x2f: {  	[hbm4b:s26+s23] =	stream.linear.scatter [tilespmem:s10], [sflag:$0x1], $0x800, $0x38;
	[tilespmem:$0x7B00] =	vst v63  }
0x30: {  	_ =	swait.ge [sflag:s1], $0x800  }
0x31: {  	[sflag:s1] =	ssyncset.done $0x0  }
0x32: {  	s12 =	simm.s32 $0x7280;
	[sflag:s1] =	ssyncadd.s32 $0xFFFFF800  }
0x33: {  	[hbm4b:s28+s23] =	stream.linear.scatter [tilespmem:s12], [sflag:$0x1], $0x800, $0x38;
	[tilespmem:$0x7B00] =	vst v63  }
0x34: {  	s11 =	sadd.s32 $0x1, s11;
	_ =	swait.ge [sflag:s1], $0x800  }
0x35: {  	p0 =	sne.s32 s11, s0;
	[sflag:s1] =	ssyncset.done $0x0  }
.Ltmp1:
0x36: {  	[sflag:s1] =	ssyncadd.s32 $0xFFFFF800;
	(pc) =	sbr.rel @!p0 .LBB2_26-.Ltmp1, $4  }
0x37: {  	[hbm4b:s22+s23] =	stream.linear.scatter [tilespmem:s7], [sflag:$0x1], $0x10, $0x38;
	[tilespmem:$0x7B00] =	vst v63  }
0x38: {  	_ =	swait.ge [sflag:s1], $0x10  }
0x39: {  	[sflag:s1] =	ssyncset.done $0x0  }
0x3a: {  	[sflag:s1] =	ssyncadd.s32 $0xFFFFFFF0  }
.LBB2_1:
0x3b: {  	s12 =	rddreg [dreg:$0x6]  }
0x3c: {  	[tilespmem:s23], [sflag:$0x1] =	stream.linear.gather [hbm4b:s12+s23], $0x6000, $0x38;
	[tilespmem:$0x7B00] =	vst v63  }
0x3d: {  	_ =	swait.ge [sflag:s1], $0x6000  }
0x3e: {  	[sflag:s1] =	ssyncset.done $0x0  }
0x3f: {  	s17 =	rddreg [dreg:$0x7];
	[sflag:s1] =	ssyncadd.s32 $0xFFFFA000  }
0x40: {  	[tilespmem:s2], [sflag:$0x1] =	stream.linear.gather [hbm4b:s17+s23], $0x10, $0x38;
	[tilespmem:$0x7B00] =	vst v63  }
0x41: {  	_ =	swait.ge [sflag:s1], $0x10  }
0x42: {  	[sflag:s1] =	ssyncset.done $0x0  }
0x43: {  	s18 =	rddreg [dreg:$0x8];
	[sflag:s1] =	ssyncadd.s32 $0xFFFFFFF0  }
0x44: {  	[tilespmem:s3], [sflag:$0x1] =	stream.linear.gather [hbm4b:s18+s23], $0x10, $0x38;
	[tilespmem:$0x7B00] =	vst v63  }
0x45: {  	_ =	swait.ge [sflag:s1], $0x10  }
0x46: {  	[sflag:s1] =	ssyncset.done $0x0  }
.Ltmp2:
0x47: {  	s19 =	rddreg [dreg:$0x9];
	[sflag:s1] =	ssyncadd.s32 $0xFFFFFFF0;
	(pc) =	sbr.rel .LBB2_2-.Ltmp2, $4  }
0x48: {  	[tilespmem:s4], [sflag:$0x1] =	stream.linear.gather [hbm4b:s19+s23], $0x10, $0x38;
	[tilespmem:$0x7B00] =	vst v63  }
0x49: {  	_ =	swait.ge [sflag:s1], $0x10  }
0x4a: {  	[sflag:s1] =	ssyncset.done $0x0  }
0x4b: {  	s12 =	simm.s32 $0x0;
	[sflag:s1] =	ssyncadd.s32 $0xFFFFFFF0  }
.LBB2_6:
0x4c: {  	p0 =	slt.s32 s13, $0x20;
	s14 =	smov.u32 s13  }
0x4d: {  	s14 =	simm.s32 @!p0 $0x20  }
0x4e: {  	v9 =	vmov s14  }
0x4f: {  	v10 =	vsub.s32 v1, v9  }
0x50: {  	vm0 =	vgt.s32 v10, $0x0  }
0x51: {  	v10 =	vnsel vm0, $0x0, v10;
	_ =	sdelay $0x3  }
0x52: {  	v11 =	vld [tilespmem:$0x6080]  }
0x53: {  	v10 =	vld.idx.msk [tilespmem:v10+s6+$0x0], $0xffff;
	_ =	sdelay $0x3  }
0x54: {  	vm13 =	vlt.s32 v1, s14  }
0x55: {  	v10 =	vsel vm13, v11, v10;
	_ =	sdelay $0x4  }
0x56: {  	v11 =	vld.idx.msk [tilespmem:v10+s23+$0x0], $0xffff;
	_ =	sdelay $0x2  }
0x57: {  	v12 =	vadd.s32 $0x2000, v10;
	_ =	sdelay $0x1  }
0x58: {  	v11 =	vsub.f32 v11, v8  }
0x59: {  	s15 =	sshll.u32 s12, $0x5  }
0x5a: {  	[tilespmem:s15+$0x6280] =	vst v11  }
0x5b: {  	v11 =	vld.idx.msk [tilespmem:v12+s23+$0x0], $0xffff;
	_ =	sdelay $0x2  }
0x5c: {  	v10 =	vadd.s32 $0x4000, v10;
	_ =	sdelay $0x1  }
0x5d: {  	v11 =	vsub.f32 v11, v7  }
0x5e: {  	s16 =	sand.u32 $0x1E0, s15  }
0x5f: {  	[tilespmem:s16+$0x6480] =	vst v11  }
0x60: {  	v10 =	vld.idx.msk [tilespmem:v10+s23+$0x0], $0xffff;
	_ =	sdelay $0x1  }
0x61: {  	v9 =	vsub.s32 v2, v9  }
0x62: {  	vm14 =	vgt.s32 v9, $0x0  }
0x63: {  	v9 =	vnsel vm14, $0x0, v9  }
0x64: {  	v10 =	vsub.f32 v10, v6;
	_ =	sdelay $0x1  }
0x65: {  	[tilespmem:s16+$0x6680] =	vst v10  }
0x66: {  	v10 =	vld [tilespmem:$0x6090]  }
0x67: {  	v9 =	vld.idx.msk [tilespmem:v9+s6+$0x0], $0xffff;
	_ =	sdelay $0x3  }
0x68: {  	vm15 =	vlt.s32 v2, s14  }
0x69: {  	v9 =	vsel vm15, v10, v9;
	_ =	sdelay $0x4  }
0x6a: {  	v10 =	vld.idx.msk [tilespmem:v9+s23+$0x0], $0xffff;
	_ =	sdelay $0x2  }
0x6b: {  	v62 =	vadd.s32 $0x2000, v9;
	_ =	sdelay $0x1  }
0x6c: {  	v63 =	vsub.f32 v10, v8;
	_ =	sdelay $0x1  }
0x6d: {  	[tilespmem:s15+$0x6290] =	vst v63  }
0x6e: {  	v8 =	vld.idx.msk [tilespmem:v62+s23+$0x0], $0xffff;
	_ =	sdelay $0x2  }
0x6f: {  	v9 =	vadd.s32 $0x4000, v9;
	_ =	sdelay $0x1  }
0x70: {  	v7 =	vsub.f32 v8, v7;
	_ =	sdelay $0x1  }
0x71: {  	[tilespmem:s15+$0x6490] =	vst v7  }
0x72: {  	v7 =	vld.idx.msk [tilespmem:v9+s23+$0x0], $0xffff;
	_ =	sdelay $0x1  }
0x73: {  	s12 =	sadd.s32 $0x1, s12;
	p0 =	sgt.s32 s13, $0x0;
	s13 =	simm.f32 $1.000000000e+00  }
0x74: {  	s13 =	simm.s32 @!p0 $0x0;
	p0 =	sne.s32 s12, $0x10  }
.Ltmp3:
0x75: {  	_ = 	snop;
	(pc) =	sbr.rel @!p0 .LBB2_7-.Ltmp3, $3  }
0x76: {  	v6 =	vsub.f32 v7, v6;
	_ =	sdelay $0x1  }
0x77: {  	[tilespmem:s15+$0x6690] =	vst v6;
	v6 =	vmov s13  }
0x78: {  	[tilespmem:v5+s7+$0x0] =	vst.idx.msk $0x1, v6  }
.LBB2_2:
0x79: {  	v5 =	vmov s12  }
0x7a: {  	v6 =	vor.u32 $0x10, v5  }
0x7b: {  	v9 =	vor.u32 $0x20, v5;
	_ =	sdelay $0x2  }
0x7c: {  	v8 =	vld.idx.msk [tilespmem:v5+s2+$0x0], $0xffff  }
0x7d: {  	s13 =	simm.s32 $0x0;
	v7 =	vld.idx.msk [tilespmem:v6+s2+$0x0], $0xffff  }
0x7e: {  	s14 =	simm.s32 $0x30;
	s15 =	simm.s32 $0x4030;
	s16 =	simm.s32 $0x0;
	v6 =	vld.idx.msk [tilespmem:v9+s2+$0x0], $0xffff  }
.LBB2_3:
0x7f: {  	s17 =	sadd.s32 $0xFFFFFFD0, s14  }
0x80: {  	s18 =	sand.u32 $0x1FC0, s17  }
0x81: {  	v9 =	vld [tilespmem:s18+$0x4000]  }
0x82: {  	v10 =	vld [tilespmem:s15+$0xFFFFFFE0]  }
0x83: {  	v11 =	vld [tilespmem:s15+$0xFFFFFFF0];
	_ =	sdelay $0x2  }
0x84: {  	v9 =	vsub.f32 v9, v6  }
0x85: {  	v10 =	vsub.f32 v10, v6  }
0x86: {  	v11 =	vsub.f32 v11, v6;
	v9 =	vand.u32 $0x7FFFFFFF, v9  }
0x87: {  	vm1 =	vlt.f32 v9, $2.500000000e-01;
	v9 =	vand.u32 $0x7FFFFFFF, v10  }
0x88: {  	vm0 =	vlt.f32 v9, $2.500000000e-01;
	v9 =	vand.u32 $0x7FFFFFFF, v11;
	v11 =	vld [tilespmem:s15+$0x0];
	_ =	sdelay $0x1  }
0x89: {  	v10 =	vsel vm1, $0x1, v0  }
0x8a: {  	(xrf0) =	vadd.scan.msk.s32 $0xffff, v10;
	v10 =	vsel vm0, $0x1, v0;
	vm2 =	vlt.f32 v9, $2.500000000e-01  }
0x8b: {  	(xrf0) =	vadd.scan.msk.s32 $0xffff, v10;
	v9 =	vsel vm2, $0x1, v0  }
0x8c: {  	(xrf0) =	vadd.scan.msk.s32 $0xffff, v9;
	v9 =	vsub.f32 v11, v6;
	_ =	sdelay $0x1  }
0x8d: {  	v9 =	vand.u32 $0x7FFFFFFF, v9  }
0x8e: {  	vm3 =	vlt.f32 v9, $2.500000000e-01  }
0x8f: {  	v12 =	vsel vm3, $0x1, v0  }
0x90: {  	v10, _, _ =	vpop (xrf0);
	(xrf0) =	vadd.scan.msk.s32 $0xffff, v12;
	_ =	sdelay $0x1  }
0x91: {  	v11, _, _ =	vpop (xrf0);
	(v2sf) =	vpush v10, $0xF  }
0x92: {  	(v2sf) =	vpush v11, $0xF;
	v9, _, _ =	vpop (xrf0)  }
0x93: {  	(v2sf) =	vpush v9, $0xF;
	_ =	sdelay $0x1  }
0x94: {  	v12, _, _ =	vpop (xrf0)  }
0x95: {  	(v2sf) =	vpush v12, $0xF;
	_ =	sdelay $0x9  }
0x96: {  	s18 =	spop (v2sf)  }
0x97: {  	s19 =	spop (v2sf);
	s18 =	sadd.s32 s13, s18;
	s13 =	sadd.s32 $0xFFFFFFFF, s13  }
0x98: {  	v10 =	vadd.s32 s13, v10;
	s19 =	sadd.s32 s19, s18;
	s18 =	sadd.s32 $0xFFFFFFFF, s18;
	s13 =	spop (v2sf)  }
0x99: {  	v11 =	vadd.s32 s18, v11;
	vm4 =	vlt.s32 v10, $0x20;
	s13 =	sadd.s32 s13, s19;
	s19 =	sadd.s32 $0xFFFFFFFF, s19  }
0x9a: {  	vm1 =	vmand vm1, vm4;
	vm13 =	vlt.s32 v11, $0x20;
	v9 =	vadd.s32 s19, v9;
	s19 =	sadd.s32 $0xFFFFFFFF, s13  }
0x9b: {  	vm0 =	vmand vm0, vm13;
	vm14 =	vlt.s32 v9, $0x20;
	v12 =	vadd.s32 s19, v12;
	s18 =	spop (v2sf)  }
0x9c: {  	p0 =	sgt.u32 s16, $0x7E;
	vm2 =	vmand vm2, vm14;
	vm15 =	vlt.s32 v12, $0x20;
	s13 =	sadd.s32 s18, s13  }
0x9d: {  	vm3 =	vmand vm3, vm15;
	p1 =	slt.s32 @!p0 s13, $0x20  }
0x9e: {  	p0 =	por p0, !p1  }
.Ltmp4:
0x9f: {  	v13 =	vor.u32 s17, v1;
	s19 =	sadd.s32 $0xFFFFFFE0, s14;
	(pc) =	sbr.rel @!p0 .LBB2_3-.Ltmp4, $4  }
0xa0: {  	[tilespmem:v10+s5+$0x0] =	vst.idx.msk vm1, v13;
	v10 =	vor.u32 s19, v1;
	s19 =	sadd.s32 $0xFFFFFFF0, s14  }
0xa1: {  	[tilespmem:v11+s5+$0x0] =	vst.idx.msk vm0, v10;
	v10 =	vor.u32 s19, v1  }
0xa2: {  	[tilespmem:v9+s5+$0x0] =	vst.idx.msk vm2, v10;
	v9 =	vor.u32 s14, v1  }
0xa3: {  	s16 =	sadd.s32 $0x1, s16;
	s15 =	sadd.s32 $0x40, s15;
	s14 =	sadd.s32 $0x40, s14;
	[tilespmem:v12+s5+$0x0] =	vst.idx.msk vm3, v9  }
0xa4: {  	p0 =	sgt.s32 s13, $0x1F  }
.Ltmp5:
0xa5: {  	_ = 	snop;
	(pc) =	sbr.rel @p0 .LBB2_6-.Ltmp5, $2  }
0xa6: {  	_ =	sdelay $0x2  }
0xa7: {  	s16 =	simm.s32 $0x0;
	s14 =	simm.s32 $0x0;
	s15 =	simm.s32 $0x0  }
.LBB2_5:
0xa8: {  	s17 =	sand.u32 $0x1FF0, s14  }
0xa9: {  	v9 =	vld [tilespmem:s17+$0x4000];
	_ =	sdelay $0x4  }
0xaa: {  	v9 =	vsub.f32 v9, v6;
	_ =	sdelay $0x1  }
0xab: {  	v9 =	vand.u32 $0x7FFFFFFF, v9  }
0xac: {  	vm0 =	vge.f32 v9, $2.500000000e-01  }
0xad: {  	v9 =	vsel vm0, $0x1, v0  }
0xae: {  	(xrf0) =	vadd.scan.msk.s32 $0xffff, v9;
	_ =	sdelay $0x5  }
0xaf: {  	v9, _, _ =	vpop (xrf0)  }
0xb0: {  	(v2sf) =	vpush v9, $0xF;
	_ =	sdelay $0xd  }
0xb1: {  	s18 =	sadd.s32 $0xFFFFFFFF, s15  }
0xb2: {  	v9 =	vadd.s32 s18, v9;
	s19 =	spop (v2sf)  }
0xb3: {  	p0 =	sgt.u32 s16, $0x1FE;
	vm1 =	vlt.s32 v9, $0x20;
	s15 =	sadd.s32 s15, s19  }
0xb4: {  	vm0 =	vmand vm0, vm1;
	p1 =	slt.s32 @!p0 s15, $0x20  }
0xb5: {  	p0 =	por p0, !p1  }
.Ltmp6:
0xb6: {  	_ = 	snop;
	(pc) =	sbr.rel @!p0 .LBB2_5-.Ltmp6, $3  }
0xb7: {  	_ =	sdelay $0x1  }
0xb8: {  	v10 =	vor.u32 s14, v1  }
0xb9: {  	s16 =	sadd.s32 $0x1, s16;
	s14 =	sadd.s32 $0x10, s14;
	[tilespmem:v9+s6+$0x0] =	vst.idx.msk vm0, v10  }
.Ltmp7:
0xba: {  	_ = 	snop;
	(pc) =	sbr.rel .LBB2_6-.Ltmp7, $1  }
0xbb: {  	_ =	sdelay $0x3  }
.LBB2_7:
0xbc: {  	s12 =	simm.s32 $0x0;
	s13 =	rddreg [dreg:$0xa]  }
0xbd: {  	[hbm4b:s13+s12] =	stream.linear.scatter [tilespmem:s8], [sflag:$0x1], $0x200, $0x38;
	[tilespmem:$0x7B00] =	vst v63  }
0xbe: {  	_ =	swait.ge [sflag:s1], $0x200  }
0xbf: {  	[sflag:s1] =	ssyncset.done $0x0  }
0xc0: {  	s14 =	simm.s32 $0x6480;
	s15 =	rddreg [dreg:$0xb];
	[sflag:s1] =	ssyncadd.s32 $0xFFFFFE00  }
0xc1: {  	[hbm4b:s15+s12] =	stream.linear.scatter [tilespmem:s14], [sflag:$0x1], $0x200, $0x38;
	[tilespmem:$0x7B00] =	vst v63  }
0xc2: {  	_ =	swait.ge [sflag:s1], $0x200  }
0xc3: {  	[sflag:s1] =	ssyncset.done $0x0  }
0xc4: {  	s16 =	rddreg [dreg:$0xc];
	[sflag:s1] =	ssyncadd.s32 $0xFFFFFE00  }
0xc5: {  	[hbm4b:s16+s12] =	stream.linear.scatter [tilespmem:s9], [sflag:$0x1], $0x200, $0x38;
	[tilespmem:$0x7B00] =	vst v63  }
0xc6: {  	_ =	swait.ge [sflag:s1], $0x200  }
0xc7: {  	[sflag:s1] =	ssyncset.done $0x0  }
0xc8: {  	[sflag:s1] =	ssyncadd.s32 $0xFFFFFE00  }
0xc9: {  	[hbm4b:s29+s12] =	stream.linear.scatter [tilespmem:s7], [sflag:$0x1], $0x10, $0x38;
	[tilespmem:$0x7B00] =	vst v63  }
0xca: {  	_ =	swait.ge [sflag:s1], $0x10  }
0xcb: {  	[sflag:s1] =	ssyncset.done $0x0  }
0xcc: {  	s17 =	rddreg [dreg:$0xd];
	[sflag:s1] =	ssyncadd.s32 $0xFFFFFFF0  }
0xcd: {  	[tilespmem:s2], [sflag:$0x1] =	stream.linear.gather [hbm4b:s17+s12], $0x10, $0x38;
	[tilespmem:$0x7B00] =	vst v63  }
0xce: {  	_ =	swait.ge [sflag:s1], $0x10  }
0xcf: {  	[sflag:s1] =	ssyncset.done $0x0  }
0xd0: {  	s18 =	rddreg [dreg:$0xe];
	[sflag:s1] =	ssyncadd.s32 $0xFFFFFFF0  }
0xd1: {  	[tilespmem:s3], [sflag:$0x1] =	stream.linear.gather [hbm4b:s18+s12], $0x10, $0x38;
	[tilespmem:$0x7B00] =	vst v63  }
0xd2: {  	_ =	swait.ge [sflag:s1], $0x10  }
0xd3: {  	[sflag:s1] =	ssyncset.done $0x0  }
.Ltmp8:
0xd4: {  	s19 =	rddreg [dreg:$0xf];
	[sflag:s1] =	ssyncadd.s32 $0xFFFFFFF0;
	(pc) =	sbr.rel .LBB2_8-.Ltmp8, $4  }
0xd5: {  	[tilespmem:s4], [sflag:$0x1] =	stream.linear.gather [hbm4b:s19+s12], $0x10, $0x38;
	[tilespmem:$0x7B00] =	vst v63  }
0xd6: {  	_ =	swait.ge [sflag:s1], $0x10  }
0xd7: {  	[sflag:s1] =	ssyncset.done $0x0  }
0xd8: {  	[sflag:s1] =	ssyncadd.s32 $0xFFFFFFF0  }
.LBB2_12:
0xd9: {  	p0 =	slt.s32 s13, $0x40;
	s15 =	smov.u32 s13  }
0xda: {  	s15 =	simm.s32 @!p0 $0x40  }
0xdb: {  	v9 =	vmov s15  }
0xdc: {  	v10 =	vsub.s32 v1, v9  }
0xdd: {  	vm0 =	vgt.s32 v10, $0x0  }
0xde: {  	v10 =	vnsel vm0, $0x0, v10;
	_ =	sdelay $0x3  }
0xdf: {  	v11 =	vld [tilespmem:$0x6080]  }
0xe0: {  	v10 =	vld.idx.msk [tilespmem:v10+s6+$0x0], $0xffff;
	_ =	sdelay $0x3  }
0xe1: {  	vm9 =	vlt.s32 v1, s15  }
0xe2: {  	v10 =	vsel vm9, v11, v10;
	_ =	sdelay $0x4  }
0xe3: {  	v11 =	vld.idx.msk [tilespmem:v10+s23+$0x0], $0xffff;
	_ =	sdelay $0x2  }
0xe4: {  	v12 =	vadd.s32 $0x2000, v10;
	_ =	sdelay $0x1  }
0xe5: {  	v11 =	vsub.f32 v11, v8  }
0xe6: {  	s14 =	sshll.u32 s12, $0x6  }
0xe7: {  	[tilespmem:s14+$0x6280] =	vst v11  }
0xe8: {  	v11 =	vld.idx.msk [tilespmem:v12+s23+$0x0], $0xffff;
	_ =	sdelay $0x2  }
0xe9: {  	v10 =	vadd.s32 $0x4000, v10;
	_ =	sdelay $0x1  }
0xea: {  	v11 =	vsub.f32 v11, v7  }
0xeb: {  	s16 =	sand.u32 $0x3C0, s14  }
0xec: {  	[tilespmem:s16+$0x6680] =	vst v11  }
0xed: {  	v10 =	vld.idx.msk [tilespmem:v10+s23+$0x0], $0xffff;
	_ =	sdelay $0x1  }
0xee: {  	v58 =	vsub.s32 v2, v9  }
0xef: {  	vm10 =	vgt.s32 v58, $0x0  }
0xf0: {  	v11 =	vnsel vm10, $0x0, v58  }
0xf1: {  	v10 =	vsub.f32 v10, v6;
	_ =	sdelay $0x1  }
0xf2: {  	[tilespmem:s16+$0x6A80] =	vst v10  }
0xf3: {  	v10 =	vld [tilespmem:$0x6090]  }
0xf4: {  	v11 =	vld.idx.msk [tilespmem:v11+s6+$0x0], $0xffff;
	_ =	sdelay $0x3  }
0xf5: {  	vm11 =	vlt.s32 v2, s15  }
0xf6: {  	v10 =	vsel vm11, v10, v11;
	_ =	sdelay $0x4  }
0xf7: {  	v11 =	vld.idx.msk [tilespmem:v10+s23+$0x0], $0xffff;
	_ =	sdelay $0x2  }
0xf8: {  	v59 =	vadd.s32 $0x2000, v10;
	_ =	sdelay $0x1  }
0xf9: {  	v11 =	vsub.f32 v11, v8;
	_ =	sdelay $0x1  }
0xfa: {  	[tilespmem:s14+$0x6290] =	vst v11  }
0xfb: {  	v11 =	vld.idx.msk [tilespmem:v59+s23+$0x0], $0xffff;
	_ =	sdelay $0x2  }
0xfc: {  	v10 =	vadd.s32 $0x4000, v10;
	_ =	sdelay $0x1  }
0xfd: {  	v11 =	vsub.f32 v11, v7;
	_ =	sdelay $0x1  }
0xfe: {  	[tilespmem:s14+$0x6690] =	vst v11  }
0xff: {  	v10 =	vld.idx.msk [tilespmem:v10+s23+$0x0], $0xffff;
	_ =	sdelay $0x1  }
0x100: {  	v60 =	vsub.s32 v3, v9  }
0x101: {  	vm12 =	vgt.s32 v60, $0x0  }
0x102: {  	v11 =	vnsel vm12, $0x0, v60  }
0x103: {  	v10 =	vsub.f32 v10, v6;
	_ =	sdelay $0x1  }
0x104: {  	[tilespmem:s14+$0x6A90] =	vst v10  }
0x105: {  	v10 =	vld [tilespmem:$0x60A0]  }
0x106: {  	v11 =	vld.idx.msk [tilespmem:v11+s6+$0x0], $0xffff;
	_ =	sdelay $0x3  }
0x107: {  	vm13 =	vlt.s32 v3, s15  }
0x108: {  	v10 =	vsel vm13, v10, v11;
	_ =	sdelay $0x4  }
0x109: {  	v11 =	vld.idx.msk [tilespmem:v10+s23+$0x0], $0xffff;
	_ =	sdelay $0x2  }
0x10a: {  	v61 =	vadd.s32 $0x2000, v10;
	_ =	sdelay $0x1  }
0x10b: {  	v11 =	vsub.f32 v11, v8;
	_ =	sdelay $0x1  }
0x10c: {  	[tilespmem:s14+$0x62A0] =	vst v11  }
0x10d: {  	v11 =	vld.idx.msk [tilespmem:v61+s23+$0x0], $0xffff;
	_ =	sdelay $0x2  }
0x10e: {  	v10 =	vadd.s32 $0x4000, v10;
	_ =	sdelay $0x1  }
0x10f: {  	v11 =	vsub.f32 v11, v7;
	_ =	sdelay $0x1  }
0x110: {  	[tilespmem:s14+$0x66A0] =	vst v11  }
0x111: {  	v10 =	vld.idx.msk [tilespmem:v10+s23+$0x0], $0xffff;
	_ =	sdelay $0x1  }
0x112: {  	v9 =	vsub.s32 v4, v9  }
0x113: {  	vm14 =	vgt.s32 v9, $0x0  }
0x114: {  	v9 =	vnsel vm14, $0x0, v9  }
0x115: {  	v10 =	vsub.f32 v10, v6;
	_ =	sdelay $0x1  }
0x116: {  	[tilespmem:s14+$0x6AA0] =	vst v10  }
0x117: {  	v10 =	vld [tilespmem:$0x60B0]  }
0x118: {  	v9 =	vld.idx.msk [tilespmem:v9+s6+$0x0], $0xffff;
	_ =	sdelay $0x3  }
0x119: {  	vm15 =	vlt.s32 v4, s15  }
0x11a: {  	v9 =	vsel vm15, v10, v9;
	_ =	sdelay $0x4  }
0x11b: {  	v10 =	vld.idx.msk [tilespmem:v9+s23+$0x0], $0xffff;
	_ =	sdelay $0x2  }
0x11c: {  	v62 =	vadd.s32 $0x2000, v9;
	_ =	sdelay $0x1  }
0x11d: {  	v63 =	vsub.f32 v10, v8;
	_ =	sdelay $0x1  }
0x11e: {  	[tilespmem:s14+$0x62B0] =	vst v63  }
0x11f: {  	v8 =	vld.idx.msk [tilespmem:v62+s23+$0x0], $0xffff;
	_ =	sdelay $0x2  }
0x120: {  	v9 =	vadd.s32 $0x4000, v9;
	_ =	sdelay $0x1  }
0x121: {  	v7 =	vsub.f32 v8, v7;
	_ =	sdelay $0x1  }
0x122: {  	[tilespmem:s14+$0x66B0] =	vst v7  }
0x123: {  	v7 =	vld.idx.msk [tilespmem:v9+s23+$0x0], $0xffff;
	_ =	sdelay $0x1  }
0x124: {  	s12 =	sadd.s32 $0x1, s12;
	p0 =	sgt.s32 s13, $0x0;
	s13 =	simm.f32 $1.000000000e+00  }
0x125: {  	s13 =	simm.s32 @!p0 $0x0;
	p0 =	sne.s32 s12, $0x10  }
.Ltmp9:
0x126: {  	_ = 	snop;
	(pc) =	sbr.rel @!p0 .LBB2_13-.Ltmp9, $3  }
0x127: {  	v6 =	vsub.f32 v7, v6;
	_ =	sdelay $0x1  }
0x128: {  	[tilespmem:s14+$0x6AB0] =	vst v6;
	v6 =	vmov s13  }
0x129: {  	[tilespmem:v5+s7+$0x0] =	vst.idx.msk $0x1, v6  }
.LBB2_8:
0x12a: {  	v5 =	vmov s12  }
0x12b: {  	v6 =	vor.u32 $0x10, v5  }
0x12c: {  	v9 =	vor.u32 $0x20, v5;
	_ =	sdelay $0x2  }
0x12d: {  	v8 =	vld.idx.msk [tilespmem:v5+s2+$0x0], $0xffff  }
0x12e: {  	s14 =	simm.s32 $0x30;
	v7 =	vld.idx.msk [tilespmem:v6+s2+$0x0], $0xffff  }
0x12f: {  	s15 =	simm.s32 $0x4030;
	s13 =	simm.s32 $0x0;
	s16 =	simm.s32 $0x0;
	v6 =	vld.idx.msk [tilespmem:v9+s2+$0x0], $0xffff  }
.LBB2_9:
0x130: {  	s17 =	sadd.s32 $0xFFFFFFD0, s14  }
0x131: {  	s18 =	sand.u32 $0x1FC0, s17  }
0x132: {  	v9 =	vld [tilespmem:s18+$0x4000]  }
0x133: {  	v10 =	vld [tilespmem:s15+$0xFFFFFFE0]  }
0x134: {  	v11 =	vld [tilespmem:s15+$0xFFFFFFF0];
	_ =	sdelay $0x2  }
0x135: {  	v9 =	vsub.f32 v9, v6  }
0x136: {  	v10 =	vsub.f32 v10, v6  }
0x137: {  	v11 =	vsub.f32 v11, v6;
	v9 =	vand.u32 $0x7FFFFFFF, v9  }
0x138: {  	vm1 =	vlt.f32 v9, $5.000000000e-01;
	v9 =	vand.u32 $0x7FFFFFFF, v10  }
0x139: {  	vm0 =	vlt.f32 v9, $5.000000000e-01;
	v9 =	vand.u32 $0x7FFFFFFF, v11;
	v11 =	vld [tilespmem:s15+$0x0];
	_ =	sdelay $0x1  }
0x13a: {  	v10 =	vsel vm1, $0x1, v0  }
0x13b: {  	(xrf0) =	vadd.scan.msk.s32 $0xffff, v10;
	v10 =	vsel vm0, $0x1, v0;
	vm2 =	vlt.f32 v9, $5.000000000e-01  }
0x13c: {  	(xrf0) =	vadd.scan.msk.s32 $0xffff, v10;
	v9 =	vsel vm2, $0x1, v0  }
0x13d: {  	(xrf0) =	vadd.scan.msk.s32 $0xffff, v9;
	v9 =	vsub.f32 v11, v6;
	_ =	sdelay $0x1  }
0x13e: {  	v9 =	vand.u32 $0x7FFFFFFF, v9  }
0x13f: {  	vm3 =	vlt.f32 v9, $5.000000000e-01  }
0x140: {  	v12 =	vsel vm3, $0x1, v0  }
0x141: {  	v10, _, _ =	vpop (xrf0);
	(xrf0) =	vadd.scan.msk.s32 $0xffff, v12;
	_ =	sdelay $0x1  }
0x142: {  	v11, _, _ =	vpop (xrf0);
	(v2sf) =	vpush v10, $0xF  }
0x143: {  	(v2sf) =	vpush v11, $0xF;
	v9, _, _ =	vpop (xrf0)  }
0x144: {  	(v2sf) =	vpush v9, $0xF;
	_ =	sdelay $0x1  }
0x145: {  	v12, _, _ =	vpop (xrf0)  }
0x146: {  	(v2sf) =	vpush v12, $0xF;
	_ =	sdelay $0x9  }
0x147: {  	s18 =	spop (v2sf)  }
0x148: {  	s19 =	spop (v2sf);
	s18 =	sadd.s32 s13, s18;
	s13 =	sadd.s32 $0xFFFFFFFF, s13  }
0x149: {  	v10 =	vadd.s32 s13, v10;
	s19 =	sadd.s32 s19, s18;
	s18 =	sadd.s32 $0xFFFFFFFF, s18;
	s13 =	spop (v2sf)  }
0x14a: {  	v11 =	vadd.s32 s18, v11;
	vm4 =	vlt.s32 v10, $0x40;
	s13 =	sadd.s32 s13, s19;
	s19 =	sadd.s32 $0xFFFFFFFF, s19  }
0x14b: {  	vm1 =	vmand vm1, vm4;
	vm13 =	vlt.s32 v11, $0x40;
	v9 =	vadd.s32 s19, v9;
	s19 =	sadd.s32 $0xFFFFFFFF, s13  }
0x14c: {  	vm0 =	vmand vm0, vm13;
	vm14 =	vlt.s32 v9, $0x40;
	v12 =	vadd.s32 s19, v12;
	s18 =	spop (v2sf)  }
0x14d: {  	p0 =	sgt.u32 s16, $0x7E;
	vm2 =	vmand vm2, vm14;
	vm15 =	vlt.s32 v12, $0x40;
	s13 =	sadd.s32 s18, s13  }
0x14e: {  	vm3 =	vmand vm3, vm15;
	p1 =	slt.s32 @!p0 s13, $0x40  }
0x14f: {  	p0 =	por p0, !p1  }
.Ltmp10:
0x150: {  	v13 =	vor.u32 s17, v1;
	s19 =	sadd.s32 $0xFFFFFFE0, s14;
	(pc) =	sbr.rel @!p0 .LBB2_9-.Ltmp10, $4  }
0x151: {  	[tilespmem:v10+s5+$0x0] =	vst.idx.msk vm1, v13;
	v10 =	vor.u32 s19, v1;
	s19 =	sadd.s32 $0xFFFFFFF0, s14  }
0x152: {  	[tilespmem:v11+s5+$0x0] =	vst.idx.msk vm0, v10;
	v10 =	vor.u32 s19, v1  }
0x153: {  	[tilespmem:v9+s5+$0x0] =	vst.idx.msk vm2, v10;
	v9 =	vor.u32 s14, v1  }
0x154: {  	s16 =	sadd.s32 $0x1, s16;
	s15 =	sadd.s32 $0x40, s15;
	s14 =	sadd.s32 $0x40, s14;
	[tilespmem:v12+s5+$0x0] =	vst.idx.msk vm3, v9  }
0x155: {  	p0 =	sgt.s32 s13, $0x3F  }
.Ltmp11:
0x156: {  	_ = 	snop;
	(pc) =	sbr.rel @p0 .LBB2_12-.Ltmp11, $2  }
0x157: {  	_ =	sdelay $0x2  }
0x158: {  	s16 =	simm.s32 $0x0;
	s14 =	simm.s32 $0x0;
	s15 =	simm.s32 $0x0  }
.LBB2_11:
0x159: {  	s17 =	sand.u32 $0x1FF0, s14  }
0x15a: {  	v9 =	vld [tilespmem:s17+$0x4000];
	_ =	sdelay $0x4  }
0x15b: {  	v9 =	vsub.f32 v9, v6;
	_ =	sdelay $0x1  }
0x15c: {  	v9 =	vand.u32 $0x7FFFFFFF, v9  }
0x15d: {  	vm0 =	vge.f32 v9, $5.000000000e-01  }
0x15e: {  	v9 =	vsel vm0, $0x1, v0  }
0x15f: {  	(xrf0) =	vadd.scan.msk.s32 $0xffff, v9;
	_ =	sdelay $0x5  }
0x160: {  	v9, _, _ =	vpop (xrf0)  }
0x161: {  	(v2sf) =	vpush v9, $0xF;
	_ =	sdelay $0xd  }
0x162: {  	s18 =	sadd.s32 $0xFFFFFFFF, s15  }
0x163: {  	v9 =	vadd.s32 s18, v9;
	s19 =	spop (v2sf)  }
0x164: {  	p0 =	sgt.u32 s16, $0x1FE;
	vm1 =	vlt.s32 v9, $0x40;
	s15 =	sadd.s32 s15, s19  }
0x165: {  	vm0 =	vmand vm0, vm1;
	p1 =	slt.s32 @!p0 s15, $0x40  }
0x166: {  	p0 =	por p0, !p1  }
.Ltmp12:
0x167: {  	_ = 	snop;
	(pc) =	sbr.rel @!p0 .LBB2_11-.Ltmp12, $3  }
0x168: {  	_ =	sdelay $0x1  }
0x169: {  	v10 =	vor.u32 s14, v1  }
0x16a: {  	s16 =	sadd.s32 $0x1, s16;
	s14 =	sadd.s32 $0x10, s14;
	[tilespmem:v9+s6+$0x0] =	vst.idx.msk vm0, v10  }
.Ltmp13:
0x16b: {  	_ = 	snop;
	(pc) =	sbr.rel .LBB2_12-.Ltmp13, $1  }
0x16c: {  	_ =	sdelay $0x3  }
.LBB2_13:
0x16d: {  	s12 =	simm.s32 $0x0;
	s13 =	rddreg [dreg:$0x10]  }
0x16e: {  	[hbm4b:s13+s12] =	stream.linear.scatter [tilespmem:s8], [sflag:$0x1], $0x400, $0x38;
	[tilespmem:$0x7B00] =	vst v63  }
0x16f: {  	_ =	swait.ge [sflag:s1], $0x400  }
0x170: {  	[sflag:s1] =	ssyncset.done $0x0  }
0x171: {  	s15 =	rddreg [dreg:$0x11];
	[sflag:s1] =	ssyncadd.s32 $0xFFFFFC00  }
0x172: {  	[hbm4b:s15+s12] =	stream.linear.scatter [tilespmem:s9], [sflag:$0x1], $0x400, $0x38;
	[tilespmem:$0x7B00] =	vst v63  }
0x173: {  	_ =	swait.ge [sflag:s1], $0x400  }
0x174: {  	[sflag:s1] =	ssyncset.done $0x0  }
0x175: {  	s16 =	rddreg [dreg:$0x12];
	[sflag:s1] =	ssyncadd.s32 $0xFFFFFC00  }
0x176: {  	[hbm4b:s16+s12] =	stream.linear.scatter [tilespmem:s10], [sflag:$0x1], $0x400, $0x38;
	[tilespmem:$0x7B00] =	vst v63  }
0x177: {  	_ =	swait.ge [sflag:s1], $0x400  }
0x178: {  	[sflag:s1] =	ssyncset.done $0x0  }
0x179: {  	[sflag:s1] =	ssyncadd.s32 $0xFFFFFC00  }
0x17a: {  	[hbm4b:s30+s12] =	stream.linear.scatter [tilespmem:s7], [sflag:$0x1], $0x10, $0x38;
	[tilespmem:$0x7B00] =	vst v63  }
0x17b: {  	_ =	swait.ge [sflag:s1], $0x10  }
0x17c: {  	[sflag:s1] =	ssyncset.done $0x0  }
0x17d: {  	s17 =	rddreg [dreg:$0x16];
	[sflag:s1] =	ssyncadd.s32 $0xFFFFFFF0  }
0x17e: {  	[tilespmem:s2], [sflag:$0x1] =	stream.linear.gather [hbm4b:s17+s12], $0x10, $0x38;
	[tilespmem:$0x7B00] =	vst v63  }
0x17f: {  	_ =	swait.ge [sflag:s1], $0x10  }
0x180: {  	[sflag:s1] =	ssyncset.done $0x0  }
0x181: {  	s18 =	rddreg [dreg:$0x17];
	[sflag:s1] =	ssyncadd.s32 $0xFFFFFFF0  }
0x182: {  	[tilespmem:s3], [sflag:$0x1] =	stream.linear.gather [hbm4b:s18+s12], $0x10, $0x38;
	[tilespmem:$0x7B00] =	vst v63  }
0x183: {  	_ =	swait.ge [sflag:s1], $0x10  }
0x184: {  	[sflag:s1] =	ssyncset.done $0x0  }
.Ltmp14:
0x185: {  	s19 =	rddreg [dreg:$0x18];
	[sflag:s1] =	ssyncadd.s32 $0xFFFFFFF0;
	(pc) =	sbr.rel .LBB2_14-.Ltmp14, $4  }
0x186: {  	[tilespmem:s4], [sflag:$0x1] =	stream.linear.gather [hbm4b:s19+s12], $0x10, $0x38;
	[tilespmem:$0x7B00] =	vst v63  }
0x187: {  	_ =	swait.ge [sflag:s1], $0x10  }
0x188: {  	[sflag:s1] =	ssyncset.done $0x0  }
0x189: {  	[sflag:s1] =	ssyncadd.s32 $0xFFFFFFF0  }
.LBB2_18:
0x18a: {  	p0 =	slt.s32 s13, $0x40;
	s15 =	smov.u32 s13  }
0x18b: {  	s15 =	simm.s32 @!p0 $0x40  }
0x18c: {  	v9 =	vmov s15  }
0x18d: {  	v10 =	vsub.s32 v1, v9  }
0x18e: {  	vm0 =	vgt.s32 v10, $0x0  }
0x18f: {  	v10 =	vnsel vm0, $0x0, v10;
	_ =	sdelay $0x3  }
0x190: {  	v11 =	vld [tilespmem:$0x6080]  }
0x191: {  	v10 =	vld.idx.msk [tilespmem:v10+s6+$0x0], $0xffff;
	_ =	sdelay $0x3  }
0x192: {  	vm9 =	vlt.s32 v1, s15  }
0x193: {  	v10 =	vsel vm9, v11, v10;
	_ =	sdelay $0x4  }
0x194: {  	v11 =	vld.idx.msk [tilespmem:v10+s23+$0x0], $0xffff;
	_ =	sdelay $0x2  }
0x195: {  	v12 =	vadd.s32 $0x2000, v10;
	_ =	sdelay $0x1  }
0x196: {  	v11 =	vsub.f32 v11, v8  }
0x197: {  	s14 =	sshll.u32 s12, $0x6  }
0x198: {  	[tilespmem:s14+$0x6280] =	vst v11  }
0x199: {  	v11 =	vld.idx.msk [tilespmem:v12+s23+$0x0], $0xffff;
	_ =	sdelay $0x2  }
0x19a: {  	v10 =	vadd.s32 $0x4000, v10;
	_ =	sdelay $0x1  }
0x19b: {  	v11 =	vsub.f32 v11, v7  }
0x19c: {  	s16 =	sand.u32 $0x3C0, s14  }
0x19d: {  	[tilespmem:s16+$0x6680] =	vst v11  }
0x19e: {  	v10 =	vld.idx.msk [tilespmem:v10+s23+$0x0], $0xffff;
	_ =	sdelay $0x1  }
0x19f: {  	v58 =	vsub.s32 v2, v9  }
0x1a0: {  	vm10 =	vgt.s32 v58, $0x0  }
0x1a1: {  	v11 =	vnsel vm10, $0x0, v58  }
0x1a2: {  	v10 =	vsub.f32 v10, v6;
	_ =	sdelay $0x1  }
0x1a3: {  	[tilespmem:s16+$0x6A80] =	vst v10  }
0x1a4: {  	v10 =	vld [tilespmem:$0x6090]  }
0x1a5: {  	v11 =	vld.idx.msk [tilespmem:v11+s6+$0x0], $0xffff;
	_ =	sdelay $0x3  }
0x1a6: {  	vm11 =	vlt.s32 v2, s15  }
0x1a7: {  	v10 =	vsel vm11, v10, v11;
	_ =	sdelay $0x4  }
0x1a8: {  	v11 =	vld.idx.msk [tilespmem:v10+s23+$0x0], $0xffff;
	_ =	sdelay $0x2  }
0x1a9: {  	v59 =	vadd.s32 $0x2000, v10;
	_ =	sdelay $0x1  }
0x1aa: {  	v11 =	vsub.f32 v11, v8;
	_ =	sdelay $0x1  }
0x1ab: {  	[tilespmem:s14+$0x6290] =	vst v11  }
0x1ac: {  	v11 =	vld.idx.msk [tilespmem:v59+s23+$0x0], $0xffff;
	_ =	sdelay $0x2  }
0x1ad: {  	v10 =	vadd.s32 $0x4000, v10;
	_ =	sdelay $0x1  }
0x1ae: {  	v11 =	vsub.f32 v11, v7;
	_ =	sdelay $0x1  }
0x1af: {  	[tilespmem:s14+$0x6690] =	vst v11  }
0x1b0: {  	v10 =	vld.idx.msk [tilespmem:v10+s23+$0x0], $0xffff;
	_ =	sdelay $0x1  }
0x1b1: {  	v60 =	vsub.s32 v3, v9  }
0x1b2: {  	vm12 =	vgt.s32 v60, $0x0  }
0x1b3: {  	v11 =	vnsel vm12, $0x0, v60  }
0x1b4: {  	v10 =	vsub.f32 v10, v6;
	_ =	sdelay $0x1  }
0x1b5: {  	[tilespmem:s14+$0x6A90] =	vst v10  }
0x1b6: {  	v10 =	vld [tilespmem:$0x60A0]  }
0x1b7: {  	v11 =	vld.idx.msk [tilespmem:v11+s6+$0x0], $0xffff;
	_ =	sdelay $0x3  }
0x1b8: {  	vm13 =	vlt.s32 v3, s15  }
0x1b9: {  	v10 =	vsel vm13, v10, v11;
	_ =	sdelay $0x4  }
0x1ba: {  	v11 =	vld.idx.msk [tilespmem:v10+s23+$0x0], $0xffff;
	_ =	sdelay $0x2  }
0x1bb: {  	v61 =	vadd.s32 $0x2000, v10;
	_ =	sdelay $0x1  }
0x1bc: {  	v11 =	vsub.f32 v11, v8;
	_ =	sdelay $0x1  }
0x1bd: {  	[tilespmem:s14+$0x62A0] =	vst v11  }
0x1be: {  	v11 =	vld.idx.msk [tilespmem:v61+s23+$0x0], $0xffff;
	_ =	sdelay $0x2  }
0x1bf: {  	v10 =	vadd.s32 $0x4000, v10;
	_ =	sdelay $0x1  }
0x1c0: {  	v11 =	vsub.f32 v11, v7;
	_ =	sdelay $0x1  }
0x1c1: {  	[tilespmem:s14+$0x66A0] =	vst v11  }
0x1c2: {  	v10 =	vld.idx.msk [tilespmem:v10+s23+$0x0], $0xffff;
	_ =	sdelay $0x1  }
0x1c3: {  	v9 =	vsub.s32 v4, v9  }
0x1c4: {  	vm14 =	vgt.s32 v9, $0x0  }
0x1c5: {  	v9 =	vnsel vm14, $0x0, v9  }
0x1c6: {  	v10 =	vsub.f32 v10, v6;
	_ =	sdelay $0x1  }
0x1c7: {  	[tilespmem:s14+$0x6AA0] =	vst v10  }
0x1c8: {  	v10 =	vld [tilespmem:$0x60B0]  }
0x1c9: {  	v9 =	vld.idx.msk [tilespmem:v9+s6+$0x0], $0xffff;
	_ =	sdelay $0x3  }
0x1ca: {  	vm15 =	vlt.s32 v4, s15  }
0x1cb: {  	v9 =	vsel vm15, v10, v9;
	_ =	sdelay $0x4  }
0x1cc: {  	v10 =	vld.idx.msk [tilespmem:v9+s23+$0x0], $0xffff;
	_ =	sdelay $0x2  }
0x1cd: {  	v62 =	vadd.s32 $0x2000, v9;
	_ =	sdelay $0x1  }
0x1ce: {  	v63 =	vsub.f32 v10, v8;
	_ =	sdelay $0x1  }
0x1cf: {  	[tilespmem:s14+$0x62B0] =	vst v63  }
0x1d0: {  	v8 =	vld.idx.msk [tilespmem:v62+s23+$0x0], $0xffff;
	_ =	sdelay $0x2  }
0x1d1: {  	v9 =	vadd.s32 $0x4000, v9;
	_ =	sdelay $0x1  }
0x1d2: {  	v7 =	vsub.f32 v8, v7;
	_ =	sdelay $0x1  }
0x1d3: {  	[tilespmem:s14+$0x66B0] =	vst v7  }
0x1d4: {  	v7 =	vld.idx.msk [tilespmem:v9+s23+$0x0], $0xffff;
	_ =	sdelay $0x1  }
0x1d5: {  	s12 =	sadd.s32 $0x1, s12;
	p0 =	sgt.s32 s13, $0x0;
	s13 =	simm.f32 $1.000000000e+00  }
0x1d6: {  	s13 =	simm.s32 @!p0 $0x0;
	p0 =	sne.s32 s12, $0x10  }
.Ltmp15:
0x1d7: {  	_ = 	snop;
	(pc) =	sbr.rel @!p0 .LBB2_19-.Ltmp15, $3  }
0x1d8: {  	v6 =	vsub.f32 v7, v6;
	_ =	sdelay $0x1  }
0x1d9: {  	[tilespmem:s14+$0x6AB0] =	vst v6;
	v6 =	vmov s13  }
0x1da: {  	[tilespmem:v5+s7+$0x0] =	vst.idx.msk $0x1, v6  }
.LBB2_14:
0x1db: {  	v5 =	vmov s12  }
0x1dc: {  	v6 =	vor.u32 $0x10, v5  }
0x1dd: {  	v9 =	vor.u32 $0x20, v5;
	_ =	sdelay $0x2  }
0x1de: {  	v8 =	vld.idx.msk [tilespmem:v5+s2+$0x0], $0xffff  }
0x1df: {  	s14 =	simm.s32 $0x30;
	v7 =	vld.idx.msk [tilespmem:v6+s2+$0x0], $0xffff  }
0x1e0: {  	s15 =	simm.s32 $0x4030;
	s13 =	simm.s32 $0x0;
	s16 =	simm.s32 $0x0;
	v6 =	vld.idx.msk [tilespmem:v9+s2+$0x0], $0xffff  }
.LBB2_15:
0x1e1: {  	s17 =	sadd.s32 $0xFFFFFFD0, s14  }
0x1e2: {  	s18 =	sand.u32 $0x1FC0, s17  }
0x1e3: {  	v9 =	vld [tilespmem:s18+$0x4000]  }
0x1e4: {  	v10 =	vld [tilespmem:s15+$0xFFFFFFE0]  }
0x1e5: {  	v11 =	vld [tilespmem:s15+$0xFFFFFFF0];
	_ =	sdelay $0x2  }
0x1e6: {  	v9 =	vsub.f32 v9, v6  }
0x1e7: {  	v10 =	vsub.f32 v10, v6  }
0x1e8: {  	v11 =	vsub.f32 v11, v6;
	v9 =	vand.u32 $0x7FFFFFFF, v9  }
0x1e9: {  	vm1 =	vlt.f32 v9, $1.000000000e+00;
	v9 =	vand.u32 $0x7FFFFFFF, v10  }
0x1ea: {  	vm0 =	vlt.f32 v9, $1.000000000e+00;
	v9 =	vand.u32 $0x7FFFFFFF, v11;
	v11 =	vld [tilespmem:s15+$0x0];
	_ =	sdelay $0x1  }
0x1eb: {  	v10 =	vsel vm1, $0x1, v0  }
0x1ec: {  	(xrf0) =	vadd.scan.msk.s32 $0xffff, v10;
	v10 =	vsel vm0, $0x1, v0;
	vm2 =	vlt.f32 v9, $1.000000000e+00  }
0x1ed: {  	(xrf0) =	vadd.scan.msk.s32 $0xffff, v10;
	v9 =	vsel vm2, $0x1, v0  }
0x1ee: {  	(xrf0) =	vadd.scan.msk.s32 $0xffff, v9;
	v9 =	vsub.f32 v11, v6;
	_ =	sdelay $0x1  }
0x1ef: {  	v9 =	vand.u32 $0x7FFFFFFF, v9  }
0x1f0: {  	vm3 =	vlt.f32 v9, $1.000000000e+00  }
0x1f1: {  	v12 =	vsel vm3, $0x1, v0  }
0x1f2: {  	v10, _, _ =	vpop (xrf0);
	(xrf0) =	vadd.scan.msk.s32 $0xffff, v12;
	_ =	sdelay $0x1  }
0x1f3: {  	v11, _, _ =	vpop (xrf0);
	(v2sf) =	vpush v10, $0xF  }
0x1f4: {  	(v2sf) =	vpush v11, $0xF;
	v9, _, _ =	vpop (xrf0)  }
0x1f5: {  	(v2sf) =	vpush v9, $0xF;
	_ =	sdelay $0x1  }
0x1f6: {  	v12, _, _ =	vpop (xrf0)  }
0x1f7: {  	(v2sf) =	vpush v12, $0xF;
	_ =	sdelay $0x9  }
0x1f8: {  	s18 =	spop (v2sf)  }
0x1f9: {  	s19 =	spop (v2sf);
	s18 =	sadd.s32 s13, s18;
	s13 =	sadd.s32 $0xFFFFFFFF, s13  }
0x1fa: {  	v10 =	vadd.s32 s13, v10;
	s19 =	sadd.s32 s19, s18;
	s18 =	sadd.s32 $0xFFFFFFFF, s18;
	s13 =	spop (v2sf)  }
0x1fb: {  	v11 =	vadd.s32 s18, v11;
	vm4 =	vlt.s32 v10, $0x40;
	s13 =	sadd.s32 s13, s19;
	s19 =	sadd.s32 $0xFFFFFFFF, s19  }
0x1fc: {  	vm1 =	vmand vm1, vm4;
	vm13 =	vlt.s32 v11, $0x40;
	v9 =	vadd.s32 s19, v9;
	s19 =	sadd.s32 $0xFFFFFFFF, s13  }
0x1fd: {  	vm0 =	vmand vm0, vm13;
	vm14 =	vlt.s32 v9, $0x40;
	v12 =	vadd.s32 s19, v12;
	s18 =	spop (v2sf)  }
0x1fe: {  	p0 =	sgt.u32 s16, $0x7E;
	vm2 =	vmand vm2, vm14;
	vm15 =	vlt.s32 v12, $0x40;
	s13 =	sadd.s32 s18, s13  }
0x1ff: {  	vm3 =	vmand vm3, vm15;
	p1 =	slt.s32 @!p0 s13, $0x40  }
0x200: {  	p0 =	por p0, !p1  }
.Ltmp16:
0x201: {  	v13 =	vor.u32 s17, v1;
	s19 =	sadd.s32 $0xFFFFFFE0, s14;
	(pc) =	sbr.rel @!p0 .LBB2_15-.Ltmp16, $4  }
0x202: {  	[tilespmem:v10+s5+$0x0] =	vst.idx.msk vm1, v13;
	v10 =	vor.u32 s19, v1;
	s19 =	sadd.s32 $0xFFFFFFF0, s14  }
0x203: {  	[tilespmem:v11+s5+$0x0] =	vst.idx.msk vm0, v10;
	v10 =	vor.u32 s19, v1  }
0x204: {  	[tilespmem:v9+s5+$0x0] =	vst.idx.msk vm2, v10;
	v9 =	vor.u32 s14, v1  }
0x205: {  	s16 =	sadd.s32 $0x1, s16;
	s15 =	sadd.s32 $0x40, s15;
	s14 =	sadd.s32 $0x40, s14;
	[tilespmem:v12+s5+$0x0] =	vst.idx.msk vm3, v9  }
0x206: {  	p0 =	sgt.s32 s13, $0x3F  }
.Ltmp17:
0x207: {  	_ = 	snop;
	(pc) =	sbr.rel @p0 .LBB2_18-.Ltmp17, $2  }
0x208: {  	_ =	sdelay $0x2  }
0x209: {  	s16 =	simm.s32 $0x0;
	s14 =	simm.s32 $0x0;
	s15 =	simm.s32 $0x0  }
.LBB2_17:
0x20a: {  	s17 =	sand.u32 $0x1FF0, s14  }
0x20b: {  	v9 =	vld [tilespmem:s17+$0x4000];
	_ =	sdelay $0x4  }
0x20c: {  	v9 =	vsub.f32 v9, v6;
	_ =	sdelay $0x1  }
0x20d: {  	v9 =	vand.u32 $0x7FFFFFFF, v9  }
0x20e: {  	vm0 =	vge.f32 v9, $1.000000000e+00  }
0x20f: {  	v9 =	vsel vm0, $0x1, v0  }
0x210: {  	(xrf0) =	vadd.scan.msk.s32 $0xffff, v9;
	_ =	sdelay $0x5  }
0x211: {  	v9, _, _ =	vpop (xrf0)  }
0x212: {  	(v2sf) =	vpush v9, $0xF;
	_ =	sdelay $0xd  }
0x213: {  	s18 =	sadd.s32 $0xFFFFFFFF, s15  }
0x214: {  	v9 =	vadd.s32 s18, v9;
	s19 =	spop (v2sf)  }
0x215: {  	p0 =	sgt.u32 s16, $0x1FE;
	vm1 =	vlt.s32 v9, $0x40;
	s15 =	sadd.s32 s15, s19  }
0x216: {  	vm0 =	vmand vm0, vm1;
	p1 =	slt.s32 @!p0 s15, $0x40  }
0x217: {  	p0 =	por p0, !p1  }
.Ltmp18:
0x218: {  	_ = 	snop;
	(pc) =	sbr.rel @!p0 .LBB2_17-.Ltmp18, $3  }
0x219: {  	_ =	sdelay $0x1  }
0x21a: {  	v10 =	vor.u32 s14, v1  }
0x21b: {  	s16 =	sadd.s32 $0x1, s16;
	s14 =	sadd.s32 $0x10, s14;
	[tilespmem:v9+s6+$0x0] =	vst.idx.msk vm0, v10  }
.Ltmp19:
0x21c: {  	_ = 	snop;
	(pc) =	sbr.rel .LBB2_18-.Ltmp19, $1  }
0x21d: {  	_ =	sdelay $0x3  }
.LBB2_19:
0x21e: {  	s12 =	simm.s32 $0x0;
	s13 =	rddreg [dreg:$0x13]  }
0x21f: {  	[hbm4b:s13+s12] =	stream.linear.scatter [tilespmem:s8], [sflag:$0x1], $0x400, $0x38;
	[tilespmem:$0x7B00] =	vst v63  }
0x220: {  	_ =	swait.ge [sflag:s1], $0x400  }
0x221: {  	[sflag:s1] =	ssyncset.done $0x0  }
0x222: {  	s18 =	rddreg [dreg:$0x14];
	[sflag:s1] =	ssyncadd.s32 $0xFFFFFC00  }
0x223: {  	[hbm4b:s18+s12] =	stream.linear.scatter [tilespmem:s9], [sflag:$0x1], $0x400, $0x38;
	[tilespmem:$0x7B00] =	vst v63  }
0x224: {  	_ =	swait.ge [sflag:s1], $0x400  }
0x225: {  	[sflag:s1] =	ssyncset.done $0x0  }
0x226: {  	s19 =	rddreg [dreg:$0x15];
	[sflag:s1] =	ssyncadd.s32 $0xFFFFFC00  }
0x227: {  	[hbm4b:s19+s12] =	stream.linear.scatter [tilespmem:s10], [sflag:$0x1], $0x400, $0x38;
	[tilespmem:$0x7B00] =	vst v63  }
0x228: {  	_ =	swait.ge [sflag:s1], $0x400  }
0x229: {  	[sflag:s1] =	ssyncset.done $0x0  }
0x22a: {  	[sflag:s1] =	ssyncadd.s32 $0xFFFFFC00  }
0x22b: {  	[hbm4b:s31+s12] =	stream.linear.scatter [tilespmem:s7], [sflag:$0x1], $0x10, $0x38;
	[tilespmem:$0x7B00] =	vst v63  }
0x22c: {  	_ =	swait.ge [sflag:s1], $0x10  }
0x22d: {  	[sflag:s1] =	ssyncset.done $0x0  }
0x22e: {  	[sflag:s1] =	ssyncadd.s32 $0xFFFFFFF0  }
0x22f: {  	[tilespmem:s2], [sflag:$0x1] =	stream.linear.gather [hbm4b:s20+s12], $0x10, $0x38;
	[tilespmem:$0x7B00] =	vst v63  }
0x230: {  	_ =	swait.ge [sflag:s1], $0x10  }
0x231: {  	[sflag:s1] =	ssyncset.done $0x0  }
0x232: {  	[sflag:s1] =	ssyncadd.s32 $0xFFFFFFF0  }
0x233: {  	[tilespmem:s3], [sflag:$0x1] =	stream.linear.gather [hbm4b:s21+s12], $0x10, $0x38;
	[tilespmem:$0x7B00] =	vst v63  }
0x234: {  	_ =	swait.ge [sflag:s1], $0x10  }
0x235: {  	[sflag:s1] =	ssyncset.done $0x0  }
.Ltmp20:
0x236: {  	[sflag:s1] =	ssyncadd.s32 $0xFFFFFFF0;
	(pc) =	sbr.rel .LBB2_20-.Ltmp20, $4  }
0x237: {  	[tilespmem:s4], [sflag:$0x1] =	stream.linear.gather [hbm4b:s24+s12], $0x10, $0x38;
	[tilespmem:$0x7B00] =	vst v63  }
0x238: {  	_ =	swait.ge [sflag:s1], $0x10  }
0x239: {  	[sflag:s1] =	ssyncset.done $0x0  }
0x23a: {  	[sflag:s1] =	ssyncadd.s32 $0xFFFFFFF0  }
.LBB2_24:
0x23b: {  	p0 =	slt.s32 s13, $0x80;
	s15 =	smov.u32 s13  }
0x23c: {  	s15 =	simm.s32 @!p0 $0x80  }
0x23d: {  	v9 =	vmov s15  }
0x23e: {  	v10 =	vsub.s32 v1, v9  }
0x23f: {  	vm0 =	vgt.s32 v10, $0x0  }
0x240: {  	v10 =	vnsel vm0, $0x0, v10;
	_ =	sdelay $0x3  }
0x241: {  	v11 =	vld [tilespmem:$0x6080]  }
0x242: {  	v10 =	vld.idx.msk [tilespmem:v10+s6+$0x0], $0xffff;
	_ =	sdelay $0x3  }
0x243: {  	vm13 =	vlt.s32 v1, s15  }
0x244: {  	v10 =	vsel vm13, v11, v10;
	_ =	sdelay $0x4  }
0x245: {  	v11 =	vld.idx.msk [tilespmem:v10+s23+$0x0], $0xffff;
	_ =	sdelay $0x2  }
0x246: {  	v12 =	vadd.s32 $0x2000, v10;
	_ =	sdelay $0x1  }
0x247: {  	s14 =	sshll.u32 s12, $0x7;
	v11 =	vsub.f32 v11, v8  }
0x248: {  	s14 =	sand.u32 $0x3FFFFF80, s14  }
0x249: {  	[tilespmem:s14+$0x6280] =	vst v11  }
0x24a: {  	v11 =	vld.idx.msk [tilespmem:v12+s23+$0x0], $0xffff;
	_ =	sdelay $0x2  }
0x24b: {  	v10 =	vadd.s32 $0x4000, v10;
	_ =	sdelay $0x1  }
0x24c: {  	v11 =	vsub.f32 v11, v7;
	_ =	sdelay $0x1  }
0x24d: {  	[tilespmem:s14+$0x6A80] =	vst v11  }
0x24e: {  	v10 =	vld.idx.msk [tilespmem:v10+s23+$0x0], $0xffff;
	_ =	sdelay $0x1  }
0x24f: {  	v46 =	vsub.s32 v2, v9  }
0x250: {  	vm14 =	vgt.s32 v46, $0x0  }
0x251: {  	v11 =	vnsel vm14, $0x0, v46  }
0x252: {  	v10 =	vsub.f32 v10, v6;
	_ =	sdelay $0x1  }
0x253: {  	[tilespmem:s14+$0x7280] =	vst v10  }
0x254: {  	v10 =	vld [tilespmem:$0x6090]  }
0x255: {  	v11 =	vld.idx.msk [tilespmem:v11+s6+$0x0], $0xffff;
	_ =	sdelay $0x3  }
0x256: {  	vm15 =	vlt.s32 v2, s15  }
0x257: {  	v10 =	vsel vm15, v10, v11;
	_ =	sdelay $0x4  }
0x258: {  	v11 =	vld.idx.msk [tilespmem:v10+s23+$0x0], $0xffff;
	_ =	sdelay $0x2  }
0x259: {  	v47 =	vadd.s32 $0x2000, v10;
	_ =	sdelay $0x1  }
0x25a: {  	v11 =	vsub.f32 v11, v8;
	_ =	sdelay $0x1  }
0x25b: {  	[tilespmem:s14+$0x6290] =	vst v11  }
0x25c: {  	v11 =	vld.idx.msk [tilespmem:v47+s23+$0x0], $0xffff;
	_ =	sdelay $0x2  }
0x25d: {  	v10 =	vadd.s32 $0x4000, v10;
	_ =	sdelay $0x1  }
0x25e: {  	v11 =	vsub.f32 v11, v7;
	_ =	sdelay $0x1  }
0x25f: {  	[tilespmem:s14+$0x6A90] =	vst v11  }
0x260: {  	v10 =	vld.idx.msk [tilespmem:v10+s23+$0x0], $0xffff;
	_ =	sdelay $0x1  }
0x261: {  	v48 =	vsub.s32 v3, v9  }
0x262: {  	vm4 =	vgt.s32 v48, $0x0  }
0x263: {  	v11 =	vnsel vm4, $0x0, v48  }
0x264: {  	v10 =	vsub.f32 v10, v6;
	_ =	sdelay $0x1  }
0x265: {  	[tilespmem:s14+$0x7290] =	vst v10  }
0x266: {  	v10 =	vld [tilespmem:$0x60A0]  }
0x267: {  	v11 =	vld.idx.msk [tilespmem:v11+s6+$0x0], $0xffff;
	_ =	sdelay $0x3  }
0x268: {  	vm5 =	vlt.s32 v3, s15  }
0x269: {  	v10 =	vsel vm5, v10, v11;
	_ =	sdelay $0x4  }
0x26a: {  	v11 =	vld.idx.msk [tilespmem:v10+s23+$0x0], $0xffff;
	_ =	sdelay $0x2  }
0x26b: {  	v49 =	vadd.s32 $0x2000, v10;
	_ =	sdelay $0x1  }
0x26c: {  	v11 =	vsub.f32 v11, v8;
	_ =	sdelay $0x1  }
0x26d: {  	[tilespmem:s14+$0x62A0] =	vst v11  }
0x26e: {  	v11 =	vld.idx.msk [tilespmem:v49+s23+$0x0], $0xffff;
	_ =	sdelay $0x2  }
0x26f: {  	v10 =	vadd.s32 $0x4000, v10;
	_ =	sdelay $0x1  }
0x270: {  	v11 =	vsub.f32 v11, v7;
	_ =	sdelay $0x1  }
0x271: {  	[tilespmem:s14+$0x6AA0] =	vst v11  }
0x272: {  	v10 =	vld.idx.msk [tilespmem:v10+s23+$0x0], $0xffff;
	_ =	sdelay $0x1  }
0x273: {  	v50 =	vsub.s32 v4, v9  }
0x274: {  	vm6 =	vgt.s32 v50, $0x0  }
0x275: {  	v11 =	vnsel vm6, $0x0, v50  }
0x276: {  	v10 =	vsub.f32 v10, v6;
	_ =	sdelay $0x1  }
0x277: {  	[tilespmem:s14+$0x72A0] =	vst v10  }
0x278: {  	v10 =	vld [tilespmem:$0x60B0]  }
0x279: {  	v11 =	vld.idx.msk [tilespmem:v11+s6+$0x0], $0xffff;
	_ =	sdelay $0x3  }
0x27a: {  	vm7 =	vlt.s32 v4, s15  }
0x27b: {  	v10 =	vsel vm7, v10, v11;
	_ =	sdelay $0x4  }
0x27c: {  	v11 =	vld.idx.msk [tilespmem:v10+s23+$0x0], $0xffff;
	_ =	sdelay $0x2  }
0x27d: {  	v51 =	vadd.s32 $0x2000, v10;
	_ =	sdelay $0x1  }
0x27e: {  	v11 =	vsub.f32 v11, v8;
	_ =	sdelay $0x1  }
0x27f: {  	[tilespmem:s14+$0x62B0] =	vst v11  }
0x280: {  	v11 =	vld.idx.msk [tilespmem:v51+s23+$0x0], $0xffff;
	_ =	sdelay $0x2  }
0x281: {  	v10 =	vadd.s32 $0x4000, v10;
	_ =	sdelay $0x1  }
0x282: {  	v11 =	vsub.f32 v11, v7;
	_ =	sdelay $0x1  }
0x283: {  	[tilespmem:s14+$0x6AB0] =	vst v11  }
0x284: {  	v10 =	vld.idx.msk [tilespmem:v10+s23+$0x0], $0xffff  }
0x285: {  	v52 =	vor.u32 $0x40, v1  }
0x286: {  	v53 =	vsub.s32 v52, v9  }
0x287: {  	vm8 =	vgt.s32 v53, $0x0  }
0x288: {  	v12 =	vnsel vm8, $0x0, v53  }
0x289: {  	v10 =	vsub.f32 v10, v6;
	_ =	sdelay $0x1  }
0x28a: {  	[tilespmem:s14+$0x72B0] =	vst v10  }
0x28b: {  	v10 =	vld [tilespmem:$0x60C0]  }
0x28c: {  	v12 =	vld.idx.msk [tilespmem:v12+s6+$0x0], $0xffff;
	_ =	sdelay $0x3  }
0x28d: {  	vm9 =	vlt.s32 v52, s15  }
0x28e: {  	v10 =	vsel vm9, v10, v12;
	_ =	sdelay $0x4  }
0x28f: {  	v54 =	vld.idx.msk [tilespmem:v10+s23+$0x0], $0xffff;
	_ =	sdelay $0x2  }
0x290: {  	v12 =	vadd.s32 $0x2000, v10;
	_ =	sdelay $0x1  }
0x291: {  	v11 =	vsub.f32 v54, v8;
	_ =	sdelay $0x1  }
0x292: {  	[tilespmem:s14+$0x62C0] =	vst v11  }
0x293: {  	v11 =	vld.idx.msk [tilespmem:v12+s23+$0x0], $0xffff;
	_ =	sdelay $0x2  }
0x294: {  	v10 =	vadd.s32 $0x4000, v10;
	_ =	sdelay $0x1  }
0x295: {  	v11 =	vsub.f32 v11, v7;
	_ =	sdelay $0x1  }
0x296: {  	[tilespmem:s14+$0x6AC0] =	vst v11  }
0x297: {  	v10 =	vld.idx.msk [tilespmem:v10+s23+$0x0], $0xffff  }
0x298: {  	v55 =	vor.u32 $0x50, v1  }
0x299: {  	v56 =	vsub.s32 v55, v9  }
0x29a: {  	vm10 =	vgt.s32 v56, $0x0  }
0x29b: {  	v12 =	vnsel vm10, $0x0, v56  }
0x29c: {  	v10 =	vsub.f32 v10, v6;
	_ =	sdelay $0x1  }
0x29d: {  	[tilespmem:s14+$0x72C0] =	vst v10  }
0x29e: {  	v10 =	vld [tilespmem:$0x60D0]  }
0x29f: {  	v12 =	vld.idx.msk [tilespmem:v12+s6+$0x0], $0xffff;
	_ =	sdelay $0x3  }
0x2a0: {  	vm11 =	vlt.s32 v55, s15  }
0x2a1: {  	v10 =	vsel vm11, v10, v12;
	_ =	sdelay $0x4  }
0x2a2: {  	v57 =	vld.idx.msk [tilespmem:v10+s23+$0x0], $0xffff;
	_ =	sdelay $0x2  }
0x2a3: {  	v12 =	vadd.s32 $0x2000, v10;
	_ =	sdelay $0x1  }
0x2a4: {  	v11 =	vsub.f32 v57, v8;
	_ =	sdelay $0x1  }
0x2a5: {  	[tilespmem:s14+$0x62D0] =	vst v11  }
0x2a6: {  	v11 =	vld.idx.msk [tilespmem:v12+s23+$0x0], $0xffff;
	_ =	sdelay $0x2  }
0x2a7: {  	v10 =	vadd.s32 $0x4000, v10;
	_ =	sdelay $0x1  }
0x2a8: {  	v11 =	vsub.f32 v11, v7;
	_ =	sdelay $0x1  }
0x2a9: {  	[tilespmem:s14+$0x6AD0] =	vst v11  }
0x2aa: {  	v10 =	vld.idx.msk [tilespmem:v10+s23+$0x0], $0xffff  }
0x2ab: {  	v58 =	vor.u32 $0x60, v1  }
0x2ac: {  	v59 =	vsub.s32 v58, v9  }
0x2ad: {  	vm12 =	vgt.s32 v59, $0x0  }
0x2ae: {  	v12 =	vnsel vm12, $0x0, v59  }
0x2af: {  	v10 =	vsub.f32 v10, v6;
	_ =	sdelay $0x1  }
0x2b0: {  	[tilespmem:s14+$0x72D0] =	vst v10  }
0x2b1: {  	v10 =	vld [tilespmem:$0x60E0]  }
0x2b2: {  	v12 =	vld.idx.msk [tilespmem:v12+s6+$0x0], $0xffff;
	_ =	sdelay $0x3  }
0x2b3: {  	vm13 =	vlt.s32 v58, s15  }
0x2b4: {  	v10 =	vsel vm13, v10, v12;
	_ =	sdelay $0x4  }
0x2b5: {  	v60 =	vld.idx.msk [tilespmem:v10+s23+$0x0], $0xffff;
	_ =	sdelay $0x2  }
0x2b6: {  	v12 =	vadd.s32 $0x2000, v10;
	_ =	sdelay $0x1  }
0x2b7: {  	v11 =	vsub.f32 v60, v8;
	_ =	sdelay $0x1  }
0x2b8: {  	[tilespmem:s14+$0x62E0] =	vst v11  }
0x2b9: {  	v11 =	vld.idx.msk [tilespmem:v12+s23+$0x0], $0xffff;
	_ =	sdelay $0x2  }
0x2ba: {  	v10 =	vadd.s32 $0x4000, v10;
	_ =	sdelay $0x1  }
0x2bb: {  	v11 =	vsub.f32 v11, v7;
	_ =	sdelay $0x1  }
0x2bc: {  	[tilespmem:s14+$0x6AE0] =	vst v11  }
0x2bd: {  	v10 =	vld.idx.msk [tilespmem:v10+s23+$0x0], $0xffff  }
0x2be: {  	v61 =	vor.u32 $0x70, v1  }
0x2bf: {  	v9 =	vsub.s32 v61, v9  }
0x2c0: {  	vm14 =	vgt.s32 v9, $0x0  }
0x2c1: {  	v9 =	vnsel vm14, $0x0, v9  }
0x2c2: {  	v10 =	vsub.f32 v10, v6;
	_ =	sdelay $0x1  }
0x2c3: {  	[tilespmem:s14+$0x72E0] =	vst v10  }
0x2c4: {  	v10 =	vld [tilespmem:$0x60F0]  }
0x2c5: {  	v9 =	vld.idx.msk [tilespmem:v9+s6+$0x0], $0xffff;
	_ =	sdelay $0x3  }
0x2c6: {  	vm15 =	vlt.s32 v61, s15  }
0x2c7: {  	v9 =	vsel vm15, v10, v9;
	_ =	sdelay $0x4  }
0x2c8: {  	v10 =	vld.idx.msk [tilespmem:v9+s23+$0x0], $0xffff;
	_ =	sdelay $0x2  }
0x2c9: {  	v62 =	vadd.s32 $0x2000, v9;
	_ =	sdelay $0x1  }
0x2ca: {  	v63 =	vsub.f32 v10, v8;
	_ =	sdelay $0x1  }
0x2cb: {  	[tilespmem:s14+$0x62F0] =	vst v63  }
0x2cc: {  	v8 =	vld.idx.msk [tilespmem:v62+s23+$0x0], $0xffff;
	_ =	sdelay $0x2  }
0x2cd: {  	v9 =	vadd.s32 $0x4000, v9;
	_ =	sdelay $0x1  }
0x2ce: {  	v7 =	vsub.f32 v8, v7;
	_ =	sdelay $0x1  }
0x2cf: {  	[tilespmem:s14+$0x6AF0] =	vst v7  }
0x2d0: {  	v7 =	vld.idx.msk [tilespmem:v9+s23+$0x0], $0xffff;
	_ =	sdelay $0x1  }
0x2d1: {  	s12 =	sadd.s32 $0x1, s12;
	p0 =	sgt.s32 s13, $0x0;
	s13 =	simm.f32 $1.000000000e+00  }
0x2d2: {  	s13 =	simm.s32 @!p0 $0x0;
	p0 =	sne.s32 s12, $0x10  }
.Ltmp21:
0x2d3: {  	_ = 	snop;
	(pc) =	sbr.rel @!p0 .LBB2_25-.Ltmp21, $3  }
0x2d4: {  	v6 =	vsub.f32 v7, v6;
	_ =	sdelay $0x1  }
0x2d5: {  	[tilespmem:s14+$0x72F0] =	vst v6;
	v6 =	vmov s13  }
0x2d6: {  	[tilespmem:v5+s7+$0x0] =	vst.idx.msk $0x1, v6  }
.LBB2_20:
0x2d7: {  	v5 =	vmov s12  }
0x2d8: {  	v6 =	vor.u32 $0x10, v5  }
0x2d9: {  	v9 =	vor.u32 $0x20, v5;
	_ =	sdelay $0x2  }
0x2da: {  	v8 =	vld.idx.msk [tilespmem:v5+s2+$0x0], $0xffff  }
0x2db: {  	s14 =	simm.s32 $0x30;
	v7 =	vld.idx.msk [tilespmem:v6+s2+$0x0], $0xffff  }
0x2dc: {  	s15 =	simm.s32 $0x4030;
	s13 =	simm.s32 $0x0;
	s16 =	simm.s32 $0x0;
	v6 =	vld.idx.msk [tilespmem:v9+s2+$0x0], $0xffff  }
.LBB2_21:
0x2dd: {  	s17 =	sadd.s32 $0xFFFFFFD0, s14  }
0x2de: {  	s18 =	sand.u32 $0x1FC0, s17  }
0x2df: {  	v9 =	vld [tilespmem:s18+$0x4000]  }
0x2e0: {  	v10 =	vld [tilespmem:s15+$0xFFFFFFE0]  }
0x2e1: {  	v11 =	vld [tilespmem:s15+$0xFFFFFFF0];
	_ =	sdelay $0x2  }
0x2e2: {  	v9 =	vsub.f32 v9, v6  }
0x2e3: {  	v10 =	vsub.f32 v10, v6  }
0x2e4: {  	v11 =	vsub.f32 v11, v6;
	v9 =	vand.u32 $0x7FFFFFFF, v9  }
0x2e5: {  	vm1 =	vlt.f32 v9, $2.000000000e+00;
	v9 =	vand.u32 $0x7FFFFFFF, v10  }
0x2e6: {  	vm0 =	vlt.f32 v9, $2.000000000e+00;
	v9 =	vand.u32 $0x7FFFFFFF, v11;
	v11 =	vld [tilespmem:s15+$0x0];
	_ =	sdelay $0x1  }
0x2e7: {  	v10 =	vsel vm1, $0x1, v0  }
0x2e8: {  	(xrf0) =	vadd.scan.msk.s32 $0xffff, v10;
	v10 =	vsel vm0, $0x1, v0;
	vm2 =	vlt.f32 v9, $2.000000000e+00  }
0x2e9: {  	(xrf0) =	vadd.scan.msk.s32 $0xffff, v10;
	v9 =	vsel vm2, $0x1, v0  }
0x2ea: {  	(xrf0) =	vadd.scan.msk.s32 $0xffff, v9;
	v9 =	vsub.f32 v11, v6;
	_ =	sdelay $0x1  }
0x2eb: {  	v9 =	vand.u32 $0x7FFFFFFF, v9  }
0x2ec: {  	vm3 =	vlt.f32 v9, $2.000000000e+00  }
0x2ed: {  	v12 =	vsel vm3, $0x1, v0  }
0x2ee: {  	v10, _, _ =	vpop (xrf0);
	(xrf0) =	vadd.scan.msk.s32 $0xffff, v12;
	_ =	sdelay $0x1  }
0x2ef: {  	v11, _, _ =	vpop (xrf0);
	(v2sf) =	vpush v10, $0xF  }
0x2f0: {  	(v2sf) =	vpush v11, $0xF;
	v9, _, _ =	vpop (xrf0)  }
0x2f1: {  	(v2sf) =	vpush v9, $0xF;
	_ =	sdelay $0x1  }
0x2f2: {  	v12, _, _ =	vpop (xrf0)  }
0x2f3: {  	(v2sf) =	vpush v12, $0xF;
	_ =	sdelay $0x9  }
0x2f4: {  	s18 =	spop (v2sf)  }
0x2f5: {  	s19 =	spop (v2sf);
	s18 =	sadd.s32 s13, s18;
	s13 =	sadd.s32 $0xFFFFFFFF, s13  }
0x2f6: {  	v10 =	vadd.s32 s13, v10;
	s19 =	sadd.s32 s19, s18;
	s18 =	sadd.s32 $0xFFFFFFFF, s18;
	s13 =	spop (v2sf)  }
0x2f7: {  	v11 =	vadd.s32 s18, v11;
	vm4 =	vlt.s32 v10, $0x80;
	s13 =	sadd.s32 s13, s19;
	s19 =	sadd.s32 $0xFFFFFFFF, s19  }
0x2f8: {  	vm1 =	vmand vm1, vm4;
	vm13 =	vlt.s32 v11, $0x80;
	v9 =	vadd.s32 s19, v9;
	s19 =	sadd.s32 $0xFFFFFFFF, s13  }
0x2f9: {  	vm0 =	vmand vm0, vm13;
	vm14 =	vlt.s32 v9, $0x80;
	v12 =	vadd.s32 s19, v12;
	s18 =	spop (v2sf)  }
0x2fa: {  	p0 =	sgt.u32 s16, $0x7E;
	vm2 =	vmand vm2, vm14;
	vm15 =	vlt.s32 v12, $0x80;
	s13 =	sadd.s32 s18, s13  }
0x2fb: {  	vm3 =	vmand vm3, vm15;
	p1 =	slt.s32 @!p0 s13, $0x80  }
0x2fc: {  	p0 =	por p0, !p1  }
.Ltmp22:
0x2fd: {  	v13 =	vor.u32 s17, v1;
	s19 =	sadd.s32 $0xFFFFFFE0, s14;
	(pc) =	sbr.rel @!p0 .LBB2_21-.Ltmp22, $4  }
0x2fe: {  	[tilespmem:v10+s5+$0x0] =	vst.idx.msk vm1, v13;
	v10 =	vor.u32 s19, v1;
	s19 =	sadd.s32 $0xFFFFFFF0, s14  }
0x2ff: {  	[tilespmem:v11+s5+$0x0] =	vst.idx.msk vm0, v10;
	v10 =	vor.u32 s19, v1  }
0x300: {  	[tilespmem:v9+s5+$0x0] =	vst.idx.msk vm2, v10;
	v9 =	vor.u32 s14, v1  }
0x301: {  	s16 =	sadd.s32 $0x1, s16;
	s15 =	sadd.s32 $0x40, s15;
	s14 =	sadd.s32 $0x40, s14;
	[tilespmem:v12+s5+$0x0] =	vst.idx.msk vm3, v9  }
0x302: {  	p0 =	sgt.s32 s13, $0x7F  }
.Ltmp23:
0x303: {  	_ = 	snop;
	(pc) =	sbr.rel @p0 .LBB2_24-.Ltmp23, $2  }
0x304: {  	_ =	sdelay $0x2  }
0x305: {  	s16 =	simm.s32 $0x0;
	s14 =	simm.s32 $0x0;
	s15 =	simm.s32 $0x0  }
.LBB2_23:
0x306: {  	s17 =	sand.u32 $0x1FF0, s14  }
0x307: {  	v9 =	vld [tilespmem:s17+$0x4000];
	_ =	sdelay $0x4  }
0x308: {  	v9 =	vsub.f32 v9, v6;
	_ =	sdelay $0x1  }
0x309: {  	v9 =	vand.u32 $0x7FFFFFFF, v9  }
0x30a: {  	vm0 =	vge.f32 v9, $2.000000000e+00  }
0x30b: {  	v9 =	vsel vm0, $0x1, v0  }
0x30c: {  	(xrf0) =	vadd.scan.msk.s32 $0xffff, v9;
	_ =	sdelay $0x5  }
0x30d: {  	v9, _, _ =	vpop (xrf0)  }
0x30e: {  	(v2sf) =	vpush v9, $0xF;
	_ =	sdelay $0xd  }
0x30f: {  	s18 =	sadd.s32 $0xFFFFFFFF, s15  }
0x310: {  	v9 =	vadd.s32 s18, v9;
	s19 =	spop (v2sf)  }
0x311: {  	p0 =	sgt.u32 s16, $0x1FE;
	vm1 =	vlt.s32 v9, $0x80;
	s15 =	sadd.s32 s15, s19  }
0x312: {  	vm0 =	vmand vm0, vm1;
	p1 =	slt.s32 @!p0 s15, $0x80  }
0x313: {  	p0 =	por p0, !p1  }
.Ltmp24:
0x314: {  	_ = 	snop;
	(pc) =	sbr.rel @!p0 .LBB2_23-.Ltmp24, $3  }
0x315: {  	_ =	sdelay $0x1  }
0x316: {  	v10 =	vor.u32 s14, v1  }
0x317: {  	s16 =	sadd.s32 $0x1, s16;
	s14 =	sadd.s32 $0x10, s14;
	[tilespmem:v9+s6+$0x0] =	vst.idx.msk vm0, v10  }
.Ltmp25:
0x318: {  	_ = 	snop;
	(pc) =	sbr.rel .LBB2_24-.Ltmp25, $1  }
0x319: {  	_ =	sdelay $0x3  }
.LBB2_26:
0x31a: {  	_ =	sfence.sel $0x180000  }
0x31b: {  	[bflag:$0x0] =	sbarrier.arrive $0xFFFF  }
0x31c: {  	_ =	strace $0x90000047  }
0x31d: {  	s0 =	stileid.u32;
	[bflag:$0x2] =	sbarrier.arrive $0xFFFF  }
0x31e: {  	p0 =	sne.s32 s0, $0x0;
	s0 =	rddreg [dreg:$0x5]  }
0x31f: {  	s0 =	sadd.s32 @!p0 $0x100000, s0  }
0x320: {  	[sflag:s0] =	ssyncadd.tile.s32 @!p0 $0x1;
	_ =	shalt  }
.Lfunc_end2:
_tile_overlayer_lowered:
.L_overlay_start_2:
0x321: {  	(tag) =	ssettag $0x2  }
0x322: {  	s0 =	rddreg [dreg:$0x0];
	s2 =	stileid.u32  }
0x323: {  	s1 =	rddreg [dreg:$0x1];
	p0 =	sne.s32 s2, $0x0  }
0x324: {  	s3 =	rddreg [dreg:$0x2];
	[bflag:$0x3] =	sbarrier.arrive $0xFFFF;
	s2 =	simm.s32 @!p0 $0x1C01  }
0x325: {  	[timem:s3], [sflag:s2] =	dma.local @!p0 [hbm:s0], s1  }
0x326: {  	s0 =	simm.s32 @!p0 $0x1  }
0x327: {  	_ =	swait.ge @!p0 [sflag:s0], s1  }
0x328: {  	s1 =	ssub.s32 @!p0 $0x0, s1;
	[sflag:s0] =	ssyncset.done @!p0 $0x0  }
0x329: {  	[sflag:s0] =	ssyncadd.s32 @!p0 s1  }
0x32a: {  	[bflag:$0x3] =	sbarrier.arrive $0xFFFF  }
0x32b: {  	_ =	shalt  }

</sc_bundles>
